<compile_context>
chip_gen: v7x
topology: tpu7x:2x2x1
jax: 0.10.2.dev20260603
libtpu: 0.0.44.dev20260713+nightly
codegen_flags: <defaults>
</compile_context>

<pallas_src>
import functools

import jax
import jax.numpy as jnp
from jax import lax
from jax.experimental import pallas as pl
from jax.experimental.pallas import tpu as pltpu
from jax.experimental.pallas import tpu_sc as plsc

_OFFSET = 0.001

_INFO = plsc.get_sparse_core_info()
_NC, _NS, _L = _INFO.num_cores, _INFO.num_subcores, _INFO.num_lanes
_NW = _NC * _NS

_N = 262144
_D = 256
_ROWS_W = _N // _NW
_CROWS = 32
_NCHUNK = _ROWS_W // _CROWS
_NBUF = 8


def _sc_body(x_hbm, o_hbm, buf, gsem, ssem):
    wid = lax.axis_index("c") * _NS + lax.axis_index("s")
    base = wid * _ROWS_W

    def gather(i, b):
        return pltpu.make_async_copy(
            x_hbm.at[pl.ds(base + i * _CROWS, _CROWS)], buf.at[b], gsem.at[b]
        )

    def scatter(i, b):
        return pltpu.make_async_copy(
            buf.at[b], o_hbm.at[pl.ds(base + i * _CROWS, _CROWS)], ssem.at[b]
        )

    for b in range(_NBUF - 1):
        gather(b, b).start()

    def outer(k, carry):
        i0 = k * _NBUF
        for j in range(_NBUF):
            i = i0 + j
            gather(i, j).wait()

            @plsc.parallel_loop(0, _CROWS, unroll=2)
            def _(r):
                for c in range(_D // _L):
                    x = buf[j, r, pl.ds(c * _L, _L)]
                    buf[j, r, pl.ds(c * _L, _L)] = 1.0 / (jnp.abs(x) + _OFFSET)

            scatter(i, j).start()
            nb = (j + _NBUF - 1) % _NBUF

            @pl.when(i + _NBUF - 1 < _NCHUNK)
            def _():
                @pl.when(i >= 1)
                def _():
                    scatter(i - 1, nb).wait()

                gather(i + _NBUF - 1, nb).start()

        return carry

    lax.fori_loop(0, _NCHUNK // _NBUF, outer, 0)

    for j in range(_NBUF):
        scatter(_NCHUNK - _NBUF + j, j).wait()


_sc_call = functools.partial(
    pl.kernel,
    out_type=jax.ShapeDtypeStruct((_N, _D), jnp.float32),
    mesh=plsc.VectorSubcoreMesh(core_axis_name="c", subcore_axis_name="s"),
    scratch_types=[
        pltpu.VMEM((_NBUF, _CROWS, _D), jnp.float32),
        pltpu.SemaphoreType.DMA((_NBUF,)),
        pltpu.SemaphoreType.DMA((_NBUF,)),
    ],
    compiler_params=pltpu.CompilerParams(use_tc_tiling_on_sc=True),
)(_sc_body)


def kernel(xyz):
    return _sc_call(xyz)

# --- scband reference (transcript-rebuilt; emitter-appended) ---
"""Pipeline reference for scband-embedding-reciprocal-21397527069079 (READ-ONLY COPY).

The authoritative reference and input builder live on the scoring server;
editing this copy changes nothing except your own understanding.
"""

import jax, jax.numpy as jnp
import numpy as np
import math

IN_DIM = 256
OUT_DIM = 256
N = 262144
OFFSET = 0.001

def _make_out_idx():
    num_features = math.ceil(OUT_DIM / IN_DIM)
    # torch.linspace(...).long() truncates toward zero; np.linspace + astype(int64) matches for non-negative values
    return np.linspace(0, num_features * IN_DIM - 1, OUT_DIM).astype(np.int64)

def setup_inputs(seed: int = 0) -> dict:
    key = jax.random.key(seed)
    xyz = jax.random.normal(key, (N, IN_DIM), dtype=jnp.float32)
    return {"xyz": xyz}

def reference(xyz):
    out_idx = jnp.asarray(_make_out_idx())
    # Original loops over channels computing 1/(|xyz[..., i:i+1]| + offset) and concatenates;
    # that is exactly the elementwise op below (same math, same column order).
    feature = 1.0 / (jnp.abs(xyz) + OFFSET)
    feature = jnp.take(feature, out_idx, axis=-1)
    return feature

if __name__ == "__main__":
    import jax
    _d = setup_inputs()
    print(jax.jit(kernel)(*tuple(_d.values())))

</pallas_src>

<mosaic_0001>
#map = affine_map<(d0, d1) -> (0, 0)>
module attributes {stable_mosaic.version = 14 : i64} {
  func.func @_sc_body(%arg0: i32, %arg1: i32, %arg2: memref<262144x256xf32, #tpu.memory_space<hbm>>, %arg3: memref<262144x256xf32, #tpu.memory_space<hbm>>, %arg4: memref<8x32x256xf32, #tpu.memory_space<vmem>>, %arg5: memref<8x!tpu.dma_semaphore, #tpu.memory_space<semaphore_mem>>, %arg6: memref<8x!tpu.dma_semaphore, #tpu.memory_space<semaphore_mem>>) attributes {dimension_semantics = [#tpu.dimension_semantics<core_parallel>, #tpu.dimension_semantics<subcore_parallel>], iteration_bounds = array<i64: 2, 16>, scalar_prefetch = 0 : i64, scratch_operands = 3 : i64, tpu.core_type = #tpu.core_type<sc_vector_subcore>, window_params = [{transform_indices = #map}, {transform_indices = #map}]} {
    %mul3A = arith.constant 16 : i32
    %mul3A_0 = arith.muli %arg0, %mul3A : i32
    %add3A = arith.addi %mul3A_0, %arg1 : i32
    %mul3A_1 = arith.constant 8192 : i32
    %mul3A_2 = arith.muli %add3A, %mul3A_1 : i32
    %add3A_3 = arith.constant 0 : i32
    %add3A_4 = arith.addi %mul3A_2, %add3A_3 : i32
    %dma_start3A = arith.constant 0 : i32
    %dma_start3A_5 = arith.constant 0 : i32
    %dma_start3A_6 = arith.constant 0 : i32
    %dma_start3A_7 = arith.constant 0 : i32
    %dma_start3A_8 = tpu.memref_slice %arg4[%dma_start3A, %dma_start3A_6, %dma_start3A_7] : memref<8x32x256xf32, #tpu.memory_space<vmem>> -> memref<1x32x256xf32, #tpu.memory_space<vmem>>
    %dma_start3A_9 = tpu.memref_squeeze %dma_start3A_8 : memref<1x32x256xf32, #tpu.memory_space<vmem>> -> memref<32x256xf32, #tpu.memory_space<vmem>>
    %dma_start3A_10 = arith.constant 0 : i32
    %dma_start3A_11 = tpu.memref_slice %arg2[%add3A_4, %dma_start3A_10] : memref<262144x256xf32, #tpu.memory_space<hbm>> -> memref<32x256xf32, #tpu.memory_space<hbm>>
    %dma_start3A_12 = tpu.memref_slice %arg5[%dma_start3A_5] : memref<8x!tpu.dma_semaphore, #tpu.memory_space<semaphore_mem>> -> memref<1x!tpu.dma_semaphore, #tpu.memory_space<semaphore_mem>>
    %dma_start3A_13 = tpu.memref_squeeze %dma_start3A_12 : memref<1x!tpu.dma_semaphore, #tpu.memory_space<semaphore_mem>> -> memref<!tpu.dma_semaphore, #tpu.memory_space<semaphore_mem>>
    %dma_start3A_14 = arith.constant 0 : i32
    %dma_start3A_15 = arith.constant 0 : i32
    %dma_start3A_16 = tpu.memref_slice %arg4[%dma_start3A, %dma_start3A_14, %dma_start3A_15] : memref<8x32x256xf32, #tpu.memory_space<vmem>> -> memref<1x32x256xf32, #tpu.memory_space<vmem>>
    %dma_start3A_17 = tpu.memref_squeeze %dma_start3A_16 : memref<1x32x256xf32, #tpu.memory_space<vmem>> -> memref<32x256xf32, #tpu.memory_space<vmem>>
    %dma_start3A_18 = arith.constant 0 : i32
    %dma_start3A_19 = tpu.memref_slice %arg2[%add3A_4, %dma_start3A_18] : memref<262144x256xf32, #tpu.memory_space<hbm>> -> memref<32x256xf32, #tpu.memory_space<hbm>>
    tpu.enqueue_dma source(%dma_start3A_19 : memref<32x256xf32, #tpu.memory_space<hbm>>) target(%dma_start3A_17 : memref<32x256xf32, #tpu.memory_space<vmem>>) target_semaphore(%dma_start3A_13 : memref<!tpu.dma_semaphore, #tpu.memory_space<semaphore_mem>>)
    %add3A_20 = arith.constant 32 : i32
    %add3A_21 = arith.addi %mul3A_2, %add3A_20 : i32
    %dma_start3A_22 = arith.constant 1 : i32
    %dma_start3A_23 = arith.constant 1 : i32
    %dma_start3A_24 = arith.constant 0 : i32
    %dma_start3A_25 = arith.constant 0 : i32
    %dma_start3A_26 = tpu.memref_slice %arg4[%dma_start3A_22, %dma_start3A_24, %dma_start3A_25] : memref<8x32x256xf32, #tpu.memory_space<vmem>> -> memref<1x32x256xf32, #tpu.memory_space<vmem>>
    %dma_start3A_27 = tpu.memref_squeeze %dma_start3A_26 : memref<1x32x256xf32, #tpu.memory_space<vmem>> -> memref<32x256xf32, #tpu.memory_space<vmem>>
    %dma_start3A_28 = arith.constant 0 : i32
    %dma_start3A_29 = tpu.memref_slice %arg2[%add3A_21, %dma_start3A_28] : memref<262144x256xf32, #tpu.memory_space<hbm>> -> memref<32x256xf32, #tpu.memory_space<hbm>>
    %dma_start3A_30 = tpu.memref_slice %arg5[%dma_start3A_23] : memref<8x!tpu.dma_semaphore, #tpu.memory_space<semaphore_mem>> -> memref<1x!tpu.dma_semaphore, #tpu.memory_space<semaphore_mem>>
    %dma_start3A_31 = tpu.memref_squeeze %dma_start3A_30 : memref<1x!tpu.dma_semaphore, #tpu.memory_space<semaphore_mem>> -> memref<!tpu.dma_semaphore, #tpu.memory_space<semaphore_mem>>
    %dma_start3A_32 = arith.constant 0 : i32
    %dma_start3A_33 = arith.constant 0 : i32
    %dma_start3A_34 = tpu.memref_slice %arg4[%dma_start3A_22, %dma_start3A_32, %dma_start3A_33] : memref<8x32x256xf32, #tpu.memory_space<vmem>> -> memref<1x32x256xf32, #tpu.memory_space<vmem>>
    %dma_start3A_35 = tpu.memref_squeeze %dma_start3A_34 : memref<1x32x256xf32, #tpu.memory_space<vmem>> -> memref<32x256xf32, #tpu.memory_space<vmem>>
    %dma_start3A_36 = arith.constant 0 : i32
    %dma_start3A_37 = tpu.memref_slice %arg2[%add3A_21, %dma_start3A_36] : memref<262144x256xf32, #tpu.memory_space<hbm>> -> memref<32x256xf32, #tpu.memory_space<hbm>>
    tpu.enqueue_dma source(%dma_start3A_37 : memref<32x256xf32, #tpu.memory_space<hbm>>) target(%dma_start3A_35 : memref<32x256xf32, #tpu.memory_space<vmem>>) target_semaphore(%dma_start3A_31 : memref<!tpu.dma_semaphore, #tpu.memory_space<semaphore_mem>>)
    %add3A_38 = arith.constant 64 : i32
    %add3A_39 = arith.addi %mul3A_2, %add3A_38 : i32
    %dma_start3A_40 = arith.constant 2 : i32
    %dma_start3A_41 = arith.constant 2 : i32
    %dma_start3A_42 = arith.constant 0 : i32
    %dma_start3A_43 = arith.constant 0 : i32
    %dma_start3A_44 = tpu.memref_slice %arg4[%dma_start3A_40, %dma_start3A_42, %dma_start3A_43] : memref<8x32x256xf32, #tpu.memory_space<vmem>> -> memref<1x32x256xf32, #tpu.memory_space<vmem>>
    %dma_start3A_45 = tpu.memref_squeeze %dma_start3A_44 : memref<1x32x256xf32, #tpu.memory_space<vmem>> -> memref<32x256xf32, #tpu.memory_space<vmem>>
    %dma_start3A_46 = arith.constant 0 : i32
    %dma_start3A_47 = tpu.memref_slice %arg2[%add3A_39, %dma_start3A_46] : memref<262144x256xf32, #tpu.memory_space<hbm>> -> memref<32x256xf32, #tpu.memory_space<hbm>>
    %dma_start3A_48 = tpu.memref_slice %arg5[%dma_start3A_41] : memref<8x!tpu.dma_semaphore, #tpu.memory_space<semaphore_mem>> -> memref<1x!tpu.dma_semaphore, #tpu.memory_space<semaphore_mem>>
    %dma_start3A_49 = tpu.memref_squeeze %dma_start3A_48 : memref<1x!tpu.dma_semaphore, #tpu.memory_space<semaphore_mem>> -> memref<!tpu.dma_semaphore, #tpu.memory_space<semaphore_mem>>
    %dma_start3A_50 = arith.constant 0 : i32
    %dma_start3A_51 = arith.constant 0 : i32
    %dma_start3A_52 = tpu.memref_slice %arg4[%dma_start3A_40, %dma_start3A_50, %dma_start3A_51] : memref<8x32x256xf32, #tpu.memory_space<vmem>> -> memref<1x32x256xf32, #tpu.memory_space<vmem>>
    %dma_start3A_53 = tpu.memref_squeeze %dma_start3A_52 : memref<1x32x256xf32, #tpu.memory_space<vmem>> -> memref<32x256xf32, #tpu.memory_space<vmem>>
    %dma_start3A_54 = arith.constant 0 : i32
    %dma_start3A_55 = tpu.memref_slice %arg2[%add3A_39, %dma_start3A_54] : memref<262144x256xf32, #tpu.memory_space<hbm>> -> memref<32x256xf32, #tpu.memory_space<hbm>>
    tpu.enqueue_dma source(%dma_start3A_55 : memref<32x256xf32, #tpu.memory_space<hbm>>) target(%dma_start3A_53 : memref<32x256xf32, #tpu.memory_space<vmem>>) target_semaphore(%dma_start3A_49 : memref<!tpu.dma_semaphore, #tpu.memory_space<semaphore_mem>>)
    %add3A_56 = arith.constant 96 : i32
    %add3A_57 = arith.addi %mul3A_2, %add3A_56 : i32
    %dma_start3A_58 = arith.constant 3 : i32
    %dma_start3A_59 = arith.constant 3 : i32
    %dma_start3A_60 = arith.constant 0 : i32
    %dma_start3A_61 = arith.constant 0 : i32
    %dma_start3A_62 = tpu.memref_slice %arg4[%dma_start3A_58, %dma_start3A_60, %dma_start3A_61] : memref<8x32x256xf32, #tpu.memory_space<vmem>> -> memref<1x32x256xf32, #tpu.memory_space<vmem>>
    %dma_start3A_63 = tpu.memref_squeeze %dma_start3A_62 : memref<1x32x256xf32, #tpu.memory_space<vmem>> -> memref<32x256xf32, #tpu.memory_space<vmem>>
    %dma_start3A_64 = arith.constant 0 : i32
    %dma_start3A_65 = tpu.memref_slice %arg2[%add3A_57, %dma_start3A_64] : memref<262144x256xf32, #tpu.memory_space<hbm>> -> memref<32x256xf32, #tpu.memory_space<hbm>>
    %dma_start3A_66 = tpu.memref_slice %arg5[%dma_start3A_59] : memref<8x!tpu.dma_semaphore, #tpu.memory_space<semaphore_mem>> -> memref<1x!tpu.dma_semaphore, #tpu.memory_space<semaphore_mem>>
    %dma_start3A_67 = tpu.memref_squeeze %dma_start3A_66 : memref<1x!tpu.dma_semaphore, #tpu.memory_space<semaphore_mem>> -> memref<!tpu.dma_semaphore, #tpu.memory_space<semaphore_mem>>
    %dma_start3A_68 = arith.constant 0 : i32
    %dma_start3A_69 = arith.constant 0 : i32
    %dma_start3A_70 = tpu.memref_slice %arg4[%dma_start3A_58, %dma_start3A_68, %dma_start3A_69] : memref<8x32x256xf32, #tpu.memory_space<vmem>> -> memref<1x32x256xf32, #tpu.memory_space<vmem>>
    %dma_start3A_71 = tpu.memref_squeeze %dma_start3A_70 : memref<1x32x256xf32, #tpu.memory_space<vmem>> -> memref<32x256xf32, #tpu.memory_space<vmem>>
    %dma_start3A_72 = arith.constant 0 : i32
    %dma_start3A_73 = tpu.memref_slice %arg2[%add3A_57, %dma_start3A_72] : memref<262144x256xf32, #tpu.memory_space<hbm>> -> memref<32x256xf32, #tpu.memory_space<hbm>>
    tpu.enqueue_dma source(%dma_start3A_73 : memref<32x256xf32, #tpu.memory_space<hbm>>) target(%dma_start3A_71 : memref<32x256xf32, #tpu.memory_space<vmem>>) target_semaphore(%dma_start3A_67 : memref<!tpu.dma_semaphore, #tpu.memory_space<semaphore_mem>>)
    %add3A_74 = arith.constant 128 : i32
    %add3A_75 = arith.addi %mul3A_2, %add3A_74 : i32
    %dma_start3A_76 = arith.constant 4 : i32
    %dma_start3A_77 = arith.constant 4 : i32
    %dma_start3A_78 = arith.constant 0 : i32
    %dma_start3A_79 = arith.constant 0 : i32
    %dma_start3A_80 = tpu.memref_slice %arg4[%dma_start3A_76, %dma_start3A_78, %dma_start3A_79] : memref<8x32x256xf32, #tpu.memory_space<vmem>> -> memref<1x32x256xf32, #tpu.memory_space<vmem>>
    %dma_start3A_81 = tpu.memref_squeeze %dma_start3A_80 : memref<1x32x256xf32, #tpu.memory_space<vmem>> -> memref<32x256xf32, #tpu.memory_space<vmem>>
    %dma_start3A_82 = arith.constant 0 : i32
    %dma_start3A_83 = tpu.memref_slice %arg2[%add3A_75, %dma_start3A_82] : memref<262144x256xf32, #tpu.memory_space<hbm>> -> memref<32x256xf32, #tpu.memory_space<hbm>>
    %dma_start3A_84 = tpu.memref_slice %arg5[%dma_start3A_77] : memref<8x!tpu.dma_semaphore, #tpu.memory_space<semaphore_mem>> -> memref<1x!tpu.dma_semaphore, #tpu.memory_space<semaphore_mem>>
    %dma_start3A_85 = tpu.memref_squeeze %dma_start3A_84 : memref<1x!tpu.dma_semaphore, #tpu.memory_space<semaphore_mem>> -> memref<!tpu.dma_semaphore, #tpu.memory_space<semaphore_mem>>
    %dma_start3A_86 = arith.constant 0 : i32
    %dma_start3A_87 = arith.constant 0 : i32
    %dma_start3A_88 = tpu.memref_slice %arg4[%dma_start3A_76, %dma_start3A_86, %dma_start3A_87] : memref<8x32x256xf32, #tpu.memory_space<vmem>> -> memref<1x32x256xf32, #tpu.memory_space<vmem>>
    %dma_start3A_89 = tpu.memref_squeeze %dma_start3A_88 : memref<1x32x256xf32, #tpu.memory_space<vmem>> -> memref<32x256xf32, #tpu.memory_space<vmem>>
    %dma_start3A_90 = arith.constant 0 : i32
    %dma_start3A_91 = tpu.memref_slice %arg2[%add3A_75, %dma_start3A_90] : memref<262144x256xf32, #tpu.memory_space<hbm>> -> memref<32x256xf32, #tpu.memory_space<hbm>>
    tpu.enqueue_dma source(%dma_start3A_91 : memref<32x256xf32, #tpu.memory_space<hbm>>) target(%dma_start3A_89 : memref<32x256xf32, #tpu.memory_space<vmem>>) target_semaphore(%dma_start3A_85 : memref<!tpu.dma_semaphore, #tpu.memory_space<semaphore_mem>>)
    %add3A_92 = arith.constant 160 : i32
    %add3A_93 = arith.addi %mul3A_2, %add3A_92 : i32
    %dma_start3A_94 = arith.constant 5 : i32
    %dma_start3A_95 = arith.constant 5 : i32
    %dma_start3A_96 = arith.constant 0 : i32
    %dma_start3A_97 = arith.constant 0 : i32
    %dma_start3A_98 = tpu.memref_slice %arg4[%dma_start3A_94, %dma_start3A_96, %dma_start3A_97] : memref<8x32x256xf32, #tpu.memory_space<vmem>> -> memref<1x32x256xf32, #tpu.memory_space<vmem>>
    %dma_start3A_99 = tpu.memref_squeeze %dma_start3A_98 : memref<1x32x256xf32, #tpu.memory_space<vmem>> -> memref<32x256xf32, #tpu.memory_space<vmem>>
    %dma_start3A_100 = arith.constant 0 : i32
    %dma_start3A_101 = tpu.memref_slice %arg2[%add3A_93, %dma_start3A_100] : memref<262144x256xf32, #tpu.memory_space<hbm>> -> memref<32x256xf32, #tpu.memory_space<hbm>>
    %dma_start3A_102 = tpu.memref_slice %arg5[%dma_start3A_95] : memref<8x!tpu.dma_semaphore, #tpu.memory_space<semaphore_mem>> -> memref<1x!tpu.dma_semaphore, #tpu.memory_space<semaphore_mem>>
    %dma_start3A_103 = tpu.memref_squeeze %dma_start3A_102 : memref<1x!tpu.dma_semaphore, #tpu.memory_space<semaphore_mem>> -> memref<!tpu.dma_semaphore, #tpu.memory_space<semaphore_mem>>
    %dma_start3A_104 = arith.constant 0 : i32
    %dma_start3A_105 = arith.constant 0 : i32
    %dma_start3A_106 = tpu.memref_slice %arg4[%dma_start3A_94, %dma_start3A_104, %dma_start3A_105] : memref<8x32x256xf32, #tpu.memory_space<vmem>> -> memref<1x32x256xf32, #tpu.memory_space<vmem>>
    %dma_start3A_107 = tpu.memref_squeeze %dma_start3A_106 : memref<1x32x256xf32, #tpu.memory_space<vmem>> -> memref<32x256xf32, #tpu.memory_space<vmem>>
    %dma_start3A_108 = arith.constant 0 : i32
    %dma_start3A_109 = tpu.memref_slice %arg2[%add3A_93, %dma_start3A_108] : memref<262144x256xf32, #tpu.memory_space<hbm>> -> memref<32x256xf32, #tpu.memory_space<hbm>>
    tpu.enqueue_dma source(%dma_start3A_109 : memref<32x256xf32, #tpu.memory_space<hbm>>) target(%dma_start3A_107 : memref<32x256xf32, #tpu.memory_space<vmem>>) target_semaphore(%dma_start3A_103 : memref<!tpu.dma_semaphore, #tpu.memory_space<semaphore_mem>>)
    %add3A_110 = arith.constant 192 : i32
    %add3A_111 = arith.addi %mul3A_2, %add3A_110 : i32
    %dma_start3A_112 = arith.constant 6 : i32
    %dma_start3A_113 = arith.constant 6 : i32
    %dma_start3A_114 = arith.constant 0 : i32
    %dma_start3A_115 = arith.constant 0 : i32
    %dma_start3A_116 = tpu.memref_slice %arg4[%dma_start3A_112, %dma_start3A_114, %dma_start3A_115] : memref<8x32x256xf32, #tpu.memory_space<vmem>> -> memref<1x32x256xf32, #tpu.memory_space<vmem>>
    %dma_start3A_117 = tpu.memref_squeeze %dma_start3A_116 : memref<1x32x256xf32, #tpu.memory_space<vmem>> -> memref<32x256xf32, #tpu.memory_space<vmem>>
    %dma_start3A_118 = arith.constant 0 : i32
    %dma_start3A_119 = tpu.memref_slice %arg2[%add3A_111, %dma_start3A_118] : memref<262144x256xf32, #tpu.memory_space<hbm>> -> memref<32x256xf32, #tpu.memory_space<hbm>>
    %dma_start3A_120 = tpu.memref_slice %arg5[%dma_start3A_113] : memref<8x!tpu.dma_semaphore, #tpu.memory_space<semaphore_mem>> -> memref<1x!tpu.dma_semaphore, #tpu.memory_space<semaphore_mem>>
    %dma_start3A_121 = tpu.memref_squeeze %dma_start3A_120 : memref<1x!tpu.dma_semaphore, #tpu.memory_space<semaphore_mem>> -> memref<!tpu.dma_semaphore, #tpu.memory_space<semaphore_mem>>
    %dma_start3A_122 = arith.constant 0 : i32
    %dma_start3A_123 = arith.constant 0 : i32
    %dma_start3A_124 = tpu.memref_slice %arg4[%dma_start3A_112, %dma_start3A_122, %dma_start3A_123] : memref<8x32x256xf32, #tpu.memory_space<vmem>> -> memref<1x32x256xf32, #tpu.memory_space<vmem>>
    %dma_start3A_125 = tpu.memref_squeeze %dma_start3A_124 : memref<1x32x256xf32, #tpu.memory_space<vmem>> -> memref<32x256xf32, #tpu.memory_space<vmem>>
    %dma_start3A_126 = arith.constant 0 : i32
    %dma_start3A_127 = tpu.memref_slice %arg2[%add3A_111, %dma_start3A_126] : memref<262144x256xf32, #tpu.memory_space<hbm>> -> memref<32x256xf32, #tpu.memory_space<hbm>>
    tpu.enqueue_dma source(%dma_start3A_127 : memref<32x256xf32, #tpu.memory_space<hbm>>) target(%dma_start3A_125 : memref<32x256xf32, #tpu.memory_space<vmem>>) target_semaphore(%dma_start3A_121 : memref<!tpu.dma_semaphore, #tpu.memory_space<semaphore_mem>>)
    %scan3A = arith.constant 0 : i32
    %scan3A_128 = arith.constant 0 : i32
    %scan3A_129 = arith.constant 32 : i32
    %scan3A_130 = arith.addi %scan3A_128, %scan3A_129 : i32
    %scan3A_131 = arith.constant 1 : i32
    scf.for %scan3A_276 = %scan3A_128 to %scan3A_130 step %scan3A_131  : i32 {
      %mul3A_277 = arith.constant 8 : i32
      %mul3A_278 = arith.muli %scan3A_276, %mul3A_277 : i32
      %add3A_279 = arith.constant 0 : i32
      %add3A_280 = arith.addi %mul3A_278, %add3A_279 : i32
      %mul3A_281 = arith.constant 32 : i32
      %mul3A_282 = arith.muli %add3A_280, %mul3A_281 : i32
      %add3A_283 = arith.addi %mul3A_2, %mul3A_282 : i32
      %dma_wait3A_284 = arith.constant 0 : i32
      %dma_wait3A_285 = arith.constant 0 : i32
      %dma_wait3A_286 = arith.constant 0 : i32
      %dma_wait3A_287 = arith.constant 0 : i32
      %dma_wait3A_288 = tpu.memref_slice %arg4[%dma_wait3A_284, %dma_wait3A_286, %dma_wait3A_287] : memref<8x32x256xf32, #tpu.memory_space<vmem>> -> memref<1x32x256xf32, #tpu.memory_space<vmem>>
      %dma_wait3A_289 = tpu.memref_squeeze %dma_wait3A_288 : memref<1x32x256xf32, #tpu.memory_space<vmem>> -> memref<32x256xf32, #tpu.memory_space<vmem>>
      %dma_wait3A_290 = arith.constant 0 : i32
      %dma_wait3A_291 = tpu.memref_slice %arg2[%add3A_283, %dma_wait3A_290] : memref<262144x256xf32, #tpu.memory_space<hbm>> -> memref<32x256xf32, #tpu.memory_space<hbm>>
      %dma_wait3A_292 = tpu.memref_slice %arg5[%dma_wait3A_285] : memref<8x!tpu.dma_semaphore, #tpu.memory_space<semaphore_mem>> -> memref<1x!tpu.dma_semaphore, #tpu.memory_space<semaphore_mem>>
      %dma_wait3A_293 = tpu.memref_squeeze %dma_wait3A_292 : memref<1x!tpu.dma_semaphore, #tpu.memory_space<semaphore_mem>> -> memref<!tpu.dma_semaphore, #tpu.memory_space<semaphore_mem>>
      %dma_wait3A_294 = arith.constant 0 : i32
      %dma_wait3A_295 = arith.constant 0 : i32
      %dma_wait3A_296 = tpu.memref_slice %arg4[%dma_wait3A_284, %dma_wait3A_294, %dma_wait3A_295] : memref<8x32x256xf32, #tpu.memory_space<vmem>> -> memref<1x32x256xf32, #tpu.memory_space<vmem>>
      %dma_wait3A_297 = tpu.memref_squeeze %dma_wait3A_296 : memref<1x32x256xf32, #tpu.memory_space<vmem>> -> memref<32x256xf32, #tpu.memory_space<vmem>>
      %dma_wait3A_298 = arith.constant 0 : i32
      %dma_wait3A_299 = tpu.memref_slice %arg2[%add3A_283, %dma_wait3A_298] : memref<262144x256xf32, #tpu.memory_space<hbm>> -> memref<32x256xf32, #tpu.memory_space<hbm>>
      tpu.wait_dma2 semaphore(%dma_wait3A_293 : memref<!tpu.dma_semaphore, #tpu.memory_space<semaphore_mem>>) src(%dma_wait3A_299 : memref<32x256xf32, #tpu.memory_space<hbm>>) dst(%dma_wait3A_297 : memref<32x256xf32, #tpu.memory_space<vmem>>)
      %parallel_loop3A = arith.constant 0 : i32
      %parallel_loop3A_300 = arith.constant 32 : i32
      %parallel_loop3A_301 = arith.constant 1 : i32
      scf.for %parallel_loop3A_690 = %parallel_loop3A to %parallel_loop3A_300 step %parallel_loop3A_301  : i32 {
        %parallel_loop3A_691 = arith.constant 0 : i32
        %parallel_loop3A_692 = arith.index_cast %parallel_loop3A_691 : i32 to index
        %parallel_loop3A_693 = arith.index_cast %parallel_loop3A_690 : i32 to index
        %parallel_loop3A_694 = arith.constant 0 : index
        %parallel_loop3A_695 = tpu.vector_load %arg4[%parallel_loop3A_692, %parallel_loop3A_693, %parallel_loop3A_694] {strides = array<i32>} : memref<8x32x256xf32, #tpu.memory_space<vmem>>, vector<1x1x16xf32>,
        %parallel_loop3A_696 = vector.shape_cast %parallel_loop3A_695 : vector<1x1x16xf32> to vector<16xf32>
        %parallel_loop3A_697 = math.absf %parallel_loop3A_696 : vector<16xf32>
        %parallel_loop3A_698 = arith.constant 1.000000e-03 : f32
        %parallel_loop3A_699 = vector.broadcast %parallel_loop3A_698 : f32 to vector<16xf32>
        %parallel_loop3A_700 = arith.addf %parallel_loop3A_697, %parallel_loop3A_699 : vector<16xf32>
        %parallel_loop3A_701 = arith.constant 1.000000e+00 : f32
        %parallel_loop3A_702 = vector.broadcast %parallel_loop3A_701 : f32 to vector<16xf32>
        %parallel_loop3A_703 = arith.divf %parallel_loop3A_702, %parallel_loop3A_700 : vector<16xf32>
        %parallel_loop3A_704 = arith.constant 0 : i32
        %parallel_loop3A_705 = arith.index_cast %parallel_loop3A_704 : i32 to index
        %parallel_loop3A_706 = arith.index_cast %parallel_loop3A_690 : i32 to index
        %parallel_loop3A_707 = arith.constant 0 : index
        %parallel_loop3A_708 = tpu.vector_load %arg4[%parallel_loop3A_705, %parallel_loop3A_706, %parallel_loop3A_707] {strides = array<i32>} : memref<8x32x256xf32, #tpu.memory_space<vmem>>, vector<1x1x16xf32>,
        %parallel_loop3A_709 = vector.shape_cast %parallel_loop3A_708 : vector<1x1x16xf32> to vector<16xf32>
        %parallel_loop3A_710 = vector.shape_cast %parallel_loop3A_703 : vector<16xf32> to vector<1x1x16xf32>
        tpu.vector_store %arg4[%parallel_loop3A_705, %parallel_loop3A_706, %parallel_loop3A_707], %parallel_loop3A_710 {strides = array<i32>} : memref<8x32x256xf32, #tpu.memory_space<vmem>>, vector<1x1x16xf32>,
        %parallel_loop3A_711 = arith.constant 0 : i32
        %parallel_loop3A_712 = arith.index_cast %parallel_loop3A_711 : i32 to index
        %parallel_loop3A_713 = arith.index_cast %parallel_loop3A_690 : i32 to index
        %parallel_loop3A_714 = arith.constant 16 : index
        %parallel_loop3A_715 = tpu.vector_load %arg4[%parallel_loop3A_712, %parallel_loop3A_713, %parallel_loop3A_714] {strides = array<i32>} : memref<8x32x256xf32, #tpu.memory_space<vmem>>, vector<1x1x16xf32>,
        %parallel_loop3A_716 = vector.shape_cast %parallel_loop3A_715 : vector<1x1x16xf32> to vector<16xf32>
        %parallel_loop3A_717 = math.absf %parallel_loop3A_716 : vector<16xf32>
        %parallel_loop3A_718 = arith.constant 1.000000e-03 : f32
        %parallel_loop3A_719 = vector.broadcast %parallel_loop3A_718 : f32 to vector<16xf32>
        %parallel_loop3A_720 = arith.addf %parallel_loop3A_717, %parallel_loop3A_719 : vector<16xf32>
        %parallel_loop3A_721 = arith.constant 1.000000e+00 : f32
        %parallel_loop3A_722 = vector.broadcast %parallel_loop3A_721 : f32 to vector<16xf32>
        %parallel_loop3A_723 = arith.divf %parallel_loop3A_722, %parallel_loop3A_720 : vector<16xf32>
        %parallel_loop3A_724 = arith.constant 0 : i32
        %parallel_loop3A_725 = arith.index_cast %parallel_loop3A_724 : i32 to index
        %parallel_loop3A_726 = arith.index_cast %parallel_loop3A_690 : i32 to index
        %parallel_loop3A_727 = arith.constant 16 : index
        %parallel_loop3A_728 = tpu.vector_load %arg4[%parallel_loop3A_725, %parallel_loop3A_726, %parallel_loop3A_727] {strides = array<i32>} : memref<8x32x256xf32, #tpu.memory_space<vmem>>, vector<1x1x16xf32>,
        %parallel_loop3A_729 = vector.shape_cast %parallel_loop3A_728 : vector<1x1x16xf32> to vector<16xf32>
        %parallel_loop3A_730 = vector.shape_cast %parallel_loop3A_723 : vector<16xf32> to vector<1x1x16xf32>
        tpu.vector_store %arg4[%parallel_loop3A_725, %parallel_loop3A_726, %parallel_loop3A_727], %parallel_loop3A_730 {strides = array<i32>} : memref<8x32x256xf32, #tpu.memory_space<vmem>>, vector<1x1x16xf32>,
        %parallel_loop3A_731 = arith.constant 0 : i32
        %parallel_loop3A_732 = arith.index_cast %parallel_loop3A_731 : i32 to index
        %parallel_loop3A_733 = arith.index_cast %parallel_loop3A_690 : i32 to index
        %parallel_loop3A_734 = arith.constant 32 : index
        %parallel_loop3A_735 = tpu.vector_load %arg4[%parallel_loop3A_732, %parallel_loop3A_733, %parallel_loop3A_734] {strides = array<i32>} : memref<8x32x256xf32, #tpu.memory_space<vmem>>, vector<1x1x16xf32>,
        %parallel_loop3A_736 = vector.shape_cast %parallel_loop3A_735 : vector<1x1x16xf32> to vector<16xf32>
        %parallel_loop3A_737 = math.absf %parallel_loop3A_736 : vector<16xf32>
        %parallel_loop3A_738 = arith.constant 1.000000e-03 : f32
        %parallel_loop3A_739 = vector.broadcast %parallel_loop3A_738 : f32 to vector<16xf32>
        %parallel_loop3A_740 = arith.addf %parallel_loop3A_737, %parallel_loop3A_739 : vector<16xf32>
        %parallel_loop3A_741 = arith.constant 1.000000e+00 : f32
        %parallel_loop3A_742 = vector.broadcast %parallel_loop3A_741 : f32 to vector<16xf32>
        %parallel_loop3A_743 = arith.divf %parallel_loop3A_742, %parallel_loop3A_740 : vector<16xf32>
        %parallel_loop3A_744 = arith.constant 0 : i32
        %parallel_loop3A_745 = arith.index_cast %parallel_loop3A_744 : i32 to index
        %parallel_loop3A_746 = arith.index_cast %parallel_loop3A_690 : i32 to index
        %parallel_loop3A_747 = arith.constant 32 : index
        %parallel_loop3A_748 = tpu.vector_load %arg4[%parallel_loop3A_745, %parallel_loop3A_746, %parallel_loop3A_747] {strides = array<i32>} : memref<8x32x256xf32, #tpu.memory_space<vmem>>, vector<1x1x16xf32>,
        %parallel_loop3A_749 = vector.shape_cast %parallel_loop3A_748 : vector<1x1x16xf32> to vector<16xf32>
        %parallel_loop3A_750 = vector.shape_cast %parallel_loop3A_743 : vector<16xf32> to vector<1x1x16xf32>
        tpu.vector_store %arg4[%parallel_loop3A_745, %parallel_loop3A_746, %parallel_loop3A_747], %parallel_loop3A_750 {strides = array<i32>} : memref<8x32x256xf32, #tpu.memory_space<vmem>>, vector<1x1x16xf32>,
        %parallel_loop3A_751 = arith.constant 0 : i32
        %parallel_loop3A_752 = arith.index_cast %parallel_loop3A_751 : i32 to index
        %parallel_loop3A_753 = arith.index_cast %parallel_loop3A_690 : i32 to index
        %parallel_loop3A_754 = arith.constant 48 : index
        %parallel_loop3A_755 = tpu.vector_load %arg4[%parallel_loop3A_752, %parallel_loop3A_753, %parallel_loop3A_754] {strides = array<i32>} : memref<8x32x256xf32, #tpu.memory_space<vmem>>, vector<1x1x16xf32>,
        %parallel_loop3A_756 = vector.shape_cast %parallel_loop3A_755 : vector<1x1x16xf32> to vector<16xf32>
        %parallel_loop3A_757 = math.absf %parallel_loop3A_756 : vector<16xf32>
        %parallel_loop3A_758 = arith.constant 1.000000e-03 : f32
        %parallel_loop3A_759 = vector.broadcast %parallel_loop3A_758 : f32 to vector<16xf32>
        %parallel_loop3A_760 = arith.addf %parallel_loop3A_757, %parallel_loop3A_759 : vector<16xf32>
        %parallel_loop3A_761 = arith.constant 1.000000e+00 : f32
        %parallel_loop3A_762 = vector.broadcast %parallel_loop3A_761 : f32 to vector<16xf32>
        %parallel_loop3A_763 = arith.divf %parallel_loop3A_762, %parallel_loop3A_760 : vector<16xf32>
        %parallel_loop3A_764 = arith.constant 0 : i32
        %parallel_loop3A_765 = arith.index_cast %parallel_loop3A_764 : i32 to index
        %parallel_loop3A_766 = arith.index_cast %parallel_loop3A_690 : i32 to index
        %parallel_loop3A_767 = arith.constant 48 : index
        %parallel_loop3A_768 = tpu.vector_load %arg4[%parallel_loop3A_765, %parallel_loop3A_766, %parallel_loop3A_767] {strides = array<i32>} : memref<8x32x256xf32, #tpu.memory_space<vmem>>, vector<1x1x16xf32>,
        %parallel_loop3A_769 = vector.shape_cast %parallel_loop3A_768 : vector<1x1x16xf32> to vector<16xf32>
        %parallel_loop3A_770 = vector.shape_cast %parallel_loop3A_763 : vector<16xf32> to vector<1x1x16xf32>
        tpu.vector_store %arg4[%parallel_loop3A_765, %parallel_loop3A_766, %parallel_loop3A_767], %parallel_loop3A_770 {strides = array<i32>} : memref<8x32x256xf32, #tpu.memory_space<vmem>>, vector<1x1x16xf32>,
        %parallel_loop3A_771 = arith.constant 0 : i32
        %parallel_loop3A_772 = arith.index_cast %parallel_loop3A_771 : i32 to index
        %parallel_loop3A_773 = arith.index_cast %parallel_loop3A_690 : i32 to index
        %parallel_loop3A_774 = arith.constant 64 : index
        %parallel_loop3A_775 = tpu.vector_load %arg4[%parallel_loop3A_772, %parallel_loop3A_773, %parallel_loop3A_774] {strides = array<i32>} : memref<8x32x256xf32, #tpu.memory_space<vmem>>, vector<1x1x16xf32>,
        %parallel_loop3A_776 = vector.shape_cast %parallel_loop3A_775 : vector<1x1x16xf32> to vector<16xf32>
        %parallel_loop3A_777 = math.absf %parallel_loop3A_776 : vector<16xf32>
        %parallel_loop3A_778 = arith.constant 1.000000e-03 : f32
        %parallel_loop3A_779 = vector.broadcast %parallel_loop3A_778 : f32 to vector<16xf32>
        %parallel_loop3A_780 = arith.addf %parallel_loop3A_777, %parallel_loop3A_779 : vector<16xf32>
        %parallel_loop3A_781 = arith.constant 1.000000e+00 : f32
        %parallel_loop3A_782 = vector.broadcast %parallel_loop3A_781 : f32 to vector<16xf32>
        %parallel_loop3A_783 = arith.divf %parallel_loop3A_782, %parallel_loop3A_780 : vector<16xf32>
        %parallel_loop3A_784 = arith.constant 0 : i32
        %parallel_loop3A_785 = arith.index_cast %parallel_loop3A_784 : i32 to index
        %parallel_loop3A_786 = arith.index_cast %parallel_loop3A_690 : i32 to index
        %parallel_loop3A_787 = arith.constant 64 : index
        %parallel_loop3A_788 = tpu.vector_load %arg4[%parallel_loop3A_785, %parallel_loop3A_786, %parallel_loop3A_787] {strides = array<i32>} : memref<8x32x256xf32, #tpu.memory_space<vmem>>, vector<1x1x16xf32>,
        %parallel_loop3A_789 = vector.shape_cast %parallel_loop3A_788 : vector<1x1x16xf32> to vector<16xf32>
        %parallel_loop3A_790 = vector.shape_cast %parallel_loop3A_783 : vector<16xf32> to vector<1x1x16xf32>
        tpu.vector_store %arg4[%parallel_loop3A_785, %parallel_loop3A_786, %parallel_loop3A_787], %parallel_loop3A_790 {strides = array<i32>} : memref<8x32x256xf32, #tpu.memory_space<vmem>>, vector<1x1x16xf32>,
        %parallel_loop3A_791 = arith.constant 0 : i32
        %parallel_loop3A_792 = arith.index_cast %parallel_loop3A_791 : i32 to index
        %parallel_loop3A_793 = arith.index_cast %parallel_loop3A_690 : i32 to index
        %parallel_loop3A_794 = arith.constant 80 : index
        %parallel_loop3A_795 = tpu.vector_load %arg4[%parallel_loop3A_792, %parallel_loop3A_793, %parallel_loop3A_794] {strides = array<i32>} : memref<8x32x256xf32, #tpu.memory_space<vmem>>, vector<1x1x16xf32>,
        %parallel_loop3A_796 = vector.shape_cast %parallel_loop3A_795 : vector<1x1x16xf32> to vector<16xf32>
        %parallel_loop3A_797 = math.absf %parallel_loop3A_796 : vector<16xf32>
        %parallel_loop3A_798 = arith.constant 1.000000e-03 : f32
        %parallel_loop3A_799 = vector.broadcast %parallel_loop3A_798 : f32 to vector<16xf32>
        %parallel_loop3A_800 = arith.addf %parallel_loop3A_797, %parallel_loop3A_799 : vector<16xf32>
        %parallel_loop3A_801 = arith.constant 1.000000e+00 : f32
        %parallel_loop3A_802 = vector.broadcast %parallel_loop3A_801 : f32 to vector<16xf32>
        %parallel_loop3A_803 = arith.divf %parallel_loop3A_802, %parallel_loop3A_800 : vector<16xf32>
        %parallel_loop3A_804 = arith.constant 0 : i32
        %parallel_loop3A_805 = arith.index_cast %parallel_loop3A_804 : i32 to index
        %parallel_loop3A_806 = arith.index_cast %parallel_loop3A_690 : i32 to index
        %parallel_loop3A_807 = arith.constant 80 : index
        %parallel_loop3A_808 = tpu.vector_load %arg4[%parallel_loop3A_805, %parallel_loop3A_806, %parallel_loop3A_807] {strides = array<i32>} : memref<8x32x256xf32, #tpu.memory_space<vmem>>, vector<1x1x16xf32>,
        %parallel_loop3A_809 = vector.shape_cast %parallel_loop3A_808 : vector<1x1x16xf32> to vector<16xf32>
        %parallel_loop3A_810 = vector.shape_cast %parallel_loop3A_803 : vector<16xf32> to vector<1x1x16xf32>
        tpu.vector_store %arg4[%parallel_loop3A_805, %parallel_loop3A_806, %parallel_loop3A_807], %parallel_loop3A_810 {strides = array<i32>} : memref<8x32x256xf32, #tpu.memory_space<vmem>>, vector<1x1x16xf32>,
        %parallel_loop3A_811 = arith.constant 0 : i32
        %parallel_loop3A_812 = arith.index_cast %parallel_loop3A_811 : i32 to index
        %parallel_loop3A_813 = arith.index_cast %parallel_loop3A_690 : i32 to index
        %parallel_loop3A_814 = arith.constant 96 : index
        %parallel_loop3A_815 = tpu.vector_load %arg4[%parallel_loop3A_812, %parallel_loop3A_813, %parallel_loop3A_814] {strides = array<i32>} : memref<8x32x256xf32, #tpu.memory_space<vmem>>, vector<1x1x16xf32>,
        %parallel_loop3A_816 = vector.shape_cast %parallel_loop3A_815 : vector<1x1x16xf32> to vector<16xf32>
        %parallel_loop3A_817 = math.absf %parallel_loop3A_816 : vector<16xf32>
        %parallel_loop3A_818 = arith.constant 1.000000e-03 : f32
        %parallel_loop3A_819 = vector.broadcast %parallel_loop3A_818 : f32 to vector<16xf32>
        %parallel_loop3A_820 = arith.addf %parallel_loop3A_817, %parallel_loop3A_819 : vector<16xf32>
        %parallel_loop3A_821 = arith.constant 1.000000e+00 : f32
        %parallel_loop3A_822 = vector.broadcast %parallel_loop3A_821 : f32 to vector<16xf32>
        %parallel_loop3A_823 = arith.divf %parallel_loop3A_822, %parallel_loop3A_820 : vector<16xf32>
        %parallel_loop3A_824 = arith.constant 0 : i32
        %parallel_loop3A_825 = arith.index_cast %parallel_loop3A_824 : i32 to index
        %parallel_loop3A_826 = arith.index_cast %parallel_loop3A_690 : i32 to index
        %parallel_loop3A_827 = arith.constant 96 : index
        %parallel_loop3A_828 = tpu.vector_load %arg4[%parallel_loop3A_825, %parallel_loop3A_826, %parallel_loop3A_827] {strides = array<i32>} : memref<8x32x256xf32, #tpu.memory_space<vmem>>, vector<1x1x16xf32>,
        %parallel_loop3A_829 = vector.shape_cast %parallel_loop3A_828 : vector<1x1x16xf32> to vector<16xf32>
        %parallel_loop3A_830 = vector.shape_cast %parallel_loop3A_823 : vector<16xf32> to vector<1x1x16xf32>
        tpu.vector_store %arg4[%parallel_loop3A_825, %parallel_loop3A_826, %parallel_loop3A_827], %parallel_loop3A_830 {strides = array<i32>} : memref<8x32x256xf32, #tpu.memory_space<vmem>>, vector<1x1x16xf32>,
        %parallel_loop3A_831 = arith.constant 0 : i32
        %parallel_loop3A_832 = arith.index_cast %parallel_loop3A_831 : i32 to index
        %parallel_loop3A_833 = arith.index_cast %parallel_loop3A_690 : i32 to index
        %parallel_loop3A_834 = arith.constant 112 : index
        %parallel_loop3A_835 = tpu.vector_load %arg4[%parallel_loop3A_832, %parallel_loop3A_833, %parallel_loop3A_834] {strides = array<i32>} : memref<8x32x256xf32, #tpu.memory_space<vmem>>, vector<1x1x16xf32>,
        %parallel_loop3A_836 = vector.shape_cast %parallel_loop3A_835 : vector<1x1x16xf32> to vector<16xf32>
        %parallel_loop3A_837 = math.absf %parallel_loop3A_836 : vector<16xf32>
        %parallel_loop3A_838 = arith.constant 1.000000e-03 : f32
        %parallel_loop3A_839 = vector.broadcast %parallel_loop3A_838 : f32 to vector<16xf32>
        %parallel_loop3A_840 = arith.addf %parallel_loop3A_837, %parallel_loop3A_839 : vector<16xf32>
        %parallel_loop3A_841 = arith.constant 1.000000e+00 : f32
        %parallel_loop3A_842 = vector.broadcast %parallel_loop3A_841 : f32 to vector<16xf32>
        %parallel_loop3A_843 = arith.divf %parallel_loop3A_842, %parallel_loop3A_840 : vector<16xf32>
        %parallel_loop3A_844 = arith.constant 0 : i32
        %parallel_loop3A_845 = arith.index_cast %parallel_loop3A_844 : i32 to index
        %parallel_loop3A_846 = arith.index_cast %parallel_loop3A_690 : i32 to index
        %parallel_loop3A_847 = arith.constant 112 : index
        %parallel_loop3A_848 = tpu.vector_load %arg4[%parallel_loop3A_845, %parallel_loop3A_846, %parallel_loop3A_847] {strides = array<i32>} : memref<8x32x256xf32, #tpu.memory_space<vmem>>, vector<1x1x16xf32>,
        %parallel_loop3A_849 = vector.shape_cast %parallel_loop3A_848 : vector<1x1x16xf32> to vector<16xf32>
        %parallel_loop3A_850 = vector.shape_cast %parallel_loop3A_843 : vector<16xf32> to vector<1x1x16xf32>
        tpu.vector_store %arg4[%parallel_loop3A_845, %parallel_loop3A_846, %parallel_loop3A_847], %parallel_loop3A_850 {strides = array<i32>} : memref<8x32x256xf32, #tpu.memory_space<vmem>>, vector<1x1x16xf32>,
        %parallel_loop3A_851 = arith.constant 0 : i32
        %parallel_loop3A_852 = arith.index_cast %parallel_loop3A_851 : i32 to index
        %parallel_loop3A_853 = arith.index_cast %parallel_loop3A_690 : i32 to index
        %parallel_loop3A_854 = arith.constant 128 : index
        %parallel_loop3A_855 = tpu.vector_load %arg4[%parallel_loop3A_852, %parallel_loop3A_853, %parallel_loop3A_854] {strides = array<i32>} : memref<8x32x256xf32, #tpu.memory_space<vmem>>, vector<1x1x16xf32>,
        %parallel_loop3A_856 = vector.shape_cast %parallel_loop3A_855 : vector<1x1x16xf32> to vector<16xf32>
        %parallel_loop3A_857 = math.absf %parallel_loop3A_856 : vector<16xf32>
        %parallel_loop3A_858 = arith.constant 1.000000e-03 : f32
        %parallel_loop3A_859 = vector.broadcast %parallel_loop3A_858 : f32 to vector<16xf32>
        %parallel_loop3A_860 = arith.addf %parallel_loop3A_857, %parallel_loop3A_859 : vector<16xf32>
        %parallel_loop3A_861 = arith.constant 1.000000e+00 : f32
        %parallel_loop3A_862 = vector.broadcast %parallel_loop3A_861 : f32 to vector<16xf32>
        %parallel_loop3A_863 = arith.divf %parallel_loop3A_862, %parallel_loop3A_860 : vector<16xf32>
        %parallel_loop3A_864 = arith.constant 0 : i32
        %parallel_loop3A_865 = arith.index_cast %parallel_loop3A_864 : i32 to index
        %parallel_loop3A_866 = arith.index_cast %parallel_loop3A_690 : i32 to index
        %parallel_loop3A_867 = arith.constant 128 : index
        %parallel_loop3A_868 = tpu.vector_load %arg4[%parallel_loop3A_865, %parallel_loop3A_866, %parallel_loop3A_867] {strides = array<i32>} : memref<8x32x256xf32, #tpu.memory_space<vmem>>, vector<1x1x16xf32>,
        %parallel_loop3A_869 = vector.shape_cast %parallel_loop3A_868 : vector<1x1x16xf32> to vector<16xf32>
        %parallel_loop3A_870 = vector.shape_cast %parallel_loop3A_863 : vector<16xf32> to vector<1x1x16xf32>
        tpu.vector_store %arg4[%parallel_loop3A_865, %parallel_loop3A_866, %parallel_loop3A_867], %parallel_loop3A_870 {strides = array<i32>} : memref<8x32x256xf32, #tpu.memory_space<vmem>>, vector<1x1x16xf32>,
        %parallel_loop3A_871 = arith.constant 0 : i32
        %parallel_loop3A_872 = arith.index_cast %parallel_loop3A_871 : i32 to index
        %parallel_loop3A_873 = arith.index_cast %parallel_loop3A_690 : i32 to index
        %parallel_loop3A_874 = arith.constant 144 : index
        %parallel_loop3A_875 = tpu.vector_load %arg4[%parallel_loop3A_872, %parallel_loop3A_873, %parallel_loop3A_874] {strides = array<i32>} : memref<8x32x256xf32, #tpu.memory_space<vmem>>, vector<1x1x16xf32>,
        %parallel_loop3A_876 = vector.shape_cast %parallel_loop3A_875 : vector<1x1x16xf32> to vector<16xf32>
        %parallel_loop3A_877 = math.absf %parallel_loop3A_876 : vector<16xf32>
        %parallel_loop3A_878 = arith.constant 1.000000e-03 : f32
        %parallel_loop3A_879 = vector.broadcast %parallel_loop3A_878 : f32 to vector<16xf32>
        %parallel_loop3A_880 = arith.addf %parallel_loop3A_877, %parallel_loop3A_879 : vector<16xf32>
        %parallel_loop3A_881 = arith.constant 1.000000e+00 : f32
        %parallel_loop3A_882 = vector.broadcast %parallel_loop3A_881 : f32 to vector<16xf32>
        %parallel_loop3A_883 = arith.divf %parallel_loop3A_882, %parallel_loop3A_880 : vector<16xf32>
        %parallel_loop3A_884 = arith.constant 0 : i32
        %parallel_loop3A_885 = arith.index_cast %parallel_loop3A_884 : i32 to index
        %parallel_loop3A_886 = arith.index_cast %parallel_loop3A_690 : i32 to index
        %parallel_loop3A_887 = arith.constant 144 : index
        %parallel_loop3A_888 = tpu.vector_load %arg4[%parallel_loop3A_885, %parallel_loop3A_886, %parallel_loop3A_887] {strides = array<i32>} : memref<8x32x256xf32, #tpu.memory_space<vmem>>, vector<1x1x16xf32>,
        %parallel_loop3A_889 = vector.shape_cast %parallel_loop3A_888 : vector<1x1x16xf32> to vector<16xf32>
        %parallel_loop3A_890 = vector.shape_cast %parallel_loop3A_883 : vector<16xf32> to vector<1x1x16xf32>
        tpu.vector_store %arg4[%parallel_loop3A_885, %parallel_loop3A_886, %parallel_loop3A_887], %parallel_loop3A_890 {strides = array<i32>} : memref<8x32x256xf32, #tpu.memory_space<vmem>>, vector<1x1x16xf32>,
        %parallel_loop3A_891 = arith.constant 0 : i32
        %parallel_loop3A_892 = arith.index_cast %parallel_loop3A_891 : i32 to index
        %parallel_loop3A_893 = arith.index_cast %parallel_loop3A_690 : i32 to index
        %parallel_loop3A_894 = arith.constant 160 : index
        %parallel_loop3A_895 = tpu.vector_load %arg4[%parallel_loop3A_892, %parallel_loop3A_893, %parallel_loop3A_894] {strides = array<i32>} : memref<8x32x256xf32, #tpu.memory_space<vmem>>, vector<1x1x16xf32>,
        %parallel_loop3A_896 = vector.shape_cast %parallel_loop3A_895 : vector<1x1x16xf32> to vector<16xf32>
        %parallel_loop3A_897 = math.absf %parallel_loop3A_896 : vector<16xf32>
        %parallel_loop3A_898 = arith.constant 1.000000e-03 : f32
        %parallel_loop3A_899 = vector.broadcast %parallel_loop3A_898 : f32 to vector<16xf32>
        %parallel_loop3A_900 = arith.addf %parallel_loop3A_897, %parallel_loop3A_899 : vector<16xf32>
        %parallel_loop3A_901 = arith.constant 1.000000e+00 : f32
        %parallel_loop3A_902 = vector.broadcast %parallel_loop3A_901 : f32 to vector<16xf32>
        %parallel_loop3A_903 = arith.divf %parallel_loop3A_902, %parallel_loop3A_900 : vector<16xf32>
        %parallel_loop3A_904 = arith.constant 0 : i32
        %parallel_loop3A_905 = arith.index_cast %parallel_loop3A_904 : i32 to index
        %parallel_loop3A_906 = arith.index_cast %parallel_loop3A_690 : i32 to index
        %parallel_loop3A_907 = arith.constant 160 : index
        %parallel_loop3A_908 = tpu.vector_load %arg4[%parallel_loop3A_905, %parallel_loop3A_906, %parallel_loop3A_907] {strides = array<i32>} : memref<8x32x256xf32, #tpu.memory_space<vmem>>, vector<1x1x16xf32>,
        %parallel_loop3A_909 = vector.shape_cast %parallel_loop3A_908 : vector<1x1x16xf32> to vector<16xf32>
        %parallel_loop3A_910 = vector.shape_cast %parallel_loop3A_903 : vector<16xf32> to vector<1x1x16xf32>
        tpu.vector_store %arg4[%parallel_loop3A_905, %parallel_loop3A_906, %parallel_loop3A_907], %parallel_loop3A_910 {strides = array<i32>} : memref<8x32x256xf32, #tpu.memory_space<vmem>>, vector<1x1x16xf32>,
        %parallel_loop3A_911 = arith.constant 0 : i32
        %parallel_loop3A_912 = arith.index_cast %parallel_loop3A_911 : i32 to index
        %parallel_loop3A_913 = arith.index_cast %parallel_loop3A_690 : i32 to index
        %parallel_loop3A_914 = arith.constant 176 : index
        %parallel_loop3A_915 = tpu.vector_load %arg4[%parallel_loop3A_912, %parallel_loop3A_913, %parallel_loop3A_914] {strides = array<i32>} : memref<8x32x256xf32, #tpu.memory_space<vmem>>, vector<1x1x16xf32>,
        %parallel_loop3A_916 = vector.shape_cast %parallel_loop3A_915 : vector<1x1x16xf32> to vector<16xf32>
        %parallel_loop3A_917 = math.absf %parallel_loop3A_916 : vector<16xf32>
        %parallel_loop3A_918 = arith.constant 1.000000e-03 : f32
        %parallel_loop3A_919 = vector.broadcast %parallel_loop3A_918 : f32 to vector<16xf32>
        %parallel_loop3A_920 = arith.addf %parallel_loop3A_917, %parallel_loop3A_919 : vector<16xf32>
        %parallel_loop3A_921 = arith.constant 1.000000e+00 : f32
        %parallel_loop3A_922 = vector.broadcast %parallel_loop3A_921 : f32 to vector<16xf32>
        %parallel_loop3A_923 = arith.divf %parallel_loop3A_922, %parallel_loop3A_920 : vector<16xf32>
        %parallel_loop3A_924 = arith.constant 0 : i32
        %parallel_loop3A_925 = arith.index_cast %parallel_loop3A_924 : i32 to index
        %parallel_loop3A_926 = arith.index_cast %parallel_loop3A_690 : i32 to index
        %parallel_loop3A_927 = arith.constant 176 : index
        %parallel_loop3A_928 = tpu.vector_load %arg4[%parallel_loop3A_925, %parallel_loop3A_926, %parallel_loop3A_927] {strides = array<i32>} : memref<8x32x256xf32, #tpu.memory_space<vmem>>, vector<1x1x16xf32>,
        %parallel_loop3A_929 = vector.shape_cast %parallel_loop3A_928 : vector<1x1x16xf32> to vector<16xf32>
        %parallel_loop3A_930 = vector.shape_cast %parallel_loop3A_923 : vector<16xf32> to vector<1x1x16xf32>
        tpu.vector_store %arg4[%parallel_loop3A_925, %parallel_loop3A_926, %parallel_loop3A_927], %parallel_loop3A_930 {strides = array<i32>} : memref<8x32x256xf32, #tpu.memory_space<vmem>>, vector<1x1x16xf32>,
        %parallel_loop3A_931 = arith.constant 0 : i32
        %parallel_loop3A_932 = arith.index_cast %parallel_loop3A_931 : i32 to index
        %parallel_loop3A_933 = arith.index_cast %parallel_loop3A_690 : i32 to index
        %parallel_loop3A_934 = arith.constant 192 : index
        %parallel_loop3A_935 = tpu.vector_load %arg4[%parallel_loop3A_932, %parallel_loop3A_933, %parallel_loop3A_934] {strides = array<i32>} : memref<8x32x256xf32, #tpu.memory_space<vmem>>, vector<1x1x16xf32>,
        %parallel_loop3A_936 = vector.shape_cast %parallel_loop3A_935 : vector<1x1x16xf32> to vector<16xf32>
        %parallel_loop3A_937 = math.absf %parallel_loop3A_936 : vector<16xf32>
        %parallel_loop3A_938 = arith.constant 1.000000e-03 : f32
        %parallel_loop3A_939 = vector.broadcast %parallel_loop3A_938 : f32 to vector<16xf32>
        %parallel_loop3A_940 = arith.addf %parallel_loop3A_937, %parallel_loop3A_939 : vector<16xf32>
        %parallel_loop3A_941 = arith.constant 1.000000e+00 : f32
        %parallel_loop3A_942 = vector.broadcast %parallel_loop3A_941 : f32 to vector<16xf32>
        %parallel_loop3A_943 = arith.divf %parallel_loop3A_942, %parallel_loop3A_940 : vector<16xf32>
        %parallel_loop3A_944 = arith.constant 0 : i32
        %parallel_loop3A_945 = arith.index_cast %parallel_loop3A_944 : i32 to index
        %parallel_loop3A_946 = arith.index_cast %parallel_loop3A_690 : i32 to index
        %parallel_loop3A_947 = arith.constant 192 : index
        %parallel_loop3A_948 = tpu.vector_load %arg4[%parallel_loop3A_945, %parallel_loop3A_946, %parallel_loop3A_947] {strides = array<i32>} : memref<8x32x256xf32, #tpu.memory_space<vmem>>, vector<1x1x16xf32>,
        %parallel_loop3A_949 = vector.shape_cast %parallel_loop3A_948 : vector<1x1x16xf32> to vector<16xf32>
        %parallel_loop3A_950 = vector.shape_cast %parallel_loop3A_943 : vector<16xf32> to vector<1x1x16xf32>
        tpu.vector_store %arg4[%parallel_loop3A_945, %parallel_loop3A_946, %parallel_loop3A_947], %parallel_loop3A_950 {strides = array<i32>} : memref<8x32x256xf32, #tpu.memory_space<vmem>>, vector<1x1x16xf32>,
        %parallel_loop3A_951 = arith.constant 0 : i32
        %parallel_loop3A_952 = arith.index_cast %parallel_loop3A_951 : i32 to index
        %parallel_loop3A_953 = arith.index_cast %parallel_loop3A_690 : i32 to index
        %parallel_loop3A_954 = arith.constant 208 : index
        %parallel_loop3A_955 = tpu.vector_load %arg4[%parallel_loop3A_952, %parallel_loop3A_953, %parallel_loop3A_954] {strides = array<i32>} : memref<8x32x256xf32, #tpu.memory_space<vmem>>, vector<1x1x16xf32>,
        %parallel_loop3A_956 = vector.shape_cast %parallel_loop3A_955 : vector<1x1x16xf32> to vector<16xf32>
        %parallel_loop3A_957 = math.absf %parallel_loop3A_956 : vector<16xf32>
        %parallel_loop3A_958 = arith.constant 1.000000e-03 : f32
        %parallel_loop3A_959 = vector.broadcast %parallel_loop3A_958 : f32 to vector<16xf32>
        %parallel_loop3A_960 = arith.addf %parallel_loop3A_957, %parallel_loop3A_959 : vector<16xf32>
        %parallel_loop3A_961 = arith.constant 1.000000e+00 : f32
        %parallel_loop3A_962 = vector.broadcast %parallel_loop3A_961 : f32 to vector<16xf32>
        %parallel_loop3A_963 = arith.divf %parallel_loop3A_962, %parallel_loop3A_960 : vector<16xf32>
        %parallel_loop3A_964 = arith.constant 0 : i32
        %parallel_loop3A_965 = arith.index_cast %parallel_loop3A_964 : i32 to index
        %parallel_loop3A_966 = arith.index_cast %parallel_loop3A_690 : i32 to index
        %parallel_loop3A_967 = arith.constant 208 : index
        %parallel_loop3A_968 = tpu.vector_load %arg4[%parallel_loop3A_965, %parallel_loop3A_966, %parallel_loop3A_967] {strides = array<i32>} : memref<8x32x256xf32, #tpu.memory_space<vmem>>, vector<1x1x16xf32>,
        %parallel_loop3A_969 = vector.shape_cast %parallel_loop3A_968 : vector<1x1x16xf32> to vector<16xf32>
        %parallel_loop3A_970 = vector.shape_cast %parallel_loop3A_963 : vector<16xf32> to vector<1x1x16xf32>
        tpu.vector_store %arg4[%parallel_loop3A_965, %parallel_loop3A_966, %parallel_loop3A_967], %parallel_loop3A_970 {strides = array<i32>} : memref<8x32x256xf32, #tpu.memory_space<vmem>>, vector<1x1x16xf32>,
        %parallel_loop3A_971 = arith.constant 0 : i32
        %parallel_loop3A_972 = arith.index_cast %parallel_loop3A_971 : i32 to index
        %parallel_loop3A_973 = arith.index_cast %parallel_loop3A_690 : i32 to index
        %parallel_loop3A_974 = arith.constant 224 : index
        %parallel_loop3A_975 = tpu.vector_load %arg4[%parallel_loop3A_972, %parallel_loop3A_973, %parallel_loop3A_974] {strides = array<i32>} : memref<8x32x256xf32, #tpu.memory_space<vmem>>, vector<1x1x16xf32>,
        %parallel_loop3A_976 = vector.shape_cast %parallel_loop3A_975 : vector<1x1x16xf32> to vector<16xf32>
        %parallel_loop3A_977 = math.absf %parallel_loop3A_976 : vector<16xf32>
        %parallel_loop3A_978 = arith.constant 1.000000e-03 : f32
        %parallel_loop3A_979 = vector.broadcast %parallel_loop3A_978 : f32 to vector<16xf32>
        %parallel_loop3A_980 = arith.addf %parallel_loop3A_977, %parallel_loop3A_979 : vector<16xf32>
        %parallel_loop3A_981 = arith.constant 1.000000e+00 : f32
        %parallel_loop3A_982 = vector.broadcast %parallel_loop3A_981 : f32 to vector<16xf32>
        %parallel_loop3A_983 = arith.divf %parallel_loop3A_982, %parallel_loop3A_980 : vector<16xf32>
        %parallel_loop3A_984 = arith.constant 0 : i32
        %parallel_loop3A_985 = arith.index_cast %parallel_loop3A_984 : i32 to index
        %parallel_loop3A_986 = arith.index_cast %parallel_loop3A_690 : i32 to index
        %parallel_loop3A_987 = arith.constant 224 : index
        %parallel_loop3A_988 = tpu.vector_load %arg4[%parallel_loop3A_985, %parallel_loop3A_986, %parallel_loop3A_987] {strides = array<i32>} : memref<8x32x256xf32, #tpu.memory_space<vmem>>, vector<1x1x16xf32>,
        %parallel_loop3A_989 = vector.shape_cast %parallel_loop3A_988 : vector<1x1x16xf32> to vector<16xf32>
        %parallel_loop3A_990 = vector.shape_cast %parallel_loop3A_983 : vector<16xf32> to vector<1x1x16xf32>
        tpu.vector_store %arg4[%parallel_loop3A_985, %parallel_loop3A_986, %parallel_loop3A_987], %parallel_loop3A_990 {strides = array<i32>} : memref<8x32x256xf32, #tpu.memory_space<vmem>>, vector<1x1x16xf32>,
        %parallel_loop3A_991 = arith.constant 0 : i32
        %parallel_loop3A_992 = arith.index_cast %parallel_loop3A_991 : i32 to index
        %parallel_loop3A_993 = arith.index_cast %parallel_loop3A_690 : i32 to index
        %parallel_loop3A_994 = arith.constant 240 : index
        %parallel_loop3A_995 = tpu.vector_load %arg4[%parallel_loop3A_992, %parallel_loop3A_993, %parallel_loop3A_994] {strides = array<i32>} : memref<8x32x256xf32, #tpu.memory_space<vmem>>, vector<1x1x16xf32>,
        %parallel_loop3A_996 = vector.shape_cast %parallel_loop3A_995 : vector<1x1x16xf32> to vector<16xf32>
        %parallel_loop3A_997 = math.absf %parallel_loop3A_996 : vector<16xf32>
        %parallel_loop3A_998 = arith.constant 1.000000e-03 : f32
        %parallel_loop3A_999 = vector.broadcast %parallel_loop3A_998 : f32 to vector<16xf32>
        %parallel_loop3A_1000 = arith.addf %parallel_loop3A_997, %parallel_loop3A_999 : vector<16xf32>
        %parallel_loop3A_1001 = arith.constant 1.000000e+00 : f32
        %parallel_loop3A_1002 = vector.broadcast %parallel_loop3A_1001 : f32 to vector<16xf32>
        %parallel_loop3A_1003 = arith.divf %parallel_loop3A_1002, %parallel_loop3A_1000 : vector<16xf32>
        %parallel_loop3A_1004 = arith.constant 0 : i32
        %parallel_loop3A_1005 = arith.index_cast %parallel_loop3A_1004 : i32 to index
        %parallel_loop3A_1006 = arith.index_cast %parallel_loop3A_690 : i32 to index
        %parallel_loop3A_1007 = arith.constant 240 : index
        %parallel_loop3A_1008 = tpu.vector_load %arg4[%parallel_loop3A_1005, %parallel_loop3A_1006, %parallel_loop3A_1007] {strides = array<i32>} : memref<8x32x256xf32, #tpu.memory_space<vmem>>, vector<1x1x16xf32>,
        %parallel_loop3A_1009 = vector.shape_cast %parallel_loop3A_1008 : vector<1x1x16xf32> to vector<16xf32>
        %parallel_loop3A_1010 = vector.shape_cast %parallel_loop3A_1003 : vector<16xf32> to vector<1x1x16xf32>
        tpu.vector_store %arg4[%parallel_loop3A_1005, %parallel_loop3A_1006, %parallel_loop3A_1007], %parallel_loop3A_1010 {strides = array<i32>} : memref<8x32x256xf32, #tpu.memory_space<vmem>>, vector<1x1x16xf32>,
      } {sc.loop_unroll_factor = 2 : i64, sc.parallel_access}
      %mul3A_302 = arith.constant 32 : i32
      %mul3A_303 = arith.muli %add3A_280, %mul3A_302 : i32
      %add3A_304 = arith.addi %mul3A_2, %mul3A_303 : i32
      %dma_start3A_305 = arith.constant 0 : i32
      %dma_start3A_306 = arith.constant 0 : i32
      %dma_start3A_307 = arith.constant 0 : i32
      %dma_start3A_308 = arith.constant 0 : i32
      %dma_start3A_309 = tpu.memref_slice %arg4[%dma_start3A_305, %dma_start3A_307, %dma_start3A_308] : memref<8x32x256xf32, #tpu.memory_space<vmem>> -> memref<1x32x256xf32, #tpu.memory_space<vmem>>
      %dma_start3A_310 = tpu.memref_squeeze %dma_start3A_309 : memref<1x32x256xf32, #tpu.memory_space<vmem>> -> memref<32x256xf32, #tpu.memory_space<vmem>>
      %dma_start3A_311 = arith.constant 0 : i32
      %dma_start3A_312 = tpu.memref_slice %arg3[%add3A_304, %dma_start3A_311] : memref<262144x256xf32, #tpu.memory_space<hbm>> -> memref<32x256xf32, #tpu.memory_space<hbm>>
      %dma_start3A_313 = tpu.memref_slice %arg6[%dma_start3A_306] : memref<8x!tpu.dma_semaphore, #tpu.memory_space<semaphore_mem>> -> memref<1x!tpu.dma_semaphore, #tpu.memory_space<semaphore_mem>>
      %dma_start3A_314 = tpu.memref_squeeze %dma_start3A_313 : memref<1x!tpu.dma_semaphore, #tpu.memory_space<semaphore_mem>> -> memref<!tpu.dma_semaphore, #tpu.memory_space<semaphore_mem>>
      %dma_start3A_315 = arith.constant 0 : i32
      %dma_start3A_316 = tpu.memref_slice %arg3[%add3A_304, %dma_start3A_315] : memref<262144x256xf32, #tpu.memory_space<hbm>> -> memref<32x256xf32, #tpu.memory_space<hbm>>
      %dma_start3A_317 = arith.constant 0 : i32
      %dma_start3A_318 = arith.constant 0 : i32
      %dma_start3A_319 = tpu.memref_slice %arg4[%dma_start3A_305, %dma_start3A_317, %dma_start3A_318] : memref<8x32x256xf32, #tpu.memory_space<vmem>> -> memref<1x32x256xf32, #tpu.memory_space<vmem>>
      %dma_start3A_320 = tpu.memref_squeeze %dma_start3A_319 : memref<1x32x256xf32, #tpu.memory_space<vmem>> -> memref<32x256xf32, #tpu.memory_space<vmem>>
      tpu.enqueue_dma source(%dma_start3A_320 : memref<32x256xf32, #tpu.memory_space<vmem>>) target(%dma_start3A_316 : memref<32x256xf32, #tpu.memory_space<hbm>>) target_semaphore(%dma_start3A_314 : memref<!tpu.dma_semaphore, #tpu.memory_space<semaphore_mem>>)
      %add3A_321 = arith.constant 8 : i32
      %add3A_322 = arith.addi %add3A_280, %add3A_321 : i32
      %sub3A = arith.constant 1 : i32
      %sub3A_323 = arith.subi %add3A_322, %sub3A : i32
      %lt3A = arith.constant 256 : i32
      %lt3A_324 = arith.cmpi slt, %sub3A_323, %lt3A : i32
      %convert_element_type3A = arith.extui %lt3A_324 : i1 to i32
      %cond3A = arith.constant 0 : i32
      %cond3A_325 = arith.cmpi ne, %convert_element_type3A, %cond3A : i32
      scf.if %cond3A_325 {
        %ge3A = arith.constant 1 : i32
        %ge3A_690 = arith.cmpi sge, %add3A_280, %ge3A : i32
        %convert_element_type3A_691 = arith.extui %ge3A_690 : i1 to i32
        %cond3A_692 = arith.constant 0 : i32
        %cond3A_693 = arith.cmpi ne, %convert_element_type3A_691, %cond3A_692 : i32
        scf.if %cond3A_693 {
          %sub3A_717 = arith.constant 1 : i32
          %sub3A_718 = arith.subi %add3A_280, %sub3A_717 : i32
          %mul3A_719 = arith.constant 32 : i32
          %mul3A_720 = arith.muli %sub3A_718, %mul3A_719 : i32
          %add3A_721 = arith.addi %mul3A_2, %mul3A_720 : i32
          %dma_wait3A_722 = arith.constant 7 : i32
          %dma_wait3A_723 = arith.constant 7 : i32
          %dma_wait3A_724 = arith.constant 0 : i32
          %dma_wait3A_725 = arith.constant 0 : i32
          %dma_wait3A_726 = tpu.memref_slice %arg4[%dma_wait3A_722, %dma_wait3A_724, %dma_wait3A_725] : memref<8x32x256xf32, #tpu.memory_space<vmem>> -> memref<1x32x256xf32, #tpu.memory_space<vmem>>
          %dma_wait3A_727 = tpu.memref_squeeze %dma_wait3A_726 : memref<1x32x256xf32, #tpu.memory_space<vmem>> -> memref<32x256xf32, #tpu.memory_space<vmem>>
          %dma_wait3A_728 = arith.constant 0 : i32
          %dma_wait3A_729 = tpu.memref_slice %arg3[%add3A_721, %dma_wait3A_728] : memref<262144x256xf32, #tpu.memory_space<hbm>> -> memref<32x256xf32, #tpu.memory_space<hbm>>
          %dma_wait3A_730 = tpu.memref_slice %arg6[%dma_wait3A_723] : memref<8x!tpu.dma_semaphore, #tpu.memory_space<semaphore_mem>> -> memref<1x!tpu.dma_semaphore, #tpu.memory_space<semaphore_mem>>
          %dma_wait3A_731 = tpu.memref_squeeze %dma_wait3A_730 : memref<1x!tpu.dma_semaphore, #tpu.memory_space<semaphore_mem>> -> memref<!tpu.dma_semaphore, #tpu.memory_space<semaphore_mem>>
          %dma_wait3A_732 = arith.constant 0 : i32
          %dma_wait3A_733 = tpu.memref_slice %arg3[%add3A_721, %dma_wait3A_732] : memref<262144x256xf32, #tpu.memory_space<hbm>> -> memref<32x256xf32, #tpu.memory_space<hbm>>
          %dma_wait3A_734 = arith.constant 0 : i32
          %dma_wait3A_735 = arith.constant 0 : i32
          %dma_wait3A_736 = tpu.memref_slice %arg4[%dma_wait3A_722, %dma_wait3A_734, %dma_wait3A_735] : memref<8x32x256xf32, #tpu.memory_space<vmem>> -> memref<1x32x256xf32, #tpu.memory_space<vmem>>
          %dma_wait3A_737 = tpu.memref_squeeze %dma_wait3A_736 : memref<1x32x256xf32, #tpu.memory_space<vmem>> -> memref<32x256xf32, #tpu.memory_space<vmem>>
          tpu.wait_dma2 semaphore(%dma_wait3A_731 : memref<!tpu.dma_semaphore, #tpu.memory_space<semaphore_mem>>) src(%dma_wait3A_737 : memref<32x256xf32, #tpu.memory_space<vmem>>) dst(%dma_wait3A_733 : memref<32x256xf32, #tpu.memory_space<hbm>>)
        } else {
        }
        %add3A_694 = arith.constant 8 : i32
        %add3A_695 = arith.addi %add3A_280, %add3A_694 : i32
        %sub3A_696 = arith.constant 1 : i32
        %sub3A_697 = arith.subi %add3A_695, %sub3A_696 : i32
        %mul3A_698 = arith.constant 32 : i32
        %mul3A_699 = arith.muli %sub3A_697, %mul3A_698 : i32
        %add3A_700 = arith.addi %mul3A_2, %mul3A_699 : i32
        %dma_start3A_701 = arith.constant 7 : i32
        %dma_start3A_702 = arith.constant 7 : i32
        %dma_start3A_703 = arith.constant 0 : i32
        %dma_start3A_704 = arith.constant 0 : i32
        %dma_start3A_705 = tpu.memref_slice %arg4[%dma_start3A_701, %dma_start3A_703, %dma_start3A_704] : memref<8x32x256xf32, #tpu.memory_space<vmem>> -> memref<1x32x256xf32, #tpu.memory_space<vmem>>
        %dma_start3A_706 = tpu.memref_squeeze %dma_start3A_705 : memref<1x32x256xf32, #tpu.memory_space<vmem>> -> memref<32x256xf32, #tpu.memory_space<vmem>>
        %dma_start3A_707 = arith.constant 0 : i32
        %dma_start3A_708 = tpu.memref_slice %arg2[%add3A_700, %dma_start3A_707] : memref<262144x256xf32, #tpu.memory_space<hbm>> -> memref<32x256xf32, #tpu.memory_space<hbm>>
        %dma_start3A_709 = tpu.memref_slice %arg5[%dma_start3A_702] : memref<8x!tpu.dma_semaphore, #tpu.memory_space<semaphore_mem>> -> memref<1x!tpu.dma_semaphore, #tpu.memory_space<semaphore_mem>>
        %dma_start3A_710 = tpu.memref_squeeze %dma_start3A_709 : memref<1x!tpu.dma_semaphore, #tpu.memory_space<semaphore_mem>> -> memref<!tpu.dma_semaphore, #tpu.memory_space<semaphore_mem>>
        %dma_start3A_711 = arith.constant 0 : i32
        %dma_start3A_712 = arith.constant 0 : i32
        %dma_start3A_713 = tpu.memref_slice %arg4[%dma_start3A_701, %dma_start3A_711, %dma_start3A_712] : memref<8x32x256xf32, #tpu.memory_space<vmem>> -> memref<1x32x256xf32, #tpu.memory_space<vmem>>
        %dma_start3A_714 = tpu.memref_squeeze %dma_start3A_713 : memref<1x32x256xf32, #tpu.memory_space<vmem>> -> memref<32x256xf32, #tpu.memory_space<vmem>>
        %dma_start3A_715 = arith.constant 0 : i32
        %dma_start3A_716 = tpu.memref_slice %arg2[%add3A_700, %dma_start3A_715] : memref<262144x256xf32, #tpu.memory_space<hbm>> -> memref<32x256xf32, #tpu.memory_space<hbm>>
        tpu.enqueue_dma source(%dma_start3A_716 : memref<32x256xf32, #tpu.memory_space<hbm>>) target(%dma_start3A_714 : memref<32x256xf32, #tpu.memory_space<vmem>>) target_semaphore(%dma_start3A_710 : memref<!tpu.dma_semaphore, #tpu.memory_space<semaphore_mem>>)
      } else {
      }
      %add3A_326 = arith.constant 1 : i32
      %add3A_327 = arith.addi %mul3A_278, %add3A_326 : i32
      %mul3A_328 = arith.constant 32 : i32
      %mul3A_329 = arith.muli %add3A_327, %mul3A_328 : i32
      %add3A_330 = arith.addi %mul3A_2, %mul3A_329 : i32
      %dma_wait3A_331 = arith.constant 1 : i32
      %dma_wait3A_332 = arith.constant 1 : i32
      %dma_wait3A_333 = arith.constant 0 : i32
      %dma_wait3A_334 = arith.constant 0 : i32
      %dma_wait3A_335 = tpu.memref_slice %arg4[%dma_wait3A_331, %dma_wait3A_333, %dma_wait3A_334] : memref<8x32x256xf32, #tpu.memory_space<vmem>> -> memref<1x32x256xf32, #tpu.memory_space<vmem>>
      %dma_wait3A_336 = tpu.memref_squeeze %dma_wait3A_335 : memref<1x32x256xf32, #tpu.memory_space<vmem>> -> memref<32x256xf32, #tpu.memory_space<vmem>>
      %dma_wait3A_337 = arith.constant 0 : i32
      %dma_wait3A_338 = tpu.memref_slice %arg2[%add3A_330, %dma_wait3A_337] : memref<262144x256xf32, #tpu.memory_space<hbm>> -> memref<32x256xf32, #tpu.memory_space<hbm>>
      %dma_wait3A_339 = tpu.memref_slice %arg5[%dma_wait3A_332] : memref<8x!tpu.dma_semaphore, #tpu.memory_space<semaphore_mem>> -> memref<1x!tpu.dma_semaphore, #tpu.memory_space<semaphore_mem>>
      %dma_wait3A_340 = tpu.memref_squeeze %dma_wait3A_339 : memref<1x!tpu.dma_semaphore, #tpu.memory_space<semaphore_mem>> -> memref<!tpu.dma_semaphore, #tpu.memory_space<semaphore_mem>>
      %dma_wait3A_341 = arith.constant 0 : i32
      %dma_wait3A_342 = arith.constant 0 : i32
      %dma_wait3A_343 = tpu.memref_slice %arg4[%dma_wait3A_331, %dma_wait3A_341, %dma_wait3A_342] : memref<8x32x256xf32, #tpu.memory_space<vmem>> -> memref<1x32x256xf32, #tpu.memory_space<vmem>>
      %dma_wait3A_344 = tpu.memref_squeeze %dma_wait3A_343 : memref<1x32x256xf32, #tpu.memory_space<vmem>> -> memref<32x256xf32, #tpu.memory_space<vmem>>
      %dma_wait3A_345 = arith.constant 0 : i32
      %dma_wait3A_346 = tpu.memref_slice %arg2[%add3A_330, %dma_wait3A_345] : memref<262144x256xf32, #tpu.memory_space<hbm>> -> memref<32x256xf32, #tpu.memory_space<hbm>>
      tpu.wait_dma2 semaphore(%dma_wait3A_340 : memref<!tpu.dma_semaphore, #tpu.memory_space<semaphore_mem>>) src(%dma_wait3A_346 : memref<32x256xf32, #tpu.memory_space<hbm>>) dst(%dma_wait3A_344 : memref<32x256xf32, #tpu.memory_space<vmem>>)
      %parallel_loop3A_347 = arith.constant 0 : i32
      %parallel_loop3A_348 = arith.constant 32 : i32
      %parallel_loop3A_349 = arith.constant 1 : i32
      scf.for %parallel_loop3A_690 = %parallel_loop3A_347 to %parallel_loop3A_348 step %parallel_loop3A_349  : i32 {
        %parallel_loop3A_691 = arith.constant 1 : i32
        %parallel_loop3A_692 = arith.index_cast %parallel_loop3A_691 : i32 to index
        %parallel_loop3A_693 = arith.index_cast %parallel_loop3A_690 : i32 to index
        %parallel_loop3A_694 = arith.constant 0 : index
        %parallel_loop3A_695 = tpu.vector_load %arg4[%parallel_loop3A_692, %parallel_loop3A_693, %parallel_loop3A_694] {strides = array<i32>} : memref<8x32x256xf32, #tpu.memory_space<vmem>>, vector<1x1x16xf32>,
        %parallel_loop3A_696 = vector.shape_cast %parallel_loop3A_695 : vector<1x1x16xf32> to vector<16xf32>
        %parallel_loop3A_697 = math.absf %parallel_loop3A_696 : vector<16xf32>
        %parallel_loop3A_698 = arith.constant 1.000000e-03 : f32
        %parallel_loop3A_699 = vector.broadcast %parallel_loop3A_698 : f32 to vector<16xf32>
        %parallel_loop3A_700 = arith.addf %parallel_loop3A_697, %parallel_loop3A_699 : vector<16xf32>
        %parallel_loop3A_701 = arith.constant 1.000000e+00 : f32
        %parallel_loop3A_702 = vector.broadcast %parallel_loop3A_701 : f32 to vector<16xf32>
        %parallel_loop3A_703 = arith.divf %parallel_loop3A_702, %parallel_loop3A_700 : vector<16xf32>
        %parallel_loop3A_704 = arith.constant 1 : i32
        %parallel_loop3A_705 = arith.index_cast %parallel_loop3A_704 : i32 to index
        %parallel_loop3A_706 = arith.index_cast %parallel_loop3A_690 : i32 to index
        %parallel_loop3A_707 = arith.constant 0 : index
        %parallel_loop3A_708 = tpu.vector_load %arg4[%parallel_loop3A_705, %parallel_loop3A_706, %parallel_loop3A_707] {strides = array<i32>} : memref<8x32x256xf32, #tpu.memory_space<vmem>>, vector<1x1x16xf32>,
        %parallel_loop3A_709 = vector.shape_cast %parallel_loop3A_708 : vector<1x1x16xf32> to vector<16xf32>
        %parallel_loop3A_710 = vector.shape_cast %parallel_loop3A_703 : vector<16xf32> to vector<1x1x16xf32>
        tpu.vector_store %arg4[%parallel_loop3A_705, %parallel_loop3A_706, %parallel_loop3A_707], %parallel_loop3A_710 {strides = array<i32>} : memref<8x32x256xf32, #tpu.memory_space<vmem>>, vector<1x1x16xf32>,
        %parallel_loop3A_711 = arith.constant 1 : i32
        %parallel_loop3A_712 = arith.index_cast %parallel_loop3A_711 : i32 to index
        %parallel_loop3A_713 = arith.index_cast %parallel_loop3A_690 : i32 to index
        %parallel_loop3A_714 = arith.constant 16 : index
        %parallel_loop3A_715 = tpu.vector_load %arg4[%parallel_loop3A_712, %parallel_loop3A_713, %parallel_loop3A_714] {strides = array<i32>} : memref<8x32x256xf32, #tpu.memory_space<vmem>>, vector<1x1x16xf32>,
        %parallel_loop3A_716 = vector.shape_cast %parallel_loop3A_715 : vector<1x1x16xf32> to vector<16xf32>
        %parallel_loop3A_717 = math.absf %parallel_loop3A_716 : vector<16xf32>
        %parallel_loop3A_718 = arith.constant 1.000000e-03 : f32
        %parallel_loop3A_719 = vector.broadcast %parallel_loop3A_718 : f32 to vector<16xf32>
        %parallel_loop3A_720 = arith.addf %parallel_loop3A_717, %parallel_loop3A_719 : vector<16xf32>
        %parallel_loop3A_721 = arith.constant 1.000000e+00 : f32
        %parallel_loop3A_722 = vector.broadcast %parallel_loop3A_721 : f32 to vector<16xf32>
        %parallel_loop3A_723 = arith.divf %parallel_loop3A_722, %parallel_loop3A_720 : vector<16xf32>
        %parallel_loop3A_724 = arith.constant 1 : i32
        %parallel_loop3A_725 = arith.index_cast %parallel_loop3A_724 : i32 to index
        %parallel_loop3A_726 = arith.index_cast %parallel_loop3A_690 : i32 to index
        %parallel_loop3A_727 = arith.constant 16 : index
        %parallel_loop3A_728 = tpu.vector_load %arg4[%parallel_loop3A_725, %parallel_loop3A_726, %parallel_loop3A_727] {strides = array<i32>} : memref<8x32x256xf32, #tpu.memory_space<vmem>>, vector<1x1x16xf32>,
        %parallel_loop3A_729 = vector.shape_cast %parallel_loop3A_728 : vector<1x1x16xf32> to vector<16xf32>
        %parallel_loop3A_730 = vector.shape_cast %parallel_loop3A_723 : vector<16xf32> to vector<1x1x16xf32>
        tpu.vector_store %arg4[%parallel_loop3A_725, %parallel_loop3A_726, %parallel_loop3A_727], %parallel_loop3A_730 {strides = array<i32>} : memref<8x32x256xf32, #tpu.memory_space<vmem>>, vector<1x1x16xf32>,
        %parallel_loop3A_731 = arith.constant 1 : i32
        %parallel_loop3A_732 = arith.index_cast %parallel_loop3A_731 : i32 to index
        %parallel_loop3A_733 = arith.index_cast %parallel_loop3A_690 : i32 to index
        %parallel_loop3A_734 = arith.constant 32 : index
        %parallel_loop3A_735 = tpu.vector_load %arg4[%parallel_loop3A_732, %parallel_loop3A_733, %parallel_loop3A_734] {strides = array<i32>} : memref<8x32x256xf32, #tpu.memory_space<vmem>>, vector<1x1x16xf32>,
        %parallel_loop3A_736 = vector.shape_cast %parallel_loop3A_735 : vector<1x1x16xf32> to vector<16xf32>
        %parallel_loop3A_737 = math.absf %parallel_loop3A_736 : vector<16xf32>
        %parallel_loop3A_738 = arith.constant 1.000000e-03 : f32
        %parallel_loop3A_739 = vector.broadcast %parallel_loop3A_738 : f32 to vector<16xf32>
        %parallel_loop3A_740 = arith.addf %parallel_loop3A_737, %parallel_loop3A_739 : vector<16xf32>
        %parallel_loop3A_741 = arith.constant 1.000000e+00 : f32
        %parallel_loop3A_742 = vector.broadcast %parallel_loop3A_741 : f32 to vector<16xf32>
        %parallel_loop3A_743 = arith.divf %parallel_loop3A_742, %parallel_loop3A_740 : vector<16xf32>
        %parallel_loop3A_744 = arith.constant 1 : i32
        %parallel_loop3A_745 = arith.index_cast %parallel_loop3A_744 : i32 to index
        %parallel_loop3A_746 = arith.index_cast %parallel_loop3A_690 : i32 to index
        %parallel_loop3A_747 = arith.constant 32 : index
        %parallel_loop3A_748 = tpu.vector_load %arg4[%parallel_loop3A_745, %parallel_loop3A_746, %parallel_loop3A_747] {strides = array<i32>} : memref<8x32x256xf32, #tpu.memory_space<vmem>>, vector<1x1x16xf32>,
        %parallel_loop3A_749 = vector.shape_cast %parallel_loop3A_748 : vector<1x1x16xf32> to vector<16xf32>
        %parallel_loop3A_750 = vector.shape_cast %parallel_loop3A_743 : vector<16xf32> to vector<1x1x16xf32>
        tpu.vector_store %arg4[%parallel_loop3A_745, %parallel_loop3A_746, %parallel_loop3A_747], %parallel_loop3A_750 {strides = array<i32>} : memref<8x32x256xf32, #tpu.memory_space<vmem>>, vector<1x1x16xf32>,
        %parallel_loop3A_751 = arith.constant 1 : i32
        %parallel_loop3A_752 = arith.index_cast %parallel_loop3A_751 : i32 to index
        %parallel_loop3A_753 = arith.index_cast %parallel_loop3A_690 : i32 to index
        %parallel_loop3A_754 = arith.constant 48 : index
        %parallel_loop3A_755 = tpu.vector_load %arg4[%parallel_loop3A_752, %parallel_loop3A_753, %parallel_loop3A_754] {strides = array<i32>} : memref<8x32x256xf32, #tpu.memory_space<vmem>>, vector<1x1x16xf32>,
        %parallel_loop3A_756 = vector.shape_cast %parallel_loop3A_755 : vector<1x1x16xf32> to vector<16xf32>
        %parallel_loop3A_757 = math.absf %parallel_loop3A_756 : vector<16xf32>
        %parallel_loop3A_758 = arith.constant 1.000000e-03 : f32
        %parallel_loop3A_759 = vector.broadcast %parallel_loop3A_758 : f32 to vector<16xf32>
        %parallel_loop3A_760 = arith.addf %parallel_loop3A_757, %parallel_loop3A_759 : vector<16xf32>
        %parallel_loop3A_761 = arith.constant 1.000000e+00 : f32
        %parallel_loop3A_762 = vector.broadcast %parallel_loop3A_761 : f32 to vector<16xf32>
        %parallel_loop3A_763 = arith.divf %parallel_loop3A_762, %parallel_loop3A_760 : vector<16xf32>
        %parallel_loop3A_764 = arith.constant 1 : i32
        %parallel_loop3A_765 = arith.index_cast %parallel_loop3A_764 : i32 to index
        %parallel_loop3A_766 = arith.index_cast %parallel_loop3A_690 : i32 to index
        %parallel_loop3A_767 = arith.constant 48 : index
        %parallel_loop3A_768 = tpu.vector_load %arg4[%parallel_loop3A_765, %parallel_loop3A_766, %parallel_loop3A_767] {strides = array<i32>} : memref<8x32x256xf32, #tpu.memory_space<vmem>>, vector<1x1x16xf32>,
        %parallel_loop3A_769 = vector.shape_cast %parallel_loop3A_768 : vector<1x1x16xf32> to vector<16xf32>
        %parallel_loop3A_770 = vector.shape_cast %parallel_loop3A_763 : vector<16xf32> to vector<1x1x16xf32>
        tpu.vector_store %arg4[%parallel_loop3A_765, %parallel_loop3A_766, %parallel_loop3A_767], %parallel_loop3A_770 {strides = array<i32>} : memref<8x32x256xf32, #tpu.memory_space<vmem>>, vector<1x1x16xf32>,
        %parallel_loop3A_771 = arith.constant 1 : i32
        %parallel_loop3A_772 = arith.index_cast %parallel_loop3A_771 : i32 to index
        %parallel_loop3A_773 = arith.index_cast %parallel_loop3A_690 : i32 to index
        %parallel_loop3A_774 = arith.constant 64 : index
        %parallel_loop3A_775 = tpu.vector_load %arg4[%parallel_loop3A_772, %parallel_loop3A_773, %parallel_loop3A_774] {strides = array<i32>} : memref<8x32x256xf32, #tpu.memory_space<vmem>>, vector<1x1x16xf32>,
        %parallel_loop3A_776 = vector.shape_cast %parallel_loop3A_775 : vector<1x1x16xf32> to vector<16xf32>
        %parallel_loop3A_777 = math.absf %parallel_loop3A_776 : vector<16xf32>
        %parallel_loop3A_778 = arith.constant 1.000000e-03 : f32
        %parallel_loop3A_779 = vector.broadcast %parallel_loop3A_778 : f32 to vector<16xf32>
        %parallel_loop3A_780 = arith.addf %parallel_loop3A_777, %parallel_loop3A_779 : vector<16xf32>
        %parallel_loop3A_781 = arith.constant 1.000000e+00 : f32
        %parallel_loop3A_782 = vector.broadcast %parallel_loop3A_781 : f32 to vector<16xf32>
        %parallel_loop3A_783 = arith.divf %parallel_loop3A_782, %parallel_loop3A_780 : vector<16xf32>
        %parallel_loop3A_784 = arith.constant 1 : i32
        %parallel_loop3A_785 = arith.index_cast %parallel_loop3A_784 : i32 to index
        %parallel_loop3A_786 = arith.index_cast %parallel_loop3A_690 : i32 to index
        %parallel_loop3A_787 = arith.constant 64 : index
        %parallel_loop3A_788 = tpu.vector_load %arg4[%parallel_loop3A_785, %parallel_loop3A_786, %parallel_loop3A_787] {strides = array<i32>} : memref<8x32x256xf32, #tpu.memory_space<vmem>>, vector<1x1x16xf32>,
        %parallel_loop3A_789 = vector.shape_cast %parallel_loop3A_788 : vector<1x1x16xf32> to vector<16xf32>
        %parallel_loop3A_790 = vector.shape_cast %parallel_loop3A_783 : vector<16xf32> to vector<1x1x16xf32>
        tpu.vector_store %arg4[%parallel_loop3A_785, %parallel_loop3A_786, %parallel_loop3A_787], %parallel_loop3A_790 {strides = array<i32>} : memref<8x32x256xf32, #tpu.memory_space<vmem>>, vector<1x1x16xf32>,
        %parallel_loop3A_791 = arith.constant 1 : i32
        %parallel_loop3A_792 = arith.index_cast %parallel_loop3A_791 : i32 to index
        %parallel_loop3A_793 = arith.index_cast %parallel_loop3A_690 : i32 to index
        %parallel_loop3A_794 = arith.constant 80 : index
        %parallel_loop3A_795 = tpu.vector_load %arg4[%parallel_loop3A_792, %parallel_loop3A_793, %parallel_loop3A_794] {strides = array<i32>} : memref<8x32x256xf32, #tpu.memory_space<vmem>>, vector<1x1x16xf32>,
        %parallel_loop3A_796 = vector.shape_cast %parallel_loop3A_795 : vector<1x1x16xf32> to vector<16xf32>
        %parallel_loop3A_797 = math.absf %parallel_loop3A_796 : vector<16xf32>
        %parallel_loop3A_798 = arith.constant 1.000000e-03 : f32
        %parallel_loop3A_799 = vector.broadcast %parallel_loop3A_798 : f32 to vector<16xf32>
        %parallel_loop3A_800 = arith.addf %parallel_loop3A_797, %parallel_loop3A_799 : vector<16xf32>
        %parallel_loop3A_801 = arith.constant 1.000000e+00 : f32
        %parallel_loop3A_802 = vector.broadcast %parallel_loop3A_801 : f32 to vector<16xf32>
        %parallel_loop3A_803 = arith.divf %parallel_loop3A_802, %parallel_loop3A_800 : vector<16xf32>
        %parallel_loop3A_804 = arith.constant 1 : i32
        %parallel_loop3A_805 = arith.index_cast %parallel_loop3A_804 : i32 to index
        %parallel_loop3A_806 = arith.index_cast %parallel_loop3A_690 : i32 to index
        %parallel_loop3A_807 = arith.constant 80 : index
        %parallel_loop3A_808 = tpu.vector_load %arg4[%parallel_loop3A_805, %parallel_loop3A_806, %parallel_loop3A_807] {strides = array<i32>} : memref<8x32x256xf32, #tpu.memory_space<vmem>>, vector<1x1x16xf32>,
        %parallel_loop3A_809 = vector.shape_cast %parallel_loop3A_808 : vector<1x1x16xf32> to vector<16xf32>
        %parallel_loop3A_810 = vector.shape_cast %parallel_loop3A_803 : vector<16xf32> to vector<1x1x16xf32>
        tpu.vector_store %arg4[%parallel_loop3A_805, %parallel_loop3A_806, %parallel_loop3A_807], %parallel_loop3A_810 {strides = array<i32>} : memref<8x32x256xf32, #tpu.memory_space<vmem>>, vector<1x1x16xf32>,
        %parallel_loop3A_811 = arith.constant 1 : i32
        %parallel_loop3A_812 = arith.index_cast %parallel_loop3A_811 : i32 to index
        %parallel_loop3A_813 = arith.index_cast %parallel_loop3A_690 : i32 to index
        %parallel_loop3A_814 = arith.constant 96 : index
        %parallel_loop3A_815 = tpu.vector_load %arg4[%parallel_loop3A_812, %parallel_loop3A_813, %parallel_loop3A_814] {strides = array<i32>} : memref<8x32x256xf32, #tpu.memory_space<vmem>>, vector<1x1x16xf32>,
        %parallel_loop3A_816 = vector.shape_cast %parallel_loop3A_815 : vector<1x1x16xf32> to vector<16xf32>
        %parallel_loop3A_817 = math.absf %parallel_loop3A_816 : vector<16xf32>
        %parallel_loop3A_818 = arith.constant 1.000000e-03 : f32
        %parallel_loop3A_819 = vector.broadcast %parallel_loop3A_818 : f32 to vector<16xf32>
        %parallel_loop3A_820 = arith.addf %parallel_loop3A_817, %parallel_loop3A_819 : vector<16xf32>
        %parallel_loop3A_821 = arith.constant 1.000000e+00 : f32
        %parallel_loop3A_822 = vector.broadcast %parallel_loop3A_821 : f32 to vector<16xf32>
        %parallel_loop3A_823 = arith.divf %parallel_loop3A_822, %parallel_loop3A_820 : vector<16xf32>
        %parallel_loop3A_824 = arith.constant 1 : i32
        %parallel_loop3A_825 = arith.index_cast %parallel_loop3A_824 : i32 to index
        %parallel_loop3A_826 = arith.index_cast %parallel_loop3A_690 : i32 to index
        %parallel_loop3A_827 = arith.constant 96 : index
        %parallel_loop3A_828 = tpu.vector_load %arg4[%parallel_loop3A_825, %parallel_loop3A_826, %parallel_loop3A_827] {strides = array<i32>} : memref<8x32x256xf32, #tpu.memory_space<vmem>>, vector<1x1x16xf32>,
        %parallel_loop3A_829 = vector.shape_cast %parallel_loop3A_828 : vector<1x1x16xf32> to vector<16xf32>
        %parallel_loop3A_830 = vector.shape_cast %parallel_loop3A_823 : vector<16xf32> to vector<1x1x16xf32>
        tpu.vector_store %arg4[%parallel_loop3A_825, %parallel_loop3A_826, %parallel_loop3A_827], %parallel_loop3A_830 {strides = array<i32>} : memref<8x32x256xf32, #tpu.memory_space<vmem>>, vector<1x1x16xf32>,
        %parallel_loop3A_831 = arith.constant 1 : i32
        %parallel_loop3A_832 = arith.index_cast %parallel_loop3A_831 : i32 to index
        %parallel_loop3A_833 = arith.index_cast %parallel_loop3A_690 : i32 to index
        %parallel_loop3A_834 = arith.constant 112 : index
        %parallel_loop3A_835 = tpu.vector_load %arg4[%parallel_loop3A_832, %parallel_loop3A_833, %parallel_loop3A_834] {strides = array<i32>} : memref<8x32x256xf32, #tpu.memory_space<vmem>>, vector<1x1x16xf32>,
        %parallel_loop3A_836 = vector.shape_cast %parallel_loop3A_835 : vector<1x1x16xf32> to vector<16xf32>
        %parallel_loop3A_837 = math.absf %parallel_loop3A_836 : vector<16xf32>
        %parallel_loop3A_838 = arith.constant 1.000000e-03 : f32
        %parallel_loop3A_839 = vector.broadcast %parallel_loop3A_838 : f32 to vector<16xf32>
        %parallel_loop3A_840 = arith.addf %parallel_loop3A_837, %parallel_loop3A_839 : vector<16xf32>
        %parallel_loop3A_841 = arith.constant 1.000000e+00 : f32
        %parallel_loop3A_842 = vector.broadcast %parallel_loop3A_841 : f32 to vector<16xf32>
        %parallel_loop3A_843 = arith.divf %parallel_loop3A_842, %parallel_loop3A_840 : vector<16xf32>
        %parallel_loop3A_844 = arith.constant 1 : i32
        %parallel_loop3A_845 = arith.index_cast %parallel_loop3A_844 : i32 to index
        %parallel_loop3A_846 = arith.index_cast %parallel_loop3A_690 : i32 to index
        %parallel_loop3A_847 = arith.constant 112 : index
        %parallel_loop3A_848 = tpu.vector_load %arg4[%parallel_loop3A_845, %parallel_loop3A_846, %parallel_loop3A_847] {strides = array<i32>} : memref<8x32x256xf32, #tpu.memory_space<vmem>>, vector<1x1x16xf32>,
        %parallel_loop3A_849 = vector.shape_cast %parallel_loop3A_848 : vector<1x1x16xf32> to vector<16xf32>
        %parallel_loop3A_850 = vector.shape_cast %parallel_loop3A_843 : vector<16xf32> to vector<1x1x16xf32>
        tpu.vector_store %arg4[%parallel_loop3A_845, %parallel_loop3A_846, %parallel_loop3A_847], %parallel_loop3A_850 {strides = array<i32>} : memref<8x32x256xf32, #tpu.memory_space<vmem>>, vector<1x1x16xf32>,
        %parallel_loop3A_851 = arith.constant 1 : i32
        %parallel_loop3A_852 = arith.index_cast %parallel_loop3A_851 : i32 to index
        %parallel_loop3A_853 = arith.index_cast %parallel_loop3A_690 : i32 to index
        %parallel_loop3A_854 = arith.constant 128 : index
        %parallel_loop3A_855 = tpu.vector_load %arg4[%parallel_loop3A_852, %parallel_loop3A_853, %parallel_loop3A_854] {strides = array<i32>} : memref<8x32x256xf32, #tpu.memory_space<vmem>>, vector<1x1x16xf32>,
        %parallel_loop3A_856 = vector.shape_cast %parallel_loop3A_855 : vector<1x1x16xf32> to vector<16xf32>
        %parallel_loop3A_857 = math.absf %parallel_loop3A_856 : vector<16xf32>
        %parallel_loop3A_858 = arith.constant 1.000000e-03 : f32
        %parallel_loop3A_859 = vector.broadcast %parallel_loop3A_858 : f32 to vector<16xf32>
        %parallel_loop3A_860 = arith.addf %parallel_loop3A_857, %parallel_loop3A_859 : vector<16xf32>
        %parallel_loop3A_861 = arith.constant 1.000000e+00 : f32
        %parallel_loop3A_862 = vector.broadcast %parallel_loop3A_861 : f32 to vector<16xf32>
        %parallel_loop3A_863 = arith.divf %parallel_loop3A_862, %parallel_loop3A_860 : vector<16xf32>
        %parallel_loop3A_864 = arith.constant 1 : i32
        %parallel_loop3A_865 = arith.index_cast %parallel_loop3A_864 : i32 to index
        %parallel_loop3A_866 = arith.index_cast %parallel_loop3A_690 : i32 to index
        %parallel_loop3A_867 = arith.constant 128 : index
        %parallel_loop3A_868 = tpu.vector_load %arg4[%parallel_loop3A_865, %parallel_loop3A_866, %parallel_loop3A_867] {strides = array<i32>} : memref<8x32x256xf32, #tpu.memory_space<vmem>>, vector<1x1x16xf32>,
        %parallel_loop3A_869 = vector.shape_cast %parallel_loop3A_868 : vector<1x1x16xf32> to vector<16xf32>
        %parallel_loop3A_870 = vector.shape_cast %parallel_loop3A_863 : vector<16xf32> to vector<1x1x16xf32>
        tpu.vector_store %arg4[%parallel_loop3A_865, %parallel_loop3A_866, %parallel_loop3A_867], %parallel_loop3A_870 {strides = array<i32>} : memref<8x32x256xf32, #tpu.memory_space<vmem>>, vector<1x1x16xf32>,
        %parallel_loop3A_871 = arith.constant 1 : i32
        %parallel_loop3A_872 = arith.index_cast %parallel_loop3A_871 : i32 to index
        %parallel_loop3A_873 = arith.index_cast %parallel_loop3A_690 : i32 to index
        %parallel_loop3A_874 = arith.constant 144 : index
        %parallel_loop3A_875 = tpu.vector_load %arg4[%parallel_loop3A_872, %parallel_loop3A_873, %parallel_loop3A_874] {strides = array<i32>} : memref<8x32x256xf32, #tpu.memory_space<vmem>>, vector<1x1x16xf32>,
        %parallel_loop3A_876 = vector.shape_cast %parallel_loop3A_875 : vector<1x1x16xf32> to vector<16xf32>
        %parallel_loop3A_877 = math.absf %parallel_loop3A_876 : vector<16xf32>
        %parallel_loop3A_878 = arith.constant 1.000000e-03 : f32
        %parallel_loop3A_879 = vector.broadcast %parallel_loop3A_878 : f32 to vector<16xf32>
        %parallel_loop3A_880 = arith.addf %parallel_loop3A_877, %parallel_loop3A_879 : vector<16xf32>
        %parallel_loop3A_881 = arith.constant 1.000000e+00 : f32
        %parallel_loop3A_882 = vector.broadcast %parallel_loop3A_881 : f32 to vector<16xf32>
        %parallel_loop3A_883 = arith.divf %parallel_loop3A_882, %parallel_loop3A_880 : vector<16xf32>
        %parallel_loop3A_884 = arith.constant 1 : i32
        %parallel_loop3A_885 = arith.index_cast %parallel_loop3A_884 : i32 to index
        %parallel_loop3A_886 = arith.index_cast %parallel_loop3A_690 : i32 to index
        %parallel_loop3A_887 = arith.constant 144 : index
        %parallel_loop3A_888 = tpu.vector_load %arg4[%parallel_loop3A_885, %parallel_loop3A_886, %parallel_loop3A_887] {strides = array<i32>} : memref<8x32x256xf32, #tpu.memory_space<vmem>>, vector<1x1x16xf32>,
        %parallel_loop3A_889 = vector.shape_cast %parallel_loop3A_888 : vector<1x1x16xf32> to vector<16xf32>
        %parallel_loop3A_890 = vector.shape_cast %parallel_loop3A_883 : vector<16xf32> to vector<1x1x16xf32>
        tpu.vector_store %arg4[%parallel_loop3A_885, %parallel_loop3A_886, %parallel_loop3A_887], %parallel_loop3A_890 {strides = array<i32>} : memref<8x32x256xf32, #tpu.memory_space<vmem>>, vector<1x1x16xf32>,
        %parallel_loop3A_891 = arith.constant 1 : i32
        %parallel_loop3A_892 = arith.index_cast %parallel_loop3A_891 : i32 to index
        %parallel_loop3A_893 = arith.index_cast %parallel_loop3A_690 : i32 to index
        %parallel_loop3A_894 = arith.constant 160 : index
        %parallel_loop3A_895 = tpu.vector_load %arg4[%parallel_loop3A_892, %parallel_loop3A_893, %parallel_loop3A_894] {strides = array<i32>} : memref<8x32x256xf32, #tpu.memory_space<vmem>>, vector<1x1x16xf32>,
        %parallel_loop3A_896 = vector.shape_cast %parallel_loop3A_895 : vector<1x1x16xf32> to vector<16xf32>
        %parallel_loop3A_897 = math.absf %parallel_loop3A_896 : vector<16xf32>
        %parallel_loop3A_898 = arith.constant 1.000000e-03 : f32
        %parallel_loop3A_899 = vector.broadcast %parallel_loop3A_898 : f32 to vector<16xf32>
        %parallel_loop3A_900 = arith.addf %parallel_loop3A_897, %parallel_loop3A_899 : vector<16xf32>
        %parallel_loop3A_901 = arith.constant 1.000000e+00 : f32
        %parallel_loop3A_902 = vector.broadcast %parallel_loop3A_901 : f32 to vector<16xf32>
        %parallel_loop3A_903 = arith.divf %parallel_loop3A_902, %parallel_loop3A_900 : vector<16xf32>
        %parallel_loop3A_904 = arith.constant 1 : i32
        %parallel_loop3A_905 = arith.index_cast %parallel_loop3A_904 : i32 to index
        %parallel_loop3A_906 = arith.index_cast %parallel_loop3A_690 : i32 to index
        %parallel_loop3A_907 = arith.constant 160 : index
        %parallel_loop3A_908 = tpu.vector_load %arg4[%parallel_loop3A_905, %parallel_loop3A_906, %parallel_loop3A_907] {strides = array<i32>} : memref<8x32x256xf32, #tpu.memory_space<vmem>>, vector<1x1x16xf32>,
        %parallel_loop3A_909 = vector.shape_cast %parallel_loop3A_908 : vector<1x1x16xf32> to vector<16xf32>
        %parallel_loop3A_910 = vector.shape_cast %parallel_loop3A_903 : vector<16xf32> to vector<1x1x16xf32>
        tpu.vector_store %arg4[%parallel_loop3A_905, %parallel_loop3A_906, %parallel_loop3A_907], %parallel_loop3A_910 {strides = array<i32>} : memref<8x32x256xf32, #tpu.memory_space<vmem>>, vector<1x1x16xf32>,
        %parallel_loop3A_911 = arith.constant 1 : i32
        %parallel_loop3A_912 = arith.index_cast %parallel_loop3A_911 : i32 to index
        %parallel_loop3A_913 = arith.index_cast %parallel_loop3A_690 : i32 to index
        %parallel_loop3A_914 = arith.constant 176 : index
        %parallel_loop3A_915 = tpu.vector_load %arg4[%parallel_loop3A_912, %parallel_loop3A_913, %parallel_loop3A_914] {strides = array<i32>} : memref<8x32x256xf32, #tpu.memory_space<vmem>>, vector<1x1x16xf32>,
        %parallel_loop3A_916 = vector.shape_cast %parallel_loop3A_915 : vector<1x1x16xf32> to vector<16xf32>
        %parallel_loop3A_917 = math.absf %parallel_loop3A_916 : vector<16xf32>
        %parallel_loop3A_918 = arith.constant 1.000000e-03 : f32
        %parallel_loop3A_919 = vector.broadcast %parallel_loop3A_918 : f32 to vector<16xf32>
        %parallel_loop3A_920 = arith.addf %parallel_loop3A_917, %parallel_loop3A_919 : vector<16xf32>
        %parallel_loop3A_921 = arith.constant 1.000000e+00 : f32
        %parallel_loop3A_922 = vector.broadcast %parallel_loop3A_921 : f32 to vector<16xf32>
        %parallel_loop3A_923 = arith.divf %parallel_loop3A_922, %parallel_loop3A_920 : vector<16xf32>
        %parallel_loop3A_924 = arith.constant 1 : i32
        %parallel_loop3A_925 = arith.index_cast %parallel_loop3A_924 : i32 to index
        %parallel_loop3A_926 = arith.index_cast %parallel_loop3A_690 : i32 to index
        %parallel_loop3A_927 = arith.constant 176 : index
        %parallel_loop3A_928 = tpu.vector_load %arg4[%parallel_loop3A_925, %parallel_loop3A_926, %parallel_loop3A_927] {strides = array<i32>} : memref<8x32x256xf32, #tpu.memory_space<vmem>>, vector<1x1x16xf32>,
        %parallel_loop3A_929 = vector.shape_cast %parallel_loop3A_928 : vector<1x1x16xf32> to vector<16xf32>
        %parallel_loop3A_930 = vector.shape_cast %parallel_loop3A_923 : vector<16xf32> to vector<1x1x16xf32>
        tpu.vector_store %arg4[%parallel_loop3A_925, %parallel_loop3A_926, %parallel_loop3A_927], %parallel_loop3A_930 {strides = array<i32>} : memref<8x32x256xf32, #tpu.memory_space<vmem>>, vector<1x1x16xf32>,
        %parallel_loop3A_931 = arith.constant 1 : i32
        %parallel_loop3A_932 = arith.index_cast %parallel_loop3A_931 : i32 to index
        %parallel_loop3A_933 = arith.index_cast %parallel_loop3A_690 : i32 to index
        %parallel_loop3A_934 = arith.constant 192 : index
        %parallel_loop3A_935 = tpu.vector_load %arg4[%parallel_loop3A_932, %parallel_loop3A_933, %parallel_loop3A_934] {strides = array<i32>} : memref<8x32x256xf32, #tpu.memory_space<vmem>>, vector<1x1x16xf32>,
        %parallel_loop3A_936 = vector.shape_cast %parallel_loop3A_935 : vector<1x1x16xf32> to vector<16xf32>
        %parallel_loop3A_937 = math.absf %parallel_loop3A_936 : vector<16xf32>
        %parallel_loop3A_938 = arith.constant 1.000000e-03 : f32
        %parallel_loop3A_939 = vector.broadcast %parallel_loop3A_938 : f32 to vector<16xf32>
        %parallel_loop3A_940 = arith.addf %parallel_loop3A_937, %parallel_loop3A_939 : vector<16xf32>
        %parallel_loop3A_941 = arith.constant 1.000000e+00 : f32
        %parallel_loop3A_942 = vector.broadcast %parallel_loop3A_941 : f32 to vector<16xf32>
        %parallel_loop3A_943 = arith.divf %parallel_loop3A_942, %parallel_loop3A_940 : vector<16xf32>
        %parallel_loop3A_944 = arith.constant 1 : i32
        %parallel_loop3A_945 = arith.index_cast %parallel_loop3A_944 : i32 to index
        %parallel_loop3A_946 = arith.index_cast %parallel_loop3A_690 : i32 to index
        %parallel_loop3A_947 = arith.constant 192 : index
        %parallel_loop3A_948 = tpu.vector_load %arg4[%parallel_loop3A_945, %parallel_loop3A_946, %parallel_loop3A_947] {strides = array<i32>} : memref<8x32x256xf32, #tpu.memory_space<vmem>>, vector<1x1x16xf32>,
        %parallel_loop3A_949 = vector.shape_cast %parallel_loop3A_948 : vector<1x1x16xf32> to vector<16xf32>
        %parallel_loop3A_950 = vector.shape_cast %parallel_loop3A_943 : vector<16xf32> to vector<1x1x16xf32>
        tpu.vector_store %arg4[%parallel_loop3A_945, %parallel_loop3A_946, %parallel_loop3A_947], %parallel_loop3A_950 {strides = array<i32>} : memref<8x32x256xf32, #tpu.memory_space<vmem>>, vector<1x1x16xf32>,
        %parallel_loop3A_951 = arith.constant 1 : i32
        %parallel_loop3A_952 = arith.index_cast %parallel_loop3A_951 : i32 to index
        %parallel_loop3A_953 = arith.index_cast %parallel_loop3A_690 : i32 to index
        %parallel_loop3A_954 = arith.constant 208 : index
        %parallel_loop3A_955 = tpu.vector_load %arg4[%parallel_loop3A_952, %parallel_loop3A_953, %parallel_loop3A_954] {strides = array<i32>} : memref<8x32x256xf32, #tpu.memory_space<vmem>>, vector<1x1x16xf32>,
        %parallel_loop3A_956 = vector.shape_cast %parallel_loop3A_955 : vector<1x1x16xf32> to vector<16xf32>
        %parallel_loop3A_957 = math.absf %parallel_loop3A_956 : vector<16xf32>
        %parallel_loop3A_958 = arith.constant 1.000000e-03 : f32
        %parallel_loop3A_959 = vector.broadcast %parallel_loop3A_958 : f32 to vector<16xf32>
        %parallel_loop3A_960 = arith.addf %parallel_loop3A_957, %parallel_loop3A_959 : vector<16xf32>
        %parallel_loop3A_961 = arith.constant 1.000000e+00 : f32
        %parallel_loop3A_962 = vector.broadcast %parallel_loop3A_961 : f32 to vector<16xf32>
        %parallel_loop3A_963 = arith.divf %parallel_loop3A_962, %parallel_loop3A_960 : vector<16xf32>
        %parallel_loop3A_964 = arith.constant 1 : i32
        %parallel_loop3A_965 = arith.index_cast %parallel_loop3A_964 : i32 to index
        %parallel_loop3A_966 = arith.index_cast %parallel_loop3A_690 : i32 to index
        %parallel_loop3A_967 = arith.constant 208 : index
        %parallel_loop3A_968 = tpu.vector_load %arg4[%parallel_loop3A_965, %parallel_loop3A_966, %parallel_loop3A_967] {strides = array<i32>} : memref<8x32x256xf32, #tpu.memory_space<vmem>>, vector<1x1x16xf32>,
        %parallel_loop3A_969 = vector.shape_cast %parallel_loop3A_968 : vector<1x1x16xf32> to vector<16xf32>
        %parallel_loop3A_970 = vector.shape_cast %parallel_loop3A_963 : vector<16xf32> to vector<1x1x16xf32>
        tpu.vector_store %arg4[%parallel_loop3A_965, %parallel_loop3A_966, %parallel_loop3A_967], %parallel_loop3A_970 {strides = array<i32>} : memref<8x32x256xf32, #tpu.memory_space<vmem>>, vector<1x1x16xf32>,
        %parallel_loop3A_971 = arith.constant 1 : i32
        %parallel_loop3A_972 = arith.index_cast %parallel_loop3A_971 : i32 to index
        %parallel_loop3A_973 = arith.index_cast %parallel_loop3A_690 : i32 to index
        %parallel_loop3A_974 = arith.constant 224 : index
        %parallel_loop3A_975 = tpu.vector_load %arg4[%parallel_loop3A_972, %parallel_loop3A_973, %parallel_loop3A_974] {strides = array<i32>} : memref<8x32x256xf32, #tpu.memory_space<vmem>>, vector<1x1x16xf32>,
        %parallel_loop3A_976 = vector.shape_cast %parallel_loop3A_975 : vector<1x1x16xf32> to vector<16xf32>
        %parallel_loop3A_977 = math.absf %parallel_loop3A_976 : vector<16xf32>
        %parallel_loop3A_978 = arith.constant 1.000000e-03 : f32
        %parallel_loop3A_979 = vector.broadcast %parallel_loop3A_978 : f32 to vector<16xf32>
        %parallel_loop3A_980 = arith.addf %parallel_loop3A_977, %parallel_loop3A_979 : vector<16xf32>
        %parallel_loop3A_981 = arith.constant 1.000000e+00 : f32
        %parallel_loop3A_982 = vector.broadcast %parallel_loop3A_981 : f32 to vector<16xf32>
        %parallel_loop3A_983 = arith.divf %parallel_loop3A_982, %parallel_loop3A_980 : vector<16xf32>
        %parallel_loop3A_984 = arith.constant 1 : i32
        %parallel_loop3A_985 = arith.index_cast %parallel_loop3A_984 : i32 to index
        %parallel_loop3A_986 = arith.index_cast %parallel_loop3A_690 : i32 to index
        %parallel_loop3A_987 = arith.constant 224 : index
        %parallel_loop3A_988 = tpu.vector_load %arg4[%parallel_loop3A_985, %parallel_loop3A_986, %parallel_loop3A_987] {strides = array<i32>} : memref<8x32x256xf32, #tpu.memory_space<vmem>>, vector<1x1x16xf32>,
        %parallel_loop3A_989 = vector.shape_cast %parallel_loop3A_988 : vector<1x1x16xf32> to vector<16xf32>
        %parallel_loop3A_990 = vector.shape_cast %parallel_loop3A_983 : vector<16xf32> to vector<1x1x16xf32>
        tpu.vector_store %arg4[%parallel_loop3A_985, %parallel_loop3A_986, %parallel_loop3A_987], %parallel_loop3A_990 {strides = array<i32>} : memref<8x32x256xf32, #tpu.memory_space<vmem>>, vector<1x1x16xf32>,
        %parallel_loop3A_991 = arith.constant 1 : i32
        %parallel_loop3A_992 = arith.index_cast %parallel_loop3A_991 : i32 to index
        %parallel_loop3A_993 = arith.index_cast %parallel_loop3A_690 : i32 to index
        %parallel_loop3A_994 = arith.constant 240 : index
        %parallel_loop3A_995 = tpu.vector_load %arg4[%parallel_loop3A_992, %parallel_loop3A_993, %parallel_loop3A_994] {strides = array<i32>} : memref<8x32x256xf32, #tpu.memory_space<vmem>>, vector<1x1x16xf32>,
        %parallel_loop3A_996 = vector.shape_cast %parallel_loop3A_995 : vector<1x1x16xf32> to vector<16xf32>
        %parallel_loop3A_997 = math.absf %parallel_loop3A_996 : vector<16xf32>
        %parallel_loop3A_998 = arith.constant 1.000000e-03 : f32
        %parallel_loop3A_999 = vector.broadcast %parallel_loop3A_998 : f32 to vector<16xf32>
        %parallel_loop3A_1000 = arith.addf %parallel_loop3A_997, %parallel_loop3A_999 : vector<16xf32>
        %parallel_loop3A_1001 = arith.constant 1.000000e+00 : f32
        %parallel_loop3A_1002 = vector.broadcast %parallel_loop3A_1001 : f32 to vector<16xf32>
        %parallel_loop3A_1003 = arith.divf %parallel_loop3A_1002, %parallel_loop3A_1000 : vector<16xf32>
        %parallel_loop3A_1004 = arith.constant 1 : i32
        %parallel_loop3A_1005 = arith.index_cast %parallel_loop3A_1004 : i32 to index
        %parallel_loop3A_1006 = arith.index_cast %parallel_loop3A_690 : i32 to index
        %parallel_loop3A_1007 = arith.constant 240 : index
        %parallel_loop3A_1008 = tpu.vector_load %arg4[%parallel_loop3A_1005, %parallel_loop3A_1006, %parallel_loop3A_1007] {strides = array<i32>} : memref<8x32x256xf32, #tpu.memory_space<vmem>>, vector<1x1x16xf32>,
        %parallel_loop3A_1009 = vector.shape_cast %parallel_loop3A_1008 : vector<1x1x16xf32> to vector<16xf32>
        %parallel_loop3A_1010 = vector.shape_cast %parallel_loop3A_1003 : vector<16xf32> to vector<1x1x16xf32>
        tpu.vector_store %arg4[%parallel_loop3A_1005, %parallel_loop3A_1006, %parallel_loop3A_1007], %parallel_loop3A_1010 {strides = array<i32>} : memref<8x32x256xf32, #tpu.memory_space<vmem>>, vector<1x1x16xf32>,
      } {sc.loop_unroll_factor = 2 : i64, sc.parallel_access}
      %mul3A_350 = arith.constant 32 : i32
      %mul3A_351 = arith.muli %add3A_327, %mul3A_350 : i32
      %add3A_352 = arith.addi %mul3A_2, %mul3A_351 : i32
      %dma_start3A_353 = arith.constant 1 : i32
      %dma_start3A_354 = arith.constant 1 : i32
      %dma_start3A_355 = arith.constant 0 : i32
      %dma_start3A_356 = arith.constant 0 : i32
      %dma_start3A_357 = tpu.memref_slice %arg4[%dma_start3A_353, %dma_start3A_355, %dma_start3A_356] : memref<8x32x256xf32, #tpu.memory_space<vmem>> -> memref<1x32x256xf32, #tpu.memory_space<vmem>>
      %dma_start3A_358 = tpu.memref_squeeze %dma_start3A_357 : memref<1x32x256xf32, #tpu.memory_space<vmem>> -> memref<32x256xf32, #tpu.memory_space<vmem>>
      %dma_start3A_359 = arith.constant 0 : i32
      %dma_start3A_360 = tpu.memref_slice %arg3[%add3A_352, %dma_start3A_359] : memref<262144x256xf32, #tpu.memory_space<hbm>> -> memref<32x256xf32, #tpu.memory_space<hbm>>
      %dma_start3A_361 = tpu.memref_slice %arg6[%dma_start3A_354] : memref<8x!tpu.dma_semaphore, #tpu.memory_space<semaphore_mem>> -> memref<1x!tpu.dma_semaphore, #tpu.memory_space<semaphore_mem>>
      %dma_start3A_362 = tpu.memref_squeeze %dma_start3A_361 : memref<1x!tpu.dma_semaphore, #tpu.memory_space<semaphore_mem>> -> memref<!tpu.dma_semaphore, #tpu.memory_space<semaphore_mem>>
      %dma_start3A_363 = arith.constant 0 : i32
      %dma_start3A_364 = tpu.memref_slice %arg3[%add3A_352, %dma_start3A_363] : memref<262144x256xf32, #tpu.memory_space<hbm>> -> memref<32x256xf32, #tpu.memory_space<hbm>>
      %dma_start3A_365 = arith.constant 0 : i32
      %dma_start3A_366 = arith.constant 0 : i32
      %dma_start3A_367 = tpu.memref_slice %arg4[%dma_start3A_353, %dma_start3A_365, %dma_start3A_366] : memref<8x32x256xf32, #tpu.memory_space<vmem>> -> memref<1x32x256xf32, #tpu.memory_space<vmem>>
      %dma_start3A_368 = tpu.memref_squeeze %dma_start3A_367 : memref<1x32x256xf32, #tpu.memory_space<vmem>> -> memref<32x256xf32, #tpu.memory_space<vmem>>
      tpu.enqueue_dma source(%dma_start3A_368 : memref<32x256xf32, #tpu.memory_space<vmem>>) target(%dma_start3A_364 : memref<32x256xf32, #tpu.memory_space<hbm>>) target_semaphore(%dma_start3A_362 : memref<!tpu.dma_semaphore, #tpu.memory_space<semaphore_mem>>)
      %add3A_369 = arith.constant 8 : i32
      %add3A_370 = arith.addi %add3A_327, %add3A_369 : i32
      %sub3A_371 = arith.constant 1 : i32
      %sub3A_372 = arith.subi %add3A_370, %sub3A_371 : i32
      %lt3A_373 = arith.constant 256 : i32
      %lt3A_374 = arith.cmpi slt, %sub3A_372, %lt3A_373 : i32
      %convert_element_type3A_375 = arith.extui %lt3A_374 : i1 to i32
      %cond3A_376 = arith.constant 0 : i32
      %cond3A_377 = arith.cmpi ne, %convert_element_type3A_375, %cond3A_376 : i32
      scf.if %cond3A_377 {
        %ge3A = arith.constant 1 : i32
        %ge3A_690 = arith.cmpi sge, %add3A_327, %ge3A : i32
        %convert_element_type3A_691 = arith.extui %ge3A_690 : i1 to i32
        %cond3A_692 = arith.constant 0 : i32
        %cond3A_693 = arith.cmpi ne, %convert_element_type3A_691, %cond3A_692 : i32
        scf.if %cond3A_693 {
          %sub3A_717 = arith.constant 1 : i32
          %sub3A_718 = arith.subi %add3A_327, %sub3A_717 : i32
          %mul3A_719 = arith.constant 32 : i32
          %mul3A_720 = arith.muli %sub3A_718, %mul3A_719 : i32
          %add3A_721 = arith.addi %mul3A_2, %mul3A_720 : i32
          %dma_wait3A_722 = arith.constant 0 : i32
          %dma_wait3A_723 = arith.constant 0 : i32
          %dma_wait3A_724 = arith.constant 0 : i32
          %dma_wait3A_725 = arith.constant 0 : i32
          %dma_wait3A_726 = tpu.memref_slice %arg4[%dma_wait3A_722, %dma_wait3A_724, %dma_wait3A_725] : memref<8x32x256xf32, #tpu.memory_space<vmem>> -> memref<1x32x256xf32, #tpu.memory_space<vmem>>
          %dma_wait3A_727 = tpu.memref_squeeze %dma_wait3A_726 : memref<1x32x256xf32, #tpu.memory_space<vmem>> -> memref<32x256xf32, #tpu.memory_space<vmem>>
          %dma_wait3A_728 = arith.constant 0 : i32
          %dma_wait3A_729 = tpu.memref_slice %arg3[%add3A_721, %dma_wait3A_728] : memref<262144x256xf32, #tpu.memory_space<hbm>> -> memref<32x256xf32, #tpu.memory_space<hbm>>
          %dma_wait3A_730 = tpu.memref_slice %arg6[%dma_wait3A_723] : memref<8x!tpu.dma_semaphore, #tpu.memory_space<semaphore_mem>> -> memref<1x!tpu.dma_semaphore, #tpu.memory_space<semaphore_mem>>
          %dma_wait3A_731 = tpu.memref_squeeze %dma_wait3A_730 : memref<1x!tpu.dma_semaphore, #tpu.memory_space<semaphore_mem>> -> memref<!tpu.dma_semaphore, #tpu.memory_space<semaphore_mem>>
          %dma_wait3A_732 = arith.constant 0 : i32
          %dma_wait3A_733 = tpu.memref_slice %arg3[%add3A_721, %dma_wait3A_732] : memref<262144x256xf32, #tpu.memory_space<hbm>> -> memref<32x256xf32, #tpu.memory_space<hbm>>
          %dma_wait3A_734 = arith.constant 0 : i32
          %dma_wait3A_735 = arith.constant 0 : i32
          %dma_wait3A_736 = tpu.memref_slice %arg4[%dma_wait3A_722, %dma_wait3A_734, %dma_wait3A_735] : memref<8x32x256xf32, #tpu.memory_space<vmem>> -> memref<1x32x256xf32, #tpu.memory_space<vmem>>
          %dma_wait3A_737 = tpu.memref_squeeze %dma_wait3A_736 : memref<1x32x256xf32, #tpu.memory_space<vmem>> -> memref<32x256xf32, #tpu.memory_space<vmem>>
          tpu.wait_dma2 semaphore(%dma_wait3A_731 : memref<!tpu.dma_semaphore, #tpu.memory_space<semaphore_mem>>) src(%dma_wait3A_737 : memref<32x256xf32, #tpu.memory_space<vmem>>) dst(%dma_wait3A_733 : memref<32x256xf32, #tpu.memory_space<hbm>>)
        } else {
        }
        %add3A_694 = arith.constant 8 : i32
        %add3A_695 = arith.addi %add3A_327, %add3A_694 : i32
        %sub3A_696 = arith.constant 1 : i32
        %sub3A_697 = arith.subi %add3A_695, %sub3A_696 : i32
        %mul3A_698 = arith.constant 32 : i32
        %mul3A_699 = arith.muli %sub3A_697, %mul3A_698 : i32
        %add3A_700 = arith.addi %mul3A_2, %mul3A_699 : i32
        %dma_start3A_701 = arith.constant 0 : i32
        %dma_start3A_702 = arith.constant 0 : i32
        %dma_start3A_703 = arith.constant 0 : i32
        %dma_start3A_704 = arith.constant 0 : i32
        %dma_start3A_705 = tpu.memref_slice %arg4[%dma_start3A_701, %dma_start3A_703, %dma_start3A_704] : memref<8x32x256xf32, #tpu.memory_space<vmem>> -> memref<1x32x256xf32, #tpu.memory_space<vmem>>
        %dma_start3A_706 = tpu.memref_squeeze %dma_start3A_705 : memref<1x32x256xf32, #tpu.memory_space<vmem>> -> memref<32x256xf32, #tpu.memory_space<vmem>>
        %dma_start3A_707 = arith.constant 0 : i32
        %dma_start3A_708 = tpu.memref_slice %arg2[%add3A_700, %dma_start3A_707] : memref<262144x256xf32, #tpu.memory_space<hbm>> -> memref<32x256xf32, #tpu.memory_space<hbm>>
        %dma_start3A_709 = tpu.memref_slice %arg5[%dma_start3A_702] : memref<8x!tpu.dma_semaphore, #tpu.memory_space<semaphore_mem>> -> memref<1x!tpu.dma_semaphore, #tpu.memory_space<semaphore_mem>>
        %dma_start3A_710 = tpu.memref_squeeze %dma_start3A_709 : memref<1x!tpu.dma_semaphore, #tpu.memory_space<semaphore_mem>> -> memref<!tpu.dma_semaphore, #tpu.memory_space<semaphore_mem>>
        %dma_start3A_711 = arith.constant 0 : i32
        %dma_start3A_712 = arith.constant 0 : i32
        %dma_start3A_713 = tpu.memref_slice %arg4[%dma_start3A_701, %dma_start3A_711, %dma_start3A_712] : memref<8x32x256xf32, #tpu.memory_space<vmem>> -> memref<1x32x256xf32, #tpu.memory_space<vmem>>
        %dma_start3A_714 = tpu.memref_squeeze %dma_start3A_713 : memref<1x32x256xf32, #tpu.memory_space<vmem>> -> memref<32x256xf32, #tpu.memory_space<vmem>>
        %dma_start3A_715 = arith.constant 0 : i32
        %dma_start3A_716 = tpu.memref_slice %arg2[%add3A_700, %dma_start3A_715] : memref<262144x256xf32, #tpu.memory_space<hbm>> -> memref<32x256xf32, #tpu.memory_space<hbm>>
        tpu.enqueue_dma source(%dma_start3A_716 : memref<32x256xf32, #tpu.memory_space<hbm>>) target(%dma_start3A_714 : memref<32x256xf32, #tpu.memory_space<vmem>>) target_semaphore(%dma_start3A_710 : memref<!tpu.dma_semaphore, #tpu.memory_space<semaphore_mem>>)
      } else {
      }
      %add3A_378 = arith.constant 2 : i32
      %add3A_379 = arith.addi %mul3A_278, %add3A_378 : i32
      %mul3A_380 = arith.constant 32 : i32
      %mul3A_381 = arith.muli %add3A_379, %mul3A_380 : i32
      %add3A_382 = arith.addi %mul3A_2, %mul3A_381 : i32
      %dma_wait3A_383 = arith.constant 2 : i32
      %dma_wait3A_384 = arith.constant 2 : i32
      %dma_wait3A_385 = arith.constant 0 : i32
      %dma_wait3A_386 = arith.constant 0 : i32
      %dma_wait3A_387 = tpu.memref_slice %arg4[%dma_wait3A_383, %dma_wait3A_385, %dma_wait3A_386] : memref<8x32x256xf32, #tpu.memory_space<vmem>> -> memref<1x32x256xf32, #tpu.memory_space<vmem>>
      %dma_wait3A_388 = tpu.memref_squeeze %dma_wait3A_387 : memref<1x32x256xf32, #tpu.memory_space<vmem>> -> memref<32x256xf32, #tpu.memory_space<vmem>>
      %dma_wait3A_389 = arith.constant 0 : i32
      %dma_wait3A_390 = tpu.memref_slice %arg2[%add3A_382, %dma_wait3A_389] : memref<262144x256xf32, #tpu.memory_space<hbm>> -> memref<32x256xf32, #tpu.memory_space<hbm>>
      %dma_wait3A_391 = tpu.memref_slice %arg5[%dma_wait3A_384] : memref<8x!tpu.dma_semaphore, #tpu.memory_space<semaphore_mem>> -> memref<1x!tpu.dma_semaphore, #tpu.memory_space<semaphore_mem>>
      %dma_wait3A_392 = tpu.memref_squeeze %dma_wait3A_391 : memref<1x!tpu.dma_semaphore, #tpu.memory_space<semaphore_mem>> -> memref<!tpu.dma_semaphore, #tpu.memory_space<semaphore_mem>>
      %dma_wait3A_393 = arith.constant 0 : i32
      %dma_wait3A_394 = arith.constant 0 : i32
      %dma_wait3A_395 = tpu.memref_slice %arg4[%dma_wait3A_383, %dma_wait3A_393, %dma_wait3A_394] : memref<8x32x256xf32, #tpu.memory_space<vmem>> -> memref<1x32x256xf32, #tpu.memory_space<vmem>>
      %dma_wait3A_396 = tpu.memref_squeeze %dma_wait3A_395 : memref<1x32x256xf32, #tpu.memory_space<vmem>> -> memref<32x256xf32, #tpu.memory_space<vmem>>
      %dma_wait3A_397 = arith.constant 0 : i32
      %dma_wait3A_398 = tpu.memref_slice %arg2[%add3A_382, %dma_wait3A_397] : memref<262144x256xf32, #tpu.memory_space<hbm>> -> memref<32x256xf32, #tpu.memory_space<hbm>>
      tpu.wait_dma2 semaphore(%dma_wait3A_392 : memref<!tpu.dma_semaphore, #tpu.memory_space<semaphore_mem>>) src(%dma_wait3A_398 : memref<32x256xf32, #tpu.memory_space<hbm>>) dst(%dma_wait3A_396 : memref<32x256xf32, #tpu.memory_space<vmem>>)
      %parallel_loop3A_399 = arith.constant 0 : i32
      %parallel_loop3A_400 = arith.constant 32 : i32
      %parallel_loop3A_401 = arith.constant 1 : i32
      scf.for %parallel_loop3A_690 = %parallel_loop3A_399 to %parallel_loop3A_400 step %parallel_loop3A_401  : i32 {
        %parallel_loop3A_691 = arith.constant 2 : i32
        %parallel_loop3A_692 = arith.index_cast %parallel_loop3A_691 : i32 to index
        %parallel_loop3A_693 = arith.index_cast %parallel_loop3A_690 : i32 to index
        %parallel_loop3A_694 = arith.constant 0 : index
        %parallel_loop3A_695 = tpu.vector_load %arg4[%parallel_loop3A_692, %parallel_loop3A_693, %parallel_loop3A_694] {strides = array<i32>} : memref<8x32x256xf32, #tpu.memory_space<vmem>>, vector<1x1x16xf32>,
        %parallel_loop3A_696 = vector.shape_cast %parallel_loop3A_695 : vector<1x1x16xf32> to vector<16xf32>
        %parallel_loop3A_697 = math.absf %parallel_loop3A_696 : vector<16xf32>
        %parallel_loop3A_698 = arith.constant 1.000000e-03 : f32
        %parallel_loop3A_699 = vector.broadcast %parallel_loop3A_698 : f32 to vector<16xf32>
        %parallel_loop3A_700 = arith.addf %parallel_loop3A_697, %parallel_loop3A_699 : vector<16xf32>
        %parallel_loop3A_701 = arith.constant 1.000000e+00 : f32
        %parallel_loop3A_702 = vector.broadcast %parallel_loop3A_701 : f32 to vector<16xf32>
        %parallel_loop3A_703 = arith.divf %parallel_loop3A_702, %parallel_loop3A_700 : vector<16xf32>
        %parallel_loop3A_704 = arith.constant 2 : i32
        %parallel_loop3A_705 = arith.index_cast %parallel_loop3A_704 : i32 to index
        %parallel_loop3A_706 = arith.index_cast %parallel_loop3A_690 : i32 to index
        %parallel_loop3A_707 = arith.constant 0 : index
        %parallel_loop3A_708 = tpu.vector_load %arg4[%parallel_loop3A_705, %parallel_loop3A_706, %parallel_loop3A_707] {strides = array<i32>} : memref<8x32x256xf32, #tpu.memory_space<vmem>>, vector<1x1x16xf32>,
        %parallel_loop3A_709 = vector.shape_cast %parallel_loop3A_708 : vector<1x1x16xf32> to vector<16xf32>
        %parallel_loop3A_710 = vector.shape_cast %parallel_loop3A_703 : vector<16xf32> to vector<1x1x16xf32>
        tpu.vector_store %arg4[%parallel_loop3A_705, %parallel_loop3A_706, %parallel_loop3A_707], %parallel_loop3A_710 {strides = array<i32>} : memref<8x32x256xf32, #tpu.memory_space<vmem>>, vector<1x1x16xf32>,
        %parallel_loop3A_711 = arith.constant 2 : i32
        %parallel_loop3A_712 = arith.index_cast %parallel_loop3A_711 : i32 to index
        %parallel_loop3A_713 = arith.index_cast %parallel_loop3A_690 : i32 to index
        %parallel_loop3A_714 = arith.constant 16 : index
        %parallel_loop3A_715 = tpu.vector_load %arg4[%parallel_loop3A_712, %parallel_loop3A_713, %parallel_loop3A_714] {strides = array<i32>} : memref<8x32x256xf32, #tpu.memory_space<vmem>>, vector<1x1x16xf32>,
        %parallel_loop3A_716 = vector.shape_cast %parallel_loop3A_715 : vector<1x1x16xf32> to vector<16xf32>
        %parallel_loop3A_717 = math.absf %parallel_loop3A_716 : vector<16xf32>
        %parallel_loop3A_718 = arith.constant 1.000000e-03 : f32
        %parallel_loop3A_719 = vector.broadcast %parallel_loop3A_718 : f32 to vector<16xf32>
        %parallel_loop3A_720 = arith.addf %parallel_loop3A_717, %parallel_loop3A_719 : vector<16xf32>
        %parallel_loop3A_721 = arith.constant 1.000000e+00 : f32
        %parallel_loop3A_722 = vector.broadcast %parallel_loop3A_721 : f32 to vector<16xf32>
        %parallel_loop3A_723 = arith.divf %parallel_loop3A_722, %parallel_loop3A_720 : vector<16xf32>
        %parallel_loop3A_724 = arith.constant 2 : i32
        %parallel_loop3A_725 = arith.index_cast %parallel_loop3A_724 : i32 to index
        %parallel_loop3A_726 = arith.index_cast %parallel_loop3A_690 : i32 to index
        %parallel_loop3A_727 = arith.constant 16 : index
        %parallel_loop3A_728 = tpu.vector_load %arg4[%parallel_loop3A_725, %parallel_loop3A_726, %parallel_loop3A_727] {strides = array<i32>} : memref<8x32x256xf32, #tpu.memory_space<vmem>>, vector<1x1x16xf32>,
        %parallel_loop3A_729 = vector.shape_cast %parallel_loop3A_728 : vector<1x1x16xf32> to vector<16xf32>
        %parallel_loop3A_730 = vector.shape_cast %parallel_loop3A_723 : vector<16xf32> to vector<1x1x16xf32>
        tpu.vector_store %arg4[%parallel_loop3A_725, %parallel_loop3A_726, %parallel_loop3A_727], %parallel_loop3A_730 {strides = array<i32>} : memref<8x32x256xf32, #tpu.memory_space<vmem>>, vector<1x1x16xf32>,
        %parallel_loop3A_731 = arith.constant 2 : i32
        %parallel_loop3A_732 = arith.index_cast %parallel_loop3A_731 : i32 to index
        %parallel_loop3A_733 = arith.index_cast %parallel_loop3A_690 : i32 to index
        %parallel_loop3A_734 = arith.constant 32 : index
        %parallel_loop3A_735 = tpu.vector_load %arg4[%parallel_loop3A_732, %parallel_loop3A_733, %parallel_loop3A_734] {strides = array<i32>} : memref<8x32x256xf32, #tpu.memory_space<vmem>>, vector<1x1x16xf32>,
        %parallel_loop3A_736 = vector.shape_cast %parallel_loop3A_735 : vector<1x1x16xf32> to vector<16xf32>
        %parallel_loop3A_737 = math.absf %parallel_loop3A_736 : vector<16xf32>
        %parallel_loop3A_738 = arith.constant 1.000000e-03 : f32
        %parallel_loop3A_739 = vector.broadcast %parallel_loop3A_738 : f32 to vector<16xf32>
        %parallel_loop3A_740 = arith.addf %parallel_loop3A_737, %parallel_loop3A_739 : vector<16xf32>
        %parallel_loop3A_741 = arith.constant 1.000000e+00 : f32
        %parallel_loop3A_742 = vector.broadcast %parallel_loop3A_741 : f32 to vector<16xf32>
        %parallel_loop3A_743 = arith.divf %parallel_loop3A_742, %parallel_loop3A_740 : vector<16xf32>
        %parallel_loop3A_744 = arith.constant 2 : i32
        %parallel_loop3A_745 = arith.index_cast %parallel_loop3A_744 : i32 to index
        %parallel_loop3A_746 = arith.index_cast %parallel_loop3A_690 : i32 to index
        %parallel_loop3A_747 = arith.constant 32 : index
        %parallel_loop3A_748 = tpu.vector_load %arg4[%parallel_loop3A_745, %parallel_loop3A_746, %parallel_loop3A_747] {strides = array<i32>} : memref<8x32x256xf32, #tpu.memory_space<vmem>>, vector<1x1x16xf32>,
        %parallel_loop3A_749 = vector.shape_cast %parallel_loop3A_748 : vector<1x1x16xf32> to vector<16xf32>
        %parallel_loop3A_750 = vector.shape_cast %parallel_loop3A_743 : vector<16xf32> to vector<1x1x16xf32>
        tpu.vector_store %arg4[%parallel_loop3A_745, %parallel_loop3A_746, %parallel_loop3A_747], %parallel_loop3A_750 {strides = array<i32>} : memref<8x32x256xf32, #tpu.memory_space<vmem>>, vector<1x1x16xf32>,
        %parallel_loop3A_751 = arith.constant 2 : i32
        %parallel_loop3A_752 = arith.index_cast %parallel_loop3A_751 : i32 to index
        %parallel_loop3A_753 = arith.index_cast %parallel_loop3A_690 : i32 to index
        %parallel_loop3A_754 = arith.constant 48 : index
        %parallel_loop3A_755 = tpu.vector_load %arg4[%parallel_loop3A_752, %parallel_loop3A_753, %parallel_loop3A_754] {strides = array<i32>} : memref<8x32x256xf32, #tpu.memory_space<vmem>>, vector<1x1x16xf32>,
        %parallel_loop3A_756 = vector.shape_cast %parallel_loop3A_755 : vector<1x1x16xf32> to vector<16xf32>
        %parallel_loop3A_757 = math.absf %parallel_loop3A_756 : vector<16xf32>
        %parallel_loop3A_758 = arith.constant 1.000000e-03 : f32
        %parallel_loop3A_759 = vector.broadcast %parallel_loop3A_758 : f32 to vector<16xf32>
        %parallel_loop3A_760 = arith.addf %parallel_loop3A_757, %parallel_loop3A_759 : vector<16xf32>
        %parallel_loop3A_761 = arith.constant 1.000000e+00 : f32
        %parallel_loop3A_762 = vector.broadcast %parallel_loop3A_761 : f32 to vector<16xf32>
        %parallel_loop3A_763 = arith.divf %parallel_loop3A_762, %parallel_loop3A_760 : vector<16xf32>
        %parallel_loop3A_764 = arith.constant 2 : i32
        %parallel_loop3A_765 = arith.index_cast %parallel_loop3A_764 : i32 to index
        %parallel_loop3A_766 = arith.index_cast %parallel_loop3A_690 : i32 to index
        %parallel_loop3A_767 = arith.constant 48 : index
        %parallel_loop3A_768 = tpu.vector_load %arg4[%parallel_loop3A_765, %parallel_loop3A_766, %parallel_loop3A_767] {strides = array<i32>} : memref<8x32x256xf32, #tpu.memory_space<vmem>>, vector<1x1x16xf32>,
        %parallel_loop3A_769 = vector.shape_cast %parallel_loop3A_768 : vector<1x1x16xf32> to vector<16xf32>
        %parallel_loop3A_770 = vector.shape_cast %parallel_loop3A_763 : vector<16xf32> to vector<1x1x16xf32>
        tpu.vector_store %arg4[%parallel_loop3A_765, %parallel_loop3A_766, %parallel_loop3A_767], %parallel_loop3A_770 {strides = array<i32>} : memref<8x32x256xf32, #tpu.memory_space<vmem>>, vector<1x1x16xf32>,
        %parallel_loop3A_771 = arith.constant 2 : i32
        %parallel_loop3A_772 = arith.index_cast %parallel_loop3A_771 : i32 to index
        %parallel_loop3A_773 = arith.index_cast %parallel_loop3A_690 : i32 to index
        %parallel_loop3A_774 = arith.constant 64 : index
        %parallel_loop3A_775 = tpu.vector_load %arg4[%parallel_loop3A_772, %parallel_loop3A_773, %parallel_loop3A_774] {strides = array<i32>} : memref<8x32x256xf32, #tpu.memory_space<vmem>>, vector<1x1x16xf32>,
        %parallel_loop3A_776 = vector.shape_cast %parallel_loop3A_775 : vector<1x1x16xf32> to vector<16xf32>
        %parallel_loop3A_777 = math.absf %parallel_loop3A_776 : vector<16xf32>
        %parallel_loop3A_778 = arith.constant 1.000000e-03 : f32
        %parallel_loop3A_779 = vector.broadcast %parallel_loop3A_778 : f32 to vector<16xf32>
        %parallel_loop3A_780 = arith.addf %parallel_loop3A_777, %parallel_loop3A_779 : vector<16xf32>
        %parallel_loop3A_781 = arith.constant 1.000000e+00 : f32
        %parallel_loop3A_782 = vector.broadcast %parallel_loop3A_781 : f32 to vector<16xf32>
        %parallel_loop3A_783 = arith.divf %parallel_loop3A_782, %parallel_loop3A_780 : vector<16xf32>
        %parallel_loop3A_784 = arith.constant 2 : i32
        %parallel_loop3A_785 = arith.index_cast %parallel_loop3A_784 : i32 to index
        %parallel_loop3A_786 = arith.index_cast %parallel_loop3A_690 : i32 to index
        %parallel_loop3A_787 = arith.constant 64 : index
        %parallel_loop3A_788 = tpu.vector_load %arg4[%parallel_loop3A_785, %parallel_loop3A_786, %parallel_loop3A_787] {strides = array<i32>} : memref<8x32x256xf32, #tpu.memory_space<vmem>>, vector<1x1x16xf32>,
        %parallel_loop3A_789 = vector.shape_cast %parallel_loop3A_788 : vector<1x1x16xf32> to vector<16xf32>
        %parallel_loop3A_790 = vector.shape_cast %parallel_loop3A_783 : vector<16xf32> to vector<1x1x16xf32>
        tpu.vector_store %arg4[%parallel_loop3A_785, %parallel_loop3A_786, %parallel_loop3A_787], %parallel_loop3A_790 {strides = array<i32>} : memref<8x32x256xf32, #tpu.memory_space<vmem>>, vector<1x1x16xf32>,
        %parallel_loop3A_791 = arith.constant 2 : i32
        %parallel_loop3A_792 = arith.index_cast %parallel_loop3A_791 : i32 to index
        %parallel_loop3A_793 = arith.index_cast %parallel_loop3A_690 : i32 to index
        %parallel_loop3A_794 = arith.constant 80 : index
        %parallel_loop3A_795 = tpu.vector_load %arg4[%parallel_loop3A_792, %parallel_loop3A_793, %parallel_loop3A_794] {strides = array<i32>} : memref<8x32x256xf32, #tpu.memory_space<vmem>>, vector<1x1x16xf32>,
        %parallel_loop3A_796 = vector.shape_cast %parallel_loop3A_795 : vector<1x1x16xf32> to vector<16xf32>
        %parallel_loop3A_797 = math.absf %parallel_loop3A_796 : vector<16xf32>
        %parallel_loop3A_798 = arith.constant 1.000000e-03 : f32
        %parallel_loop3A_799 = vector.broadcast %parallel_loop3A_798 : f32 to vector<16xf32>
        %parallel_loop3A_800 = arith.addf %parallel_loop3A_797, %parallel_loop3A_799 : vector<16xf32>
        %parallel_loop3A_801 = arith.constant 1.000000e+00 : f32
        %parallel_loop3A_802 = vector.broadcast %parallel_loop3A_801 : f32 to vector<16xf32>
        %parallel_loop3A_803 = arith.divf %parallel_loop3A_802, %parallel_loop3A_800 : vector<16xf32>
        %parallel_loop3A_804 = arith.constant 2 : i32
        %parallel_loop3A_805 = arith.index_cast %parallel_loop3A_804 : i32 to index
        %parallel_loop3A_806 = arith.index_cast %parallel_loop3A_690 : i32 to index
        %parallel_loop3A_807 = arith.constant 80 : index
        %parallel_loop3A_808 = tpu.vector_load %arg4[%parallel_loop3A_805, %parallel_loop3A_806, %parallel_loop3A_807] {strides = array<i32>} : memref<8x32x256xf32, #tpu.memory_space<vmem>>, vector<1x1x16xf32>,
        %parallel_loop3A_809 = vector.shape_cast %parallel_loop3A_808 : vector<1x1x16xf32> to vector<16xf32>
        %parallel_loop3A_810 = vector.shape_cast %parallel_loop3A_803 : vector<16xf32> to vector<1x1x16xf32>
        tpu.vector_store %arg4[%parallel_loop3A_805, %parallel_loop3A_806, %parallel_loop3A_807], %parallel_loop3A_810 {strides = array<i32>} : memref<8x32x256xf32, #tpu.memory_space<vmem>>, vector<1x1x16xf32>,
        %parallel_loop3A_811 = arith.constant 2 : i32
        %parallel_loop3A_812 = arith.index_cast %parallel_loop3A_811 : i32 to index
        %parallel_loop3A_813 = arith.index_cast %parallel_loop3A_690 : i32 to index
        %parallel_loop3A_814 = arith.constant 96 : index
        %parallel_loop3A_815 = tpu.vector_load %arg4[%parallel_loop3A_812, %parallel_loop3A_813, %parallel_loop3A_814] {strides = array<i32>} : memref<8x32x256xf32, #tpu.memory_space<vmem>>, vector<1x1x16xf32>,
        %parallel_loop3A_816 = vector.shape_cast %parallel_loop3A_815 : vector<1x1x16xf32> to vector<16xf32>
        %parallel_loop3A_817 = math.absf %parallel_loop3A_816 : vector<16xf32>
        %parallel_loop3A_818 = arith.constant 1.000000e-03 : f32
        %parallel_loop3A_819 = vector.broadcast %parallel_loop3A_818 : f32 to vector<16xf32>
        %parallel_loop3A_820 = arith.addf %parallel_loop3A_817, %parallel_loop3A_819 : vector<16xf32>
        %parallel_loop3A_821 = arith.constant 1.000000e+00 : f32
        %parallel_loop3A_822 = vector.broadcast %parallel_loop3A_821 : f32 to vector<16xf32>
        %parallel_loop3A_823 = arith.divf %parallel_loop3A_822, %parallel_loop3A_820 : vector<16xf32>
        %parallel_loop3A_824 = arith.constant 2 : i32
        %parallel_loop3A_825 = arith.index_cast %parallel_loop3A_824 : i32 to index
        %parallel_loop3A_826 = arith.index_cast %parallel_loop3A_690 : i32 to index
        %parallel_loop3A_827 = arith.constant 96 : index
        %parallel_loop3A_828 = tpu.vector_load %arg4[%parallel_loop3A_825, %parallel_loop3A_826, %parallel_loop3A_827] {strides = array<i32>} : memref<8x32x256xf32, #tpu.memory_space<vmem>>, vector<1x1x16xf32>,
        %parallel_loop3A_829 = vector.shape_cast %parallel_loop3A_828 : vector<1x1x16xf32> to vector<16xf32>
        %parallel_loop3A_830 = vector.shape_cast %parallel_loop3A_823 : vector<16xf32> to vector<1x1x16xf32>
        tpu.vector_store %arg4[%parallel_loop3A_825, %parallel_loop3A_826, %parallel_loop3A_827], %parallel_loop3A_830 {strides = array<i32>} : memref<8x32x256xf32, #tpu.memory_space<vmem>>, vector<1x1x16xf32>,
        %parallel_loop3A_831 = arith.constant 2 : i32
        %parallel_loop3A_832 = arith.index_cast %parallel_loop3A_831 : i32 to index
        %parallel_loop3A_833 = arith.index_cast %parallel_loop3A_690 : i32 to index
        %parallel_loop3A_834 = arith.constant 112 : index
        %parallel_loop3A_835 = tpu.vector_load %arg4[%parallel_loop3A_832, %parallel_loop3A_833, %parallel_loop3A_834] {strides = array<i32>} : memref<8x32x256xf32, #tpu.memory_space<vmem>>, vector<1x1x16xf32>,
        %parallel_loop3A_836 = vector.shape_cast %parallel_loop3A_835 : vector<1x1x16xf32> to vector<16xf32>
        %parallel_loop3A_837 = math.absf %parallel_loop3A_836 : vector<16xf32>
        %parallel_loop3A_838 = arith.constant 1.000000e-03 : f32
        %parallel_loop3A_839 = vector.broadcast %parallel_loop3A_838 : f32 to vector<16xf32>
        %parallel_loop3A_840 = arith.addf %parallel_loop3A_837, %parallel_loop3A_839 : vector<16xf32>
        %parallel_loop3A_841 = arith.constant 1.000000e+00 : f32
        %parallel_loop3A_842 = vector.broadcast %parallel_loop3A_841 : f32 to vector<16xf32>
        %parallel_loop3A_843 = arith.divf %parallel_loop3A_842, %parallel_loop3A_840 : vector<16xf32>
        %parallel_loop3A_844 = arith.constant 2 : i32
        %parallel_loop3A_845 = arith.index_cast %parallel_loop3A_844 : i32 to index
        %parallel_loop3A_846 = arith.index_cast %parallel_loop3A_690 : i32 to index
        %parallel_loop3A_847 = arith.constant 112 : index
        %parallel_loop3A_848 = tpu.vector_load %arg4[%parallel_loop3A_845, %parallel_loop3A_846, %parallel_loop3A_847] {strides = array<i32>} : memref<8x32x256xf32, #tpu.memory_space<vmem>>, vector<1x1x16xf32>,
        %parallel_loop3A_849 = vector.shape_cast %parallel_loop3A_848 : vector<1x1x16xf32> to vector<16xf32>
        %parallel_loop3A_850 = vector.shape_cast %parallel_loop3A_843 : vector<16xf32> to vector<1x1x16xf32>
        tpu.vector_store %arg4[%parallel_loop3A_845, %parallel_loop3A_846, %parallel_loop3A_847], %parallel_loop3A_850 {strides = array<i32>} : memref<8x32x256xf32, #tpu.memory_space<vmem>>, vector<1x1x16xf32>,
        %parallel_loop3A_851 = arith.constant 2 : i32
        %parallel_loop3A_852 = arith.index_cast %parallel_loop3A_851 : i32 to index
        %parallel_loop3A_853 = arith.index_cast %parallel_loop3A_690 : i32 to index
        %parallel_loop3A_854 = arith.constant 128 : index
        %parallel_loop3A_855 = tpu.vector_load %arg4[%parallel_loop3A_852, %parallel_loop3A_853, %parallel_loop3A_854] {strides = array<i32>} : memref<8x32x256xf32, #tpu.memory_space<vmem>>, vector<1x1x16xf32>,
        %parallel_loop3A_856 = vector.shape_cast %parallel_loop3A_855 : vector<1x1x16xf32> to vector<16xf32>
        %parallel_loop3A_857 = math.absf %parallel_loop3A_856 : vector<16xf32>
        %parallel_loop3A_858 = arith.constant 1.000000e-03 : f32
        %parallel_loop3A_859 = vector.broadcast %parallel_loop3A_858 : f32 to vector<16xf32>
        %parallel_loop3A_860 = arith.addf %parallel_loop3A_857, %parallel_loop3A_859 : vector<16xf32>
        %parallel_loop3A_861 = arith.constant 1.000000e+00 : f32
        %parallel_loop3A_862 = vector.broadcast %parallel_loop3A_861 : f32 to vector<16xf32>
        %parallel_loop3A_863 = arith.divf %parallel_loop3A_862, %parallel_loop3A_860 : vector<16xf32>
        %parallel_loop3A_864 = arith.constant 2 : i32
        %parallel_loop3A_865 = arith.index_cast %parallel_loop3A_864 : i32 to index
        %parallel_loop3A_866 = arith.index_cast %parallel_loop3A_690 : i32 to index
        %parallel_loop3A_867 = arith.constant 128 : index
        %parallel_loop3A_868 = tpu.vector_load %arg4[%parallel_loop3A_865, %parallel_loop3A_866, %parallel_loop3A_867] {strides = array<i32>} : memref<8x32x256xf32, #tpu.memory_space<vmem>>, vector<1x1x16xf32>,
        %parallel_loop3A_869 = vector.shape_cast %parallel_loop3A_868 : vector<1x1x16xf32> to vector<16xf32>
        %parallel_loop3A_870 = vector.shape_cast %parallel_loop3A_863 : vector<16xf32> to vector<1x1x16xf32>
        tpu.vector_store %arg4[%parallel_loop3A_865, %parallel_loop3A_866, %parallel_loop3A_867], %parallel_loop3A_870 {strides = array<i32>} : memref<8x32x256xf32, #tpu.memory_space<vmem>>, vector<1x1x16xf32>,
        %parallel_loop3A_871 = arith.constant 2 : i32
        %parallel_loop3A_872 = arith.index_cast %parallel_loop3A_871 : i32 to index
        %parallel_loop3A_873 = arith.index_cast %parallel_loop3A_690 : i32 to index
        %parallel_loop3A_874 = arith.constant 144 : index
        %parallel_loop3A_875 = tpu.vector_load %arg4[%parallel_loop3A_872, %parallel_loop3A_873, %parallel_loop3A_874] {strides = array<i32>} : memref<8x32x256xf32, #tpu.memory_space<vmem>>, vector<1x1x16xf32>,
        %parallel_loop3A_876 = vector.shape_cast %parallel_loop3A_875 : vector<1x1x16xf32> to vector<16xf32>
        %parallel_loop3A_877 = math.absf %parallel_loop3A_876 : vector<16xf32>
        %parallel_loop3A_878 = arith.constant 1.000000e-03 : f32
        %parallel_loop3A_879 = vector.broadcast %parallel_loop3A_878 : f32 to vector<16xf32>
        %parallel_loop3A_880 = arith.addf %parallel_loop3A_877, %parallel_loop3A_879 : vector<16xf32>
        %parallel_loop3A_881 = arith.constant 1.000000e+00 : f32
        %parallel_loop3A_882 = vector.broadcast %parallel_loop3A_881 : f32 to vector<16xf32>
        %parallel_loop3A_883 = arith.divf %parallel_loop3A_882, %parallel_loop3A_880 : vector<16xf32>
        %parallel_loop3A_884 = arith.constant 2 : i32
        %parallel_loop3A_885 = arith.index_cast %parallel_loop3A_884 : i32 to index
        %parallel_loop3A_886 = arith.index_cast %parallel_loop3A_690 : i32 to index
        %parallel_loop3A_887 = arith.constant 144 : index
        %parallel_loop3A_888 = tpu.vector_load %arg4[%parallel_loop3A_885, %parallel_loop3A_886, %parallel_loop3A_887] {strides = array<i32>} : memref<8x32x256xf32, #tpu.memory_space<vmem>>, vector<1x1x16xf32>,
        %parallel_loop3A_889 = vector.shape_cast %parallel_loop3A_888 : vector<1x1x16xf32> to vector<16xf32>
        %parallel_loop3A_890 = vector.shape_cast %parallel_loop3A_883 : vector<16xf32> to vector<1x1x16xf32>
        tpu.vector_store %arg4[%parallel_loop3A_885, %parallel_loop3A_886, %parallel_loop3A_887], %parallel_loop3A_890 {strides = array<i32>} : memref<8x32x256xf32, #tpu.memory_space<vmem>>, vector<1x1x16xf32>,
        %parallel_loop3A_891 = arith.constant 2 : i32
        %parallel_loop3A_892 = arith.index_cast %parallel_loop3A_891 : i32 to index
        %parallel_loop3A_893 = arith.index_cast %parallel_loop3A_690 : i32 to index
        %parallel_loop3A_894 = arith.constant 160 : index
        %parallel_loop3A_895 = tpu.vector_load %arg4[%parallel_loop3A_892, %parallel_loop3A_893, %parallel_loop3A_894] {strides = array<i32>} : memref<8x32x256xf32, #tpu.memory_space<vmem>>, vector<1x1x16xf32>,
        %parallel_loop3A_896 = vector.shape_cast %parallel_loop3A_895 : vector<1x1x16xf32> to vector<16xf32>
        %parallel_loop3A_897 = math.absf %parallel_loop3A_896 : vector<16xf32>
        %parallel_loop3A_898 = arith.constant 1.000000e-03 : f32
        %parallel_loop3A_899 = vector.broadcast %parallel_loop3A_898 : f32 to vector<16xf32>
        %parallel_loop3A_900 = arith.addf %parallel_loop3A_897, %parallel_loop3A_899 : vector<16xf32>
        %parallel_loop3A_901 = arith.constant 1.000000e+00 : f32
        %parallel_loop3A_902 = vector.broadcast %parallel_loop3A_901 : f32 to vector<16xf32>
        %parallel_loop3A_903 = arith.divf %parallel_loop3A_902, %parallel_loop3A_900 : vector<16xf32>
        %parallel_loop3A_904 = arith.constant 2 : i32
        %parallel_loop3A_905 = arith.index_cast %parallel_loop3A_904 : i32 to index
        %parallel_loop3A_906 = arith.index_cast %parallel_loop3A_690 : i32 to index
        %parallel_loop3A_907 = arith.constant 160 : index
        %parallel_loop3A_908 = tpu.vector_load %arg4[%parallel_loop3A_905, %parallel_loop3A_906, %parallel_loop3A_907] {strides = array<i32>} : memref<8x32x256xf32, #tpu.memory_space<vmem>>, vector<1x1x16xf32>,
        %parallel_loop3A_909 = vector.shape_cast %parallel_loop3A_908 : vector<1x1x16xf32> to vector<16xf32>
        %parallel_loop3A_910 = vector.shape_cast %parallel_loop3A_903 : vector<16xf32> to vector<1x1x16xf32>
        tpu.vector_store %arg4[%parallel_loop3A_905, %parallel_loop3A_906, %parallel_loop3A_907], %parallel_loop3A_910 {strides = array<i32>} : memref<8x32x256xf32, #tpu.memory_space<vmem>>, vector<1x1x16xf32>,
        %parallel_loop3A_911 = arith.constant 2 : i32
        %parallel_loop3A_912 = arith.index_cast %parallel_loop3A_911 : i32 to index
        %parallel_loop3A_913 = arith.index_cast %parallel_loop3A_690 : i32 to index
        %parallel_loop3A_914 = arith.constant 176 : index
        %parallel_loop3A_915 = tpu.vector_load %arg4[%parallel_loop3A_912, %parallel_loop3A_913, %parallel_loop3A_914] {strides = array<i32>} : memref<8x32x256xf32, #tpu.memory_space<vmem>>, vector<1x1x16xf32>,
        %parallel_loop3A_916 = vector.shape_cast %parallel_loop3A_915 : vector<1x1x16xf32> to vector<16xf32>
        %parallel_loop3A_917 = math.absf %parallel_loop3A_916 : vector<16xf32>
        %parallel_loop3A_918 = arith.constant 1.000000e-03 : f32
        %parallel_loop3A_919 = vector.broadcast %parallel_loop3A_918 : f32 to vector<16xf32>
        %parallel_loop3A_920 = arith.addf %parallel_loop3A_917, %parallel_loop3A_919 : vector<16xf32>
        %parallel_loop3A_921 = arith.constant 1.000000e+00 : f32
        %parallel_loop3A_922 = vector.broadcast %parallel_loop3A_921 : f32 to vector<16xf32>
        %parallel_loop3A_923 = arith.divf %parallel_loop3A_922, %parallel_loop3A_920 : vector<16xf32>
        %parallel_loop3A_924 = arith.constant 2 : i32
        %parallel_loop3A_925 = arith.index_cast %parallel_loop3A_924 : i32 to index
        %parallel_loop3A_926 = arith.index_cast %parallel_loop3A_690 : i32 to index
        %parallel_loop3A_927 = arith.constant 176 : index
        %parallel_loop3A_928 = tpu.vector_load %arg4[%parallel_loop3A_925, %parallel_loop3A_926, %parallel_loop3A_927] {strides = array<i32>} : memref<8x32x256xf32, #tpu.memory_space<vmem>>, vector<1x1x16xf32>,
        %parallel_loop3A_929 = vector.shape_cast %parallel_loop3A_928 : vector<1x1x16xf32> to vector<16xf32>
        %parallel_loop3A_930 = vector.shape_cast %parallel_loop3A_923 : vector<16xf32> to vector<1x1x16xf32>
        tpu.vector_store %arg4[%parallel_loop3A_925, %parallel_loop3A_926, %parallel_loop3A_927], %parallel_loop3A_930 {strides = array<i32>} : memref<8x32x256xf32, #tpu.memory_space<vmem>>, vector<1x1x16xf32>,
        %parallel_loop3A_931 = arith.constant 2 : i32
        %parallel_loop3A_932 = arith.index_cast %parallel_loop3A_931 : i32 to index
        %parallel_loop3A_933 = arith.index_cast %parallel_loop3A_690 : i32 to index
        %parallel_loop3A_934 = arith.constant 192 : index
        %parallel_loop3A_935 = tpu.vector_load %arg4[%parallel_loop3A_932, %parallel_loop3A_933, %parallel_loop3A_934] {strides = array<i32>} : memref<8x32x256xf32, #tpu.memory_space<vmem>>, vector<1x1x16xf32>,
        %parallel_loop3A_936 = vector.shape_cast %parallel_loop3A_935 : vector<1x1x16xf32> to vector<16xf32>
        %parallel_loop3A_937 = math.absf %parallel_loop3A_936 : vector<16xf32>
        %parallel_loop3A_938 = arith.constant 1.000000e-03 : f32
        %parallel_loop3A_939 = vector.broadcast %parallel_loop3A_938 : f32 to vector<16xf32>
        %parallel_loop3A_940 = arith.addf %parallel_loop3A_937, %parallel_loop3A_939 : vector<16xf32>
        %parallel_loop3A_941 = arith.constant 1.000000e+00 : f32
        %parallel_loop3A_942 = vector.broadcast %parallel_loop3A_941 : f32 to vector<16xf32>
        %parallel_loop3A_943 = arith.divf %parallel_loop3A_942, %parallel_loop3A_940 : vector<16xf32>
        %parallel_loop3A_944 = arith.constant 2 : i32
        %parallel_loop3A_945 = arith.index_cast %parallel_loop3A_944 : i32 to index
        %parallel_loop3A_946 = arith.index_cast %parallel_loop3A_690 : i32 to index
        %parallel_loop3A_947 = arith.constant 192 : index
        %parallel_loop3A_948 = tpu.vector_load %arg4[%parallel_loop3A_945, %parallel_loop3A_946, %parallel_loop3A_947] {strides = array<i32>} : memref<8x32x256xf32, #tpu.memory_space<vmem>>, vector<1x1x16xf32>,
        %parallel_loop3A_949 = vector.shape_cast %parallel_loop3A_948 : vector<1x1x16xf32> to vector<16xf32>
        %parallel_loop3A_950 = vector.shape_cast %parallel_loop3A_943 : vector<16xf32> to vector<1x1x16xf32>
        tpu.vector_store %arg4[%parallel_loop3A_945, %parallel_loop3A_946, %parallel_loop3A_947], %parallel_loop3A_950 {strides = array<i32>} : memref<8x32x256xf32, #tpu.memory_space<vmem>>, vector<1x1x16xf32>,
        %parallel_loop3A_951 = arith.constant 2 : i32
        %parallel_loop3A_952 = arith.index_cast %parallel_loop3A_951 : i32 to index
        %parallel_loop3A_953 = arith.index_cast %parallel_loop3A_690 : i32 to index
        %parallel_loop3A_954 = arith.constant 208 : index
        %parallel_loop3A_955 = tpu.vector_load %arg4[%parallel_loop3A_952, %parallel_loop3A_953, %parallel_loop3A_954] {strides = array<i32>} : memref<8x32x256xf32, #tpu.memory_space<vmem>>, vector<1x1x16xf32>,
        %parallel_loop3A_956 = vector.shape_cast %parallel_loop3A_955 : vector<1x1x16xf32> to vector<16xf32>
        %parallel_loop3A_957 = math.absf %parallel_loop3A_956 : vector<16xf32>
        %parallel_loop3A_958 = arith.constant 1.000000e-03 : f32
        %parallel_loop3A_959 = vector.broadcast %parallel_loop3A_958 : f32 to vector<16xf32>
        %parallel_loop3A_960 = arith.addf %parallel_loop3A_957, %parallel_loop3A_959 : vector<16xf32>
        %parallel_loop3A_961 = arith.constant 1.000000e+00 : f32
        %parallel_loop3A_962 = vector.broadcast %parallel_loop3A_961 : f32 to vector<16xf32>
        %parallel_loop3A_963 = arith.divf %parallel_loop3A_962, %parallel_loop3A_960 : vector<16xf32>
        %parallel_loop3A_964 = arith.constant 2 : i32
        %parallel_loop3A_965 = arith.index_cast %parallel_loop3A_964 : i32 to index
        %parallel_loop3A_966 = arith.index_cast %parallel_loop3A_690 : i32 to index
        %parallel_loop3A_967 = arith.constant 208 : index
        %parallel_loop3A_968 = tpu.vector_load %arg4[%parallel_loop3A_965, %parallel_loop3A_966, %parallel_loop3A_967] {strides = array<i32>} : memref<8x32x256xf32, #tpu.memory_space<vmem>>, vector<1x1x16xf32>,
        %parallel_loop3A_969 = vector.shape_cast %parallel_loop3A_968 : vector<1x1x16xf32> to vector<16xf32>
        %parallel_loop3A_970 = vector.shape_cast %parallel_loop3A_963 : vector<16xf32> to vector<1x1x16xf32>
        tpu.vector_store %arg4[%parallel_loop3A_965, %parallel_loop3A_966, %parallel_loop3A_967], %parallel_loop3A_970 {strides = array<i32>} : memref<8x32x256xf32, #tpu.memory_space<vmem>>, vector<1x1x16xf32>,
        %parallel_loop3A_971 = arith.constant 2 : i32
        %parallel_loop3A_972 = arith.index_cast %parallel_loop3A_971 : i32 to index
        %parallel_loop3A_973 = arith.index_cast %parallel_loop3A_690 : i32 to index
        %parallel_loop3A_974 = arith.constant 224 : index
        %parallel_loop3A_975 = tpu.vector_load %arg4[%parallel_loop3A_972, %parallel_loop3A_973, %parallel_loop3A_974] {strides = array<i32>} : memref<8x32x256xf32, #tpu.memory_space<vmem>>, vector<1x1x16xf32>,
        %parallel_loop3A_976 = vector.shape_cast %parallel_loop3A_975 : vector<1x1x16xf32> to vector<16xf32>
        %parallel_loop3A_977 = math.absf %parallel_loop3A_976 : vector<16xf32>
        %parallel_loop3A_978 = arith.constant 1.000000e-03 : f32
        %parallel_loop3A_979 = vector.broadcast %parallel_loop3A_978 : f32 to vector<16xf32>
        %parallel_loop3A_980 = arith.addf %parallel_loop3A_977, %parallel_loop3A_979 : vector<16xf32>
        %parallel_loop3A_981 = arith.constant 1.000000e+00 : f32
        %parallel_loop3A_982 = vector.broadcast %parallel_loop3A_981 : f32 to vector<16xf32>
        %parallel_loop3A_983 = arith.divf %parallel_loop3A_982, %parallel_loop3A_980 : vector<16xf32>
        %parallel_loop3A_984 = arith.constant 2 : i32
        %parallel_loop3A_985 = arith.index_cast %parallel_loop3A_984 : i32 to index
        %parallel_loop3A_986 = arith.index_cast %parallel_loop3A_690 : i32 to index
        %parallel_loop3A_987 = arith.constant 224 : index
        %parallel_loop3A_988 = tpu.vector_load %arg4[%parallel_loop3A_985, %parallel_loop3A_986, %parallel_loop3A_987] {strides = array<i32>} : memref<8x32x256xf32, #tpu.memory_space<vmem>>, vector<1x1x16xf32>,
        %parallel_loop3A_989 = vector.shape_cast %parallel_loop3A_988 : vector<1x1x16xf32> to vector<16xf32>
        %parallel_loop3A_990 = vector.shape_cast %parallel_loop3A_983 : vector<16xf32> to vector<1x1x16xf32>
        tpu.vector_store %arg4[%parallel_loop3A_985, %parallel_loop3A_986, %parallel_loop3A_987], %parallel_loop3A_990 {strides = array<i32>} : memref<8x32x256xf32, #tpu.memory_space<vmem>>, vector<1x1x16xf32>,
        %parallel_loop3A_991 = arith.constant 2 : i32
        %parallel_loop3A_992 = arith.index_cast %parallel_loop3A_991 : i32 to index
        %parallel_loop3A_993 = arith.index_cast %parallel_loop3A_690 : i32 to index
        %parallel_loop3A_994 = arith.constant 240 : index
        %parallel_loop3A_995 = tpu.vector_load %arg4[%parallel_loop3A_992, %parallel_loop3A_993, %parallel_loop3A_994] {strides = array<i32>} : memref<8x32x256xf32, #tpu.memory_space<vmem>>, vector<1x1x16xf32>,
        %parallel_loop3A_996 = vector.shape_cast %parallel_loop3A_995 : vector<1x1x16xf32> to vector<16xf32>
        %parallel_loop3A_997 = math.absf %parallel_loop3A_996 : vector<16xf32>
        %parallel_loop3A_998 = arith.constant 1.000000e-03 : f32
        %parallel_loop3A_999 = vector.broadcast %parallel_loop3A_998 : f32 to vector<16xf32>
        %parallel_loop3A_1000 = arith.addf %parallel_loop3A_997, %parallel_loop3A_999 : vector<16xf32>
        %parallel_loop3A_1001 = arith.constant 1.000000e+00 : f32
        %parallel_loop3A_1002 = vector.broadcast %parallel_loop3A_1001 : f32 to vector<16xf32>
        %parallel_loop3A_1003 = arith.divf %parallel_loop3A_1002, %parallel_loop3A_1000 : vector<16xf32>
        %parallel_loop3A_1004 = arith.constant 2 : i32
        %parallel_loop3A_1005 = arith.index_cast %parallel_loop3A_1004 : i32 to index
        %parallel_loop3A_1006 = arith.index_cast %parallel_loop3A_690 : i32 to index
        %parallel_loop3A_1007 = arith.constant 240 : index
        %parallel_loop3A_1008 = tpu.vector_load %arg4[%parallel_loop3A_1005, %parallel_loop3A_1006, %parallel_loop3A_1007] {strides = array<i32>} : memref<8x32x256xf32, #tpu.memory_space<vmem>>, vector<1x1x16xf32>,
        %parallel_loop3A_1009 = vector.shape_cast %parallel_loop3A_1008 : vector<1x1x16xf32> to vector<16xf32>
        %parallel_loop3A_1010 = vector.shape_cast %parallel_loop3A_1003 : vector<16xf32> to vector<1x1x16xf32>
        tpu.vector_store %arg4[%parallel_loop3A_1005, %parallel_loop3A_1006, %parallel_loop3A_1007], %parallel_loop3A_1010 {strides = array<i32>} : memref<8x32x256xf32, #tpu.memory_space<vmem>>, vector<1x1x16xf32>,
      } {sc.loop_unroll_factor = 2 : i64, sc.parallel_access}
      %mul3A_402 = arith.constant 32 : i32
      %mul3A_403 = arith.muli %add3A_379, %mul3A_402 : i32
      %add3A_404 = arith.addi %mul3A_2, %mul3A_403 : i32
      %dma_start3A_405 = arith.constant 2 : i32
      %dma_start3A_406 = arith.constant 2 : i32
      %dma_start3A_407 = arith.constant 0 : i32
      %dma_start3A_408 = arith.constant 0 : i32
      %dma_start3A_409 = tpu.memref_slice %arg4[%dma_start3A_405, %dma_start3A_407, %dma_start3A_408] : memref<8x32x256xf32, #tpu.memory_space<vmem>> -> memref<1x32x256xf32, #tpu.memory_space<vmem>>
      %dma_start3A_410 = tpu.memref_squeeze %dma_start3A_409 : memref<1x32x256xf32, #tpu.memory_space<vmem>> -> memref<32x256xf32, #tpu.memory_space<vmem>>
      %dma_start3A_411 = arith.constant 0 : i32
      %dma_start3A_412 = tpu.memref_slice %arg3[%add3A_404, %dma_start3A_411] : memref<262144x256xf32, #tpu.memory_space<hbm>> -> memref<32x256xf32, #tpu.memory_space<hbm>>
      %dma_start3A_413 = tpu.memref_slice %arg6[%dma_start3A_406] : memref<8x!tpu.dma_semaphore, #tpu.memory_space<semaphore_mem>> -> memref<1x!tpu.dma_semaphore, #tpu.memory_space<semaphore_mem>>
      %dma_start3A_414 = tpu.memref_squeeze %dma_start3A_413 : memref<1x!tpu.dma_semaphore, #tpu.memory_space<semaphore_mem>> -> memref<!tpu.dma_semaphore, #tpu.memory_space<semaphore_mem>>
      %dma_start3A_415 = arith.constant 0 : i32
      %dma_start3A_416 = tpu.memref_slice %arg3[%add3A_404, %dma_start3A_415] : memref<262144x256xf32, #tpu.memory_space<hbm>> -> memref<32x256xf32, #tpu.memory_space<hbm>>
      %dma_start3A_417 = arith.constant 0 : i32
      %dma_start3A_418 = arith.constant 0 : i32
      %dma_start3A_419 = tpu.memref_slice %arg4[%dma_start3A_405, %dma_start3A_417, %dma_start3A_418] : memref<8x32x256xf32, #tpu.memory_space<vmem>> -> memref<1x32x256xf32, #tpu.memory_space<vmem>>
      %dma_start3A_420 = tpu.memref_squeeze %dma_start3A_419 : memref<1x32x256xf32, #tpu.memory_space<vmem>> -> memref<32x256xf32, #tpu.memory_space<vmem>>
      tpu.enqueue_dma source(%dma_start3A_420 : memref<32x256xf32, #tpu.memory_space<vmem>>) target(%dma_start3A_416 : memref<32x256xf32, #tpu.memory_space<hbm>>) target_semaphore(%dma_start3A_414 : memref<!tpu.dma_semaphore, #tpu.memory_space<semaphore_mem>>)
      %add3A_421 = arith.constant 8 : i32
      %add3A_422 = arith.addi %add3A_379, %add3A_421 : i32
      %sub3A_423 = arith.constant 1 : i32
      %sub3A_424 = arith.subi %add3A_422, %sub3A_423 : i32
      %lt3A_425 = arith.constant 256 : i32
      %lt3A_426 = arith.cmpi slt, %sub3A_424, %lt3A_425 : i32
      %convert_element_type3A_427 = arith.extui %lt3A_426 : i1 to i32
      %cond3A_428 = arith.constant 0 : i32
      %cond3A_429 = arith.cmpi ne, %convert_element_type3A_427, %cond3A_428 : i32
      scf.if %cond3A_429 {
        %ge3A = arith.constant 1 : i32
        %ge3A_690 = arith.cmpi sge, %add3A_379, %ge3A : i32
        %convert_element_type3A_691 = arith.extui %ge3A_690 : i1 to i32
        %cond3A_692 = arith.constant 0 : i32
        %cond3A_693 = arith.cmpi ne, %convert_element_type3A_691, %cond3A_692 : i32
        scf.if %cond3A_693 {
          %sub3A_717 = arith.constant 1 : i32
          %sub3A_718 = arith.subi %add3A_379, %sub3A_717 : i32
          %mul3A_719 = arith.constant 32 : i32
          %mul3A_720 = arith.muli %sub3A_718, %mul3A_719 : i32
          %add3A_721 = arith.addi %mul3A_2, %mul3A_720 : i32
          %dma_wait3A_722 = arith.constant 1 : i32
          %dma_wait3A_723 = arith.constant 1 : i32
          %dma_wait3A_724 = arith.constant 0 : i32
          %dma_wait3A_725 = arith.constant 0 : i32
          %dma_wait3A_726 = tpu.memref_slice %arg4[%dma_wait3A_722, %dma_wait3A_724, %dma_wait3A_725] : memref<8x32x256xf32, #tpu.memory_space<vmem>> -> memref<1x32x256xf32, #tpu.memory_space<vmem>>
          %dma_wait3A_727 = tpu.memref_squeeze %dma_wait3A_726 : memref<1x32x256xf32, #tpu.memory_space<vmem>> -> memref<32x256xf32, #tpu.memory_space<vmem>>
          %dma_wait3A_728 = arith.constant 0 : i32
          %dma_wait3A_729 = tpu.memref_slice %arg3[%add3A_721, %dma_wait3A_728] : memref<262144x256xf32, #tpu.memory_space<hbm>> -> memref<32x256xf32, #tpu.memory_space<hbm>>
          %dma_wait3A_730 = tpu.memref_slice %arg6[%dma_wait3A_723] : memref<8x!tpu.dma_semaphore, #tpu.memory_space<semaphore_mem>> -> memref<1x!tpu.dma_semaphore, #tpu.memory_space<semaphore_mem>>
          %dma_wait3A_731 = tpu.memref_squeeze %dma_wait3A_730 : memref<1x!tpu.dma_semaphore, #tpu.memory_space<semaphore_mem>> -> memref<!tpu.dma_semaphore, #tpu.memory_space<semaphore_mem>>
          %dma_wait3A_732 = arith.constant 0 : i32
          %dma_wait3A_733 = tpu.memref_slice %arg3[%add3A_721, %dma_wait3A_732] : memref<262144x256xf32, #tpu.memory_space<hbm>> -> memref<32x256xf32, #tpu.memory_space<hbm>>
          %dma_wait3A_734 = arith.constant 0 : i32
          %dma_wait3A_735 = arith.constant 0 : i32
          %dma_wait3A_736 = tpu.memref_slice %arg4[%dma_wait3A_722, %dma_wait3A_734, %dma_wait3A_735] : memref<8x32x256xf32, #tpu.memory_space<vmem>> -> memref<1x32x256xf32, #tpu.memory_space<vmem>>
          %dma_wait3A_737 = tpu.memref_squeeze %dma_wait3A_736 : memref<1x32x256xf32, #tpu.memory_space<vmem>> -> memref<32x256xf32, #tpu.memory_space<vmem>>
          tpu.wait_dma2 semaphore(%dma_wait3A_731 : memref<!tpu.dma_semaphore, #tpu.memory_space<semaphore_mem>>) src(%dma_wait3A_737 : memref<32x256xf32, #tpu.memory_space<vmem>>) dst(%dma_wait3A_733 : memref<32x256xf32, #tpu.memory_space<hbm>>)
        } else {
        }
        %add3A_694 = arith.constant 8 : i32
        %add3A_695 = arith.addi %add3A_379, %add3A_694 : i32
        %sub3A_696 = arith.constant 1 : i32
        %sub3A_697 = arith.subi %add3A_695, %sub3A_696 : i32
        %mul3A_698 = arith.constant 32 : i32
        %mul3A_699 = arith.muli %sub3A_697, %mul3A_698 : i32
        %add3A_700 = arith.addi %mul3A_2, %mul3A_699 : i32
        %dma_start3A_701 = arith.constant 1 : i32
        %dma_start3A_702 = arith.constant 1 : i32
        %dma_start3A_703 = arith.constant 0 : i32
        %dma_start3A_704 = arith.constant 0 : i32
        %dma_start3A_705 = tpu.memref_slice %arg4[%dma_start3A_701, %dma_start3A_703, %dma_start3A_704] : memref<8x32x256xf32, #tpu.memory_space<vmem>> -> memref<1x32x256xf32, #tpu.memory_space<vmem>>
        %dma_start3A_706 = tpu.memref_squeeze %dma_start3A_705 : memref<1x32x256xf32, #tpu.memory_space<vmem>> -> memref<32x256xf32, #tpu.memory_space<vmem>>
        %dma_start3A_707 = arith.constant 0 : i32
        %dma_start3A_708 = tpu.memref_slice %arg2[%add3A_700, %dma_start3A_707] : memref<262144x256xf32, #tpu.memory_space<hbm>> -> memref<32x256xf32, #tpu.memory_space<hbm>>
        %dma_start3A_709 = tpu.memref_slice %arg5[%dma_start3A_702] : memref<8x!tpu.dma_semaphore, #tpu.memory_space<semaphore_mem>> -> memref<1x!tpu.dma_semaphore, #tpu.memory_space<semaphore_mem>>
        %dma_start3A_710 = tpu.memref_squeeze %dma_start3A_709 : memref<1x!tpu.dma_semaphore, #tpu.memory_space<semaphore_mem>> -> memref<!tpu.dma_semaphore, #tpu.memory_space<semaphore_mem>>
        %dma_start3A_711 = arith.constant 0 : i32
        %dma_start3A_712 = arith.constant 0 : i32
        %dma_start3A_713 = tpu.memref_slice %arg4[%dma_start3A_701, %dma_start3A_711, %dma_start3A_712] : memref<8x32x256xf32, #tpu.memory_space<vmem>> -> memref<1x32x256xf32, #tpu.memory_space<vmem>>
        %dma_start3A_714 = tpu.memref_squeeze %dma_start3A_713 : memref<1x32x256xf32, #tpu.memory_space<vmem>> -> memref<32x256xf32, #tpu.memory_space<vmem>>
        %dma_start3A_715 = arith.constant 0 : i32
        %dma_start3A_716 = tpu.memref_slice %arg2[%add3A_700, %dma_start3A_715] : memref<262144x256xf32, #tpu.memory_space<hbm>> -> memref<32x256xf32, #tpu.memory_space<hbm>>
        tpu.enqueue_dma source(%dma_start3A_716 : memref<32x256xf32, #tpu.memory_space<hbm>>) target(%dma_start3A_714 : memref<32x256xf32, #tpu.memory_space<vmem>>) target_semaphore(%dma_start3A_710 : memref<!tpu.dma_semaphore, #tpu.memory_space<semaphore_mem>>)
      } else {
      }
      %add3A_430 = arith.constant 3 : i32
      %add3A_431 = arith.addi %mul3A_278, %add3A_430 : i32
      %mul3A_432 = arith.constant 32 : i32
      %mul3A_433 = arith.muli %add3A_431, %mul3A_432 : i32
      %add3A_434 = arith.addi %mul3A_2, %mul3A_433 : i32
      %dma_wait3A_435 = arith.constant 3 : i32
      %dma_wait3A_436 = arith.constant 3 : i32
      %dma_wait3A_437 = arith.constant 0 : i32
      %dma_wait3A_438 = arith.constant 0 : i32
      %dma_wait3A_439 = tpu.memref_slice %arg4[%dma_wait3A_435, %dma_wait3A_437, %dma_wait3A_438] : memref<8x32x256xf32, #tpu.memory_space<vmem>> -> memref<1x32x256xf32, #tpu.memory_space<vmem>>
      %dma_wait3A_440 = tpu.memref_squeeze %dma_wait3A_439 : memref<1x32x256xf32, #tpu.memory_space<vmem>> -> memref<32x256xf32, #tpu.memory_space<vmem>>
      %dma_wait3A_441 = arith.constant 0 : i32
      %dma_wait3A_442 = tpu.memref_slice %arg2[%add3A_434, %dma_wait3A_441] : memref<262144x256xf32, #tpu.memory_space<hbm>> -> memref<32x256xf32, #tpu.memory_space<hbm>>
      %dma_wait3A_443 = tpu.memref_slice %arg5[%dma_wait3A_436] : memref<8x!tpu.dma_semaphore, #tpu.memory_space<semaphore_mem>> -> memref<1x!tpu.dma_semaphore, #tpu.memory_space<semaphore_mem>>
      %dma_wait3A_444 = tpu.memref_squeeze %dma_wait3A_443 : memref<1x!tpu.dma_semaphore, #tpu.memory_space<semaphore_mem>> -> memref<!tpu.dma_semaphore, #tpu.memory_space<semaphore_mem>>
      %dma_wait3A_445 = arith.constant 0 : i32
      %dma_wait3A_446 = arith.constant 0 : i32
      %dma_wait3A_447 = tpu.memref_slice %arg4[%dma_wait3A_435, %dma_wait3A_445, %dma_wait3A_446] : memref<8x32x256xf32, #tpu.memory_space<vmem>> -> memref<1x32x256xf32, #tpu.memory_space<vmem>>
      %dma_wait3A_448 = tpu.memref_squeeze %dma_wait3A_447 : memref<1x32x256xf32, #tpu.memory_space<vmem>> -> memref<32x256xf32, #tpu.memory_space<vmem>>
      %dma_wait3A_449 = arith.constant 0 : i32
      %dma_wait3A_450 = tpu.memref_slice %arg2[%add3A_434, %dma_wait3A_449] : memref<262144x256xf32, #tpu.memory_space<hbm>> -> memref<32x256xf32, #tpu.memory_space<hbm>>
      tpu.wait_dma2 semaphore(%dma_wait3A_444 : memref<!tpu.dma_semaphore, #tpu.memory_space<semaphore_mem>>) src(%dma_wait3A_450 : memref<32x256xf32, #tpu.memory_space<hbm>>) dst(%dma_wait3A_448 : memref<32x256xf32, #tpu.memory_space<vmem>>)
      %parallel_loop3A_451 = arith.constant 0 : i32
      %parallel_loop3A_452 = arith.constant 32 : i32
      %parallel_loop3A_453 = arith.constant 1 : i32
      scf.for %parallel_loop3A_690 = %parallel_loop3A_451 to %parallel_loop3A_452 step %parallel_loop3A_453  : i32 {
        %parallel_loop3A_691 = arith.constant 3 : i32
        %parallel_loop3A_692 = arith.index_cast %parallel_loop3A_691 : i32 to index
        %parallel_loop3A_693 = arith.index_cast %parallel_loop3A_690 : i32 to index
        %parallel_loop3A_694 = arith.constant 0 : index
        %parallel_loop3A_695 = tpu.vector_load %arg4[%parallel_loop3A_692, %parallel_loop3A_693, %parallel_loop3A_694] {strides = array<i32>} : memref<8x32x256xf32, #tpu.memory_space<vmem>>, vector<1x1x16xf32>,
        %parallel_loop3A_696 = vector.shape_cast %parallel_loop3A_695 : vector<1x1x16xf32> to vector<16xf32>
        %parallel_loop3A_697 = math.absf %parallel_loop3A_696 : vector<16xf32>
        %parallel_loop3A_698 = arith.constant 1.000000e-03 : f32
        %parallel_loop3A_699 = vector.broadcast %parallel_loop3A_698 : f32 to vector<16xf32>
        %parallel_loop3A_700 = arith.addf %parallel_loop3A_697, %parallel_loop3A_699 : vector<16xf32>
        %parallel_loop3A_701 = arith.constant 1.000000e+00 : f32
        %parallel_loop3A_702 = vector.broadcast %parallel_loop3A_701 : f32 to vector<16xf32>
        %parallel_loop3A_703 = arith.divf %parallel_loop3A_702, %parallel_loop3A_700 : vector<16xf32>
        %parallel_loop3A_704 = arith.constant 3 : i32
        %parallel_loop3A_705 = arith.index_cast %parallel_loop3A_704 : i32 to index
        %parallel_loop3A_706 = arith.index_cast %parallel_loop3A_690 : i32 to index
        %parallel_loop3A_707 = arith.constant 0 : index
        %parallel_loop3A_708 = tpu.vector_load %arg4[%parallel_loop3A_705, %parallel_loop3A_706, %parallel_loop3A_707] {strides = array<i32>} : memref<8x32x256xf32, #tpu.memory_space<vmem>>, vector<1x1x16xf32>,
        %parallel_loop3A_709 = vector.shape_cast %parallel_loop3A_708 : vector<1x1x16xf32> to vector<16xf32>
        %parallel_loop3A_710 = vector.shape_cast %parallel_loop3A_703 : vector<16xf32> to vector<1x1x16xf32>
        tpu.vector_store %arg4[%parallel_loop3A_705, %parallel_loop3A_706, %parallel_loop3A_707], %parallel_loop3A_710 {strides = array<i32>} : memref<8x32x256xf32, #tpu.memory_space<vmem>>, vector<1x1x16xf32>,
        %parallel_loop3A_711 = arith.constant 3 : i32
        %parallel_loop3A_712 = arith.index_cast %parallel_loop3A_711 : i32 to index
        %parallel_loop3A_713 = arith.index_cast %parallel_loop3A_690 : i32 to index
        %parallel_loop3A_714 = arith.constant 16 : index
        %parallel_loop3A_715 = tpu.vector_load %arg4[%parallel_loop3A_712, %parallel_loop3A_713, %parallel_loop3A_714] {strides = array<i32>} : memref<8x32x256xf32, #tpu.memory_space<vmem>>, vector<1x1x16xf32>,
        %parallel_loop3A_716 = vector.shape_cast %parallel_loop3A_715 : vector<1x1x16xf32> to vector<16xf32>
        %parallel_loop3A_717 = math.absf %parallel_loop3A_716 : vector<16xf32>
        %parallel_loop3A_718 = arith.constant 1.000000e-03 : f32
        %parallel_loop3A_719 = vector.broadcast %parallel_loop3A_718 : f32 to vector<16xf32>
        %parallel_loop3A_720 = arith.addf %parallel_loop3A_717, %parallel_loop3A_719 : vector<16xf32>
        %parallel_loop3A_721 = arith.constant 1.000000e+00 : f32
        %parallel_loop3A_722 = vector.broadcast %parallel_loop3A_721 : f32 to vector<16xf32>
        %parallel_loop3A_723 = arith.divf %parallel_loop3A_722, %parallel_loop3A_720 : vector<16xf32>
        %parallel_loop3A_724 = arith.constant 3 : i32
        %parallel_loop3A_725 = arith.index_cast %parallel_loop3A_724 : i32 to index
        %parallel_loop3A_726 = arith.index_cast %parallel_loop3A_690 : i32 to index
        %parallel_loop3A_727 = arith.constant 16 : index
        %parallel_loop3A_728 = tpu.vector_load %arg4[%parallel_loop3A_725, %parallel_loop3A_726, %parallel_loop3A_727] {strides = array<i32>} : memref<8x32x256xf32, #tpu.memory_space<vmem>>, vector<1x1x16xf32>,
        %parallel_loop3A_729 = vector.shape_cast %parallel_loop3A_728 : vector<1x1x16xf32> to vector<16xf32>
        %parallel_loop3A_730 = vector.shape_cast %parallel_loop3A_723 : vector<16xf32> to vector<1x1x16xf32>
        tpu.vector_store %arg4[%parallel_loop3A_725, %parallel_loop3A_726, %parallel_loop3A_727], %parallel_loop3A_730 {strides = array<i32>} : memref<8x32x256xf32, #tpu.memory_space<vmem>>, vector<1x1x16xf32>,
        %parallel_loop3A_731 = arith.constant 3 : i32
        %parallel_loop3A_732 = arith.index_cast %parallel_loop3A_731 : i32 to index
        %parallel_loop3A_733 = arith.index_cast %parallel_loop3A_690 : i32 to index
        %parallel_loop3A_734 = arith.constant 32 : index
        %parallel_loop3A_735 = tpu.vector_load %arg4[%parallel_loop3A_732, %parallel_loop3A_733, %parallel_loop3A_734] {strides = array<i32>} : memref<8x32x256xf32, #tpu.memory_space<vmem>>, vector<1x1x16xf32>,
        %parallel_loop3A_736 = vector.shape_cast %parallel_loop3A_735 : vector<1x1x16xf32> to vector<16xf32>
        %parallel_loop3A_737 = math.absf %parallel_loop3A_736 : vector<16xf32>
        %parallel_loop3A_738 = arith.constant 1.000000e-03 : f32
        %parallel_loop3A_739 = vector.broadcast %parallel_loop3A_738 : f32 to vector<16xf32>
        %parallel_loop3A_740 = arith.addf %parallel_loop3A_737, %parallel_loop3A_739 : vector<16xf32>
        %parallel_loop3A_741 = arith.constant 1.000000e+00 : f32
        %parallel_loop3A_742 = vector.broadcast %parallel_loop3A_741 : f32 to vector<16xf32>
        %parallel_loop3A_743 = arith.divf %parallel_loop3A_742, %parallel_loop3A_740 : vector<16xf32>
        %parallel_loop3A_744 = arith.constant 3 : i32
        %parallel_loop3A_745 = arith.index_cast %parallel_loop3A_744 : i32 to index
        %parallel_loop3A_746 = arith.index_cast %parallel_loop3A_690 : i32 to index
        %parallel_loop3A_747 = arith.constant 32 : index
        %parallel_loop3A_748 = tpu.vector_load %arg4[%parallel_loop3A_745, %parallel_loop3A_746, %parallel_loop3A_747] {strides = array<i32>} : memref<8x32x256xf32, #tpu.memory_space<vmem>>, vector<1x1x16xf32>,
        %parallel_loop3A_749 = vector.shape_cast %parallel_loop3A_748 : vector<1x1x16xf32> to vector<16xf32>
        %parallel_loop3A_750 = vector.shape_cast %parallel_loop3A_743 : vector<16xf32> to vector<1x1x16xf32>
        tpu.vector_store %arg4[%parallel_loop3A_745, %parallel_loop3A_746, %parallel_loop3A_747], %parallel_loop3A_750 {strides = array<i32>} : memref<8x32x256xf32, #tpu.memory_space<vmem>>, vector<1x1x16xf32>,
        %parallel_loop3A_751 = arith.constant 3 : i32
        %parallel_loop3A_752 = arith.index_cast %parallel_loop3A_751 : i32 to index
        %parallel_loop3A_753 = arith.index_cast %parallel_loop3A_690 : i32 to index
        %parallel_loop3A_754 = arith.constant 48 : index
        %parallel_loop3A_755 = tpu.vector_load %arg4[%parallel_loop3A_752, %parallel_loop3A_753, %parallel_loop3A_754] {strides = array<i32>} : memref<8x32x256xf32, #tpu.memory_space<vmem>>, vector<1x1x16xf32>,
        %parallel_loop3A_756 = vector.shape_cast %parallel_loop3A_755 : vector<1x1x16xf32> to vector<16xf32>
        %parallel_loop3A_757 = math.absf %parallel_loop3A_756 : vector<16xf32>
        %parallel_loop3A_758 = arith.constant 1.000000e-03 : f32
        %parallel_loop3A_759 = vector.broadcast %parallel_loop3A_758 : f32 to vector<16xf32>
        %parallel_loop3A_760 = arith.addf %parallel_loop3A_757, %parallel_loop3A_759 : vector<16xf32>
        %parallel_loop3A_761 = arith.constant 1.000000e+00 : f32
        %parallel_loop3A_762 = vector.broadcast %parallel_loop3A_761 : f32 to vector<16xf32>
        %parallel_loop3A_763 = arith.divf %parallel_loop3A_762, %parallel_loop3A_760 : vector<16xf32>
        %parallel_loop3A_764 = arith.constant 3 : i32
        %parallel_loop3A_765 = arith.index_cast %parallel_loop3A_764 : i32 to index
        %parallel_loop3A_766 = arith.index_cast %parallel_loop3A_690 : i32 to index
        %parallel_loop3A_767 = arith.constant 48 : index
        %parallel_loop3A_768 = tpu.vector_load %arg4[%parallel_loop3A_765, %parallel_loop3A_766, %parallel_loop3A_767] {strides = array<i32>} : memref<8x32x256xf32, #tpu.memory_space<vmem>>, vector<1x1x16xf32>,
        %parallel_loop3A_769 = vector.shape_cast %parallel_loop3A_768 : vector<1x1x16xf32> to vector<16xf32>
        %parallel_loop3A_770 = vector.shape_cast %parallel_loop3A_763 : vector<16xf32> to vector<1x1x16xf32>
        tpu.vector_store %arg4[%parallel_loop3A_765, %parallel_loop3A_766, %parallel_loop3A_767], %parallel_loop3A_770 {strides = array<i32>} : memref<8x32x256xf32, #tpu.memory_space<vmem>>, vector<1x1x16xf32>,
        %parallel_loop3A_771 = arith.constant 3 : i32
        %parallel_loop3A_772 = arith.index_cast %parallel_loop3A_771 : i32 to index
        %parallel_loop3A_773 = arith.index_cast %parallel_loop3A_690 : i32 to index
        %parallel_loop3A_774 = arith.constant 64 : index
        %parallel_loop3A_775 = tpu.vector_load %arg4[%parallel_loop3A_772, %parallel_loop3A_773, %parallel_loop3A_774] {strides = array<i32>} : memref<8x32x256xf32, #tpu.memory_space<vmem>>, vector<1x1x16xf32>,
        %parallel_loop3A_776 = vector.shape_cast %parallel_loop3A_775 : vector<1x1x16xf32> to vector<16xf32>
        %parallel_loop3A_777 = math.absf %parallel_loop3A_776 : vector<16xf32>
        %parallel_loop3A_778 = arith.constant 1.000000e-03 : f32
        %parallel_loop3A_779 = vector.broadcast %parallel_loop3A_778 : f32 to vector<16xf32>
        %parallel_loop3A_780 = arith.addf %parallel_loop3A_777, %parallel_loop3A_779 : vector<16xf32>
        %parallel_loop3A_781 = arith.constant 1.000000e+00 : f32
        %parallel_loop3A_782 = vector.broadcast %parallel_loop3A_781 : f32 to vector<16xf32>
        %parallel_loop3A_783 = arith.divf %parallel_loop3A_782, %parallel_loop3A_780 : vector<16xf32>
        %parallel_loop3A_784 = arith.constant 3 : i32
        %parallel_loop3A_785 = arith.index_cast %parallel_loop3A_784 : i32 to index
        %parallel_loop3A_786 = arith.index_cast %parallel_loop3A_690 : i32 to index
        %parallel_loop3A_787 = arith.constant 64 : index
        %parallel_loop3A_788 = tpu.vector_load %arg4[%parallel_loop3A_785, %parallel_loop3A_786, %parallel_loop3A_787] {strides = array<i32>} : memref<8x32x256xf32, #tpu.memory_space<vmem>>, vector<1x1x16xf32>,
        %parallel_loop3A_789 = vector.shape_cast %parallel_loop3A_788 : vector<1x1x16xf32> to vector<16xf32>
        %parallel_loop3A_790 = vector.shape_cast %parallel_loop3A_783 : vector<16xf32> to vector<1x1x16xf32>
        tpu.vector_store %arg4[%parallel_loop3A_785, %parallel_loop3A_786, %parallel_loop3A_787], %parallel_loop3A_790 {strides = array<i32>} : memref<8x32x256xf32, #tpu.memory_space<vmem>>, vector<1x1x16xf32>,
        %parallel_loop3A_791 = arith.constant 3 : i32
        %parallel_loop3A_792 = arith.index_cast %parallel_loop3A_791 : i32 to index
        %parallel_loop3A_793 = arith.index_cast %parallel_loop3A_690 : i32 to index
        %parallel_loop3A_794 = arith.constant 80 : index
        %parallel_loop3A_795 = tpu.vector_load %arg4[%parallel_loop3A_792, %parallel_loop3A_793, %parallel_loop3A_794] {strides = array<i32>} : memref<8x32x256xf32, #tpu.memory_space<vmem>>, vector<1x1x16xf32>,
        %parallel_loop3A_796 = vector.shape_cast %parallel_loop3A_795 : vector<1x1x16xf32> to vector<16xf32>
        %parallel_loop3A_797 = math.absf %parallel_loop3A_796 : vector<16xf32>
        %parallel_loop3A_798 = arith.constant 1.000000e-03 : f32
        %parallel_loop3A_799 = vector.broadcast %parallel_loop3A_798 : f32 to vector<16xf32>
        %parallel_loop3A_800 = arith.addf %parallel_loop3A_797, %parallel_loop3A_799 : vector<16xf32>
        %parallel_loop3A_801 = arith.constant 1.000000e+00 : f32
        %parallel_loop3A_802 = vector.broadcast %parallel_loop3A_801 : f32 to vector<16xf32>
        %parallel_loop3A_803 = arith.divf %parallel_loop3A_802, %parallel_loop3A_800 : vector<16xf32>
        %parallel_loop3A_804 = arith.constant 3 : i32
        %parallel_loop3A_805 = arith.index_cast %parallel_loop3A_804 : i32 to index
        %parallel_loop3A_806 = arith.index_cast %parallel_loop3A_690 : i32 to index
        %parallel_loop3A_807 = arith.constant 80 : index
        %parallel_loop3A_808 = tpu.vector_load %arg4[%parallel_loop3A_805, %parallel_loop3A_806, %parallel_loop3A_807] {strides = array<i32>} : memref<8x32x256xf32, #tpu.memory_space<vmem>>, vector<1x1x16xf32>,
        %parallel_loop3A_809 = vector.shape_cast %parallel_loop3A_808 : vector<1x1x16xf32> to vector<16xf32>
        %parallel_loop3A_810 = vector.shape_cast %parallel_loop3A_803 : vector<16xf32> to vector<1x1x16xf32>
        tpu.vector_store %arg4[%parallel_loop3A_805, %parallel_loop3A_806, %parallel_loop3A_807], %parallel_loop3A_810 {strides = array<i32>} : memref<8x32x256xf32, #tpu.memory_space<vmem>>, vector<1x1x16xf32>,
        %parallel_loop3A_811 = arith.constant 3 : i32
        %parallel_loop3A_812 = arith.index_cast %parallel_loop3A_811 : i32 to index
        %parallel_loop3A_813 = arith.index_cast %parallel_loop3A_690 : i32 to index
        %parallel_loop3A_814 = arith.constant 96 : index
        %parallel_loop3A_815 = tpu.vector_load %arg4[%parallel_loop3A_812, %parallel_loop3A_813, %parallel_loop3A_814] {strides = array<i32>} : memref<8x32x256xf32, #tpu.memory_space<vmem>>, vector<1x1x16xf32>,
        %parallel_loop3A_816 = vector.shape_cast %parallel_loop3A_815 : vector<1x1x16xf32> to vector<16xf32>
        %parallel_loop3A_817 = math.absf %parallel_loop3A_816 : vector<16xf32>
        %parallel_loop3A_818 = arith.constant 1.000000e-03 : f32
        %parallel_loop3A_819 = vector.broadcast %parallel_loop3A_818 : f32 to vector<16xf32>
        %parallel_loop3A_820 = arith.addf %parallel_loop3A_817, %parallel_loop3A_819 : vector<16xf32>
        %parallel_loop3A_821 = arith.constant 1.000000e+00 : f32
        %parallel_loop3A_822 = vector.broadcast %parallel_loop3A_821 : f32 to vector<16xf32>
        %parallel_loop3A_823 = arith.divf %parallel_loop3A_822, %parallel_loop3A_820 : vector<16xf32>
        %parallel_loop3A_824 = arith.constant 3 : i32
        %parallel_loop3A_825 = arith.index_cast %parallel_loop3A_824 : i32 to index
        %parallel_loop3A_826 = arith.index_cast %parallel_loop3A_690 : i32 to index
        %parallel_loop3A_827 = arith.constant 96 : index
        %parallel_loop3A_828 = tpu.vector_load %arg4[%parallel_loop3A_825, %parallel_loop3A_826, %parallel_loop3A_827] {strides = array<i32>} : memref<8x32x256xf32, #tpu.memory_space<vmem>>, vector<1x1x16xf32>,
        %parallel_loop3A_829 = vector.shape_cast %parallel_loop3A_828 : vector<1x1x16xf32> to vector<16xf32>
        %parallel_loop3A_830 = vector.shape_cast %parallel_loop3A_823 : vector<16xf32> to vector<1x1x16xf32>
        tpu.vector_store %arg4[%parallel_loop3A_825, %parallel_loop3A_826, %parallel_loop3A_827], %parallel_loop3A_830 {strides = array<i32>} : memref<8x32x256xf32, #tpu.memory_space<vmem>>, vector<1x1x16xf32>,
        %parallel_loop3A_831 = arith.constant 3 : i32
        %parallel_loop3A_832 = arith.index_cast %parallel_loop3A_831 : i32 to index
        %parallel_loop3A_833 = arith.index_cast %parallel_loop3A_690 : i32 to index
        %parallel_loop3A_834 = arith.constant 112 : index
        %parallel_loop3A_835 = tpu.vector_load %arg4[%parallel_loop3A_832, %parallel_loop3A_833, %parallel_loop3A_834] {strides = array<i32>} : memref<8x32x256xf32, #tpu.memory_space<vmem>>, vector<1x1x16xf32>,
        %parallel_loop3A_836 = vector.shape_cast %parallel_loop3A_835 : vector<1x1x16xf32> to vector<16xf32>
        %parallel_loop3A_837 = math.absf %parallel_loop3A_836 : vector<16xf32>
        %parallel_loop3A_838 = arith.constant 1.000000e-03 : f32
        %parallel_loop3A_839 = vector.broadcast %parallel_loop3A_838 : f32 to vector<16xf32>
        %parallel_loop3A_840 = arith.addf %parallel_loop3A_837, %parallel_loop3A_839 : vector<16xf32>
        %parallel_loop3A_841 = arith.constant 1.000000e+00 : f32
        %parallel_loop3A_842 = vector.broadcast %parallel_loop3A_841 : f32 to vector<16xf32>
        %parallel_loop3A_843 = arith.divf %parallel_loop3A_842, %parallel_loop3A_840 : vector<16xf32>
        %parallel_loop3A_844 = arith.constant 3 : i32
        %parallel_loop3A_845 = arith.index_cast %parallel_loop3A_844 : i32 to index
        %parallel_loop3A_846 = arith.index_cast %parallel_loop3A_690 : i32 to index
        %parallel_loop3A_847 = arith.constant 112 : index
        %parallel_loop3A_848 = tpu.vector_load %arg4[%parallel_loop3A_845, %parallel_loop3A_846, %parallel_loop3A_847] {strides = array<i32>} : memref<8x32x256xf32, #tpu.memory_space<vmem>>, vector<1x1x16xf32>,
        %parallel_loop3A_849 = vector.shape_cast %parallel_loop3A_848 : vector<1x1x16xf32> to vector<16xf32>
        %parallel_loop3A_850 = vector.shape_cast %parallel_loop3A_843 : vector<16xf32> to vector<1x1x16xf32>
        tpu.vector_store %arg4[%parallel_loop3A_845, %parallel_loop3A_846, %parallel_loop3A_847], %parallel_loop3A_850 {strides = array<i32>} : memref<8x32x256xf32, #tpu.memory_space<vmem>>, vector<1x1x16xf32>,
        %parallel_loop3A_851 = arith.constant 3 : i32
        %parallel_loop3A_852 = arith.index_cast %parallel_loop3A_851 : i32 to index
        %parallel_loop3A_853 = arith.index_cast %parallel_loop3A_690 : i32 to index
        %parallel_loop3A_854 = arith.constant 128 : index
        %parallel_loop3A_855 = tpu.vector_load %arg4[%parallel_loop3A_852, %parallel_loop3A_853, %parallel_loop3A_854] {strides = array<i32>} : memref<8x32x256xf32, #tpu.memory_space<vmem>>, vector<1x1x16xf32>,
        %parallel_loop3A_856 = vector.shape_cast %parallel_loop3A_855 : vector<1x1x16xf32> to vector<16xf32>
        %parallel_loop3A_857 = math.absf %parallel_loop3A_856 : vector<16xf32>
        %parallel_loop3A_858 = arith.constant 1.000000e-03 : f32
        %parallel_loop3A_859 = vector.broadcast %parallel_loop3A_858 : f32 to vector<16xf32>
        %parallel_loop3A_860 = arith.addf %parallel_loop3A_857, %parallel_loop3A_859 : vector<16xf32>
        %parallel_loop3A_861 = arith.constant 1.000000e+00 : f32
        %parallel_loop3A_862 = vector.broadcast %parallel_loop3A_861 : f32 to vector<16xf32>
        %parallel_loop3A_863 = arith.divf %parallel_loop3A_862, %parallel_loop3A_860 : vector<16xf32>
        %parallel_loop3A_864 = arith.constant 3 : i32
        %parallel_loop3A_865 = arith.index_cast %parallel_loop3A_864 : i32 to index
        %parallel_loop3A_866 = arith.index_cast %parallel_loop3A_690 : i32 to index
        %parallel_loop3A_867 = arith.constant 128 : index
        %parallel_loop3A_868 = tpu.vector_load %arg4[%parallel_loop3A_865, %parallel_loop3A_866, %parallel_loop3A_867] {strides = array<i32>} : memref<8x32x256xf32, #tpu.memory_space<vmem>>, vector<1x1x16xf32>,
        %parallel_loop3A_869 = vector.shape_cast %parallel_loop3A_868 : vector<1x1x16xf32> to vector<16xf32>
        %parallel_loop3A_870 = vector.shape_cast %parallel_loop3A_863 : vector<16xf32> to vector<1x1x16xf32>
        tpu.vector_store %arg4[%parallel_loop3A_865, %parallel_loop3A_866, %parallel_loop3A_867], %parallel_loop3A_870 {strides = array<i32>} : memref<8x32x256xf32, #tpu.memory_space<vmem>>, vector<1x1x16xf32>,
        %parallel_loop3A_871 = arith.constant 3 : i32
        %parallel_loop3A_872 = arith.index_cast %parallel_loop3A_871 : i32 to index
        %parallel_loop3A_873 = arith.index_cast %parallel_loop3A_690 : i32 to index
        %parallel_loop3A_874 = arith.constant 144 : index
        %parallel_loop3A_875 = tpu.vector_load %arg4[%parallel_loop3A_872, %parallel_loop3A_873, %parallel_loop3A_874] {strides = array<i32>} : memref<8x32x256xf32, #tpu.memory_space<vmem>>, vector<1x1x16xf32>,
        %parallel_loop3A_876 = vector.shape_cast %parallel_loop3A_875 : vector<1x1x16xf32> to vector<16xf32>
        %parallel_loop3A_877 = math.absf %parallel_loop3A_876 : vector<16xf32>
        %parallel_loop3A_878 = arith.constant 1.000000e-03 : f32
        %parallel_loop3A_879 = vector.broadcast %parallel_loop3A_878 : f32 to vector<16xf32>
        %parallel_loop3A_880 = arith.addf %parallel_loop3A_877, %parallel_loop3A_879 : vector<16xf32>
        %parallel_loop3A_881 = arith.constant 1.000000e+00 : f32
        %parallel_loop3A_882 = vector.broadcast %parallel_loop3A_881 : f32 to vector<16xf32>
        %parallel_loop3A_883 = arith.divf %parallel_loop3A_882, %parallel_loop3A_880 : vector<16xf32>
        %parallel_loop3A_884 = arith.constant 3 : i32
        %parallel_loop3A_885 = arith.index_cast %parallel_loop3A_884 : i32 to index
        %parallel_loop3A_886 = arith.index_cast %parallel_loop3A_690 : i32 to index
        %parallel_loop3A_887 = arith.constant 144 : index
        %parallel_loop3A_888 = tpu.vector_load %arg4[%parallel_loop3A_885, %parallel_loop3A_886, %parallel_loop3A_887] {strides = array<i32>} : memref<8x32x256xf32, #tpu.memory_space<vmem>>, vector<1x1x16xf32>,
        %parallel_loop3A_889 = vector.shape_cast %parallel_loop3A_888 : vector<1x1x16xf32> to vector<16xf32>
        %parallel_loop3A_890 = vector.shape_cast %parallel_loop3A_883 : vector<16xf32> to vector<1x1x16xf32>
        tpu.vector_store %arg4[%parallel_loop3A_885, %parallel_loop3A_886, %parallel_loop3A_887], %parallel_loop3A_890 {strides = array<i32>} : memref<8x32x256xf32, #tpu.memory_space<vmem>>, vector<1x1x16xf32>,
        %parallel_loop3A_891 = arith.constant 3 : i32
        %parallel_loop3A_892 = arith.index_cast %parallel_loop3A_891 : i32 to index
        %parallel_loop3A_893 = arith.index_cast %parallel_loop3A_690 : i32 to index
        %parallel_loop3A_894 = arith.constant 160 : index
        %parallel_loop3A_895 = tpu.vector_load %arg4[%parallel_loop3A_892, %parallel_loop3A_893, %parallel_loop3A_894] {strides = array<i32>} : memref<8x32x256xf32, #tpu.memory_space<vmem>>, vector<1x1x16xf32>,
        %parallel_loop3A_896 = vector.shape_cast %parallel_loop3A_895 : vector<1x1x16xf32> to vector<16xf32>
        %parallel_loop3A_897 = math.absf %parallel_loop3A_896 : vector<16xf32>
        %parallel_loop3A_898 = arith.constant 1.000000e-03 : f32
        %parallel_loop3A_899 = vector.broadcast %parallel_loop3A_898 : f32 to vector<16xf32>
        %parallel_loop3A_900 = arith.addf %parallel_loop3A_897, %parallel_loop3A_899 : vector<16xf32>
        %parallel_loop3A_901 = arith.constant 1.000000e+00 : f32
        %parallel_loop3A_902 = vector.broadcast %parallel_loop3A_901 : f32 to vector<16xf32>
        %parallel_loop3A_903 = arith.divf %parallel_loop3A_902, %parallel_loop3A_900 : vector<16xf32>
        %parallel_loop3A_904 = arith.constant 3 : i32
        %parallel_loop3A_905 = arith.index_cast %parallel_loop3A_904 : i32 to index
        %parallel_loop3A_906 = arith.index_cast %parallel_loop3A_690 : i32 to index
        %parallel_loop3A_907 = arith.constant 160 : index
        %parallel_loop3A_908 = tpu.vector_load %arg4[%parallel_loop3A_905, %parallel_loop3A_906, %parallel_loop3A_907] {strides = array<i32>} : memref<8x32x256xf32, #tpu.memory_space<vmem>>, vector<1x1x16xf32>,
        %parallel_loop3A_909 = vector.shape_cast %parallel_loop3A_908 : vector<1x1x16xf32> to vector<16xf32>
        %parallel_loop3A_910 = vector.shape_cast %parallel_loop3A_903 : vector<16xf32> to vector<1x1x16xf32>
        tpu.vector_store %arg4[%parallel_loop3A_905, %parallel_loop3A_906, %parallel_loop3A_907], %parallel_loop3A_910 {strides = array<i32>} : memref<8x32x256xf32, #tpu.memory_space<vmem>>, vector<1x1x16xf32>,
        %parallel_loop3A_911 = arith.constant 3 : i32
        %parallel_loop3A_912 = arith.index_cast %parallel_loop3A_911 : i32 to index
        %parallel_loop3A_913 = arith.index_cast %parallel_loop3A_690 : i32 to index
        %parallel_loop3A_914 = arith.constant 176 : index
        %parallel_loop3A_915 = tpu.vector_load %arg4[%parallel_loop3A_912, %parallel_loop3A_913, %parallel_loop3A_914] {strides = array<i32>} : memref<8x32x256xf32, #tpu.memory_space<vmem>>, vector<1x1x16xf32>,
        %parallel_loop3A_916 = vector.shape_cast %parallel_loop3A_915 : vector<1x1x16xf32> to vector<16xf32>
        %parallel_loop3A_917 = math.absf %parallel_loop3A_916 : vector<16xf32>
        %parallel_loop3A_918 = arith.constant 1.000000e-03 : f32
        %parallel_loop3A_919 = vector.broadcast %parallel_loop3A_918 : f32 to vector<16xf32>
        %parallel_loop3A_920 = arith.addf %parallel_loop3A_917, %parallel_loop3A_919 : vector<16xf32>
        %parallel_loop3A_921 = arith.constant 1.000000e+00 : f32
        %parallel_loop3A_922 = vector.broadcast %parallel_loop3A_921 : f32 to vector<16xf32>
        %parallel_loop3A_923 = arith.divf %parallel_loop3A_922, %parallel_loop3A_920 : vector<16xf32>
        %parallel_loop3A_924 = arith.constant 3 : i32
        %parallel_loop3A_925 = arith.index_cast %parallel_loop3A_924 : i32 to index
        %parallel_loop3A_926 = arith.index_cast %parallel_loop3A_690 : i32 to index
        %parallel_loop3A_927 = arith.constant 176 : index
        %parallel_loop3A_928 = tpu.vector_load %arg4[%parallel_loop3A_925, %parallel_loop3A_926, %parallel_loop3A_927] {strides = array<i32>} : memref<8x32x256xf32, #tpu.memory_space<vmem>>, vector<1x1x16xf32>,
        %parallel_loop3A_929 = vector.shape_cast %parallel_loop3A_928 : vector<1x1x16xf32> to vector<16xf32>
        %parallel_loop3A_930 = vector.shape_cast %parallel_loop3A_923 : vector<16xf32> to vector<1x1x16xf32>
        tpu.vector_store %arg4[%parallel_loop3A_925, %parallel_loop3A_926, %parallel_loop3A_927], %parallel_loop3A_930 {strides = array<i32>} : memref<8x32x256xf32, #tpu.memory_space<vmem>>, vector<1x1x16xf32>,
        %parallel_loop3A_931 = arith.constant 3 : i32
        %parallel_loop3A_932 = arith.index_cast %parallel_loop3A_931 : i32 to index
        %parallel_loop3A_933 = arith.index_cast %parallel_loop3A_690 : i32 to index
        %parallel_loop3A_934 = arith.constant 192 : index
        %parallel_loop3A_935 = tpu.vector_load %arg4[%parallel_loop3A_932, %parallel_loop3A_933, %parallel_loop3A_934] {strides = array<i32>} : memref<8x32x256xf32, #tpu.memory_space<vmem>>, vector<1x1x16xf32>,
        %parallel_loop3A_936 = vector.shape_cast %parallel_loop3A_935 : vector<1x1x16xf32> to vector<16xf32>
        %parallel_loop3A_937 = math.absf %parallel_loop3A_936 : vector<16xf32>
        %parallel_loop3A_938 = arith.constant 1.000000e-03 : f32
        %parallel_loop3A_939 = vector.broadcast %parallel_loop3A_938 : f32 to vector<16xf32>
        %parallel_loop3A_940 = arith.addf %parallel_loop3A_937, %parallel_loop3A_939 : vector<16xf32>
        %parallel_loop3A_941 = arith.constant 1.000000e+00 : f32
        %parallel_loop3A_942 = vector.broadcast %parallel_loop3A_941 : f32 to vector<16xf32>
        %parallel_loop3A_943 = arith.divf %parallel_loop3A_942, %parallel_loop3A_940 : vector<16xf32>
        %parallel_loop3A_944 = arith.constant 3 : i32
        %parallel_loop3A_945 = arith.index_cast %parallel_loop3A_944 : i32 to index
        %parallel_loop3A_946 = arith.index_cast %parallel_loop3A_690 : i32 to index
        %parallel_loop3A_947 = arith.constant 192 : index
        %parallel_loop3A_948 = tpu.vector_load %arg4[%parallel_loop3A_945, %parallel_loop3A_946, %parallel_loop3A_947] {strides = array<i32>} : memref<8x32x256xf32, #tpu.memory_space<vmem>>, vector<1x1x16xf32>,
        %parallel_loop3A_949 = vector.shape_cast %parallel_loop3A_948 : vector<1x1x16xf32> to vector<16xf32>
        %parallel_loop3A_950 = vector.shape_cast %parallel_loop3A_943 : vector<16xf32> to vector<1x1x16xf32>
        tpu.vector_store %arg4[%parallel_loop3A_945, %parallel_loop3A_946, %parallel_loop3A_947], %parallel_loop3A_950 {strides = array<i32>} : memref<8x32x256xf32, #tpu.memory_space<vmem>>, vector<1x1x16xf32>,
        %parallel_loop3A_951 = arith.constant 3 : i32
        %parallel_loop3A_952 = arith.index_cast %parallel_loop3A_951 : i32 to index
        %parallel_loop3A_953 = arith.index_cast %parallel_loop3A_690 : i32 to index
        %parallel_loop3A_954 = arith.constant 208 : index
        %parallel_loop3A_955 = tpu.vector_load %arg4[%parallel_loop3A_952, %parallel_loop3A_953, %parallel_loop3A_954] {strides = array<i32>} : memref<8x32x256xf32, #tpu.memory_space<vmem>>, vector<1x1x16xf32>,
        %parallel_loop3A_956 = vector.shape_cast %parallel_loop3A_955 : vector<1x1x16xf32> to vector<16xf32>
        %parallel_loop3A_957 = math.absf %parallel_loop3A_956 : vector<16xf32>
        %parallel_loop3A_958 = arith.constant 1.000000e-03 : f32
        %parallel_loop3A_959 = vector.broadcast %parallel_loop3A_958 : f32 to vector<16xf32>
        %parallel_loop3A_960 = arith.addf %parallel_loop3A_957, %parallel_loop3A_959 : vector<16xf32>
        %parallel_loop3A_961 = arith.constant 1.000000e+00 : f32
        %parallel_loop3A_962 = vector.broadcast %parallel_loop3A_961 : f32 to vector<16xf32>
        %parallel_loop3A_963 = arith.divf %parallel_loop3A_962, %parallel_loop3A_960 : vector<16xf32>
        %parallel_loop3A_964 = arith.constant 3 : i32
        %parallel_loop3A_965 = arith.index_cast %parallel_loop3A_964 : i32 to index
        %parallel_loop3A_966 = arith.index_cast %parallel_loop3A_690 : i32 to index
        %parallel_loop3A_967 = arith.constant 208 : index
        %parallel_loop3A_968 = tpu.vector_load %arg4[%parallel_loop3A_965, %parallel_loop3A_966, %parallel_loop3A_967] {strides = array<i32>} : memref<8x32x256xf32, #tpu.memory_space<vmem>>, vector<1x1x16xf32>,
        %parallel_loop3A_969 = vector.shape_cast %parallel_loop3A_968 : vector<1x1x16xf32> to vector<16xf32>
        %parallel_loop3A_970 = vector.shape_cast %parallel_loop3A_963 : vector<16xf32> to vector<1x1x16xf32>
        tpu.vector_store %arg4[%parallel_loop3A_965, %parallel_loop3A_966, %parallel_loop3A_967], %parallel_loop3A_970 {strides = array<i32>} : memref<8x32x256xf32, #tpu.memory_space<vmem>>, vector<1x1x16xf32>,
        %parallel_loop3A_971 = arith.constant 3 : i32
        %parallel_loop3A_972 = arith.index_cast %parallel_loop3A_971 : i32 to index
        %parallel_loop3A_973 = arith.index_cast %parallel_loop3A_690 : i32 to index
        %parallel_loop3A_974 = arith.constant 224 : index
        %parallel_loop3A_975 = tpu.vector_load %arg4[%parallel_loop3A_972, %parallel_loop3A_973, %parallel_loop3A_974] {strides = array<i32>} : memref<8x32x256xf32, #tpu.memory_space<vmem>>, vector<1x1x16xf32>,
        %parallel_loop3A_976 = vector.shape_cast %parallel_loop3A_975 : vector<1x1x16xf32> to vector<16xf32>
        %parallel_loop3A_977 = math.absf %parallel_loop3A_976 : vector<16xf32>
        %parallel_loop3A_978 = arith.constant 1.000000e-03 : f32
        %parallel_loop3A_979 = vector.broadcast %parallel_loop3A_978 : f32 to vector<16xf32>
        %parallel_loop3A_980 = arith.addf %parallel_loop3A_977, %parallel_loop3A_979 : vector<16xf32>
        %parallel_loop3A_981 = arith.constant 1.000000e+00 : f32
        %parallel_loop3A_982 = vector.broadcast %parallel_loop3A_981 : f32 to vector<16xf32>
        %parallel_loop3A_983 = arith.divf %parallel_loop3A_982, %parallel_loop3A_980 : vector<16xf32>
        %parallel_loop3A_984 = arith.constant 3 : i32
        %parallel_loop3A_985 = arith.index_cast %parallel_loop3A_984 : i32 to index
        %parallel_loop3A_986 = arith.index_cast %parallel_loop3A_690 : i32 to index
        %parallel_loop3A_987 = arith.constant 224 : index
        %parallel_loop3A_988 = tpu.vector_load %arg4[%parallel_loop3A_985, %parallel_loop3A_986, %parallel_loop3A_987] {strides = array<i32>} : memref<8x32x256xf32, #tpu.memory_space<vmem>>, vector<1x1x16xf32>,
        %parallel_loop3A_989 = vector.shape_cast %parallel_loop3A_988 : vector<1x1x16xf32> to vector<16xf32>
        %parallel_loop3A_990 = vector.shape_cast %parallel_loop3A_983 : vector<16xf32> to vector<1x1x16xf32>
        tpu.vector_store %arg4[%parallel_loop3A_985, %parallel_loop3A_986, %parallel_loop3A_987], %parallel_loop3A_990 {strides = array<i32>} : memref<8x32x256xf32, #tpu.memory_space<vmem>>, vector<1x1x16xf32>,
        %parallel_loop3A_991 = arith.constant 3 : i32
        %parallel_loop3A_992 = arith.index_cast %parallel_loop3A_991 : i32 to index
        %parallel_loop3A_993 = arith.index_cast %parallel_loop3A_690 : i32 to index
        %parallel_loop3A_994 = arith.constant 240 : index
        %parallel_loop3A_995 = tpu.vector_load %arg4[%parallel_loop3A_992, %parallel_loop3A_993, %parallel_loop3A_994] {strides = array<i32>} : memref<8x32x256xf32, #tpu.memory_space<vmem>>, vector<1x1x16xf32>,
        %parallel_loop3A_996 = vector.shape_cast %parallel_loop3A_995 : vector<1x1x16xf32> to vector<16xf32>
        %parallel_loop3A_997 = math.absf %parallel_loop3A_996 : vector<16xf32>
        %parallel_loop3A_998 = arith.constant 1.000000e-03 : f32
        %parallel_loop3A_999 = vector.broadcast %parallel_loop3A_998 : f32 to vector<16xf32>
        %parallel_loop3A_1000 = arith.addf %parallel_loop3A_997, %parallel_loop3A_999 : vector<16xf32>
        %parallel_loop3A_1001 = arith.constant 1.000000e+00 : f32
        %parallel_loop3A_1002 = vector.broadcast %parallel_loop3A_1001 : f32 to vector<16xf32>
        %parallel_loop3A_1003 = arith.divf %parallel_loop3A_1002, %parallel_loop3A_1000 : vector<16xf32>
        %parallel_loop3A_1004 = arith.constant 3 : i32
        %parallel_loop3A_1005 = arith.index_cast %parallel_loop3A_1004 : i32 to index
        %parallel_loop3A_1006 = arith.index_cast %parallel_loop3A_690 : i32 to index
        %parallel_loop3A_1007 = arith.constant 240 : index
        %parallel_loop3A_1008 = tpu.vector_load %arg4[%parallel_loop3A_1005, %parallel_loop3A_1006, %parallel_loop3A_1007] {strides = array<i32>} : memref<8x32x256xf32, #tpu.memory_space<vmem>>, vector<1x1x16xf32>,
        %parallel_loop3A_1009 = vector.shape_cast %parallel_loop3A_1008 : vector<1x1x16xf32> to vector<16xf32>
        %parallel_loop3A_1010 = vector.shape_cast %parallel_loop3A_1003 : vector<16xf32> to vector<1x1x16xf32>
        tpu.vector_store %arg4[%parallel_loop3A_1005, %parallel_loop3A_1006, %parallel_loop3A_1007], %parallel_loop3A_1010 {strides = array<i32>} : memref<8x32x256xf32, #tpu.memory_space<vmem>>, vector<1x1x16xf32>,
      } {sc.loop_unroll_factor = 2 : i64, sc.parallel_access}
      %mul3A_454 = arith.constant 32 : i32
      %mul3A_455 = arith.muli %add3A_431, %mul3A_454 : i32
      %add3A_456 = arith.addi %mul3A_2, %mul3A_455 : i32
      %dma_start3A_457 = arith.constant 3 : i32
      %dma_start3A_458 = arith.constant 3 : i32
      %dma_start3A_459 = arith.constant 0 : i32
      %dma_start3A_460 = arith.constant 0 : i32
      %dma_start3A_461 = tpu.memref_slice %arg4[%dma_start3A_457, %dma_start3A_459, %dma_start3A_460] : memref<8x32x256xf32, #tpu.memory_space<vmem>> -> memref<1x32x256xf32, #tpu.memory_space<vmem>>
      %dma_start3A_462 = tpu.memref_squeeze %dma_start3A_461 : memref<1x32x256xf32, #tpu.memory_space<vmem>> -> memref<32x256xf32, #tpu.memory_space<vmem>>
      %dma_start3A_463 = arith.constant 0 : i32
      %dma_start3A_464 = tpu.memref_slice %arg3[%add3A_456, %dma_start3A_463] : memref<262144x256xf32, #tpu.memory_space<hbm>> -> memref<32x256xf32, #tpu.memory_space<hbm>>
      %dma_start3A_465 = tpu.memref_slice %arg6[%dma_start3A_458] : memref<8x!tpu.dma_semaphore, #tpu.memory_space<semaphore_mem>> -> memref<1x!tpu.dma_semaphore, #tpu.memory_space<semaphore_mem>>
      %dma_start3A_466 = tpu.memref_squeeze %dma_start3A_465 : memref<1x!tpu.dma_semaphore, #tpu.memory_space<semaphore_mem>> -> memref<!tpu.dma_semaphore, #tpu.memory_space<semaphore_mem>>
      %dma_start3A_467 = arith.constant 0 : i32
      %dma_start3A_468 = tpu.memref_slice %arg3[%add3A_456, %dma_start3A_467] : memref<262144x256xf32, #tpu.memory_space<hbm>> -> memref<32x256xf32, #tpu.memory_space<hbm>>
      %dma_start3A_469 = arith.constant 0 : i32
      %dma_start3A_470 = arith.constant 0 : i32
      %dma_start3A_471 = tpu.memref_slice %arg4[%dma_start3A_457, %dma_start3A_469, %dma_start3A_470] : memref<8x32x256xf32, #tpu.memory_space<vmem>> -> memref<1x32x256xf32, #tpu.memory_space<vmem>>
      %dma_start3A_472 = tpu.memref_squeeze %dma_start3A_471 : memref<1x32x256xf32, #tpu.memory_space<vmem>> -> memref<32x256xf32, #tpu.memory_space<vmem>>
      tpu.enqueue_dma source(%dma_start3A_472 : memref<32x256xf32, #tpu.memory_space<vmem>>) target(%dma_start3A_468 : memref<32x256xf32, #tpu.memory_space<hbm>>) target_semaphore(%dma_start3A_466 : memref<!tpu.dma_semaphore, #tpu.memory_space<semaphore_mem>>)
      %add3A_473 = arith.constant 8 : i32
      %add3A_474 = arith.addi %add3A_431, %add3A_473 : i32
      %sub3A_475 = arith.constant 1 : i32
      %sub3A_476 = arith.subi %add3A_474, %sub3A_475 : i32
      %lt3A_477 = arith.constant 256 : i32
      %lt3A_478 = arith.cmpi slt, %sub3A_476, %lt3A_477 : i32
      %convert_element_type3A_479 = arith.extui %lt3A_478 : i1 to i32
      %cond3A_480 = arith.constant 0 : i32
      %cond3A_481 = arith.cmpi ne, %convert_element_type3A_479, %cond3A_480 : i32
      scf.if %cond3A_481 {
        %ge3A = arith.constant 1 : i32
        %ge3A_690 = arith.cmpi sge, %add3A_431, %ge3A : i32
        %convert_element_type3A_691 = arith.extui %ge3A_690 : i1 to i32
        %cond3A_692 = arith.constant 0 : i32
        %cond3A_693 = arith.cmpi ne, %convert_element_type3A_691, %cond3A_692 : i32
        scf.if %cond3A_693 {
          %sub3A_717 = arith.constant 1 : i32
          %sub3A_718 = arith.subi %add3A_431, %sub3A_717 : i32
          %mul3A_719 = arith.constant 32 : i32
          %mul3A_720 = arith.muli %sub3A_718, %mul3A_719 : i32
          %add3A_721 = arith.addi %mul3A_2, %mul3A_720 : i32
          %dma_wait3A_722 = arith.constant 2 : i32
          %dma_wait3A_723 = arith.constant 2 : i32
          %dma_wait3A_724 = arith.constant 0 : i32
          %dma_wait3A_725 = arith.constant 0 : i32
          %dma_wait3A_726 = tpu.memref_slice %arg4[%dma_wait3A_722, %dma_wait3A_724, %dma_wait3A_725] : memref<8x32x256xf32, #tpu.memory_space<vmem>> -> memref<1x32x256xf32, #tpu.memory_space<vmem>>
          %dma_wait3A_727 = tpu.memref_squeeze %dma_wait3A_726 : memref<1x32x256xf32, #tpu.memory_space<vmem>> -> memref<32x256xf32, #tpu.memory_space<vmem>>
          %dma_wait3A_728 = arith.constant 0 : i32
          %dma_wait3A_729 = tpu.memref_slice %arg3[%add3A_721, %dma_wait3A_728] : memref<262144x256xf32, #tpu.memory_space<hbm>> -> memref<32x256xf32, #tpu.memory_space<hbm>>
          %dma_wait3A_730 = tpu.memref_slice %arg6[%dma_wait3A_723] : memref<8x!tpu.dma_semaphore, #tpu.memory_space<semaphore_mem>> -> memref<1x!tpu.dma_semaphore, #tpu.memory_space<semaphore_mem>>
          %dma_wait3A_731 = tpu.memref_squeeze %dma_wait3A_730 : memref<1x!tpu.dma_semaphore, #tpu.memory_space<semaphore_mem>> -> memref<!tpu.dma_semaphore, #tpu.memory_space<semaphore_mem>>
          %dma_wait3A_732 = arith.constant 0 : i32
          %dma_wait3A_733 = tpu.memref_slice %arg3[%add3A_721, %dma_wait3A_732] : memref<262144x256xf32, #tpu.memory_space<hbm>> -> memref<32x256xf32, #tpu.memory_space<hbm>>
          %dma_wait3A_734 = arith.constant 0 : i32
          %dma_wait3A_735 = arith.constant 0 : i32
          %dma_wait3A_736 = tpu.memref_slice %arg4[%dma_wait3A_722, %dma_wait3A_734, %dma_wait3A_735] : memref<8x32x256xf32, #tpu.memory_space<vmem>> -> memref<1x32x256xf32, #tpu.memory_space<vmem>>
          %dma_wait3A_737 = tpu.memref_squeeze %dma_wait3A_736 : memref<1x32x256xf32, #tpu.memory_space<vmem>> -> memref<32x256xf32, #tpu.memory_space<vmem>>
          tpu.wait_dma2 semaphore(%dma_wait3A_731 : memref<!tpu.dma_semaphore, #tpu.memory_space<semaphore_mem>>) src(%dma_wait3A_737 : memref<32x256xf32, #tpu.memory_space<vmem>>) dst(%dma_wait3A_733 : memref<32x256xf32, #tpu.memory_space<hbm>>)
        } else {
        }
        %add3A_694 = arith.constant 8 : i32
        %add3A_695 = arith.addi %add3A_431, %add3A_694 : i32
        %sub3A_696 = arith.constant 1 : i32
        %sub3A_697 = arith.subi %add3A_695, %sub3A_696 : i32
        %mul3A_698 = arith.constant 32 : i32
        %mul3A_699 = arith.muli %sub3A_697, %mul3A_698 : i32
        %add3A_700 = arith.addi %mul3A_2, %mul3A_699 : i32
        %dma_start3A_701 = arith.constant 2 : i32
        %dma_start3A_702 = arith.constant 2 : i32
        %dma_start3A_703 = arith.constant 0 : i32
        %dma_start3A_704 = arith.constant 0 : i32
        %dma_start3A_705 = tpu.memref_slice %arg4[%dma_start3A_701, %dma_start3A_703, %dma_start3A_704] : memref<8x32x256xf32, #tpu.memory_space<vmem>> -> memref<1x32x256xf32, #tpu.memory_space<vmem>>
        %dma_start3A_706 = tpu.memref_squeeze %dma_start3A_705 : memref<1x32x256xf32, #tpu.memory_space<vmem>> -> memref<32x256xf32, #tpu.memory_space<vmem>>
        %dma_start3A_707 = arith.constant 0 : i32
        %dma_start3A_708 = tpu.memref_slice %arg2[%add3A_700, %dma_start3A_707] : memref<262144x256xf32, #tpu.memory_space<hbm>> -> memref<32x256xf32, #tpu.memory_space<hbm>>
        %dma_start3A_709 = tpu.memref_slice %arg5[%dma_start3A_702] : memref<8x!tpu.dma_semaphore, #tpu.memory_space<semaphore_mem>> -> memref<1x!tpu.dma_semaphore, #tpu.memory_space<semaphore_mem>>
        %dma_start3A_710 = tpu.memref_squeeze %dma_start3A_709 : memref<1x!tpu.dma_semaphore, #tpu.memory_space<semaphore_mem>> -> memref<!tpu.dma_semaphore, #tpu.memory_space<semaphore_mem>>
        %dma_start3A_711 = arith.constant 0 : i32
        %dma_start3A_712 = arith.constant 0 : i32
        %dma_start3A_713 = tpu.memref_slice %arg4[%dma_start3A_701, %dma_start3A_711, %dma_start3A_712] : memref<8x32x256xf32, #tpu.memory_space<vmem>> -> memref<1x32x256xf32, #tpu.memory_space<vmem>>
        %dma_start3A_714 = tpu.memref_squeeze %dma_start3A_713 : memref<1x32x256xf32, #tpu.memory_space<vmem>> -> memref<32x256xf32, #tpu.memory_space<vmem>>
        %dma_start3A_715 = arith.constant 0 : i32
        %dma_start3A_716 = tpu.memref_slice %arg2[%add3A_700, %dma_start3A_715] : memref<262144x256xf32, #tpu.memory_space<hbm>> -> memref<32x256xf32, #tpu.memory_space<hbm>>
        tpu.enqueue_dma source(%dma_start3A_716 : memref<32x256xf32, #tpu.memory_space<hbm>>) target(%dma_start3A_714 : memref<32x256xf32, #tpu.memory_space<vmem>>) target_semaphore(%dma_start3A_710 : memref<!tpu.dma_semaphore, #tpu.memory_space<semaphore_mem>>)
      } else {
      }
      %add3A_482 = arith.constant 4 : i32
      %add3A_483 = arith.addi %mul3A_278, %add3A_482 : i32
      %mul3A_484 = arith.constant 32 : i32
      %mul3A_485 = arith.muli %add3A_483, %mul3A_484 : i32
      %add3A_486 = arith.addi %mul3A_2, %mul3A_485 : i32
      %dma_wait3A_487 = arith.constant 4 : i32
      %dma_wait3A_488 = arith.constant 4 : i32
      %dma_wait3A_489 = arith.constant 0 : i32
      %dma_wait3A_490 = arith.constant 0 : i32
      %dma_wait3A_491 = tpu.memref_slice %arg4[%dma_wait3A_487, %dma_wait3A_489, %dma_wait3A_490] : memref<8x32x256xf32, #tpu.memory_space<vmem>> -> memref<1x32x256xf32, #tpu.memory_space<vmem>>
      %dma_wait3A_492 = tpu.memref_squeeze %dma_wait3A_491 : memref<1x32x256xf32, #tpu.memory_space<vmem>> -> memref<32x256xf32, #tpu.memory_space<vmem>>
      %dma_wait3A_493 = arith.constant 0 : i32
      %dma_wait3A_494 = tpu.memref_slice %arg2[%add3A_486, %dma_wait3A_493] : memref<262144x256xf32, #tpu.memory_space<hbm>> -> memref<32x256xf32, #tpu.memory_space<hbm>>
      %dma_wait3A_495 = tpu.memref_slice %arg5[%dma_wait3A_488] : memref<8x!tpu.dma_semaphore, #tpu.memory_space<semaphore_mem>> -> memref<1x!tpu.dma_semaphore, #tpu.memory_space<semaphore_mem>>
      %dma_wait3A_496 = tpu.memref_squeeze %dma_wait3A_495 : memref<1x!tpu.dma_semaphore, #tpu.memory_space<semaphore_mem>> -> memref<!tpu.dma_semaphore, #tpu.memory_space<semaphore_mem>>
      %dma_wait3A_497 = arith.constant 0 : i32
      %dma_wait3A_498 = arith.constant 0 : i32
      %dma_wait3A_499 = tpu.memref_slice %arg4[%dma_wait3A_487, %dma_wait3A_497, %dma_wait3A_498] : memref<8x32x256xf32, #tpu.memory_space<vmem>> -> memref<1x32x256xf32, #tpu.memory_space<vmem>>
      %dma_wait3A_500 = tpu.memref_squeeze %dma_wait3A_499 : memref<1x32x256xf32, #tpu.memory_space<vmem>> -> memref<32x256xf32, #tpu.memory_space<vmem>>
      %dma_wait3A_501 = arith.constant 0 : i32
      %dma_wait3A_502 = tpu.memref_slice %arg2[%add3A_486, %dma_wait3A_501] : memref<262144x256xf32, #tpu.memory_space<hbm>> -> memref<32x256xf32, #tpu.memory_space<hbm>>
      tpu.wait_dma2 semaphore(%dma_wait3A_496 : memref<!tpu.dma_semaphore, #tpu.memory_space<semaphore_mem>>) src(%dma_wait3A_502 : memref<32x256xf32, #tpu.memory_space<hbm>>) dst(%dma_wait3A_500 : memref<32x256xf32, #tpu.memory_space<vmem>>)
      %parallel_loop3A_503 = arith.constant 0 : i32
      %parallel_loop3A_504 = arith.constant 32 : i32
      %parallel_loop3A_505 = arith.constant 1 : i32
      scf.for %parallel_loop3A_690 = %parallel_loop3A_503 to %parallel_loop3A_504 step %parallel_loop3A_505  : i32 {
        %parallel_loop3A_691 = arith.constant 4 : i32
        %parallel_loop3A_692 = arith.index_cast %parallel_loop3A_691 : i32 to index
        %parallel_loop3A_693 = arith.index_cast %parallel_loop3A_690 : i32 to index
        %parallel_loop3A_694 = arith.constant 0 : index
        %parallel_loop3A_695 = tpu.vector_load %arg4[%parallel_loop3A_692, %parallel_loop3A_693, %parallel_loop3A_694] {strides = array<i32>} : memref<8x32x256xf32, #tpu.memory_space<vmem>>, vector<1x1x16xf32>,
        %parallel_loop3A_696 = vector.shape_cast %parallel_loop3A_695 : vector<1x1x16xf32> to vector<16xf32>
        %parallel_loop3A_697 = math.absf %parallel_loop3A_696 : vector<16xf32>
        %parallel_loop3A_698 = arith.constant 1.000000e-03 : f32
        %parallel_loop3A_699 = vector.broadcast %parallel_loop3A_698 : f32 to vector<16xf32>
        %parallel_loop3A_700 = arith.addf %parallel_loop3A_697, %parallel_loop3A_699 : vector<16xf32>
        %parallel_loop3A_701 = arith.constant 1.000000e+00 : f32
        %parallel_loop3A_702 = vector.broadcast %parallel_loop3A_701 : f32 to vector<16xf32>
        %parallel_loop3A_703 = arith.divf %parallel_loop3A_702, %parallel_loop3A_700 : vector<16xf32>
        %parallel_loop3A_704 = arith.constant 4 : i32
        %parallel_loop3A_705 = arith.index_cast %parallel_loop3A_704 : i32 to index
        %parallel_loop3A_706 = arith.index_cast %parallel_loop3A_690 : i32 to index
        %parallel_loop3A_707 = arith.constant 0 : index
        %parallel_loop3A_708 = tpu.vector_load %arg4[%parallel_loop3A_705, %parallel_loop3A_706, %parallel_loop3A_707] {strides = array<i32>} : memref<8x32x256xf32, #tpu.memory_space<vmem>>, vector<1x1x16xf32>,
        %parallel_loop3A_709 = vector.shape_cast %parallel_loop3A_708 : vector<1x1x16xf32> to vector<16xf32>
        %parallel_loop3A_710 = vector.shape_cast %parallel_loop3A_703 : vector<16xf32> to vector<1x1x16xf32>
        tpu.vector_store %arg4[%parallel_loop3A_705, %parallel_loop3A_706, %parallel_loop3A_707], %parallel_loop3A_710 {strides = array<i32>} : memref<8x32x256xf32, #tpu.memory_space<vmem>>, vector<1x1x16xf32>,
        %parallel_loop3A_711 = arith.constant 4 : i32
        %parallel_loop3A_712 = arith.index_cast %parallel_loop3A_711 : i32 to index
        %parallel_loop3A_713 = arith.index_cast %parallel_loop3A_690 : i32 to index
        %parallel_loop3A_714 = arith.constant 16 : index
        %parallel_loop3A_715 = tpu.vector_load %arg4[%parallel_loop3A_712, %parallel_loop3A_713, %parallel_loop3A_714] {strides = array<i32>} : memref<8x32x256xf32, #tpu.memory_space<vmem>>, vector<1x1x16xf32>,
        %parallel_loop3A_716 = vector.shape_cast %parallel_loop3A_715 : vector<1x1x16xf32> to vector<16xf32>
        %parallel_loop3A_717 = math.absf %parallel_loop3A_716 : vector<16xf32>
        %parallel_loop3A_718 = arith.constant 1.000000e-03 : f32
        %parallel_loop3A_719 = vector.broadcast %parallel_loop3A_718 : f32 to vector<16xf32>
        %parallel_loop3A_720 = arith.addf %parallel_loop3A_717, %parallel_loop3A_719 : vector<16xf32>
        %parallel_loop3A_721 = arith.constant 1.000000e+00 : f32
        %parallel_loop3A_722 = vector.broadcast %parallel_loop3A_721 : f32 to vector<16xf32>
        %parallel_loop3A_723 = arith.divf %parallel_loop3A_722, %parallel_loop3A_720 : vector<16xf32>
        %parallel_loop3A_724 = arith.constant 4 : i32
        %parallel_loop3A_725 = arith.index_cast %parallel_loop3A_724 : i32 to index
        %parallel_loop3A_726 = arith.index_cast %parallel_loop3A_690 : i32 to index
        %parallel_loop3A_727 = arith.constant 16 : index
        %parallel_loop3A_728 = tpu.vector_load %arg4[%parallel_loop3A_725, %parallel_loop3A_726, %parallel_loop3A_727] {strides = array<i32>} : memref<8x32x256xf32, #tpu.memory_space<vmem>>, vector<1x1x16xf32>,
        %parallel_loop3A_729 = vector.shape_cast %parallel_loop3A_728 : vector<1x1x16xf32> to vector<16xf32>
        %parallel_loop3A_730 = vector.shape_cast %parallel_loop3A_723 : vector<16xf32> to vector<1x1x16xf32>
        tpu.vector_store %arg4[%parallel_loop3A_725, %parallel_loop3A_726, %parallel_loop3A_727], %parallel_loop3A_730 {strides = array<i32>} : memref<8x32x256xf32, #tpu.memory_space<vmem>>, vector<1x1x16xf32>,
        %parallel_loop3A_731 = arith.constant 4 : i32
        %parallel_loop3A_732 = arith.index_cast %parallel_loop3A_731 : i32 to index
        %parallel_loop3A_733 = arith.index_cast %parallel_loop3A_690 : i32 to index
        %parallel_loop3A_734 = arith.constant 32 : index
        %parallel_loop3A_735 = tpu.vector_load %arg4[%parallel_loop3A_732, %parallel_loop3A_733, %parallel_loop3A_734] {strides = array<i32>} : memref<8x32x256xf32, #tpu.memory_space<vmem>>, vector<1x1x16xf32>,
        %parallel_loop3A_736 = vector.shape_cast %parallel_loop3A_735 : vector<1x1x16xf32> to vector<16xf32>
        %parallel_loop3A_737 = math.absf %parallel_loop3A_736 : vector<16xf32>
        %parallel_loop3A_738 = arith.constant 1.000000e-03 : f32
        %parallel_loop3A_739 = vector.broadcast %parallel_loop3A_738 : f32 to vector<16xf32>
        %parallel_loop3A_740 = arith.addf %parallel_loop3A_737, %parallel_loop3A_739 : vector<16xf32>
        %parallel_loop3A_741 = arith.constant 1.000000e+00 : f32
        %parallel_loop3A_742 = vector.broadcast %parallel_loop3A_741 : f32 to vector<16xf32>
        %parallel_loop3A_743 = arith.divf %parallel_loop3A_742, %parallel_loop3A_740 : vector<16xf32>
        %parallel_loop3A_744 = arith.constant 4 : i32
        %parallel_loop3A_745 = arith.index_cast %parallel_loop3A_744 : i32 to index
        %parallel_loop3A_746 = arith.index_cast %parallel_loop3A_690 : i32 to index
        %parallel_loop3A_747 = arith.constant 32 : index
        %parallel_loop3A_748 = tpu.vector_load %arg4[%parallel_loop3A_745, %parallel_loop3A_746, %parallel_loop3A_747] {strides = array<i32>} : memref<8x32x256xf32, #tpu.memory_space<vmem>>, vector<1x1x16xf32>,
        %parallel_loop3A_749 = vector.shape_cast %parallel_loop3A_748 : vector<1x1x16xf32> to vector<16xf32>
        %parallel_loop3A_750 = vector.shape_cast %parallel_loop3A_743 : vector<16xf32> to vector<1x1x16xf32>
        tpu.vector_store %arg4[%parallel_loop3A_745, %parallel_loop3A_746, %parallel_loop3A_747], %parallel_loop3A_750 {strides = array<i32>} : memref<8x32x256xf32, #tpu.memory_space<vmem>>, vector<1x1x16xf32>,
        %parallel_loop3A_751 = arith.constant 4 : i32
        %parallel_loop3A_752 = arith.index_cast %parallel_loop3A_751 : i32 to index
        %parallel_loop3A_753 = arith.index_cast %parallel_loop3A_690 : i32 to index
        %parallel_loop3A_754 = arith.constant 48 : index
        %parallel_loop3A_755 = tpu.vector_load %arg4[%parallel_loop3A_752, %parallel_loop3A_753, %parallel_loop3A_754] {strides = array<i32>} : memref<8x32x256xf32, #tpu.memory_space<vmem>>, vector<1x1x16xf32>,
        %parallel_loop3A_756 = vector.shape_cast %parallel_loop3A_755 : vector<1x1x16xf32> to vector<16xf32>
        %parallel_loop3A_757 = math.absf %parallel_loop3A_756 : vector<16xf32>
        %parallel_loop3A_758 = arith.constant 1.000000e-03 : f32
        %parallel_loop3A_759 = vector.broadcast %parallel_loop3A_758 : f32 to vector<16xf32>
        %parallel_loop3A_760 = arith.addf %parallel_loop3A_757, %parallel_loop3A_759 : vector<16xf32>
        %parallel_loop3A_761 = arith.constant 1.000000e+00 : f32
        %parallel_loop3A_762 = vector.broadcast %parallel_loop3A_761 : f32 to vector<16xf32>
        %parallel_loop3A_763 = arith.divf %parallel_loop3A_762, %parallel_loop3A_760 : vector<16xf32>
        %parallel_loop3A_764 = arith.constant 4 : i32
        %parallel_loop3A_765 = arith.index_cast %parallel_loop3A_764 : i32 to index
        %parallel_loop3A_766 = arith.index_cast %parallel_loop3A_690 : i32 to index
        %parallel_loop3A_767 = arith.constant 48 : index
        %parallel_loop3A_768 = tpu.vector_load %arg4[%parallel_loop3A_765, %parallel_loop3A_766, %parallel_loop3A_767] {strides = array<i32>} : memref<8x32x256xf32, #tpu.memory_space<vmem>>, vector<1x1x16xf32>,
        %parallel_loop3A_769 = vector.shape_cast %parallel_loop3A_768 : vector<1x1x16xf32> to vector<16xf32>
        %parallel_loop3A_770 = vector.shape_cast %parallel_loop3A_763 : vector<16xf32> to vector<1x1x16xf32>
        tpu.vector_store %arg4[%parallel_loop3A_765, %parallel_loop3A_766, %parallel_loop3A_767], %parallel_loop3A_770 {strides = array<i32>} : memref<8x32x256xf32, #tpu.memory_space<vmem>>, vector<1x1x16xf32>,
        %parallel_loop3A_771 = arith.constant 4 : i32
        %parallel_loop3A_772 = arith.index_cast %parallel_loop3A_771 : i32 to index
        %parallel_loop3A_773 = arith.index_cast %parallel_loop3A_690 : i32 to index
        %parallel_loop3A_774 = arith.constant 64 : index
        %parallel_loop3A_775 = tpu.vector_load %arg4[%parallel_loop3A_772, %parallel_loop3A_773, %parallel_loop3A_774] {strides = array<i32>} : memref<8x32x256xf32, #tpu.memory_space<vmem>>, vector<1x1x16xf32>,
        %parallel_loop3A_776 = vector.shape_cast %parallel_loop3A_775 : vector<1x1x16xf32> to vector<16xf32>
        %parallel_loop3A_777 = math.absf %parallel_loop3A_776 : vector<16xf32>
        %parallel_loop3A_778 = arith.constant 1.000000e-03 : f32
        %parallel_loop3A_779 = vector.broadcast %parallel_loop3A_778 : f32 to vector<16xf32>
        %parallel_loop3A_780 = arith.addf %parallel_loop3A_777, %parallel_loop3A_779 : vector<16xf32>
        %parallel_loop3A_781 = arith.constant 1.000000e+00 : f32
        %parallel_loop3A_782 = vector.broadcast %parallel_loop3A_781 : f32 to vector<16xf32>
        %parallel_loop3A_783 = arith.divf %parallel_loop3A_782, %parallel_loop3A_780 : vector<16xf32>
        %parallel_loop3A_784 = arith.constant 4 : i32
        %parallel_loop3A_785 = arith.index_cast %parallel_loop3A_784 : i32 to index
        %parallel_loop3A_786 = arith.index_cast %parallel_loop3A_690 : i32 to index
        %parallel_loop3A_787 = arith.constant 64 : index
        %parallel_loop3A_788 = tpu.vector_load %arg4[%parallel_loop3A_785, %parallel_loop3A_786, %parallel_loop3A_787] {strides = array<i32>} : memref<8x32x256xf32, #tpu.memory_space<vmem>>, vector<1x1x16xf32>,
        %parallel_loop3A_789 = vector.shape_cast %parallel_loop3A_788 : vector<1x1x16xf32> to vector<16xf32>
        %parallel_loop3A_790 = vector.shape_cast %parallel_loop3A_783 : vector<16xf32> to vector<1x1x16xf32>
        tpu.vector_store %arg4[%parallel_loop3A_785, %parallel_loop3A_786, %parallel_loop3A_787], %parallel_loop3A_790 {strides = array<i32>} : memref<8x32x256xf32, #tpu.memory_space<vmem>>, vector<1x1x16xf32>,
        %parallel_loop3A_791 = arith.constant 4 : i32
        %parallel_loop3A_792 = arith.index_cast %parallel_loop3A_791 : i32 to index
        %parallel_loop3A_793 = arith.index_cast %parallel_loop3A_690 : i32 to index
        %parallel_loop3A_794 = arith.constant 80 : index
        %parallel_loop3A_795 = tpu.vector_load %arg4[%parallel_loop3A_792, %parallel_loop3A_793, %parallel_loop3A_794] {strides = array<i32>} : memref<8x32x256xf32, #tpu.memory_space<vmem>>, vector<1x1x16xf32>,
        %parallel_loop3A_796 = vector.shape_cast %parallel_loop3A_795 : vector<1x1x16xf32> to vector<16xf32>
        %parallel_loop3A_797 = math.absf %parallel_loop3A_796 : vector<16xf32>
        %parallel_loop3A_798 = arith.constant 1.000000e-03 : f32
        %parallel_loop3A_799 = vector.broadcast %parallel_loop3A_798 : f32 to vector<16xf32>
        %parallel_loop3A_800 = arith.addf %parallel_loop3A_797, %parallel_loop3A_799 : vector<16xf32>
        %parallel_loop3A_801 = arith.constant 1.000000e+00 : f32
        %parallel_loop3A_802 = vector.broadcast %parallel_loop3A_801 : f32 to vector<16xf32>
        %parallel_loop3A_803 = arith.divf %parallel_loop3A_802, %parallel_loop3A_800 : vector<16xf32>
        %parallel_loop3A_804 = arith.constant 4 : i32
        %parallel_loop3A_805 = arith.index_cast %parallel_loop3A_804 : i32 to index
        %parallel_loop3A_806 = arith.index_cast %parallel_loop3A_690 : i32 to index
        %parallel_loop3A_807 = arith.constant 80 : index
        %parallel_loop3A_808 = tpu.vector_load %arg4[%parallel_loop3A_805, %parallel_loop3A_806, %parallel_loop3A_807] {strides = array<i32>} : memref<8x32x256xf32, #tpu.memory_space<vmem>>, vector<1x1x16xf32>,
        %parallel_loop3A_809 = vector.shape_cast %parallel_loop3A_808 : vector<1x1x16xf32> to vector<16xf32>
        %parallel_loop3A_810 = vector.shape_cast %parallel_loop3A_803 : vector<16xf32> to vector<1x1x16xf32>
        tpu.vector_store %arg4[%parallel_loop3A_805, %parallel_loop3A_806, %parallel_loop3A_807], %parallel_loop3A_810 {strides = array<i32>} : memref<8x32x256xf32, #tpu.memory_space<vmem>>, vector<1x1x16xf32>,
        %parallel_loop3A_811 = arith.constant 4 : i32
        %parallel_loop3A_812 = arith.index_cast %parallel_loop3A_811 : i32 to index
        %parallel_loop3A_813 = arith.index_cast %parallel_loop3A_690 : i32 to index
        %parallel_loop3A_814 = arith.constant 96 : index
        %parallel_loop3A_815 = tpu.vector_load %arg4[%parallel_loop3A_812, %parallel_loop3A_813, %parallel_loop3A_814] {strides = array<i32>} : memref<8x32x256xf32, #tpu.memory_space<vmem>>, vector<1x1x16xf32>,
        %parallel_loop3A_816 = vector.shape_cast %parallel_loop3A_815 : vector<1x1x16xf32> to vector<16xf32>
        %parallel_loop3A_817 = math.absf %parallel_loop3A_816 : vector<16xf32>
        %parallel_loop3A_818 = arith.constant 1.000000e-03 : f32
        %parallel_loop3A_819 = vector.broadcast %parallel_loop3A_818 : f32 to vector<16xf32>
        %parallel_loop3A_820 = arith.addf %parallel_loop3A_817, %parallel_loop3A_819 : vector<16xf32>
        %parallel_loop3A_821 = arith.constant 1.000000e+00 : f32
        %parallel_loop3A_822 = vector.broadcast %parallel_loop3A_821 : f32 to vector<16xf32>
        %parallel_loop3A_823 = arith.divf %parallel_loop3A_822, %parallel_loop3A_820 : vector<16xf32>
        %parallel_loop3A_824 = arith.constant 4 : i32
        %parallel_loop3A_825 = arith.index_cast %parallel_loop3A_824 : i32 to index
        %parallel_loop3A_826 = arith.index_cast %parallel_loop3A_690 : i32 to index
        %parallel_loop3A_827 = arith.constant 96 : index
        %parallel_loop3A_828 = tpu.vector_load %arg4[%parallel_loop3A_825, %parallel_loop3A_826, %parallel_loop3A_827] {strides = array<i32>} : memref<8x32x256xf32, #tpu.memory_space<vmem>>, vector<1x1x16xf32>,
        %parallel_loop3A_829 = vector.shape_cast %parallel_loop3A_828 : vector<1x1x16xf32> to vector<16xf32>
        %parallel_loop3A_830 = vector.shape_cast %parallel_loop3A_823 : vector<16xf32> to vector<1x1x16xf32>
        tpu.vector_store %arg4[%parallel_loop3A_825, %parallel_loop3A_826, %parallel_loop3A_827], %parallel_loop3A_830 {strides = array<i32>} : memref<8x32x256xf32, #tpu.memory_space<vmem>>, vector<1x1x16xf32>,
        %parallel_loop3A_831 = arith.constant 4 : i32
        %parallel_loop3A_832 = arith.index_cast %parallel_loop3A_831 : i32 to index
        %parallel_loop3A_833 = arith.index_cast %parallel_loop3A_690 : i32 to index
        %parallel_loop3A_834 = arith.constant 112 : index
        %parallel_loop3A_835 = tpu.vector_load %arg4[%parallel_loop3A_832, %parallel_loop3A_833, %parallel_loop3A_834] {strides = array<i32>} : memref<8x32x256xf32, #tpu.memory_space<vmem>>, vector<1x1x16xf32>,
        %parallel_loop3A_836 = vector.shape_cast %parallel_loop3A_835 : vector<1x1x16xf32> to vector<16xf32>
        %parallel_loop3A_837 = math.absf %parallel_loop3A_836 : vector<16xf32>
        %parallel_loop3A_838 = arith.constant 1.000000e-03 : f32
        %parallel_loop3A_839 = vector.broadcast %parallel_loop3A_838 : f32 to vector<16xf32>
        %parallel_loop3A_840 = arith.addf %parallel_loop3A_837, %parallel_loop3A_839 : vector<16xf32>
        %parallel_loop3A_841 = arith.constant 1.000000e+00 : f32
        %parallel_loop3A_842 = vector.broadcast %parallel_loop3A_841 : f32 to vector<16xf32>
        %parallel_loop3A_843 = arith.divf %parallel_loop3A_842, %parallel_loop3A_840 : vector<16xf32>
        %parallel_loop3A_844 = arith.constant 4 : i32
        %parallel_loop3A_845 = arith.index_cast %parallel_loop3A_844 : i32 to index
        %parallel_loop3A_846 = arith.index_cast %parallel_loop3A_690 : i32 to index
        %parallel_loop3A_847 = arith.constant 112 : index
        %parallel_loop3A_848 = tpu.vector_load %arg4[%parallel_loop3A_845, %parallel_loop3A_846, %parallel_loop3A_847] {strides = array<i32>} : memref<8x32x256xf32, #tpu.memory_space<vmem>>, vector<1x1x16xf32>,
        %parallel_loop3A_849 = vector.shape_cast %parallel_loop3A_848 : vector<1x1x16xf32> to vector<16xf32>
        %parallel_loop3A_850 = vector.shape_cast %parallel_loop3A_843 : vector<16xf32> to vector<1x1x16xf32>
        tpu.vector_store %arg4[%parallel_loop3A_845, %parallel_loop3A_846, %parallel_loop3A_847], %parallel_loop3A_850 {strides = array<i32>} : memref<8x32x256xf32, #tpu.memory_space<vmem>>, vector<1x1x16xf32>,
        %parallel_loop3A_851 = arith.constant 4 : i32
        %parallel_loop3A_852 = arith.index_cast %parallel_loop3A_851 : i32 to index
        %parallel_loop3A_853 = arith.index_cast %parallel_loop3A_690 : i32 to index
        %parallel_loop3A_854 = arith.constant 128 : index
        %parallel_loop3A_855 = tpu.vector_load %arg4[%parallel_loop3A_852, %parallel_loop3A_853, %parallel_loop3A_854] {strides = array<i32>} : memref<8x32x256xf32, #tpu.memory_space<vmem>>, vector<1x1x16xf32>,
        %parallel_loop3A_856 = vector.shape_cast %parallel_loop3A_855 : vector<1x1x16xf32> to vector<16xf32>
        %parallel_loop3A_857 = math.absf %parallel_loop3A_856 : vector<16xf32>
        %parallel_loop3A_858 = arith.constant 1.000000e-03 : f32
        %parallel_loop3A_859 = vector.broadcast %parallel_loop3A_858 : f32 to vector<16xf32>
        %parallel_loop3A_860 = arith.addf %parallel_loop3A_857, %parallel_loop3A_859 : vector<16xf32>
        %parallel_loop3A_861 = arith.constant 1.000000e+00 : f32
        %parallel_loop3A_862 = vector.broadcast %parallel_loop3A_861 : f32 to vector<16xf32>
        %parallel_loop3A_863 = arith.divf %parallel_loop3A_862, %parallel_loop3A_860 : vector<16xf32>
        %parallel_loop3A_864 = arith.constant 4 : i32
        %parallel_loop3A_865 = arith.index_cast %parallel_loop3A_864 : i32 to index
        %parallel_loop3A_866 = arith.index_cast %parallel_loop3A_690 : i32 to index
        %parallel_loop3A_867 = arith.constant 128 : index
        %parallel_loop3A_868 = tpu.vector_load %arg4[%parallel_loop3A_865, %parallel_loop3A_866, %parallel_loop3A_867] {strides = array<i32>} : memref<8x32x256xf32, #tpu.memory_space<vmem>>, vector<1x1x16xf32>,
        %parallel_loop3A_869 = vector.shape_cast %parallel_loop3A_868 : vector<1x1x16xf32> to vector<16xf32>
        %parallel_loop3A_870 = vector.shape_cast %parallel_loop3A_863 : vector<16xf32> to vector<1x1x16xf32>
        tpu.vector_store %arg4[%parallel_loop3A_865, %parallel_loop3A_866, %parallel_loop3A_867], %parallel_loop3A_870 {strides = array<i32>} : memref<8x32x256xf32, #tpu.memory_space<vmem>>, vector<1x1x16xf32>,
        %parallel_loop3A_871 = arith.constant 4 : i32
        %parallel_loop3A_872 = arith.index_cast %parallel_loop3A_871 : i32 to index
        %parallel_loop3A_873 = arith.index_cast %parallel_loop3A_690 : i32 to index
        %parallel_loop3A_874 = arith.constant 144 : index
        %parallel_loop3A_875 = tpu.vector_load %arg4[%parallel_loop3A_872, %parallel_loop3A_873, %parallel_loop3A_874] {strides = array<i32>} : memref<8x32x256xf32, #tpu.memory_space<vmem>>, vector<1x1x16xf32>,
        %parallel_loop3A_876 = vector.shape_cast %parallel_loop3A_875 : vector<1x1x16xf32> to vector<16xf32>
        %parallel_loop3A_877 = math.absf %parallel_loop3A_876 : vector<16xf32>
        %parallel_loop3A_878 = arith.constant 1.000000e-03 : f32
        %parallel_loop3A_879 = vector.broadcast %parallel_loop3A_878 : f32 to vector<16xf32>
        %parallel_loop3A_880 = arith.addf %parallel_loop3A_877, %parallel_loop3A_879 : vector<16xf32>
        %parallel_loop3A_881 = arith.constant 1.000000e+00 : f32
        %parallel_loop3A_882 = vector.broadcast %parallel_loop3A_881 : f32 to vector<16xf32>
        %parallel_loop3A_883 = arith.divf %parallel_loop3A_882, %parallel_loop3A_880 : vector<16xf32>
        %parallel_loop3A_884 = arith.constant 4 : i32
        %parallel_loop3A_885 = arith.index_cast %parallel_loop3A_884 : i32 to index
        %parallel_loop3A_886 = arith.index_cast %parallel_loop3A_690 : i32 to index
        %parallel_loop3A_887 = arith.constant 144 : index
        %parallel_loop3A_888 = tpu.vector_load %arg4[%parallel_loop3A_885, %parallel_loop3A_886, %parallel_loop3A_887] {strides = array<i32>} : memref<8x32x256xf32, #tpu.memory_space<vmem>>, vector<1x1x16xf32>,
        %parallel_loop3A_889 = vector.shape_cast %parallel_loop3A_888 : vector<1x1x16xf32> to vector<16xf32>
        %parallel_loop3A_890 = vector.shape_cast %parallel_loop3A_883 : vector<16xf32> to vector<1x1x16xf32>
        tpu.vector_store %arg4[%parallel_loop3A_885, %parallel_loop3A_886, %parallel_loop3A_887], %parallel_loop3A_890 {strides = array<i32>} : memref<8x32x256xf32, #tpu.memory_space<vmem>>, vector<1x1x16xf32>,
        %parallel_loop3A_891 = arith.constant 4 : i32
        %parallel_loop3A_892 = arith.index_cast %parallel_loop3A_891 : i32 to index
        %parallel_loop3A_893 = arith.index_cast %parallel_loop3A_690 : i32 to index
        %parallel_loop3A_894 = arith.constant 160 : index
        %parallel_loop3A_895 = tpu.vector_load %arg4[%parallel_loop3A_892, %parallel_loop3A_893, %parallel_loop3A_894] {strides = array<i32>} : memref<8x32x256xf32, #tpu.memory_space<vmem>>, vector<1x1x16xf32>,
        %parallel_loop3A_896 = vector.shape_cast %parallel_loop3A_895 : vector<1x1x16xf32> to vector<16xf32>
        %parallel_loop3A_897 = math.absf %parallel_loop3A_896 : vector<16xf32>
        %parallel_loop3A_898 = arith.constant 1.000000e-03 : f32
        %parallel_loop3A_899 = vector.broadcast %parallel_loop3A_898 : f32 to vector<16xf32>
        %parallel_loop3A_900 = arith.addf %parallel_loop3A_897, %parallel_loop3A_899 : vector<16xf32>
        %parallel_loop3A_901 = arith.constant 1.000000e+00 : f32
        %parallel_loop3A_902 = vector.broadcast %parallel_loop3A_901 : f32 to vector<16xf32>
        %parallel_loop3A_903 = arith.divf %parallel_loop3A_902, %parallel_loop3A_900 : vector<16xf32>
        %parallel_loop3A_904 = arith.constant 4 : i32
        %parallel_loop3A_905 = arith.index_cast %parallel_loop3A_904 : i32 to index
        %parallel_loop3A_906 = arith.index_cast %parallel_loop3A_690 : i32 to index
        %parallel_loop3A_907 = arith.constant 160 : index
        %parallel_loop3A_908 = tpu.vector_load %arg4[%parallel_loop3A_905, %parallel_loop3A_906, %parallel_loop3A_907] {strides = array<i32>} : memref<8x32x256xf32, #tpu.memory_space<vmem>>, vector<1x1x16xf32>,
        %parallel_loop3A_909 = vector.shape_cast %parallel_loop3A_908 : vector<1x1x16xf32> to vector<16xf32>
        %parallel_loop3A_910 = vector.shape_cast %parallel_loop3A_903 : vector<16xf32> to vector<1x1x16xf32>
        tpu.vector_store %arg4[%parallel_loop3A_905, %parallel_loop3A_906, %parallel_loop3A_907], %parallel_loop3A_910 {strides = array<i32>} : memref<8x32x256xf32, #tpu.memory_space<vmem>>, vector<1x1x16xf32>,
        %parallel_loop3A_911 = arith.constant 4 : i32
        %parallel_loop3A_912 = arith.index_cast %parallel_loop3A_911 : i32 to index
        %parallel_loop3A_913 = arith.index_cast %parallel_loop3A_690 : i32 to index
        %parallel_loop3A_914 = arith.constant 176 : index
        %parallel_loop3A_915 = tpu.vector_load %arg4[%parallel_loop3A_912, %parallel_loop3A_913, %parallel_loop3A_914] {strides = array<i32>} : memref<8x32x256xf32, #tpu.memory_space<vmem>>, vector<1x1x16xf32>,
        %parallel_loop3A_916 = vector.shape_cast %parallel_loop3A_915 : vector<1x1x16xf32> to vector<16xf32>
        %parallel_loop3A_917 = math.absf %parallel_loop3A_916 : vector<16xf32>
        %parallel_loop3A_918 = arith.constant 1.000000e-03 : f32
        %parallel_loop3A_919 = vector.broadcast %parallel_loop3A_918 : f32 to vector<16xf32>
        %parallel_loop3A_920 = arith.addf %parallel_loop3A_917, %parallel_loop3A_919 : vector<16xf32>
        %parallel_loop3A_921 = arith.constant 1.000000e+00 : f32
        %parallel_loop3A_922 = vector.broadcast %parallel_loop3A_921 : f32 to vector<16xf32>
        %parallel_loop3A_923 = arith.divf %parallel_loop3A_922, %parallel_loop3A_920 : vector<16xf32>
        %parallel_loop3A_924 = arith.constant 4 : i32
        %parallel_loop3A_925 = arith.index_cast %parallel_loop3A_924 : i32 to index
        %parallel_loop3A_926 = arith.index_cast %parallel_loop3A_690 : i32 to index
        %parallel_loop3A_927 = arith.constant 176 : index
        %parallel_loop3A_928 = tpu.vector_load %arg4[%parallel_loop3A_925, %parallel_loop3A_926, %parallel_loop3A_927] {strides = array<i32>} : memref<8x32x256xf32, #tpu.memory_space<vmem>>, vector<1x1x16xf32>,
        %parallel_loop3A_929 = vector.shape_cast %parallel_loop3A_928 : vector<1x1x16xf32> to vector<16xf32>
        %parallel_loop3A_930 = vector.shape_cast %parallel_loop3A_923 : vector<16xf32> to vector<1x1x16xf32>
        tpu.vector_store %arg4[%parallel_loop3A_925, %parallel_loop3A_926, %parallel_loop3A_927], %parallel_loop3A_930 {strides = array<i32>} : memref<8x32x256xf32, #tpu.memory_space<vmem>>, vector<1x1x16xf32>,
        %parallel_loop3A_931 = arith.constant 4 : i32
        %parallel_loop3A_932 = arith.index_cast %parallel_loop3A_931 : i32 to index
        %parallel_loop3A_933 = arith.index_cast %parallel_loop3A_690 : i32 to index
        %parallel_loop3A_934 = arith.constant 192 : index
        %parallel_loop3A_935 = tpu.vector_load %arg4[%parallel_loop3A_932, %parallel_loop3A_933, %parallel_loop3A_934] {strides = array<i32>} : memref<8x32x256xf32, #tpu.memory_space<vmem>>, vector<1x1x16xf32>,
        %parallel_loop3A_936 = vector.shape_cast %parallel_loop3A_935 : vector<1x1x16xf32> to vector<16xf32>
        %parallel_loop3A_937 = math.absf %parallel_loop3A_936 : vector<16xf32>
        %parallel_loop3A_938 = arith.constant 1.000000e-03 : f32
        %parallel_loop3A_939 = vector.broadcast %parallel_loop3A_938 : f32 to vector<16xf32>
        %parallel_loop3A_940 = arith.addf %parallel_loop3A_937, %parallel_loop3A_939 : vector<16xf32>
        %parallel_loop3A_941 = arith.constant 1.000000e+00 : f32
        %parallel_loop3A_942 = vector.broadcast %parallel_loop3A_941 : f32 to vector<16xf32>
        %parallel_loop3A_943 = arith.divf %parallel_loop3A_942, %parallel_loop3A_940 : vector<16xf32>
        %parallel_loop3A_944 = arith.constant 4 : i32
        %parallel_loop3A_945 = arith.index_cast %parallel_loop3A_944 : i32 to index
        %parallel_loop3A_946 = arith.index_cast %parallel_loop3A_690 : i32 to index
        %parallel_loop3A_947 = arith.constant 192 : index
        %parallel_loop3A_948 = tpu.vector_load %arg4[%parallel_loop3A_945, %parallel_loop3A_946, %parallel_loop3A_947] {strides = array<i32>} : memref<8x32x256xf32, #tpu.memory_space<vmem>>, vector<1x1x16xf32>,
        %parallel_loop3A_949 = vector.shape_cast %parallel_loop3A_948 : vector<1x1x16xf32> to vector<16xf32>
        %parallel_loop3A_950 = vector.shape_cast %parallel_loop3A_943 : vector<16xf32> to vector<1x1x16xf32>
        tpu.vector_store %arg4[%parallel_loop3A_945, %parallel_loop3A_946, %parallel_loop3A_947], %parallel_loop3A_950 {strides = array<i32>} : memref<8x32x256xf32, #tpu.memory_space<vmem>>, vector<1x1x16xf32>,
        %parallel_loop3A_951 = arith.constant 4 : i32
        %parallel_loop3A_952 = arith.index_cast %parallel_loop3A_951 : i32 to index
        %parallel_loop3A_953 = arith.index_cast %parallel_loop3A_690 : i32 to index
        %parallel_loop3A_954 = arith.constant 208 : index
        %parallel_loop3A_955 = tpu.vector_load %arg4[%parallel_loop3A_952, %parallel_loop3A_953, %parallel_loop3A_954] {strides = array<i32>} : memref<8x32x256xf32, #tpu.memory_space<vmem>>, vector<1x1x16xf32>,
        %parallel_loop3A_956 = vector.shape_cast %parallel_loop3A_955 : vector<1x1x16xf32> to vector<16xf32>
        %parallel_loop3A_957 = math.absf %parallel_loop3A_956 : vector<16xf32>
        %parallel_loop3A_958 = arith.constant 1.000000e-03 : f32
        %parallel_loop3A_959 = vector.broadcast %parallel_loop3A_958 : f32 to vector<16xf32>
        %parallel_loop3A_960 = arith.addf %parallel_loop3A_957, %parallel_loop3A_959 : vector<16xf32>
        %parallel_loop3A_961 = arith.constant 1.000000e+00 : f32
        %parallel_loop3A_962 = vector.broadcast %parallel_loop3A_961 : f32 to vector<16xf32>
        %parallel_loop3A_963 = arith.divf %parallel_loop3A_962, %parallel_loop3A_960 : vector<16xf32>
        %parallel_loop3A_964 = arith.constant 4 : i32
        %parallel_loop3A_965 = arith.index_cast %parallel_loop3A_964 : i32 to index
        %parallel_loop3A_966 = arith.index_cast %parallel_loop3A_690 : i32 to index
        %parallel_loop3A_967 = arith.constant 208 : index
        %parallel_loop3A_968 = tpu.vector_load %arg4[%parallel_loop3A_965, %parallel_loop3A_966, %parallel_loop3A_967] {strides = array<i32>} : memref<8x32x256xf32, #tpu.memory_space<vmem>>, vector<1x1x16xf32>,
        %parallel_loop3A_969 = vector.shape_cast %parallel_loop3A_968 : vector<1x1x16xf32> to vector<16xf32>
        %parallel_loop3A_970 = vector.shape_cast %parallel_loop3A_963 : vector<16xf32> to vector<1x1x16xf32>
        tpu.vector_store %arg4[%parallel_loop3A_965, %parallel_loop3A_966, %parallel_loop3A_967], %parallel_loop3A_970 {strides = array<i32>} : memref<8x32x256xf32, #tpu.memory_space<vmem>>, vector<1x1x16xf32>,
        %parallel_loop3A_971 = arith.constant 4 : i32
        %parallel_loop3A_972 = arith.index_cast %parallel_loop3A_971 : i32 to index
        %parallel_loop3A_973 = arith.index_cast %parallel_loop3A_690 : i32 to index
        %parallel_loop3A_974 = arith.constant 224 : index
        %parallel_loop3A_975 = tpu.vector_load %arg4[%parallel_loop3A_972, %parallel_loop3A_973, %parallel_loop3A_974] {strides = array<i32>} : memref<8x32x256xf32, #tpu.memory_space<vmem>>, vector<1x1x16xf32>,
        %parallel_loop3A_976 = vector.shape_cast %parallel_loop3A_975 : vector<1x1x16xf32> to vector<16xf32>
        %parallel_loop3A_977 = math.absf %parallel_loop3A_976 : vector<16xf32>
        %parallel_loop3A_978 = arith.constant 1.000000e-03 : f32
        %parallel_loop3A_979 = vector.broadcast %parallel_loop3A_978 : f32 to vector<16xf32>
        %parallel_loop3A_980 = arith.addf %parallel_loop3A_977, %parallel_loop3A_979 : vector<16xf32>
        %parallel_loop3A_981 = arith.constant 1.000000e+00 : f32
        %parallel_loop3A_982 = vector.broadcast %parallel_loop3A_981 : f32 to vector<16xf32>
        %parallel_loop3A_983 = arith.divf %parallel_loop3A_982, %parallel_loop3A_980 : vector<16xf32>
        %parallel_loop3A_984 = arith.constant 4 : i32
        %parallel_loop3A_985 = arith.index_cast %parallel_loop3A_984 : i32 to index
        %parallel_loop3A_986 = arith.index_cast %parallel_loop3A_690 : i32 to index
        %parallel_loop3A_987 = arith.constant 224 : index
        %parallel_loop3A_988 = tpu.vector_load %arg4[%parallel_loop3A_985, %parallel_loop3A_986, %parallel_loop3A_987] {strides = array<i32>} : memref<8x32x256xf32, #tpu.memory_space<vmem>>, vector<1x1x16xf32>,
        %parallel_loop3A_989 = vector.shape_cast %parallel_loop3A_988 : vector<1x1x16xf32> to vector<16xf32>
        %parallel_loop3A_990 = vector.shape_cast %parallel_loop3A_983 : vector<16xf32> to vector<1x1x16xf32>
        tpu.vector_store %arg4[%parallel_loop3A_985, %parallel_loop3A_986, %parallel_loop3A_987], %parallel_loop3A_990 {strides = array<i32>} : memref<8x32x256xf32, #tpu.memory_space<vmem>>, vector<1x1x16xf32>,
        %parallel_loop3A_991 = arith.constant 4 : i32
        %parallel_loop3A_992 = arith.index_cast %parallel_loop3A_991 : i32 to index
        %parallel_loop3A_993 = arith.index_cast %parallel_loop3A_690 : i32 to index
        %parallel_loop3A_994 = arith.constant 240 : index
        %parallel_loop3A_995 = tpu.vector_load %arg4[%parallel_loop3A_992, %parallel_loop3A_993, %parallel_loop3A_994] {strides = array<i32>} : memref<8x32x256xf32, #tpu.memory_space<vmem>>, vector<1x1x16xf32>,
        %parallel_loop3A_996 = vector.shape_cast %parallel_loop3A_995 : vector<1x1x16xf32> to vector<16xf32>
        %parallel_loop3A_997 = math.absf %parallel_loop3A_996 : vector<16xf32>
        %parallel_loop3A_998 = arith.constant 1.000000e-03 : f32
        %parallel_loop3A_999 = vector.broadcast %parallel_loop3A_998 : f32 to vector<16xf32>
        %parallel_loop3A_1000 = arith.addf %parallel_loop3A_997, %parallel_loop3A_999 : vector<16xf32>
        %parallel_loop3A_1001 = arith.constant 1.000000e+00 : f32
        %parallel_loop3A_1002 = vector.broadcast %parallel_loop3A_1001 : f32 to vector<16xf32>
        %parallel_loop3A_1003 = arith.divf %parallel_loop3A_1002, %parallel_loop3A_1000 : vector<16xf32>
        %parallel_loop3A_1004 = arith.constant 4 : i32
        %parallel_loop3A_1005 = arith.index_cast %parallel_loop3A_1004 : i32 to index
        %parallel_loop3A_1006 = arith.index_cast %parallel_loop3A_690 : i32 to index
        %parallel_loop3A_1007 = arith.constant 240 : index
        %parallel_loop3A_1008 = tpu.vector_load %arg4[%parallel_loop3A_1005, %parallel_loop3A_1006, %parallel_loop3A_1007] {strides = array<i32>} : memref<8x32x256xf32, #tpu.memory_space<vmem>>, vector<1x1x16xf32>,
        %parallel_loop3A_1009 = vector.shape_cast %parallel_loop3A_1008 : vector<1x1x16xf32> to vector<16xf32>
        %parallel_loop3A_1010 = vector.shape_cast %parallel_loop3A_1003 : vector<16xf32> to vector<1x1x16xf32>
        tpu.vector_store %arg4[%parallel_loop3A_1005, %parallel_loop3A_1006, %parallel_loop3A_1007], %parallel_loop3A_1010 {strides = array<i32>} : memref<8x32x256xf32, #tpu.memory_space<vmem>>, vector<1x1x16xf32>,
      } {sc.loop_unroll_factor = 2 : i64, sc.parallel_access}
      %mul3A_506 = arith.constant 32 : i32
      %mul3A_507 = arith.muli %add3A_483, %mul3A_506 : i32
      %add3A_508 = arith.addi %mul3A_2, %mul3A_507 : i32
      %dma_start3A_509 = arith.constant 4 : i32
      %dma_start3A_510 = arith.constant 4 : i32
      %dma_start3A_511 = arith.constant 0 : i32
      %dma_start3A_512 = arith.constant 0 : i32
      %dma_start3A_513 = tpu.memref_slice %arg4[%dma_start3A_509, %dma_start3A_511, %dma_start3A_512] : memref<8x32x256xf32, #tpu.memory_space<vmem>> -> memref<1x32x256xf32, #tpu.memory_space<vmem>>
      %dma_start3A_514 = tpu.memref_squeeze %dma_start3A_513 : memref<1x32x256xf32, #tpu.memory_space<vmem>> -> memref<32x256xf32, #tpu.memory_space<vmem>>
      %dma_start3A_515 = arith.constant 0 : i32
      %dma_start3A_516 = tpu.memref_slice %arg3[%add3A_508, %dma_start3A_515] : memref<262144x256xf32, #tpu.memory_space<hbm>> -> memref<32x256xf32, #tpu.memory_space<hbm>>
      %dma_start3A_517 = tpu.memref_slice %arg6[%dma_start3A_510] : memref<8x!tpu.dma_semaphore, #tpu.memory_space<semaphore_mem>> -> memref<1x!tpu.dma_semaphore, #tpu.memory_space<semaphore_mem>>
      %dma_start3A_518 = tpu.memref_squeeze %dma_start3A_517 : memref<1x!tpu.dma_semaphore, #tpu.memory_space<semaphore_mem>> -> memref<!tpu.dma_semaphore, #tpu.memory_space<semaphore_mem>>
      %dma_start3A_519 = arith.constant 0 : i32
      %dma_start3A_520 = tpu.memref_slice %arg3[%add3A_508, %dma_start3A_519] : memref<262144x256xf32, #tpu.memory_space<hbm>> -> memref<32x256xf32, #tpu.memory_space<hbm>>
      %dma_start3A_521 = arith.constant 0 : i32
      %dma_start3A_522 = arith.constant 0 : i32
      %dma_start3A_523 = tpu.memref_slice %arg4[%dma_start3A_509, %dma_start3A_521, %dma_start3A_522] : memref<8x32x256xf32, #tpu.memory_space<vmem>> -> memref<1x32x256xf32, #tpu.memory_space<vmem>>
      %dma_start3A_524 = tpu.memref_squeeze %dma_start3A_523 : memref<1x32x256xf32, #tpu.memory_space<vmem>> -> memref<32x256xf32, #tpu.memory_space<vmem>>
      tpu.enqueue_dma source(%dma_start3A_524 : memref<32x256xf32, #tpu.memory_space<vmem>>) target(%dma_start3A_520 : memref<32x256xf32, #tpu.memory_space<hbm>>) target_semaphore(%dma_start3A_518 : memref<!tpu.dma_semaphore, #tpu.memory_space<semaphore_mem>>)
      %add3A_525 = arith.constant 8 : i32
      %add3A_526 = arith.addi %add3A_483, %add3A_525 : i32
      %sub3A_527 = arith.constant 1 : i32
      %sub3A_528 = arith.subi %add3A_526, %sub3A_527 : i32
      %lt3A_529 = arith.constant 256 : i32
      %lt3A_530 = arith.cmpi slt, %sub3A_528, %lt3A_529 : i32
      %convert_element_type3A_531 = arith.extui %lt3A_530 : i1 to i32
      %cond3A_532 = arith.constant 0 : i32
      %cond3A_533 = arith.cmpi ne, %convert_element_type3A_531, %cond3A_532 : i32
      scf.if %cond3A_533 {
        %ge3A = arith.constant 1 : i32
        %ge3A_690 = arith.cmpi sge, %add3A_483, %ge3A : i32
        %convert_element_type3A_691 = arith.extui %ge3A_690 : i1 to i32
        %cond3A_692 = arith.constant 0 : i32
        %cond3A_693 = arith.cmpi ne, %convert_element_type3A_691, %cond3A_692 : i32
        scf.if %cond3A_693 {
          %sub3A_717 = arith.constant 1 : i32
          %sub3A_718 = arith.subi %add3A_483, %sub3A_717 : i32
          %mul3A_719 = arith.constant 32 : i32
          %mul3A_720 = arith.muli %sub3A_718, %mul3A_719 : i32
          %add3A_721 = arith.addi %mul3A_2, %mul3A_720 : i32
          %dma_wait3A_722 = arith.constant 3 : i32
          %dma_wait3A_723 = arith.constant 3 : i32
          %dma_wait3A_724 = arith.constant 0 : i32
          %dma_wait3A_725 = arith.constant 0 : i32
          %dma_wait3A_726 = tpu.memref_slice %arg4[%dma_wait3A_722, %dma_wait3A_724, %dma_wait3A_725] : memref<8x32x256xf32, #tpu.memory_space<vmem>> -> memref<1x32x256xf32, #tpu.memory_space<vmem>>
          %dma_wait3A_727 = tpu.memref_squeeze %dma_wait3A_726 : memref<1x32x256xf32, #tpu.memory_space<vmem>> -> memref<32x256xf32, #tpu.memory_space<vmem>>
          %dma_wait3A_728 = arith.constant 0 : i32
          %dma_wait3A_729 = tpu.memref_slice %arg3[%add3A_721, %dma_wait3A_728] : memref<262144x256xf32, #tpu.memory_space<hbm>> -> memref<32x256xf32, #tpu.memory_space<hbm>>
          %dma_wait3A_730 = tpu.memref_slice %arg6[%dma_wait3A_723] : memref<8x!tpu.dma_semaphore, #tpu.memory_space<semaphore_mem>> -> memref<1x!tpu.dma_semaphore, #tpu.memory_space<semaphore_mem>>
          %dma_wait3A_731 = tpu.memref_squeeze %dma_wait3A_730 : memref<1x!tpu.dma_semaphore, #tpu.memory_space<semaphore_mem>> -> memref<!tpu.dma_semaphore, #tpu.memory_space<semaphore_mem>>
          %dma_wait3A_732 = arith.constant 0 : i32
          %dma_wait3A_733 = tpu.memref_slice %arg3[%add3A_721, %dma_wait3A_732] : memref<262144x256xf32, #tpu.memory_space<hbm>> -> memref<32x256xf32, #tpu.memory_space<hbm>>
          %dma_wait3A_734 = arith.constant 0 : i32
          %dma_wait3A_735 = arith.constant 0 : i32
          %dma_wait3A_736 = tpu.memref_slice %arg4[%dma_wait3A_722, %dma_wait3A_734, %dma_wait3A_735] : memref<8x32x256xf32, #tpu.memory_space<vmem>> -> memref<1x32x256xf32, #tpu.memory_space<vmem>>
          %dma_wait3A_737 = tpu.memref_squeeze %dma_wait3A_736 : memref<1x32x256xf32, #tpu.memory_space<vmem>> -> memref<32x256xf32, #tpu.memory_space<vmem>>
          tpu.wait_dma2 semaphore(%dma_wait3A_731 : memref<!tpu.dma_semaphore, #tpu.memory_space<semaphore_mem>>) src(%dma_wait3A_737 : memref<32x256xf32, #tpu.memory_space<vmem>>) dst(%dma_wait3A_733 : memref<32x256xf32, #tpu.memory_space<hbm>>)
        } else {
        }
        %add3A_694 = arith.constant 8 : i32
        %add3A_695 = arith.addi %add3A_483, %add3A_694 : i32
        %sub3A_696 = arith.constant 1 : i32
        %sub3A_697 = arith.subi %add3A_695, %sub3A_696 : i32
        %mul3A_698 = arith.constant 32 : i32
        %mul3A_699 = arith.muli %sub3A_697, %mul3A_698 : i32
        %add3A_700 = arith.addi %mul3A_2, %mul3A_699 : i32
        %dma_start3A_701 = arith.constant 3 : i32
        %dma_start3A_702 = arith.constant 3 : i32
        %dma_start3A_703 = arith.constant 0 : i32
        %dma_start3A_704 = arith.constant 0 : i32
        %dma_start3A_705 = tpu.memref_slice %arg4[%dma_start3A_701, %dma_start3A_703, %dma_start3A_704] : memref<8x32x256xf32, #tpu.memory_space<vmem>> -> memref<1x32x256xf32, #tpu.memory_space<vmem>>
        %dma_start3A_706 = tpu.memref_squeeze %dma_start3A_705 : memref<1x32x256xf32, #tpu.memory_space<vmem>> -> memref<32x256xf32, #tpu.memory_space<vmem>>
        %dma_start3A_707 = arith.constant 0 : i32
        %dma_start3A_708 = tpu.memref_slice %arg2[%add3A_700, %dma_start3A_707] : memref<262144x256xf32, #tpu.memory_space<hbm>> -> memref<32x256xf32, #tpu.memory_space<hbm>>
        %dma_start3A_709 = tpu.memref_slice %arg5[%dma_start3A_702] : memref<8x!tpu.dma_semaphore, #tpu.memory_space<semaphore_mem>> -> memref<1x!tpu.dma_semaphore, #tpu.memory_space<semaphore_mem>>
        %dma_start3A_710 = tpu.memref_squeeze %dma_start3A_709 : memref<1x!tpu.dma_semaphore, #tpu.memory_space<semaphore_mem>> -> memref<!tpu.dma_semaphore, #tpu.memory_space<semaphore_mem>>
        %dma_start3A_711 = arith.constant 0 : i32
        %dma_start3A_712 = arith.constant 0 : i32
        %dma_start3A_713 = tpu.memref_slice %arg4[%dma_start3A_701, %dma_start3A_711, %dma_start3A_712] : memref<8x32x256xf32, #tpu.memory_space<vmem>> -> memref<1x32x256xf32, #tpu.memory_space<vmem>>
        %dma_start3A_714 = tpu.memref_squeeze %dma_start3A_713 : memref<1x32x256xf32, #tpu.memory_space<vmem>> -> memref<32x256xf32, #tpu.memory_space<vmem>>
        %dma_start3A_715 = arith.constant 0 : i32
        %dma_start3A_716 = tpu.memref_slice %arg2[%add3A_700, %dma_start3A_715] : memref<262144x256xf32, #tpu.memory_space<hbm>> -> memref<32x256xf32, #tpu.memory_space<hbm>>
        tpu.enqueue_dma source(%dma_start3A_716 : memref<32x256xf32, #tpu.memory_space<hbm>>) target(%dma_start3A_714 : memref<32x256xf32, #tpu.memory_space<vmem>>) target_semaphore(%dma_start3A_710 : memref<!tpu.dma_semaphore, #tpu.memory_space<semaphore_mem>>)
      } else {
      }
      %add3A_534 = arith.constant 5 : i32
      %add3A_535 = arith.addi %mul3A_278, %add3A_534 : i32
      %mul3A_536 = arith.constant 32 : i32
      %mul3A_537 = arith.muli %add3A_535, %mul3A_536 : i32
      %add3A_538 = arith.addi %mul3A_2, %mul3A_537 : i32
      %dma_wait3A_539 = arith.constant 5 : i32
      %dma_wait3A_540 = arith.constant 5 : i32
      %dma_wait3A_541 = arith.constant 0 : i32
      %dma_wait3A_542 = arith.constant 0 : i32
      %dma_wait3A_543 = tpu.memref_slice %arg4[%dma_wait3A_539, %dma_wait3A_541, %dma_wait3A_542] : memref<8x32x256xf32, #tpu.memory_space<vmem>> -> memref<1x32x256xf32, #tpu.memory_space<vmem>>
      %dma_wait3A_544 = tpu.memref_squeeze %dma_wait3A_543 : memref<1x32x256xf32, #tpu.memory_space<vmem>> -> memref<32x256xf32, #tpu.memory_space<vmem>>
      %dma_wait3A_545 = arith.constant 0 : i32
      %dma_wait3A_546 = tpu.memref_slice %arg2[%add3A_538, %dma_wait3A_545] : memref<262144x256xf32, #tpu.memory_space<hbm>> -> memref<32x256xf32, #tpu.memory_space<hbm>>
      %dma_wait3A_547 = tpu.memref_slice %arg5[%dma_wait3A_540] : memref<8x!tpu.dma_semaphore, #tpu.memory_space<semaphore_mem>> -> memref<1x!tpu.dma_semaphore, #tpu.memory_space<semaphore_mem>>
      %dma_wait3A_548 = tpu.memref_squeeze %dma_wait3A_547 : memref<1x!tpu.dma_semaphore, #tpu.memory_space<semaphore_mem>> -> memref<!tpu.dma_semaphore, #tpu.memory_space<semaphore_mem>>
      %dma_wait3A_549 = arith.constant 0 : i32
      %dma_wait3A_550 = arith.constant 0 : i32
      %dma_wait3A_551 = tpu.memref_slice %arg4[%dma_wait3A_539, %dma_wait3A_549, %dma_wait3A_550] : memref<8x32x256xf32, #tpu.memory_space<vmem>> -> memref<1x32x256xf32, #tpu.memory_space<vmem>>
      %dma_wait3A_552 = tpu.memref_squeeze %dma_wait3A_551 : memref<1x32x256xf32, #tpu.memory_space<vmem>> -> memref<32x256xf32, #tpu.memory_space<vmem>>
      %dma_wait3A_553 = arith.constant 0 : i32
      %dma_wait3A_554 = tpu.memref_slice %arg2[%add3A_538, %dma_wait3A_553] : memref<262144x256xf32, #tpu.memory_space<hbm>> -> memref<32x256xf32, #tpu.memory_space<hbm>>
      tpu.wait_dma2 semaphore(%dma_wait3A_548 : memref<!tpu.dma_semaphore, #tpu.memory_space<semaphore_mem>>) src(%dma_wait3A_554 : memref<32x256xf32, #tpu.memory_space<hbm>>) dst(%dma_wait3A_552 : memref<32x256xf32, #tpu.memory_space<vmem>>)
      %parallel_loop3A_555 = arith.constant 0 : i32
      %parallel_loop3A_556 = arith.constant 32 : i32
      %parallel_loop3A_557 = arith.constant 1 : i32
      scf.for %parallel_loop3A_690 = %parallel_loop3A_555 to %parallel_loop3A_556 step %parallel_loop3A_557  : i32 {
        %parallel_loop3A_691 = arith.constant 5 : i32
        %parallel_loop3A_692 = arith.index_cast %parallel_loop3A_691 : i32 to index
        %parallel_loop3A_693 = arith.index_cast %parallel_loop3A_690 : i32 to index
        %parallel_loop3A_694 = arith.constant 0 : index
        %parallel_loop3A_695 = tpu.vector_load %arg4[%parallel_loop3A_692, %parallel_loop3A_693, %parallel_loop3A_694] {strides = array<i32>} : memref<8x32x256xf32, #tpu.memory_space<vmem>>, vector<1x1x16xf32>,
        %parallel_loop3A_696 = vector.shape_cast %parallel_loop3A_695 : vector<1x1x16xf32> to vector<16xf32>
        %parallel_loop3A_697 = math.absf %parallel_loop3A_696 : vector<16xf32>
        %parallel_loop3A_698 = arith.constant 1.000000e-03 : f32
        %parallel_loop3A_699 = vector.broadcast %parallel_loop3A_698 : f32 to vector<16xf32>
        %parallel_loop3A_700 = arith.addf %parallel_loop3A_697, %parallel_loop3A_699 : vector<16xf32>
        %parallel_loop3A_701 = arith.constant 1.000000e+00 : f32
        %parallel_loop3A_702 = vector.broadcast %parallel_loop3A_701 : f32 to vector<16xf32>
        %parallel_loop3A_703 = arith.divf %parallel_loop3A_702, %parallel_loop3A_700 : vector<16xf32>
        %parallel_loop3A_704 = arith.constant 5 : i32
        %parallel_loop3A_705 = arith.index_cast %parallel_loop3A_704 : i32 to index
        %parallel_loop3A_706 = arith.index_cast %parallel_loop3A_690 : i32 to index
        %parallel_loop3A_707 = arith.constant 0 : index
        %parallel_loop3A_708 = tpu.vector_load %arg4[%parallel_loop3A_705, %parallel_loop3A_706, %parallel_loop3A_707] {strides = array<i32>} : memref<8x32x256xf32, #tpu.memory_space<vmem>>, vector<1x1x16xf32>,
        %parallel_loop3A_709 = vector.shape_cast %parallel_loop3A_708 : vector<1x1x16xf32> to vector<16xf32>
        %parallel_loop3A_710 = vector.shape_cast %parallel_loop3A_703 : vector<16xf32> to vector<1x1x16xf32>
        tpu.vector_store %arg4[%parallel_loop3A_705, %parallel_loop3A_706, %parallel_loop3A_707], %parallel_loop3A_710 {strides = array<i32>} : memref<8x32x256xf32, #tpu.memory_space<vmem>>, vector<1x1x16xf32>,
        %parallel_loop3A_711 = arith.constant 5 : i32
        %parallel_loop3A_712 = arith.index_cast %parallel_loop3A_711 : i32 to index
        %parallel_loop3A_713 = arith.index_cast %parallel_loop3A_690 : i32 to index
        %parallel_loop3A_714 = arith.constant 16 : index
        %parallel_loop3A_715 = tpu.vector_load %arg4[%parallel_loop3A_712, %parallel_loop3A_713, %parallel_loop3A_714] {strides = array<i32>} : memref<8x32x256xf32, #tpu.memory_space<vmem>>, vector<1x1x16xf32>,
        %parallel_loop3A_716 = vector.shape_cast %parallel_loop3A_715 : vector<1x1x16xf32> to vector<16xf32>
        %parallel_loop3A_717 = math.absf %parallel_loop3A_716 : vector<16xf32>
        %parallel_loop3A_718 = arith.constant 1.000000e-03 : f32
        %parallel_loop3A_719 = vector.broadcast %parallel_loop3A_718 : f32 to vector<16xf32>
        %parallel_loop3A_720 = arith.addf %parallel_loop3A_717, %parallel_loop3A_719 : vector<16xf32>
        %parallel_loop3A_721 = arith.constant 1.000000e+00 : f32
        %parallel_loop3A_722 = vector.broadcast %parallel_loop3A_721 : f32 to vector<16xf32>
        %parallel_loop3A_723 = arith.divf %parallel_loop3A_722, %parallel_loop3A_720 : vector<16xf32>
        %parallel_loop3A_724 = arith.constant 5 : i32
        %parallel_loop3A_725 = arith.index_cast %parallel_loop3A_724 : i32 to index
        %parallel_loop3A_726 = arith.index_cast %parallel_loop3A_690 : i32 to index
        %parallel_loop3A_727 = arith.constant 16 : index
        %parallel_loop3A_728 = tpu.vector_load %arg4[%parallel_loop3A_725, %parallel_loop3A_726, %parallel_loop3A_727] {strides = array<i32>} : memref<8x32x256xf32, #tpu.memory_space<vmem>>, vector<1x1x16xf32>,
        %parallel_loop3A_729 = vector.shape_cast %parallel_loop3A_728 : vector<1x1x16xf32> to vector<16xf32>
        %parallel_loop3A_730 = vector.shape_cast %parallel_loop3A_723 : vector<16xf32> to vector<1x1x16xf32>
        tpu.vector_store %arg4[%parallel_loop3A_725, %parallel_loop3A_726, %parallel_loop3A_727], %parallel_loop3A_730 {strides = array<i32>} : memref<8x32x256xf32, #tpu.memory_space<vmem>>, vector<1x1x16xf32>,
        %parallel_loop3A_731 = arith.constant 5 : i32
        %parallel_loop3A_732 = arith.index_cast %parallel_loop3A_731 : i32 to index
        %parallel_loop3A_733 = arith.index_cast %parallel_loop3A_690 : i32 to index
        %parallel_loop3A_734 = arith.constant 32 : index
        %parallel_loop3A_735 = tpu.vector_load %arg4[%parallel_loop3A_732, %parallel_loop3A_733, %parallel_loop3A_734] {strides = array<i32>} : memref<8x32x256xf32, #tpu.memory_space<vmem>>, vector<1x1x16xf32>,
        %parallel_loop3A_736 = vector.shape_cast %parallel_loop3A_735 : vector<1x1x16xf32> to vector<16xf32>
        %parallel_loop3A_737 = math.absf %parallel_loop3A_736 : vector<16xf32>
        %parallel_loop3A_738 = arith.constant 1.000000e-03 : f32
        %parallel_loop3A_739 = vector.broadcast %parallel_loop3A_738 : f32 to vector<16xf32>
        %parallel_loop3A_740 = arith.addf %parallel_loop3A_737, %parallel_loop3A_739 : vector<16xf32>
        %parallel_loop3A_741 = arith.constant 1.000000e+00 : f32
        %parallel_loop3A_742 = vector.broadcast %parallel_loop3A_741 : f32 to vector<16xf32>
        %parallel_loop3A_743 = arith.divf %parallel_loop3A_742, %parallel_loop3A_740 : vector<16xf32>
        %parallel_loop3A_744 = arith.constant 5 : i32
        %parallel_loop3A_745 = arith.index_cast %parallel_loop3A_744 : i32 to index
        %parallel_loop3A_746 = arith.index_cast %parallel_loop3A_690 : i32 to index
        %parallel_loop3A_747 = arith.constant 32 : index
        %parallel_loop3A_748 = tpu.vector_load %arg4[%parallel_loop3A_745, %parallel_loop3A_746, %parallel_loop3A_747] {strides = array<i32>} : memref<8x32x256xf32, #tpu.memory_space<vmem>>, vector<1x1x16xf32>,
        %parallel_loop3A_749 = vector.shape_cast %parallel_loop3A_748 : vector<1x1x16xf32> to vector<16xf32>
        %parallel_loop3A_750 = vector.shape_cast %parallel_loop3A_743 : vector<16xf32> to vector<1x1x16xf32>
        tpu.vector_store %arg4[%parallel_loop3A_745, %parallel_loop3A_746, %parallel_loop3A_747], %parallel_loop3A_750 {strides = array<i32>} : memref<8x32x256xf32, #tpu.memory_space<vmem>>, vector<1x1x16xf32>,
        %parallel_loop3A_751 = arith.constant 5 : i32
        %parallel_loop3A_752 = arith.index_cast %parallel_loop3A_751 : i32 to index
        %parallel_loop3A_753 = arith.index_cast %parallel_loop3A_690 : i32 to index
        %parallel_loop3A_754 = arith.constant 48 : index
        %parallel_loop3A_755 = tpu.vector_load %arg4[%parallel_loop3A_752, %parallel_loop3A_753, %parallel_loop3A_754] {strides = array<i32>} : memref<8x32x256xf32, #tpu.memory_space<vmem>>, vector<1x1x16xf32>,
        %parallel_loop3A_756 = vector.shape_cast %parallel_loop3A_755 : vector<1x1x16xf32> to vector<16xf32>
        %parallel_loop3A_757 = math.absf %parallel_loop3A_756 : vector<16xf32>
        %parallel_loop3A_758 = arith.constant 1.000000e-03 : f32
        %parallel_loop3A_759 = vector.broadcast %parallel_loop3A_758 : f32 to vector<16xf32>
        %parallel_loop3A_760 = arith.addf %parallel_loop3A_757, %parallel_loop3A_759 : vector<16xf32>
        %parallel_loop3A_761 = arith.constant 1.000000e+00 : f32
        %parallel_loop3A_762 = vector.broadcast %parallel_loop3A_761 : f32 to vector<16xf32>
        %parallel_loop3A_763 = arith.divf %parallel_loop3A_762, %parallel_loop3A_760 : vector<16xf32>
        %parallel_loop3A_764 = arith.constant 5 : i32
        %parallel_loop3A_765 = arith.index_cast %parallel_loop3A_764 : i32 to index
        %parallel_loop3A_766 = arith.index_cast %parallel_loop3A_690 : i32 to index
        %parallel_loop3A_767 = arith.constant 48 : index
        %parallel_loop3A_768 = tpu.vector_load %arg4[%parallel_loop3A_765, %parallel_loop3A_766, %parallel_loop3A_767] {strides = array<i32>} : memref<8x32x256xf32, #tpu.memory_space<vmem>>, vector<1x1x16xf32>,
        %parallel_loop3A_769 = vector.shape_cast %parallel_loop3A_768 : vector<1x1x16xf32> to vector<16xf32>
        %parallel_loop3A_770 = vector.shape_cast %parallel_loop3A_763 : vector<16xf32> to vector<1x1x16xf32>
        tpu.vector_store %arg4[%parallel_loop3A_765, %parallel_loop3A_766, %parallel_loop3A_767], %parallel_loop3A_770 {strides = array<i32>} : memref<8x32x256xf32, #tpu.memory_space<vmem>>, vector<1x1x16xf32>,
        %parallel_loop3A_771 = arith.constant 5 : i32
        %parallel_loop3A_772 = arith.index_cast %parallel_loop3A_771 : i32 to index
        %parallel_loop3A_773 = arith.index_cast %parallel_loop3A_690 : i32 to index
        %parallel_loop3A_774 = arith.constant 64 : index
        %parallel_loop3A_775 = tpu.vector_load %arg4[%parallel_loop3A_772, %parallel_loop3A_773, %parallel_loop3A_774] {strides = array<i32>} : memref<8x32x256xf32, #tpu.memory_space<vmem>>, vector<1x1x16xf32>,
        %parallel_loop3A_776 = vector.shape_cast %parallel_loop3A_775 : vector<1x1x16xf32> to vector<16xf32>
        %parallel_loop3A_777 = math.absf %parallel_loop3A_776 : vector<16xf32>
        %parallel_loop3A_778 = arith.constant 1.000000e-03 : f32
        %parallel_loop3A_779 = vector.broadcast %parallel_loop3A_778 : f32 to vector<16xf32>
        %parallel_loop3A_780 = arith.addf %parallel_loop3A_777, %parallel_loop3A_779 : vector<16xf32>
        %parallel_loop3A_781 = arith.constant 1.000000e+00 : f32
        %parallel_loop3A_782 = vector.broadcast %parallel_loop3A_781 : f32 to vector<16xf32>
        %parallel_loop3A_783 = arith.divf %parallel_loop3A_782, %parallel_loop3A_780 : vector<16xf32>
        %parallel_loop3A_784 = arith.constant 5 : i32
        %parallel_loop3A_785 = arith.index_cast %parallel_loop3A_784 : i32 to index
        %parallel_loop3A_786 = arith.index_cast %parallel_loop3A_690 : i32 to index
        %parallel_loop3A_787 = arith.constant 64 : index
        %parallel_loop3A_788 = tpu.vector_load %arg4[%parallel_loop3A_785, %parallel_loop3A_786, %parallel_loop3A_787] {strides = array<i32>} : memref<8x32x256xf32, #tpu.memory_space<vmem>>, vector<1x1x16xf32>,
        %parallel_loop3A_789 = vector.shape_cast %parallel_loop3A_788 : vector<1x1x16xf32> to vector<16xf32>
        %parallel_loop3A_790 = vector.shape_cast %parallel_loop3A_783 : vector<16xf32> to vector<1x1x16xf32>
        tpu.vector_store %arg4[%parallel_loop3A_785, %parallel_loop3A_786, %parallel_loop3A_787], %parallel_loop3A_790 {strides = array<i32>} : memref<8x32x256xf32, #tpu.memory_space<vmem>>, vector<1x1x16xf32>,
        %parallel_loop3A_791 = arith.constant 5 : i32
        %parallel_loop3A_792 = arith.index_cast %parallel_loop3A_791 : i32 to index
        %parallel_loop3A_793 = arith.index_cast %parallel_loop3A_690 : i32 to index
        %parallel_loop3A_794 = arith.constant 80 : index
        %parallel_loop3A_795 = tpu.vector_load %arg4[%parallel_loop3A_792, %parallel_loop3A_793, %parallel_loop3A_794] {strides = array<i32>} : memref<8x32x256xf32, #tpu.memory_space<vmem>>, vector<1x1x16xf32>,
        %parallel_loop3A_796 = vector.shape_cast %parallel_loop3A_795 : vector<1x1x16xf32> to vector<16xf32>
        %parallel_loop3A_797 = math.absf %parallel_loop3A_796 : vector<16xf32>
        %parallel_loop3A_798 = arith.constant 1.000000e-03 : f32
        %parallel_loop3A_799 = vector.broadcast %parallel_loop3A_798 : f32 to vector<16xf32>
        %parallel_loop3A_800 = arith.addf %parallel_loop3A_797, %parallel_loop3A_799 : vector<16xf32>
        %parallel_loop3A_801 = arith.constant 1.000000e+00 : f32
        %parallel_loop3A_802 = vector.broadcast %parallel_loop3A_801 : f32 to vector<16xf32>
        %parallel_loop3A_803 = arith.divf %parallel_loop3A_802, %parallel_loop3A_800 : vector<16xf32>
        %parallel_loop3A_804 = arith.constant 5 : i32
        %parallel_loop3A_805 = arith.index_cast %parallel_loop3A_804 : i32 to index
        %parallel_loop3A_806 = arith.index_cast %parallel_loop3A_690 : i32 to index
        %parallel_loop3A_807 = arith.constant 80 : index
        %parallel_loop3A_808 = tpu.vector_load %arg4[%parallel_loop3A_805, %parallel_loop3A_806, %parallel_loop3A_807] {strides = array<i32>} : memref<8x32x256xf32, #tpu.memory_space<vmem>>, vector<1x1x16xf32>,
        %parallel_loop3A_809 = vector.shape_cast %parallel_loop3A_808 : vector<1x1x16xf32> to vector<16xf32>
        %parallel_loop3A_810 = vector.shape_cast %parallel_loop3A_803 : vector<16xf32> to vector<1x1x16xf32>
        tpu.vector_store %arg4[%parallel_loop3A_805, %parallel_loop3A_806, %parallel_loop3A_807], %parallel_loop3A_810 {strides = array<i32>} : memref<8x32x256xf32, #tpu.memory_space<vmem>>, vector<1x1x16xf32>,
        %parallel_loop3A_811 = arith.constant 5 : i32
        %parallel_loop3A_812 = arith.index_cast %parallel_loop3A_811 : i32 to index
        %parallel_loop3A_813 = arith.index_cast %parallel_loop3A_690 : i32 to index
        %parallel_loop3A_814 = arith.constant 96 : index
        %parallel_loop3A_815 = tpu.vector_load %arg4[%parallel_loop3A_812, %parallel_loop3A_813, %parallel_loop3A_814] {strides = array<i32>} : memref<8x32x256xf32, #tpu.memory_space<vmem>>, vector<1x1x16xf32>,
        %parallel_loop3A_816 = vector.shape_cast %parallel_loop3A_815 : vector<1x1x16xf32> to vector<16xf32>
        %parallel_loop3A_817 = math.absf %parallel_loop3A_816 : vector<16xf32>
        %parallel_loop3A_818 = arith.constant 1.000000e-03 : f32
        %parallel_loop3A_819 = vector.broadcast %parallel_loop3A_818 : f32 to vector<16xf32>
        %parallel_loop3A_820 = arith.addf %parallel_loop3A_817, %parallel_loop3A_819 : vector<16xf32>
        %parallel_loop3A_821 = arith.constant 1.000000e+00 : f32
        %parallel_loop3A_822 = vector.broadcast %parallel_loop3A_821 : f32 to vector<16xf32>
        %parallel_loop3A_823 = arith.divf %parallel_loop3A_822, %parallel_loop3A_820 : vector<16xf32>
        %parallel_loop3A_824 = arith.constant 5 : i32
        %parallel_loop3A_825 = arith.index_cast %parallel_loop3A_824 : i32 to index
        %parallel_loop3A_826 = arith.index_cast %parallel_loop3A_690 : i32 to index
        %parallel_loop3A_827 = arith.constant 96 : index
        %parallel_loop3A_828 = tpu.vector_load %arg4[%parallel_loop3A_825, %parallel_loop3A_826, %parallel_loop3A_827] {strides = array<i32>} : memref<8x32x256xf32, #tpu.memory_space<vmem>>, vector<1x1x16xf32>,
        %parallel_loop3A_829 = vector.shape_cast %parallel_loop3A_828 : vector<1x1x16xf32> to vector<16xf32>
        %parallel_loop3A_830 = vector.shape_cast %parallel_loop3A_823 : vector<16xf32> to vector<1x1x16xf32>
        tpu.vector_store %arg4[%parallel_loop3A_825, %parallel_loop3A_826, %parallel_loop3A_827], %parallel_loop3A_830 {strides = array<i32>} : memref<8x32x256xf32, #tpu.memory_space<vmem>>, vector<1x1x16xf32>,
        %parallel_loop3A_831 = arith.constant 5 : i32
        %parallel_loop3A_832 = arith.index_cast %parallel_loop3A_831 : i32 to index
        %parallel_loop3A_833 = arith.index_cast %parallel_loop3A_690 : i32 to index
        %parallel_loop3A_834 = arith.constant 112 : index
        %parallel_loop3A_835 = tpu.vector_load %arg4[%parallel_loop3A_832, %parallel_loop3A_833, %parallel_loop3A_834] {strides = array<i32>} : memref<8x32x256xf32, #tpu.memory_space<vmem>>, vector<1x1x16xf32>,
        %parallel_loop3A_836 = vector.shape_cast %parallel_loop3A_835 : vector<1x1x16xf32> to vector<16xf32>
        %parallel_loop3A_837 = math.absf %parallel_loop3A_836 : vector<16xf32>
        %parallel_loop3A_838 = arith.constant 1.000000e-03 : f32
        %parallel_loop3A_839 = vector.broadcast %parallel_loop3A_838 : f32 to vector<16xf32>
        %parallel_loop3A_840 = arith.addf %parallel_loop3A_837, %parallel_loop3A_839 : vector<16xf32>
        %parallel_loop3A_841 = arith.constant 1.000000e+00 : f32
        %parallel_loop3A_842 = vector.broadcast %parallel_loop3A_841 : f32 to vector<16xf32>
        %parallel_loop3A_843 = arith.divf %parallel_loop3A_842, %parallel_loop3A_840 : vector<16xf32>
        %parallel_loop3A_844 = arith.constant 5 : i32
        %parallel_loop3A_845 = arith.index_cast %parallel_loop3A_844 : i32 to index
        %parallel_loop3A_846 = arith.index_cast %parallel_loop3A_690 : i32 to index
        %parallel_loop3A_847 = arith.constant 112 : index
        %parallel_loop3A_848 = tpu.vector_load %arg4[%parallel_loop3A_845, %parallel_loop3A_846, %parallel_loop3A_847] {strides = array<i32>} : memref<8x32x256xf32, #tpu.memory_space<vmem>>, vector<1x1x16xf32>,
        %parallel_loop3A_849 = vector.shape_cast %parallel_loop3A_848 : vector<1x1x16xf32> to vector<16xf32>
        %parallel_loop3A_850 = vector.shape_cast %parallel_loop3A_843 : vector<16xf32> to vector<1x1x16xf32>
        tpu.vector_store %arg4[%parallel_loop3A_845, %parallel_loop3A_846, %parallel_loop3A_847], %parallel_loop3A_850 {strides = array<i32>} : memref<8x32x256xf32, #tpu.memory_space<vmem>>, vector<1x1x16xf32>,
        %parallel_loop3A_851 = arith.constant 5 : i32
        %parallel_loop3A_852 = arith.index_cast %parallel_loop3A_851 : i32 to index
        %parallel_loop3A_853 = arith.index_cast %parallel_loop3A_690 : i32 to index
        %parallel_loop3A_854 = arith.constant 128 : index
        %parallel_loop3A_855 = tpu.vector_load %arg4[%parallel_loop3A_852, %parallel_loop3A_853, %parallel_loop3A_854] {strides = array<i32>} : memref<8x32x256xf32, #tpu.memory_space<vmem>>, vector<1x1x16xf32>,
        %parallel_loop3A_856 = vector.shape_cast %parallel_loop3A_855 : vector<1x1x16xf32> to vector<16xf32>
        %parallel_loop3A_857 = math.absf %parallel_loop3A_856 : vector<16xf32>
        %parallel_loop3A_858 = arith.constant 1.000000e-03 : f32
        %parallel_loop3A_859 = vector.broadcast %parallel_loop3A_858 : f32 to vector<16xf32>
        %parallel_loop3A_860 = arith.addf %parallel_loop3A_857, %parallel_loop3A_859 : vector<16xf32>
        %parallel_loop3A_861 = arith.constant 1.000000e+00 : f32
        %parallel_loop3A_862 = vector.broadcast %parallel_loop3A_861 : f32 to vector<16xf32>
        %parallel_loop3A_863 = arith.divf %parallel_loop3A_862, %parallel_loop3A_860 : vector<16xf32>
        %parallel_loop3A_864 = arith.constant 5 : i32
        %parallel_loop3A_865 = arith.index_cast %parallel_loop3A_864 : i32 to index
        %parallel_loop3A_866 = arith.index_cast %parallel_loop3A_690 : i32 to index
        %parallel_loop3A_867 = arith.constant 128 : index
        %parallel_loop3A_868 = tpu.vector_load %arg4[%parallel_loop3A_865, %parallel_loop3A_866, %parallel_loop3A_867] {strides = array<i32>} : memref<8x32x256xf32, #tpu.memory_space<vmem>>, vector<1x1x16xf32>,
        %parallel_loop3A_869 = vector.shape_cast %parallel_loop3A_868 : vector<1x1x16xf32> to vector<16xf32>
        %parallel_loop3A_870 = vector.shape_cast %parallel_loop3A_863 : vector<16xf32> to vector<1x1x16xf32>
        tpu.vector_store %arg4[%parallel_loop3A_865, %parallel_loop3A_866, %parallel_loop3A_867], %parallel_loop3A_870 {strides = array<i32>} : memref<8x32x256xf32, #tpu.memory_space<vmem>>, vector<1x1x16xf32>,
        %parallel_loop3A_871 = arith.constant 5 : i32
        %parallel_loop3A_872 = arith.index_cast %parallel_loop3A_871 : i32 to index
        %parallel_loop3A_873 = arith.index_cast %parallel_loop3A_690 : i32 to index
        %parallel_loop3A_874 = arith.constant 144 : index
        %parallel_loop3A_875 = tpu.vector_load %arg4[%parallel_loop3A_872, %parallel_loop3A_873, %parallel_loop3A_874] {strides = array<i32>} : memref<8x32x256xf32, #tpu.memory_space<vmem>>, vector<1x1x16xf32>,
        %parallel_loop3A_876 = vector.shape_cast %parallel_loop3A_875 : vector<1x1x16xf32> to vector<16xf32>
        %parallel_loop3A_877 = math.absf %parallel_loop3A_876 : vector<16xf32>
        %parallel_loop3A_878 = arith.constant 1.000000e-03 : f32
        %parallel_loop3A_879 = vector.broadcast %parallel_loop3A_878 : f32 to vector<16xf32>
        %parallel_loop3A_880 = arith.addf %parallel_loop3A_877, %parallel_loop3A_879 : vector<16xf32>
        %parallel_loop3A_881 = arith.constant 1.000000e+00 : f32
        %parallel_loop3A_882 = vector.broadcast %parallel_loop3A_881 : f32 to vector<16xf32>
        %parallel_loop3A_883 = arith.divf %parallel_loop3A_882, %parallel_loop3A_880 : vector<16xf32>
        %parallel_loop3A_884 = arith.constant 5 : i32
        %parallel_loop3A_885 = arith.index_cast %parallel_loop3A_884 : i32 to index
        %parallel_loop3A_886 = arith.index_cast %parallel_loop3A_690 : i32 to index
        %parallel_loop3A_887 = arith.constant 144 : index
        %parallel_loop3A_888 = tpu.vector_load %arg4[%parallel_loop3A_885, %parallel_loop3A_886, %parallel_loop3A_887] {strides = array<i32>} : memref<8x32x256xf32, #tpu.memory_space<vmem>>, vector<1x1x16xf32>,
        %parallel_loop3A_889 = vector.shape_cast %parallel_loop3A_888 : vector<1x1x16xf32> to vector<16xf32>
        %parallel_loop3A_890 = vector.shape_cast %parallel_loop3A_883 : vector<16xf32> to vector<1x1x16xf32>
        tpu.vector_store %arg4[%parallel_loop3A_885, %parallel_loop3A_886, %parallel_loop3A_887], %parallel_loop3A_890 {strides = array<i32>} : memref<8x32x256xf32, #tpu.memory_space<vmem>>, vector<1x1x16xf32>,
        %parallel_loop3A_891 = arith.constant 5 : i32
        %parallel_loop3A_892 = arith.index_cast %parallel_loop3A_891 : i32 to index
        %parallel_loop3A_893 = arith.index_cast %parallel_loop3A_690 : i32 to index
        %parallel_loop3A_894 = arith.constant 160 : index
        %parallel_loop3A_895 = tpu.vector_load %arg4[%parallel_loop3A_892, %parallel_loop3A_893, %parallel_loop3A_894] {strides = array<i32>} : memref<8x32x256xf32, #tpu.memory_space<vmem>>, vector<1x1x16xf32>,
        %parallel_loop3A_896 = vector.shape_cast %parallel_loop3A_895 : vector<1x1x16xf32> to vector<16xf32>
        %parallel_loop3A_897 = math.absf %parallel_loop3A_896 : vector<16xf32>
        %parallel_loop3A_898 = arith.constant 1.000000e-03 : f32
        %parallel_loop3A_899 = vector.broadcast %parallel_loop3A_898 : f32 to vector<16xf32>
        %parallel_loop3A_900 = arith.addf %parallel_loop3A_897, %parallel_loop3A_899 : vector<16xf32>
        %parallel_loop3A_901 = arith.constant 1.000000e+00 : f32
        %parallel_loop3A_902 = vector.broadcast %parallel_loop3A_901 : f32 to vector<16xf32>
        %parallel_loop3A_903 = arith.divf %parallel_loop3A_902, %parallel_loop3A_900 : vector<16xf32>
        %parallel_loop3A_904 = arith.constant 5 : i32
        %parallel_loop3A_905 = arith.index_cast %parallel_loop3A_904 : i32 to index
        %parallel_loop3A_906 = arith.index_cast %parallel_loop3A_690 : i32 to index
        %parallel_loop3A_907 = arith.constant 160 : index
        %parallel_loop3A_908 = tpu.vector_load %arg4[%parallel_loop3A_905, %parallel_loop3A_906, %parallel_loop3A_907] {strides = array<i32>} : memref<8x32x256xf32, #tpu.memory_space<vmem>>, vector<1x1x16xf32>,
        %parallel_loop3A_909 = vector.shape_cast %parallel_loop3A_908 : vector<1x1x16xf32> to vector<16xf32>
        %parallel_loop3A_910 = vector.shape_cast %parallel_loop3A_903 : vector<16xf32> to vector<1x1x16xf32>
        tpu.vector_store %arg4[%parallel_loop3A_905, %parallel_loop3A_906, %parallel_loop3A_907], %parallel_loop3A_910 {strides = array<i32>} : memref<8x32x256xf32, #tpu.memory_space<vmem>>, vector<1x1x16xf32>,
        %parallel_loop3A_911 = arith.constant 5 : i32
        %parallel_loop3A_912 = arith.index_cast %parallel_loop3A_911 : i32 to index
        %parallel_loop3A_913 = arith.index_cast %parallel_loop3A_690 : i32 to index
        %parallel_loop3A_914 = arith.constant 176 : index
        %parallel_loop3A_915 = tpu.vector_load %arg4[%parallel_loop3A_912, %parallel_loop3A_913, %parallel_loop3A_914] {strides = array<i32>} : memref<8x32x256xf32, #tpu.memory_space<vmem>>, vector<1x1x16xf32>,
        %parallel_loop3A_916 = vector.shape_cast %parallel_loop3A_915 : vector<1x1x16xf32> to vector<16xf32>
        %parallel_loop3A_917 = math.absf %parallel_loop3A_916 : vector<16xf32>
        %parallel_loop3A_918 = arith.constant 1.000000e-03 : f32
        %parallel_loop3A_919 = vector.broadcast %parallel_loop3A_918 : f32 to vector<16xf32>
        %parallel_loop3A_920 = arith.addf %parallel_loop3A_917, %parallel_loop3A_919 : vector<16xf32>
        %parallel_loop3A_921 = arith.constant 1.000000e+00 : f32
        %parallel_loop3A_922 = vector.broadcast %parallel_loop3A_921 : f32 to vector<16xf32>
        %parallel_loop3A_923 = arith.divf %parallel_loop3A_922, %parallel_loop3A_920 : vector<16xf32>
        %parallel_loop3A_924 = arith.constant 5 : i32
        %parallel_loop3A_925 = arith.index_cast %parallel_loop3A_924 : i32 to index
        %parallel_loop3A_926 = arith.index_cast %parallel_loop3A_690 : i32 to index
        %parallel_loop3A_927 = arith.constant 176 : index
        %parallel_loop3A_928 = tpu.vector_load %arg4[%parallel_loop3A_925, %parallel_loop3A_926, %parallel_loop3A_927] {strides = array<i32>} : memref<8x32x256xf32, #tpu.memory_space<vmem>>, vector<1x1x16xf32>,
        %parallel_loop3A_929 = vector.shape_cast %parallel_loop3A_928 : vector<1x1x16xf32> to vector<16xf32>
        %parallel_loop3A_930 = vector.shape_cast %parallel_loop3A_923 : vector<16xf32> to vector<1x1x16xf32>
        tpu.vector_store %arg4[%parallel_loop3A_925, %parallel_loop3A_926, %parallel_loop3A_927], %parallel_loop3A_930 {strides = array<i32>} : memref<8x32x256xf32, #tpu.memory_space<vmem>>, vector<1x1x16xf32>,
        %parallel_loop3A_931 = arith.constant 5 : i32
        %parallel_loop3A_932 = arith.index_cast %parallel_loop3A_931 : i32 to index
        %parallel_loop3A_933 = arith.index_cast %parallel_loop3A_690 : i32 to index
        %parallel_loop3A_934 = arith.constant 192 : index
        %parallel_loop3A_935 = tpu.vector_load %arg4[%parallel_loop3A_932, %parallel_loop3A_933, %parallel_loop3A_934] {strides = array<i32>} : memref<8x32x256xf32, #tpu.memory_space<vmem>>, vector<1x1x16xf32>,
        %parallel_loop3A_936 = vector.shape_cast %parallel_loop3A_935 : vector<1x1x16xf32> to vector<16xf32>
        %parallel_loop3A_937 = math.absf %parallel_loop3A_936 : vector<16xf32>
        %parallel_loop3A_938 = arith.constant 1.000000e-03 : f32
        %parallel_loop3A_939 = vector.broadcast %parallel_loop3A_938 : f32 to vector<16xf32>
        %parallel_loop3A_940 = arith.addf %parallel_loop3A_937, %parallel_loop3A_939 : vector<16xf32>
        %parallel_loop3A_941 = arith.constant 1.000000e+00 : f32
        %parallel_loop3A_942 = vector.broadcast %parallel_loop3A_941 : f32 to vector<16xf32>
        %parallel_loop3A_943 = arith.divf %parallel_loop3A_942, %parallel_loop3A_940 : vector<16xf32>
        %parallel_loop3A_944 = arith.constant 5 : i32
        %parallel_loop3A_945 = arith.index_cast %parallel_loop3A_944 : i32 to index
        %parallel_loop3A_946 = arith.index_cast %parallel_loop3A_690 : i32 to index
        %parallel_loop3A_947 = arith.constant 192 : index
        %parallel_loop3A_948 = tpu.vector_load %arg4[%parallel_loop3A_945, %parallel_loop3A_946, %parallel_loop3A_947] {strides = array<i32>} : memref<8x32x256xf32, #tpu.memory_space<vmem>>, vector<1x1x16xf32>,
        %parallel_loop3A_949 = vector.shape_cast %parallel_loop3A_948 : vector<1x1x16xf32> to vector<16xf32>
        %parallel_loop3A_950 = vector.shape_cast %parallel_loop3A_943 : vector<16xf32> to vector<1x1x16xf32>
        tpu.vector_store %arg4[%parallel_loop3A_945, %parallel_loop3A_946, %parallel_loop3A_947], %parallel_loop3A_950 {strides = array<i32>} : memref<8x32x256xf32, #tpu.memory_space<vmem>>, vector<1x1x16xf32>,
        %parallel_loop3A_951 = arith.constant 5 : i32
        %parallel_loop3A_952 = arith.index_cast %parallel_loop3A_951 : i32 to index
        %parallel_loop3A_953 = arith.index_cast %parallel_loop3A_690 : i32 to index
        %parallel_loop3A_954 = arith.constant 208 : index
        %parallel_loop3A_955 = tpu.vector_load %arg4[%parallel_loop3A_952, %parallel_loop3A_953, %parallel_loop3A_954] {strides = array<i32>} : memref<8x32x256xf32, #tpu.memory_space<vmem>>, vector<1x1x16xf32>,
        %parallel_loop3A_956 = vector.shape_cast %parallel_loop3A_955 : vector<1x1x16xf32> to vector<16xf32>
        %parallel_loop3A_957 = math.absf %parallel_loop3A_956 : vector<16xf32>
        %parallel_loop3A_958 = arith.constant 1.000000e-03 : f32
        %parallel_loop3A_959 = vector.broadcast %parallel_loop3A_958 : f32 to vector<16xf32>
        %parallel_loop3A_960 = arith.addf %parallel_loop3A_957, %parallel_loop3A_959 : vector<16xf32>
        %parallel_loop3A_961 = arith.constant 1.000000e+00 : f32
        %parallel_loop3A_962 = vector.broadcast %parallel_loop3A_961 : f32 to vector<16xf32>
        %parallel_loop3A_963 = arith.divf %parallel_loop3A_962, %parallel_loop3A_960 : vector<16xf32>
        %parallel_loop3A_964 = arith.constant 5 : i32
        %parallel_loop3A_965 = arith.index_cast %parallel_loop3A_964 : i32 to index
        %parallel_loop3A_966 = arith.index_cast %parallel_loop3A_690 : i32 to index
        %parallel_loop3A_967 = arith.constant 208 : index
        %parallel_loop3A_968 = tpu.vector_load %arg4[%parallel_loop3A_965, %parallel_loop3A_966, %parallel_loop3A_967] {strides = array<i32>} : memref<8x32x256xf32, #tpu.memory_space<vmem>>, vector<1x1x16xf32>,
        %parallel_loop3A_969 = vector.shape_cast %parallel_loop3A_968 : vector<1x1x16xf32> to vector<16xf32>
        %parallel_loop3A_970 = vector.shape_cast %parallel_loop3A_963 : vector<16xf32> to vector<1x1x16xf32>
        tpu.vector_store %arg4[%parallel_loop3A_965, %parallel_loop3A_966, %parallel_loop3A_967], %parallel_loop3A_970 {strides = array<i32>} : memref<8x32x256xf32, #tpu.memory_space<vmem>>, vector<1x1x16xf32>,
        %parallel_loop3A_971 = arith.constant 5 : i32
        %parallel_loop3A_972 = arith.index_cast %parallel_loop3A_971 : i32 to index
        %parallel_loop3A_973 = arith.index_cast %parallel_loop3A_690 : i32 to index
        %parallel_loop3A_974 = arith.constant 224 : index
        %parallel_loop3A_975 = tpu.vector_load %arg4[%parallel_loop3A_972, %parallel_loop3A_973, %parallel_loop3A_974] {strides = array<i32>} : memref<8x32x256xf32, #tpu.memory_space<vmem>>, vector<1x1x16xf32>,
        %parallel_loop3A_976 = vector.shape_cast %parallel_loop3A_975 : vector<1x1x16xf32> to vector<16xf32>
        %parallel_loop3A_977 = math.absf %parallel_loop3A_976 : vector<16xf32>
        %parallel_loop3A_978 = arith.constant 1.000000e-03 : f32
        %parallel_loop3A_979 = vector.broadcast %parallel_loop3A_978 : f32 to vector<16xf32>
        %parallel_loop3A_980 = arith.addf %parallel_loop3A_977, %parallel_loop3A_979 : vector<16xf32>
        %parallel_loop3A_981 = arith.constant 1.000000e+00 : f32
        %parallel_loop3A_982 = vector.broadcast %parallel_loop3A_981 : f32 to vector<16xf32>
        %parallel_loop3A_983 = arith.divf %parallel_loop3A_982, %parallel_loop3A_980 : vector<16xf32>
        %parallel_loop3A_984 = arith.constant 5 : i32
        %parallel_loop3A_985 = arith.index_cast %parallel_loop3A_984 : i32 to index
        %parallel_loop3A_986 = arith.index_cast %parallel_loop3A_690 : i32 to index
        %parallel_loop3A_987 = arith.constant 224 : index
        %parallel_loop3A_988 = tpu.vector_load %arg4[%parallel_loop3A_985, %parallel_loop3A_986, %parallel_loop3A_987] {strides = array<i32>} : memref<8x32x256xf32, #tpu.memory_space<vmem>>, vector<1x1x16xf32>,
        %parallel_loop3A_989 = vector.shape_cast %parallel_loop3A_988 : vector<1x1x16xf32> to vector<16xf32>
        %parallel_loop3A_990 = vector.shape_cast %parallel_loop3A_983 : vector<16xf32> to vector<1x1x16xf32>
        tpu.vector_store %arg4[%parallel_loop3A_985, %parallel_loop3A_986, %parallel_loop3A_987], %parallel_loop3A_990 {strides = array<i32>} : memref<8x32x256xf32, #tpu.memory_space<vmem>>, vector<1x1x16xf32>,
        %parallel_loop3A_991 = arith.constant 5 : i32
        %parallel_loop3A_992 = arith.index_cast %parallel_loop3A_991 : i32 to index
        %parallel_loop3A_993 = arith.index_cast %parallel_loop3A_690 : i32 to index
        %parallel_loop3A_994 = arith.constant 240 : index
        %parallel_loop3A_995 = tpu.vector_load %arg4[%parallel_loop3A_992, %parallel_loop3A_993, %parallel_loop3A_994] {strides = array<i32>} : memref<8x32x256xf32, #tpu.memory_space<vmem>>, vector<1x1x16xf32>,
        %parallel_loop3A_996 = vector.shape_cast %parallel_loop3A_995 : vector<1x1x16xf32> to vector<16xf32>
        %parallel_loop3A_997 = math.absf %parallel_loop3A_996 : vector<16xf32>
        %parallel_loop3A_998 = arith.constant 1.000000e-03 : f32
        %parallel_loop3A_999 = vector.broadcast %parallel_loop3A_998 : f32 to vector<16xf32>
        %parallel_loop3A_1000 = arith.addf %parallel_loop3A_997, %parallel_loop3A_999 : vector<16xf32>
        %parallel_loop3A_1001 = arith.constant 1.000000e+00 : f32
        %parallel_loop3A_1002 = vector.broadcast %parallel_loop3A_1001 : f32 to vector<16xf32>
        %parallel_loop3A_1003 = arith.divf %parallel_loop3A_1002, %parallel_loop3A_1000 : vector<16xf32>
        %parallel_loop3A_1004 = arith.constant 5 : i32
        %parallel_loop3A_1005 = arith.index_cast %parallel_loop3A_1004 : i32 to index
        %parallel_loop3A_1006 = arith.index_cast %parallel_loop3A_690 : i32 to index
        %parallel_loop3A_1007 = arith.constant 240 : index
        %parallel_loop3A_1008 = tpu.vector_load %arg4[%parallel_loop3A_1005, %parallel_loop3A_1006, %parallel_loop3A_1007] {strides = array<i32>} : memref<8x32x256xf32, #tpu.memory_space<vmem>>, vector<1x1x16xf32>,
        %parallel_loop3A_1009 = vector.shape_cast %parallel_loop3A_1008 : vector<1x1x16xf32> to vector<16xf32>
        %parallel_loop3A_1010 = vector.shape_cast %parallel_loop3A_1003 : vector<16xf32> to vector<1x1x16xf32>
        tpu.vector_store %arg4[%parallel_loop3A_1005, %parallel_loop3A_1006, %parallel_loop3A_1007], %parallel_loop3A_1010 {strides = array<i32>} : memref<8x32x256xf32, #tpu.memory_space<vmem>>, vector<1x1x16xf32>,
      } {sc.loop_unroll_factor = 2 : i64, sc.parallel_access}
      %mul3A_558 = arith.constant 32 : i32
      %mul3A_559 = arith.muli %add3A_535, %mul3A_558 : i32
      %add3A_560 = arith.addi %mul3A_2, %mul3A_559 : i32
      %dma_start3A_561 = arith.constant 5 : i32
      %dma_start3A_562 = arith.constant 5 : i32
      %dma_start3A_563 = arith.constant 0 : i32
      %dma_start3A_564 = arith.constant 0 : i32
      %dma_start3A_565 = tpu.memref_slice %arg4[%dma_start3A_561, %dma_start3A_563, %dma_start3A_564] : memref<8x32x256xf32, #tpu.memory_space<vmem>> -> memref<1x32x256xf32, #tpu.memory_space<vmem>>
      %dma_start3A_566 = tpu.memref_squeeze %dma_start3A_565 : memref<1x32x256xf32, #tpu.memory_space<vmem>> -> memref<32x256xf32, #tpu.memory_space<vmem>>
      %dma_start3A_567 = arith.constant 0 : i32
      %dma_start3A_568 = tpu.memref_slice %arg3[%add3A_560, %dma_start3A_567] : memref<262144x256xf32, #tpu.memory_space<hbm>> -> memref<32x256xf32, #tpu.memory_space<hbm>>
      %dma_start3A_569 = tpu.memref_slice %arg6[%dma_start3A_562] : memref<8x!tpu.dma_semaphore, #tpu.memory_space<semaphore_mem>> -> memref<1x!tpu.dma_semaphore, #tpu.memory_space<semaphore_mem>>
      %dma_start3A_570 = tpu.memref_squeeze %dma_start3A_569 : memref<1x!tpu.dma_semaphore, #tpu.memory_space<semaphore_mem>> -> memref<!tpu.dma_semaphore, #tpu.memory_space<semaphore_mem>>
      %dma_start3A_571 = arith.constant 0 : i32
      %dma_start3A_572 = tpu.memref_slice %arg3[%add3A_560, %dma_start3A_571] : memref<262144x256xf32, #tpu.memory_space<hbm>> -> memref<32x256xf32, #tpu.memory_space<hbm>>
      %dma_start3A_573 = arith.constant 0 : i32
      %dma_start3A_574 = arith.constant 0 : i32
      %dma_start3A_575 = tpu.memref_slice %arg4[%dma_start3A_561, %dma_start3A_573, %dma_start3A_574] : memref<8x32x256xf32, #tpu.memory_space<vmem>> -> memref<1x32x256xf32, #tpu.memory_space<vmem>>
      %dma_start3A_576 = tpu.memref_squeeze %dma_start3A_575 : memref<1x32x256xf32, #tpu.memory_space<vmem>> -> memref<32x256xf32, #tpu.memory_space<vmem>>
      tpu.enqueue_dma source(%dma_start3A_576 : memref<32x256xf32, #tpu.memory_space<vmem>>) target(%dma_start3A_572 : memref<32x256xf32, #tpu.memory_space<hbm>>) target_semaphore(%dma_start3A_570 : memref<!tpu.dma_semaphore, #tpu.memory_space<semaphore_mem>>)
      %add3A_577 = arith.constant 8 : i32
      %add3A_578 = arith.addi %add3A_535, %add3A_577 : i32
      %sub3A_579 = arith.constant 1 : i32
      %sub3A_580 = arith.subi %add3A_578, %sub3A_579 : i32
      %lt3A_581 = arith.constant 256 : i32
      %lt3A_582 = arith.cmpi slt, %sub3A_580, %lt3A_581 : i32
      %convert_element_type3A_583 = arith.extui %lt3A_582 : i1 to i32
      %cond3A_584 = arith.constant 0 : i32
      %cond3A_585 = arith.cmpi ne, %convert_element_type3A_583, %cond3A_584 : i32
      scf.if %cond3A_585 {
        %ge3A = arith.constant 1 : i32
        %ge3A_690 = arith.cmpi sge, %add3A_535, %ge3A : i32
        %convert_element_type3A_691 = arith.extui %ge3A_690 : i1 to i32
        %cond3A_692 = arith.constant 0 : i32
        %cond3A_693 = arith.cmpi ne, %convert_element_type3A_691, %cond3A_692 : i32
        scf.if %cond3A_693 {
          %sub3A_717 = arith.constant 1 : i32
          %sub3A_718 = arith.subi %add3A_535, %sub3A_717 : i32
          %mul3A_719 = arith.constant 32 : i32
          %mul3A_720 = arith.muli %sub3A_718, %mul3A_719 : i32
          %add3A_721 = arith.addi %mul3A_2, %mul3A_720 : i32
          %dma_wait3A_722 = arith.constant 4 : i32
          %dma_wait3A_723 = arith.constant 4 : i32
          %dma_wait3A_724 = arith.constant 0 : i32
          %dma_wait3A_725 = arith.constant 0 : i32
          %dma_wait3A_726 = tpu.memref_slice %arg4[%dma_wait3A_722, %dma_wait3A_724, %dma_wait3A_725] : memref<8x32x256xf32, #tpu.memory_space<vmem>> -> memref<1x32x256xf32, #tpu.memory_space<vmem>>
          %dma_wait3A_727 = tpu.memref_squeeze %dma_wait3A_726 : memref<1x32x256xf32, #tpu.memory_space<vmem>> -> memref<32x256xf32, #tpu.memory_space<vmem>>
          %dma_wait3A_728 = arith.constant 0 : i32
          %dma_wait3A_729 = tpu.memref_slice %arg3[%add3A_721, %dma_wait3A_728] : memref<262144x256xf32, #tpu.memory_space<hbm>> -> memref<32x256xf32, #tpu.memory_space<hbm>>
          %dma_wait3A_730 = tpu.memref_slice %arg6[%dma_wait3A_723] : memref<8x!tpu.dma_semaphore, #tpu.memory_space<semaphore_mem>> -> memref<1x!tpu.dma_semaphore, #tpu.memory_space<semaphore_mem>>
          %dma_wait3A_731 = tpu.memref_squeeze %dma_wait3A_730 : memref<1x!tpu.dma_semaphore, #tpu.memory_space<semaphore_mem>> -> memref<!tpu.dma_semaphore, #tpu.memory_space<semaphore_mem>>
          %dma_wait3A_732 = arith.constant 0 : i32
          %dma_wait3A_733 = tpu.memref_slice %arg3[%add3A_721, %dma_wait3A_732] : memref<262144x256xf32, #tpu.memory_space<hbm>> -> memref<32x256xf32, #tpu.memory_space<hbm>>
          %dma_wait3A_734 = arith.constant 0 : i32
          %dma_wait3A_735 = arith.constant 0 : i32
          %dma_wait3A_736 = tpu.memref_slice %arg4[%dma_wait3A_722, %dma_wait3A_734, %dma_wait3A_735] : memref<8x32x256xf32, #tpu.memory_space<vmem>> -> memref<1x32x256xf32, #tpu.memory_space<vmem>>
          %dma_wait3A_737 = tpu.memref_squeeze %dma_wait3A_736 : memref<1x32x256xf32, #tpu.memory_space<vmem>> -> memref<32x256xf32, #tpu.memory_space<vmem>>
          tpu.wait_dma2 semaphore(%dma_wait3A_731 : memref<!tpu.dma_semaphore, #tpu.memory_space<semaphore_mem>>) src(%dma_wait3A_737 : memref<32x256xf32, #tpu.memory_space<vmem>>) dst(%dma_wait3A_733 : memref<32x256xf32, #tpu.memory_space<hbm>>)
        } else {
        }
        %add3A_694 = arith.constant 8 : i32
        %add3A_695 = arith.addi %add3A_535, %add3A_694 : i32
        %sub3A_696 = arith.constant 1 : i32
        %sub3A_697 = arith.subi %add3A_695, %sub3A_696 : i32
        %mul3A_698 = arith.constant 32 : i32
        %mul3A_699 = arith.muli %sub3A_697, %mul3A_698 : i32
        %add3A_700 = arith.addi %mul3A_2, %mul3A_699 : i32
        %dma_start3A_701 = arith.constant 4 : i32
        %dma_start3A_702 = arith.constant 4 : i32
        %dma_start3A_703 = arith.constant 0 : i32
        %dma_start3A_704 = arith.constant 0 : i32
        %dma_start3A_705 = tpu.memref_slice %arg4[%dma_start3A_701, %dma_start3A_703, %dma_start3A_704] : memref<8x32x256xf32, #tpu.memory_space<vmem>> -> memref<1x32x256xf32, #tpu.memory_space<vmem>>
        %dma_start3A_706 = tpu.memref_squeeze %dma_start3A_705 : memref<1x32x256xf32, #tpu.memory_space<vmem>> -> memref<32x256xf32, #tpu.memory_space<vmem>>
        %dma_start3A_707 = arith.constant 0 : i32
        %dma_start3A_708 = tpu.memref_slice %arg2[%add3A_700, %dma_start3A_707] : memref<262144x256xf32, #tpu.memory_space<hbm>> -> memref<32x256xf32, #tpu.memory_space<hbm>>
        %dma_start3A_709 = tpu.memref_slice %arg5[%dma_start3A_702] : memref<8x!tpu.dma_semaphore, #tpu.memory_space<semaphore_mem>> -> memref<1x!tpu.dma_semaphore, #tpu.memory_space<semaphore_mem>>
        %dma_start3A_710 = tpu.memref_squeeze %dma_start3A_709 : memref<1x!tpu.dma_semaphore, #tpu.memory_space<semaphore_mem>> -> memref<!tpu.dma_semaphore, #tpu.memory_space<semaphore_mem>>
        %dma_start3A_711 = arith.constant 0 : i32
        %dma_start3A_712 = arith.constant 0 : i32
        %dma_start3A_713 = tpu.memref_slice %arg4[%dma_start3A_701, %dma_start3A_711, %dma_start3A_712] : memref<8x32x256xf32, #tpu.memory_space<vmem>> -> memref<1x32x256xf32, #tpu.memory_space<vmem>>
        %dma_start3A_714 = tpu.memref_squeeze %dma_start3A_713 : memref<1x32x256xf32, #tpu.memory_space<vmem>> -> memref<32x256xf32, #tpu.memory_space<vmem>>
        %dma_start3A_715 = arith.constant 0 : i32
        %dma_start3A_716 = tpu.memref_slice %arg2[%add3A_700, %dma_start3A_715] : memref<262144x256xf32, #tpu.memory_space<hbm>> -> memref<32x256xf32, #tpu.memory_space<hbm>>
        tpu.enqueue_dma source(%dma_start3A_716 : memref<32x256xf32, #tpu.memory_space<hbm>>) target(%dma_start3A_714 : memref<32x256xf32, #tpu.memory_space<vmem>>) target_semaphore(%dma_start3A_710 : memref<!tpu.dma_semaphore, #tpu.memory_space<semaphore_mem>>)
      } else {
      }
      %add3A_586 = arith.constant 6 : i32
      %add3A_587 = arith.addi %mul3A_278, %add3A_586 : i32
      %mul3A_588 = arith.constant 32 : i32
      %mul3A_589 = arith.muli %add3A_587, %mul3A_588 : i32
      %add3A_590 = arith.addi %mul3A_2, %mul3A_589 : i32
      %dma_wait3A_591 = arith.constant 6 : i32
      %dma_wait3A_592 = arith.constant 6 : i32
      %dma_wait3A_593 = arith.constant 0 : i32
      %dma_wait3A_594 = arith.constant 0 : i32
      %dma_wait3A_595 = tpu.memref_slice %arg4[%dma_wait3A_591, %dma_wait3A_593, %dma_wait3A_594] : memref<8x32x256xf32, #tpu.memory_space<vmem>> -> memref<1x32x256xf32, #tpu.memory_space<vmem>>
      %dma_wait3A_596 = tpu.memref_squeeze %dma_wait3A_595 : memref<1x32x256xf32, #tpu.memory_space<vmem>> -> memref<32x256xf32, #tpu.memory_space<vmem>>
      %dma_wait3A_597 = arith.constant 0 : i32
      %dma_wait3A_598 = tpu.memref_slice %arg2[%add3A_590, %dma_wait3A_597] : memref<262144x256xf32, #tpu.memory_space<hbm>> -> memref<32x256xf32, #tpu.memory_space<hbm>>
      %dma_wait3A_599 = tpu.memref_slice %arg5[%dma_wait3A_592] : memref<8x!tpu.dma_semaphore, #tpu.memory_space<semaphore_mem>> -> memref<1x!tpu.dma_semaphore, #tpu.memory_space<semaphore_mem>>
      %dma_wait3A_600 = tpu.memref_squeeze %dma_wait3A_599 : memref<1x!tpu.dma_semaphore, #tpu.memory_space<semaphore_mem>> -> memref<!tpu.dma_semaphore, #tpu.memory_space<semaphore_mem>>
      %dma_wait3A_601 = arith.constant 0 : i32
      %dma_wait3A_602 = arith.constant 0 : i32
      %dma_wait3A_603 = tpu.memref_slice %arg4[%dma_wait3A_591, %dma_wait3A_601, %dma_wait3A_602] : memref<8x32x256xf32, #tpu.memory_space<vmem>> -> memref<1x32x256xf32, #tpu.memory_space<vmem>>
      %dma_wait3A_604 = tpu.memref_squeeze %dma_wait3A_603 : memref<1x32x256xf32, #tpu.memory_space<vmem>> -> memref<32x256xf32, #tpu.memory_space<vmem>>
      %dma_wait3A_605 = arith.constant 0 : i32
      %dma_wait3A_606 = tpu.memref_slice %arg2[%add3A_590, %dma_wait3A_605] : memref<262144x256xf32, #tpu.memory_space<hbm>> -> memref<32x256xf32, #tpu.memory_space<hbm>>
      tpu.wait_dma2 semaphore(%dma_wait3A_600 : memref<!tpu.dma_semaphore, #tpu.memory_space<semaphore_mem>>) src(%dma_wait3A_606 : memref<32x256xf32, #tpu.memory_space<hbm>>) dst(%dma_wait3A_604 : memref<32x256xf32, #tpu.memory_space<vmem>>)
      %parallel_loop3A_607 = arith.constant 0 : i32
      %parallel_loop3A_608 = arith.constant 32 : i32
      %parallel_loop3A_609 = arith.constant 1 : i32
      scf.for %parallel_loop3A_690 = %parallel_loop3A_607 to %parallel_loop3A_608 step %parallel_loop3A_609  : i32 {
        %parallel_loop3A_691 = arith.constant 6 : i32
        %parallel_loop3A_692 = arith.index_cast %parallel_loop3A_691 : i32 to index
        %parallel_loop3A_693 = arith.index_cast %parallel_loop3A_690 : i32 to index
        %parallel_loop3A_694 = arith.constant 0 : index
        %parallel_loop3A_695 = tpu.vector_load %arg4[%parallel_loop3A_692, %parallel_loop3A_693, %parallel_loop3A_694] {strides = array<i32>} : memref<8x32x256xf32, #tpu.memory_space<vmem>>, vector<1x1x16xf32>,
        %parallel_loop3A_696 = vector.shape_cast %parallel_loop3A_695 : vector<1x1x16xf32> to vector<16xf32>
        %parallel_loop3A_697 = math.absf %parallel_loop3A_696 : vector<16xf32>
        %parallel_loop3A_698 = arith.constant 1.000000e-03 : f32
        %parallel_loop3A_699 = vector.broadcast %parallel_loop3A_698 : f32 to vector<16xf32>
        %parallel_loop3A_700 = arith.addf %parallel_loop3A_697, %parallel_loop3A_699 : vector<16xf32>
        %parallel_loop3A_701 = arith.constant 1.000000e+00 : f32
        %parallel_loop3A_702 = vector.broadcast %parallel_loop3A_701 : f32 to vector<16xf32>
        %parallel_loop3A_703 = arith.divf %parallel_loop3A_702, %parallel_loop3A_700 : vector<16xf32>
        %parallel_loop3A_704 = arith.constant 6 : i32
        %parallel_loop3A_705 = arith.index_cast %parallel_loop3A_704 : i32 to index
        %parallel_loop3A_706 = arith.index_cast %parallel_loop3A_690 : i32 to index
        %parallel_loop3A_707 = arith.constant 0 : index
        %parallel_loop3A_708 = tpu.vector_load %arg4[%parallel_loop3A_705, %parallel_loop3A_706, %parallel_loop3A_707] {strides = array<i32>} : memref<8x32x256xf32, #tpu.memory_space<vmem>>, vector<1x1x16xf32>,
        %parallel_loop3A_709 = vector.shape_cast %parallel_loop3A_708 : vector<1x1x16xf32> to vector<16xf32>
        %parallel_loop3A_710 = vector.shape_cast %parallel_loop3A_703 : vector<16xf32> to vector<1x1x16xf32>
        tpu.vector_store %arg4[%parallel_loop3A_705, %parallel_loop3A_706, %parallel_loop3A_707], %parallel_loop3A_710 {strides = array<i32>} : memref<8x32x256xf32, #tpu.memory_space<vmem>>, vector<1x1x16xf32>,
        %parallel_loop3A_711 = arith.constant 6 : i32
        %parallel_loop3A_712 = arith.index_cast %parallel_loop3A_711 : i32 to index
        %parallel_loop3A_713 = arith.index_cast %parallel_loop3A_690 : i32 to index
        %parallel_loop3A_714 = arith.constant 16 : index
        %parallel_loop3A_715 = tpu.vector_load %arg4[%parallel_loop3A_712, %parallel_loop3A_713, %parallel_loop3A_714] {strides = array<i32>} : memref<8x32x256xf32, #tpu.memory_space<vmem>>, vector<1x1x16xf32>,
        %parallel_loop3A_716 = vector.shape_cast %parallel_loop3A_715 : vector<1x1x16xf32> to vector<16xf32>
        %parallel_loop3A_717 = math.absf %parallel_loop3A_716 : vector<16xf32>
        %parallel_loop3A_718 = arith.constant 1.000000e-03 : f32
        %parallel_loop3A_719 = vector.broadcast %parallel_loop3A_718 : f32 to vector<16xf32>
        %parallel_loop3A_720 = arith.addf %parallel_loop3A_717, %parallel_loop3A_719 : vector<16xf32>
        %parallel_loop3A_721 = arith.constant 1.000000e+00 : f32
        %parallel_loop3A_722 = vector.broadcast %parallel_loop3A_721 : f32 to vector<16xf32>
        %parallel_loop3A_723 = arith.divf %parallel_loop3A_722, %parallel_loop3A_720 : vector<16xf32>
        %parallel_loop3A_724 = arith.constant 6 : i32
        %parallel_loop3A_725 = arith.index_cast %parallel_loop3A_724 : i32 to index
        %parallel_loop3A_726 = arith.index_cast %parallel_loop3A_690 : i32 to index
        %parallel_loop3A_727 = arith.constant 16 : index
        %parallel_loop3A_728 = tpu.vector_load %arg4[%parallel_loop3A_725, %parallel_loop3A_726, %parallel_loop3A_727] {strides = array<i32>} : memref<8x32x256xf32, #tpu.memory_space<vmem>>, vector<1x1x16xf32>,
        %parallel_loop3A_729 = vector.shape_cast %parallel_loop3A_728 : vector<1x1x16xf32> to vector<16xf32>
        %parallel_loop3A_730 = vector.shape_cast %parallel_loop3A_723 : vector<16xf32> to vector<1x1x16xf32>
        tpu.vector_store %arg4[%parallel_loop3A_725, %parallel_loop3A_726, %parallel_loop3A_727], %parallel_loop3A_730 {strides = array<i32>} : memref<8x32x256xf32, #tpu.memory_space<vmem>>, vector<1x1x16xf32>,
        %parallel_loop3A_731 = arith.constant 6 : i32
        %parallel_loop3A_732 = arith.index_cast %parallel_loop3A_731 : i32 to index
        %parallel_loop3A_733 = arith.index_cast %parallel_loop3A_690 : i32 to index
        %parallel_loop3A_734 = arith.constant 32 : index
        %parallel_loop3A_735 = tpu.vector_load %arg4[%parallel_loop3A_732, %parallel_loop3A_733, %parallel_loop3A_734] {strides = array<i32>} : memref<8x32x256xf32, #tpu.memory_space<vmem>>, vector<1x1x16xf32>,
        %parallel_loop3A_736 = vector.shape_cast %parallel_loop3A_735 : vector<1x1x16xf32> to vector<16xf32>
        %parallel_loop3A_737 = math.absf %parallel_loop3A_736 : vector<16xf32>
        %parallel_loop3A_738 = arith.constant 1.000000e-03 : f32
        %parallel_loop3A_739 = vector.broadcast %parallel_loop3A_738 : f32 to vector<16xf32>
        %parallel_loop3A_740 = arith.addf %parallel_loop3A_737, %parallel_loop3A_739 : vector<16xf32>
        %parallel_loop3A_741 = arith.constant 1.000000e+00 : f32
        %parallel_loop3A_742 = vector.broadcast %parallel_loop3A_741 : f32 to vector<16xf32>
        %parallel_loop3A_743 = arith.divf %parallel_loop3A_742, %parallel_loop3A_740 : vector<16xf32>
        %parallel_loop3A_744 = arith.constant 6 : i32
        %parallel_loop3A_745 = arith.index_cast %parallel_loop3A_744 : i32 to index
        %parallel_loop3A_746 = arith.index_cast %parallel_loop3A_690 : i32 to index
        %parallel_loop3A_747 = arith.constant 32 : index
        %parallel_loop3A_748 = tpu.vector_load %arg4[%parallel_loop3A_745, %parallel_loop3A_746, %parallel_loop3A_747] {strides = array<i32>} : memref<8x32x256xf32, #tpu.memory_space<vmem>>, vector<1x1x16xf32>,
        %parallel_loop3A_749 = vector.shape_cast %parallel_loop3A_748 : vector<1x1x16xf32> to vector<16xf32>
        %parallel_loop3A_750 = vector.shape_cast %parallel_loop3A_743 : vector<16xf32> to vector<1x1x16xf32>
        tpu.vector_store %arg4[%parallel_loop3A_745, %parallel_loop3A_746, %parallel_loop3A_747], %parallel_loop3A_750 {strides = array<i32>} : memref<8x32x256xf32, #tpu.memory_space<vmem>>, vector<1x1x16xf32>,
        %parallel_loop3A_751 = arith.constant 6 : i32
        %parallel_loop3A_752 = arith.index_cast %parallel_loop3A_751 : i32 to index
        %parallel_loop3A_753 = arith.index_cast %parallel_loop3A_690 : i32 to index
        %parallel_loop3A_754 = arith.constant 48 : index
        %parallel_loop3A_755 = tpu.vector_load %arg4[%parallel_loop3A_752, %parallel_loop3A_753, %parallel_loop3A_754] {strides = array<i32>} : memref<8x32x256xf32, #tpu.memory_space<vmem>>, vector<1x1x16xf32>,
        %parallel_loop3A_756 = vector.shape_cast %parallel_loop3A_755 : vector<1x1x16xf32> to vector<16xf32>
        %parallel_loop3A_757 = math.absf %parallel_loop3A_756 : vector<16xf32>
        %parallel_loop3A_758 = arith.constant 1.000000e-03 : f32
        %parallel_loop3A_759 = vector.broadcast %parallel_loop3A_758 : f32 to vector<16xf32>
        %parallel_loop3A_760 = arith.addf %parallel_loop3A_757, %parallel_loop3A_759 : vector<16xf32>
        %parallel_loop3A_761 = arith.constant 1.000000e+00 : f32
        %parallel_loop3A_762 = vector.broadcast %parallel_loop3A_761 : f32 to vector<16xf32>
        %parallel_loop3A_763 = arith.divf %parallel_loop3A_762, %parallel_loop3A_760 : vector<16xf32>
        %parallel_loop3A_764 = arith.constant 6 : i32
        %parallel_loop3A_765 = arith.index_cast %parallel_loop3A_764 : i32 to index
        %parallel_loop3A_766 = arith.index_cast %parallel_loop3A_690 : i32 to index
        %parallel_loop3A_767 = arith.constant 48 : index
        %parallel_loop3A_768 = tpu.vector_load %arg4[%parallel_loop3A_765, %parallel_loop3A_766, %parallel_loop3A_767] {strides = array<i32>} : memref<8x32x256xf32, #tpu.memory_space<vmem>>, vector<1x1x16xf32>,
        %parallel_loop3A_769 = vector.shape_cast %parallel_loop3A_768 : vector<1x1x16xf32> to vector<16xf32>
        %parallel_loop3A_770 = vector.shape_cast %parallel_loop3A_763 : vector<16xf32> to vector<1x1x16xf32>
        tpu.vector_store %arg4[%parallel_loop3A_765, %parallel_loop3A_766, %parallel_loop3A_767], %parallel_loop3A_770 {strides = array<i32>} : memref<8x32x256xf32, #tpu.memory_space<vmem>>, vector<1x1x16xf32>,
        %parallel_loop3A_771 = arith.constant 6 : i32
        %parallel_loop3A_772 = arith.index_cast %parallel_loop3A_771 : i32 to index
        %parallel_loop3A_773 = arith.index_cast %parallel_loop3A_690 : i32 to index
        %parallel_loop3A_774 = arith.constant 64 : index
        %parallel_loop3A_775 = tpu.vector_load %arg4[%parallel_loop3A_772, %parallel_loop3A_773, %parallel_loop3A_774] {strides = array<i32>} : memref<8x32x256xf32, #tpu.memory_space<vmem>>, vector<1x1x16xf32>,
        %parallel_loop3A_776 = vector.shape_cast %parallel_loop3A_775 : vector<1x1x16xf32> to vector<16xf32>
        %parallel_loop3A_777 = math.absf %parallel_loop3A_776 : vector<16xf32>
        %parallel_loop3A_778 = arith.constant 1.000000e-03 : f32
        %parallel_loop3A_779 = vector.broadcast %parallel_loop3A_778 : f32 to vector<16xf32>
        %parallel_loop3A_780 = arith.addf %parallel_loop3A_777, %parallel_loop3A_779 : vector<16xf32>
        %parallel_loop3A_781 = arith.constant 1.000000e+00 : f32
        %parallel_loop3A_782 = vector.broadcast %parallel_loop3A_781 : f32 to vector<16xf32>
        %parallel_loop3A_783 = arith.divf %parallel_loop3A_782, %parallel_loop3A_780 : vector<16xf32>
        %parallel_loop3A_784 = arith.constant 6 : i32
        %parallel_loop3A_785 = arith.index_cast %parallel_loop3A_784 : i32 to index
        %parallel_loop3A_786 = arith.index_cast %parallel_loop3A_690 : i32 to index
        %parallel_loop3A_787 = arith.constant 64 : index
        %parallel_loop3A_788 = tpu.vector_load %arg4[%parallel_loop3A_785, %parallel_loop3A_786, %parallel_loop3A_787] {strides = array<i32>} : memref<8x32x256xf32, #tpu.memory_space<vmem>>, vector<1x1x16xf32>,
        %parallel_loop3A_789 = vector.shape_cast %parallel_loop3A_788 : vector<1x1x16xf32> to vector<16xf32>
        %parallel_loop3A_790 = vector.shape_cast %parallel_loop3A_783 : vector<16xf32> to vector<1x1x16xf32>
        tpu.vector_store %arg4[%parallel_loop3A_785, %parallel_loop3A_786, %parallel_loop3A_787], %parallel_loop3A_790 {strides = array<i32>} : memref<8x32x256xf32, #tpu.memory_space<vmem>>, vector<1x1x16xf32>,
        %parallel_loop3A_791 = arith.constant 6 : i32
        %parallel_loop3A_792 = arith.index_cast %parallel_loop3A_791 : i32 to index
        %parallel_loop3A_793 = arith.index_cast %parallel_loop3A_690 : i32 to index
        %parallel_loop3A_794 = arith.constant 80 : index
        %parallel_loop3A_795 = tpu.vector_load %arg4[%parallel_loop3A_792, %parallel_loop3A_793, %parallel_loop3A_794] {strides = array<i32>} : memref<8x32x256xf32, #tpu.memory_space<vmem>>, vector<1x1x16xf32>,
        %parallel_loop3A_796 = vector.shape_cast %parallel_loop3A_795 : vector<1x1x16xf32> to vector<16xf32>
        %parallel_loop3A_797 = math.absf %parallel_loop3A_796 : vector<16xf32>
        %parallel_loop3A_798 = arith.constant 1.000000e-03 : f32
        %parallel_loop3A_799 = vector.broadcast %parallel_loop3A_798 : f32 to vector<16xf32>
        %parallel_loop3A_800 = arith.addf %parallel_loop3A_797, %parallel_loop3A_799 : vector<16xf32>
        %parallel_loop3A_801 = arith.constant 1.000000e+00 : f32
        %parallel_loop3A_802 = vector.broadcast %parallel_loop3A_801 : f32 to vector<16xf32>
        %parallel_loop3A_803 = arith.divf %parallel_loop3A_802, %parallel_loop3A_800 : vector<16xf32>
        %parallel_loop3A_804 = arith.constant 6 : i32
        %parallel_loop3A_805 = arith.index_cast %parallel_loop3A_804 : i32 to index
        %parallel_loop3A_806 = arith.index_cast %parallel_loop3A_690 : i32 to index
        %parallel_loop3A_807 = arith.constant 80 : index
        %parallel_loop3A_808 = tpu.vector_load %arg4[%parallel_loop3A_805, %parallel_loop3A_806, %parallel_loop3A_807] {strides = array<i32>} : memref<8x32x256xf32, #tpu.memory_space<vmem>>, vector<1x1x16xf32>,
        %parallel_loop3A_809 = vector.shape_cast %parallel_loop3A_808 : vector<1x1x16xf32> to vector<16xf32>
        %parallel_loop3A_810 = vector.shape_cast %parallel_loop3A_803 : vector<16xf32> to vector<1x1x16xf32>
        tpu.vector_store %arg4[%parallel_loop3A_805, %parallel_loop3A_806, %parallel_loop3A_807], %parallel_loop3A_810 {strides = array<i32>} : memref<8x32x256xf32, #tpu.memory_space<vmem>>, vector<1x1x16xf32>,
        %parallel_loop3A_811 = arith.constant 6 : i32
        %parallel_loop3A_812 = arith.index_cast %parallel_loop3A_811 : i32 to index
        %parallel_loop3A_813 = arith.index_cast %parallel_loop3A_690 : i32 to index
        %parallel_loop3A_814 = arith.constant 96 : index
        %parallel_loop3A_815 = tpu.vector_load %arg4[%parallel_loop3A_812, %parallel_loop3A_813, %parallel_loop3A_814] {strides = array<i32>} : memref<8x32x256xf32, #tpu.memory_space<vmem>>, vector<1x1x16xf32>,
        %parallel_loop3A_816 = vector.shape_cast %parallel_loop3A_815 : vector<1x1x16xf32> to vector<16xf32>
        %parallel_loop3A_817 = math.absf %parallel_loop3A_816 : vector<16xf32>
        %parallel_loop3A_818 = arith.constant 1.000000e-03 : f32
        %parallel_loop3A_819 = vector.broadcast %parallel_loop3A_818 : f32 to vector<16xf32>
        %parallel_loop3A_820 = arith.addf %parallel_loop3A_817, %parallel_loop3A_819 : vector<16xf32>
        %parallel_loop3A_821 = arith.constant 1.000000e+00 : f32
        %parallel_loop3A_822 = vector.broadcast %parallel_loop3A_821 : f32 to vector<16xf32>
        %parallel_loop3A_823 = arith.divf %parallel_loop3A_822, %parallel_loop3A_820 : vector<16xf32>
        %parallel_loop3A_824 = arith.constant 6 : i32
        %parallel_loop3A_825 = arith.index_cast %parallel_loop3A_824 : i32 to index
        %parallel_loop3A_826 = arith.index_cast %parallel_loop3A_690 : i32 to index
        %parallel_loop3A_827 = arith.constant 96 : index
        %parallel_loop3A_828 = tpu.vector_load %arg4[%parallel_loop3A_825, %parallel_loop3A_826, %parallel_loop3A_827] {strides = array<i32>} : memref<8x32x256xf32, #tpu.memory_space<vmem>>, vector<1x1x16xf32>,
        %parallel_loop3A_829 = vector.shape_cast %parallel_loop3A_828 : vector<1x1x16xf32> to vector<16xf32>
        %parallel_loop3A_830 = vector.shape_cast %parallel_loop3A_823 : vector<16xf32> to vector<1x1x16xf32>
        tpu.vector_store %arg4[%parallel_loop3A_825, %parallel_loop3A_826, %parallel_loop3A_827], %parallel_loop3A_830 {strides = array<i32>} : memref<8x32x256xf32, #tpu.memory_space<vmem>>, vector<1x1x16xf32>,
        %parallel_loop3A_831 = arith.constant 6 : i32
        %parallel_loop3A_832 = arith.index_cast %parallel_loop3A_831 : i32 to index
        %parallel_loop3A_833 = arith.index_cast %parallel_loop3A_690 : i32 to index
        %parallel_loop3A_834 = arith.constant 112 : index
        %parallel_loop3A_835 = tpu.vector_load %arg4[%parallel_loop3A_832, %parallel_loop3A_833, %parallel_loop3A_834] {strides = array<i32>} : memref<8x32x256xf32, #tpu.memory_space<vmem>>, vector<1x1x16xf32>,
        %parallel_loop3A_836 = vector.shape_cast %parallel_loop3A_835 : vector<1x1x16xf32> to vector<16xf32>
        %parallel_loop3A_837 = math.absf %parallel_loop3A_836 : vector<16xf32>
        %parallel_loop3A_838 = arith.constant 1.000000e-03 : f32
        %parallel_loop3A_839 = vector.broadcast %parallel_loop3A_838 : f32 to vector<16xf32>
        %parallel_loop3A_840 = arith.addf %parallel_loop3A_837, %parallel_loop3A_839 : vector<16xf32>
        %parallel_loop3A_841 = arith.constant 1.000000e+00 : f32
        %parallel_loop3A_842 = vector.broadcast %parallel_loop3A_841 : f32 to vector<16xf32>
        %parallel_loop3A_843 = arith.divf %parallel_loop3A_842, %parallel_loop3A_840 : vector<16xf32>
        %parallel_loop3A_844 = arith.constant 6 : i32
        %parallel_loop3A_845 = arith.index_cast %parallel_loop3A_844 : i32 to index
        %parallel_loop3A_846 = arith.index_cast %parallel_loop3A_690 : i32 to index
        %parallel_loop3A_847 = arith.constant 112 : index
        %parallel_loop3A_848 = tpu.vector_load %arg4[%parallel_loop3A_845, %parallel_loop3A_846, %parallel_loop3A_847] {strides = array<i32>} : memref<8x32x256xf32, #tpu.memory_space<vmem>>, vector<1x1x16xf32>,
        %parallel_loop3A_849 = vector.shape_cast %parallel_loop3A_848 : vector<1x1x16xf32> to vector<16xf32>
        %parallel_loop3A_850 = vector.shape_cast %parallel_loop3A_843 : vector<16xf32> to vector<1x1x16xf32>
        tpu.vector_store %arg4[%parallel_loop3A_845, %parallel_loop3A_846, %parallel_loop3A_847], %parallel_loop3A_850 {strides = array<i32>} : memref<8x32x256xf32, #tpu.memory_space<vmem>>, vector<1x1x16xf32>,
        %parallel_loop3A_851 = arith.constant 6 : i32
        %parallel_loop3A_852 = arith.index_cast %parallel_loop3A_851 : i32 to index
        %parallel_loop3A_853 = arith.index_cast %parallel_loop3A_690 : i32 to index
        %parallel_loop3A_854 = arith.constant 128 : index
        %parallel_loop3A_855 = tpu.vector_load %arg4[%parallel_loop3A_852, %parallel_loop3A_853, %parallel_loop3A_854] {strides = array<i32>} : memref<8x32x256xf32, #tpu.memory_space<vmem>>, vector<1x1x16xf32>,
        %parallel_loop3A_856 = vector.shape_cast %parallel_loop3A_855 : vector<1x1x16xf32> to vector<16xf32>
        %parallel_loop3A_857 = math.absf %parallel_loop3A_856 : vector<16xf32>
        %parallel_loop3A_858 = arith.constant 1.000000e-03 : f32
        %parallel_loop3A_859 = vector.broadcast %parallel_loop3A_858 : f32 to vector<16xf32>
        %parallel_loop3A_860 = arith.addf %parallel_loop3A_857, %parallel_loop3A_859 : vector<16xf32>
        %parallel_loop3A_861 = arith.constant 1.000000e+00 : f32
        %parallel_loop3A_862 = vector.broadcast %parallel_loop3A_861 : f32 to vector<16xf32>
        %parallel_loop3A_863 = arith.divf %parallel_loop3A_862, %parallel_loop3A_860 : vector<16xf32>
        %parallel_loop3A_864 = arith.constant 6 : i32
        %parallel_loop3A_865 = arith.index_cast %parallel_loop3A_864 : i32 to index
        %parallel_loop3A_866 = arith.index_cast %parallel_loop3A_690 : i32 to index
        %parallel_loop3A_867 = arith.constant 128 : index
        %parallel_loop3A_868 = tpu.vector_load %arg4[%parallel_loop3A_865, %parallel_loop3A_866, %parallel_loop3A_867] {strides = array<i32>} : memref<8x32x256xf32, #tpu.memory_space<vmem>>, vector<1x1x16xf32>,
        %parallel_loop3A_869 = vector.shape_cast %parallel_loop3A_868 : vector<1x1x16xf32> to vector<16xf32>
        %parallel_loop3A_870 = vector.shape_cast %parallel_loop3A_863 : vector<16xf32> to vector<1x1x16xf32>
        tpu.vector_store %arg4[%parallel_loop3A_865, %parallel_loop3A_866, %parallel_loop3A_867], %parallel_loop3A_870 {strides = array<i32>} : memref<8x32x256xf32, #tpu.memory_space<vmem>>, vector<1x1x16xf32>,
        %parallel_loop3A_871 = arith.constant 6 : i32
        %parallel_loop3A_872 = arith.index_cast %parallel_loop3A_871 : i32 to index
        %parallel_loop3A_873 = arith.index_cast %parallel_loop3A_690 : i32 to index
        %parallel_loop3A_874 = arith.constant 144 : index
        %parallel_loop3A_875 = tpu.vector_load %arg4[%parallel_loop3A_872, %parallel_loop3A_873, %parallel_loop3A_874] {strides = array<i32>} : memref<8x32x256xf32, #tpu.memory_space<vmem>>, vector<1x1x16xf32>,
        %parallel_loop3A_876 = vector.shape_cast %parallel_loop3A_875 : vector<1x1x16xf32> to vector<16xf32>
        %parallel_loop3A_877 = math.absf %parallel_loop3A_876 : vector<16xf32>
        %parallel_loop3A_878 = arith.constant 1.000000e-03 : f32
        %parallel_loop3A_879 = vector.broadcast %parallel_loop3A_878 : f32 to vector<16xf32>
        %parallel_loop3A_880 = arith.addf %parallel_loop3A_877, %parallel_loop3A_879 : vector<16xf32>
        %parallel_loop3A_881 = arith.constant 1.000000e+00 : f32
        %parallel_loop3A_882 = vector.broadcast %parallel_loop3A_881 : f32 to vector<16xf32>
        %parallel_loop3A_883 = arith.divf %parallel_loop3A_882, %parallel_loop3A_880 : vector<16xf32>
        %parallel_loop3A_884 = arith.constant 6 : i32
        %parallel_loop3A_885 = arith.index_cast %parallel_loop3A_884 : i32 to index
        %parallel_loop3A_886 = arith.index_cast %parallel_loop3A_690 : i32 to index
        %parallel_loop3A_887 = arith.constant 144 : index
        %parallel_loop3A_888 = tpu.vector_load %arg4[%parallel_loop3A_885, %parallel_loop3A_886, %parallel_loop3A_887] {strides = array<i32>} : memref<8x32x256xf32, #tpu.memory_space<vmem>>, vector<1x1x16xf32>,
        %parallel_loop3A_889 = vector.shape_cast %parallel_loop3A_888 : vector<1x1x16xf32> to vector<16xf32>
        %parallel_loop3A_890 = vector.shape_cast %parallel_loop3A_883 : vector<16xf32> to vector<1x1x16xf32>
        tpu.vector_store %arg4[%parallel_loop3A_885, %parallel_loop3A_886, %parallel_loop3A_887], %parallel_loop3A_890 {strides = array<i32>} : memref<8x32x256xf32, #tpu.memory_space<vmem>>, vector<1x1x16xf32>,
        %parallel_loop3A_891 = arith.constant 6 : i32
        %parallel_loop3A_892 = arith.index_cast %parallel_loop3A_891 : i32 to index
        %parallel_loop3A_893 = arith.index_cast %parallel_loop3A_690 : i32 to index
        %parallel_loop3A_894 = arith.constant 160 : index
        %parallel_loop3A_895 = tpu.vector_load %arg4[%parallel_loop3A_892, %parallel_loop3A_893, %parallel_loop3A_894] {strides = array<i32>} : memref<8x32x256xf32, #tpu.memory_space<vmem>>, vector<1x1x16xf32>,
        %parallel_loop3A_896 = vector.shape_cast %parallel_loop3A_895 : vector<1x1x16xf32> to vector<16xf32>
        %parallel_loop3A_897 = math.absf %parallel_loop3A_896 : vector<16xf32>
        %parallel_loop3A_898 = arith.constant 1.000000e-03 : f32
        %parallel_loop3A_899 = vector.broadcast %parallel_loop3A_898 : f32 to vector<16xf32>
        %parallel_loop3A_900 = arith.addf %parallel_loop3A_897, %parallel_loop3A_899 : vector<16xf32>
        %parallel_loop3A_901 = arith.constant 1.000000e+00 : f32
        %parallel_loop3A_902 = vector.broadcast %parallel_loop3A_901 : f32 to vector<16xf32>
        %parallel_loop3A_903 = arith.divf %parallel_loop3A_902, %parallel_loop3A_900 : vector<16xf32>
        %parallel_loop3A_904 = arith.constant 6 : i32
        %parallel_loop3A_905 = arith.index_cast %parallel_loop3A_904 : i32 to index
        %parallel_loop3A_906 = arith.index_cast %parallel_loop3A_690 : i32 to index
        %parallel_loop3A_907 = arith.constant 160 : index
        %parallel_loop3A_908 = tpu.vector_load %arg4[%parallel_loop3A_905, %parallel_loop3A_906, %parallel_loop3A_907] {strides = array<i32>} : memref<8x32x256xf32, #tpu.memory_space<vmem>>, vector<1x1x16xf32>,
        %parallel_loop3A_909 = vector.shape_cast %parallel_loop3A_908 : vector<1x1x16xf32> to vector<16xf32>
        %parallel_loop3A_910 = vector.shape_cast %parallel_loop3A_903 : vector<16xf32> to vector<1x1x16xf32>
        tpu.vector_store %arg4[%parallel_loop3A_905, %parallel_loop3A_906, %parallel_loop3A_907], %parallel_loop3A_910 {strides = array<i32>} : memref<8x32x256xf32, #tpu.memory_space<vmem>>, vector<1x1x16xf32>,
        %parallel_loop3A_911 = arith.constant 6 : i32
        %parallel_loop3A_912 = arith.index_cast %parallel_loop3A_911 : i32 to index
        %parallel_loop3A_913 = arith.index_cast %parallel_loop3A_690 : i32 to index
        %parallel_loop3A_914 = arith.constant 176 : index
        %parallel_loop3A_915 = tpu.vector_load %arg4[%parallel_loop3A_912, %parallel_loop3A_913, %parallel_loop3A_914] {strides = array<i32>} : memref<8x32x256xf32, #tpu.memory_space<vmem>>, vector<1x1x16xf32>,
        %parallel_loop3A_916 = vector.shape_cast %parallel_loop3A_915 : vector<1x1x16xf32> to vector<16xf32>
        %parallel_loop3A_917 = math.absf %parallel_loop3A_916 : vector<16xf32>
        %parallel_loop3A_918 = arith.constant 1.000000e-03 : f32
        %parallel_loop3A_919 = vector.broadcast %parallel_loop3A_918 : f32 to vector<16xf32>
        %parallel_loop3A_920 = arith.addf %parallel_loop3A_917, %parallel_loop3A_919 : vector<16xf32>
        %parallel_loop3A_921 = arith.constant 1.000000e+00 : f32
        %parallel_loop3A_922 = vector.broadcast %parallel_loop3A_921 : f32 to vector<16xf32>
        %parallel_loop3A_923 = arith.divf %parallel_loop3A_922, %parallel_loop3A_920 : vector<16xf32>
        %parallel_loop3A_924 = arith.constant 6 : i32
        %parallel_loop3A_925 = arith.index_cast %parallel_loop3A_924 : i32 to index
        %parallel_loop3A_926 = arith.index_cast %parallel_loop3A_690 : i32 to index
        %parallel_loop3A_927 = arith.constant 176 : index
        %parallel_loop3A_928 = tpu.vector_load %arg4[%parallel_loop3A_925, %parallel_loop3A_926, %parallel_loop3A_927] {strides = array<i32>} : memref<8x32x256xf32, #tpu.memory_space<vmem>>, vector<1x1x16xf32>,
        %parallel_loop3A_929 = vector.shape_cast %parallel_loop3A_928 : vector<1x1x16xf32> to vector<16xf32>
        %parallel_loop3A_930 = vector.shape_cast %parallel_loop3A_923 : vector<16xf32> to vector<1x1x16xf32>
        tpu.vector_store %arg4[%parallel_loop3A_925, %parallel_loop3A_926, %parallel_loop3A_927], %parallel_loop3A_930 {strides = array<i32>} : memref<8x32x256xf32, #tpu.memory_space<vmem>>, vector<1x1x16xf32>,
        %parallel_loop3A_931 = arith.constant 6 : i32
        %parallel_loop3A_932 = arith.index_cast %parallel_loop3A_931 : i32 to index
        %parallel_loop3A_933 = arith.index_cast %parallel_loop3A_690 : i32 to index
        %parallel_loop3A_934 = arith.constant 192 : index
        %parallel_loop3A_935 = tpu.vector_load %arg4[%parallel_loop3A_932, %parallel_loop3A_933, %parallel_loop3A_934] {strides = array<i32>} : memref<8x32x256xf32, #tpu.memory_space<vmem>>, vector<1x1x16xf32>,
        %parallel_loop3A_936 = vector.shape_cast %parallel_loop3A_935 : vector<1x1x16xf32> to vector<16xf32>
        %parallel_loop3A_937 = math.absf %parallel_loop3A_936 : vector<16xf32>
        %parallel_loop3A_938 = arith.constant 1.000000e-03 : f32
        %parallel_loop3A_939 = vector.broadcast %parallel_loop3A_938 : f32 to vector<16xf32>
        %parallel_loop3A_940 = arith.addf %parallel_loop3A_937, %parallel_loop3A_939 : vector<16xf32>
        %parallel_loop3A_941 = arith.constant 1.000000e+00 : f32
        %parallel_loop3A_942 = vector.broadcast %parallel_loop3A_941 : f32 to vector<16xf32>
        %parallel_loop3A_943 = arith.divf %parallel_loop3A_942, %parallel_loop3A_940 : vector<16xf32>
        %parallel_loop3A_944 = arith.constant 6 : i32
        %parallel_loop3A_945 = arith.index_cast %parallel_loop3A_944 : i32 to index
        %parallel_loop3A_946 = arith.index_cast %parallel_loop3A_690 : i32 to index
        %parallel_loop3A_947 = arith.constant 192 : index
        %parallel_loop3A_948 = tpu.vector_load %arg4[%parallel_loop3A_945, %parallel_loop3A_946, %parallel_loop3A_947] {strides = array<i32>} : memref<8x32x256xf32, #tpu.memory_space<vmem>>, vector<1x1x16xf32>,
        %parallel_loop3A_949 = vector.shape_cast %parallel_loop3A_948 : vector<1x1x16xf32> to vector<16xf32>
        %parallel_loop3A_950 = vector.shape_cast %parallel_loop3A_943 : vector<16xf32> to vector<1x1x16xf32>
        tpu.vector_store %arg4[%parallel_loop3A_945, %parallel_loop3A_946, %parallel_loop3A_947], %parallel_loop3A_950 {strides = array<i32>} : memref<8x32x256xf32, #tpu.memory_space<vmem>>, vector<1x1x16xf32>,
        %parallel_loop3A_951 = arith.constant 6 : i32
        %parallel_loop3A_952 = arith.index_cast %parallel_loop3A_951 : i32 to index
        %parallel_loop3A_953 = arith.index_cast %parallel_loop3A_690 : i32 to index
        %parallel_loop3A_954 = arith.constant 208 : index
        %parallel_loop3A_955 = tpu.vector_load %arg4[%parallel_loop3A_952, %parallel_loop3A_953, %parallel_loop3A_954] {strides = array<i32>} : memref<8x32x256xf32, #tpu.memory_space<vmem>>, vector<1x1x16xf32>,
        %parallel_loop3A_956 = vector.shape_cast %parallel_loop3A_955 : vector<1x1x16xf32> to vector<16xf32>
        %parallel_loop3A_957 = math.absf %parallel_loop3A_956 : vector<16xf32>
        %parallel_loop3A_958 = arith.constant 1.000000e-03 : f32
        %parallel_loop3A_959 = vector.broadcast %parallel_loop3A_958 : f32 to vector<16xf32>
        %parallel_loop3A_960 = arith.addf %parallel_loop3A_957, %parallel_loop3A_959 : vector<16xf32>
        %parallel_loop3A_961 = arith.constant 1.000000e+00 : f32
        %parallel_loop3A_962 = vector.broadcast %parallel_loop3A_961 : f32 to vector<16xf32>
        %parallel_loop3A_963 = arith.divf %parallel_loop3A_962, %parallel_loop3A_960 : vector<16xf32>
        %parallel_loop3A_964 = arith.constant 6 : i32
        %parallel_loop3A_965 = arith.index_cast %parallel_loop3A_964 : i32 to index
        %parallel_loop3A_966 = arith.index_cast %parallel_loop3A_690 : i32 to index
        %parallel_loop3A_967 = arith.constant 208 : index
        %parallel_loop3A_968 = tpu.vector_load %arg4[%parallel_loop3A_965, %parallel_loop3A_966, %parallel_loop3A_967] {strides = array<i32>} : memref<8x32x256xf32, #tpu.memory_space<vmem>>, vector<1x1x16xf32>,
        %parallel_loop3A_969 = vector.shape_cast %parallel_loop3A_968 : vector<1x1x16xf32> to vector<16xf32>
        %parallel_loop3A_970 = vector.shape_cast %parallel_loop3A_963 : vector<16xf32> to vector<1x1x16xf32>
        tpu.vector_store %arg4[%parallel_loop3A_965, %parallel_loop3A_966, %parallel_loop3A_967], %parallel_loop3A_970 {strides = array<i32>} : memref<8x32x256xf32, #tpu.memory_space<vmem>>, vector<1x1x16xf32>,
        %parallel_loop3A_971 = arith.constant 6 : i32
        %parallel_loop3A_972 = arith.index_cast %parallel_loop3A_971 : i32 to index
        %parallel_loop3A_973 = arith.index_cast %parallel_loop3A_690 : i32 to index
        %parallel_loop3A_974 = arith.constant 224 : index
        %parallel_loop3A_975 = tpu.vector_load %arg4[%parallel_loop3A_972, %parallel_loop3A_973, %parallel_loop3A_974] {strides = array<i32>} : memref<8x32x256xf32, #tpu.memory_space<vmem>>, vector<1x1x16xf32>,
        %parallel_loop3A_976 = vector.shape_cast %parallel_loop3A_975 : vector<1x1x16xf32> to vector<16xf32>
        %parallel_loop3A_977 = math.absf %parallel_loop3A_976 : vector<16xf32>
        %parallel_loop3A_978 = arith.constant 1.000000e-03 : f32
        %parallel_loop3A_979 = vector.broadcast %parallel_loop3A_978 : f32 to vector<16xf32>
        %parallel_loop3A_980 = arith.addf %parallel_loop3A_977, %parallel_loop3A_979 : vector<16xf32>
        %parallel_loop3A_981 = arith.constant 1.000000e+00 : f32
        %parallel_loop3A_982 = vector.broadcast %parallel_loop3A_981 : f32 to vector<16xf32>
        %parallel_loop3A_983 = arith.divf %parallel_loop3A_982, %parallel_loop3A_980 : vector<16xf32>
        %parallel_loop3A_984 = arith.constant 6 : i32
        %parallel_loop3A_985 = arith.index_cast %parallel_loop3A_984 : i32 to index
        %parallel_loop3A_986 = arith.index_cast %parallel_loop3A_690 : i32 to index
        %parallel_loop3A_987 = arith.constant 224 : index
        %parallel_loop3A_988 = tpu.vector_load %arg4[%parallel_loop3A_985, %parallel_loop3A_986, %parallel_loop3A_987] {strides = array<i32>} : memref<8x32x256xf32, #tpu.memory_space<vmem>>, vector<1x1x16xf32>,
        %parallel_loop3A_989 = vector.shape_cast %parallel_loop3A_988 : vector<1x1x16xf32> to vector<16xf32>
        %parallel_loop3A_990 = vector.shape_cast %parallel_loop3A_983 : vector<16xf32> to vector<1x1x16xf32>
        tpu.vector_store %arg4[%parallel_loop3A_985, %parallel_loop3A_986, %parallel_loop3A_987], %parallel_loop3A_990 {strides = array<i32>} : memref<8x32x256xf32, #tpu.memory_space<vmem>>, vector<1x1x16xf32>,
        %parallel_loop3A_991 = arith.constant 6 : i32
        %parallel_loop3A_992 = arith.index_cast %parallel_loop3A_991 : i32 to index
        %parallel_loop3A_993 = arith.index_cast %parallel_loop3A_690 : i32 to index
        %parallel_loop3A_994 = arith.constant 240 : index
        %parallel_loop3A_995 = tpu.vector_load %arg4[%parallel_loop3A_992, %parallel_loop3A_993, %parallel_loop3A_994] {strides = array<i32>} : memref<8x32x256xf32, #tpu.memory_space<vmem>>, vector<1x1x16xf32>,
        %parallel_loop3A_996 = vector.shape_cast %parallel_loop3A_995 : vector<1x1x16xf32> to vector<16xf32>
        %parallel_loop3A_997 = math.absf %parallel_loop3A_996 : vector<16xf32>
        %parallel_loop3A_998 = arith.constant 1.000000e-03 : f32
        %parallel_loop3A_999 = vector.broadcast %parallel_loop3A_998 : f32 to vector<16xf32>
        %parallel_loop3A_1000 = arith.addf %parallel_loop3A_997, %parallel_loop3A_999 : vector<16xf32>
        %parallel_loop3A_1001 = arith.constant 1.000000e+00 : f32
        %parallel_loop3A_1002 = vector.broadcast %parallel_loop3A_1001 : f32 to vector<16xf32>
        %parallel_loop3A_1003 = arith.divf %parallel_loop3A_1002, %parallel_loop3A_1000 : vector<16xf32>
        %parallel_loop3A_1004 = arith.constant 6 : i32
        %parallel_loop3A_1005 = arith.index_cast %parallel_loop3A_1004 : i32 to index
        %parallel_loop3A_1006 = arith.index_cast %parallel_loop3A_690 : i32 to index
        %parallel_loop3A_1007 = arith.constant 240 : index
        %parallel_loop3A_1008 = tpu.vector_load %arg4[%parallel_loop3A_1005, %parallel_loop3A_1006, %parallel_loop3A_1007] {strides = array<i32>} : memref<8x32x256xf32, #tpu.memory_space<vmem>>, vector<1x1x16xf32>,
        %parallel_loop3A_1009 = vector.shape_cast %parallel_loop3A_1008 : vector<1x1x16xf32> to vector<16xf32>
        %parallel_loop3A_1010 = vector.shape_cast %parallel_loop3A_1003 : vector<16xf32> to vector<1x1x16xf32>
        tpu.vector_store %arg4[%parallel_loop3A_1005, %parallel_loop3A_1006, %parallel_loop3A_1007], %parallel_loop3A_1010 {strides = array<i32>} : memref<8x32x256xf32, #tpu.memory_space<vmem>>, vector<1x1x16xf32>,
      } {sc.loop_unroll_factor = 2 : i64, sc.parallel_access}
      %mul3A_610 = arith.constant 32 : i32
      %mul3A_611 = arith.muli %add3A_587, %mul3A_610 : i32
      %add3A_612 = arith.addi %mul3A_2, %mul3A_611 : i32
      %dma_start3A_613 = arith.constant 6 : i32
      %dma_start3A_614 = arith.constant 6 : i32
      %dma_start3A_615 = arith.constant 0 : i32
      %dma_start3A_616 = arith.constant 0 : i32
      %dma_start3A_617 = tpu.memref_slice %arg4[%dma_start3A_613, %dma_start3A_615, %dma_start3A_616] : memref<8x32x256xf32, #tpu.memory_space<vmem>> -> memref<1x32x256xf32, #tpu.memory_space<vmem>>
      %dma_start3A_618 = tpu.memref_squeeze %dma_start3A_617 : memref<1x32x256xf32, #tpu.memory_space<vmem>> -> memref<32x256xf32, #tpu.memory_space<vmem>>
      %dma_start3A_619 = arith.constant 0 : i32
      %dma_start3A_620 = tpu.memref_slice %arg3[%add3A_612, %dma_start3A_619] : memref<262144x256xf32, #tpu.memory_space<hbm>> -> memref<32x256xf32, #tpu.memory_space<hbm>>
      %dma_start3A_621 = tpu.memref_slice %arg6[%dma_start3A_614] : memref<8x!tpu.dma_semaphore, #tpu.memory_space<semaphore_mem>> -> memref<1x!tpu.dma_semaphore, #tpu.memory_space<semaphore_mem>>
      %dma_start3A_622 = tpu.memref_squeeze %dma_start3A_621 : memref<1x!tpu.dma_semaphore, #tpu.memory_space<semaphore_mem>> -> memref<!tpu.dma_semaphore, #tpu.memory_space<semaphore_mem>>
      %dma_start3A_623 = arith.constant 0 : i32
      %dma_start3A_624 = tpu.memref_slice %arg3[%add3A_612, %dma_start3A_623] : memref<262144x256xf32, #tpu.memory_space<hbm>> -> memref<32x256xf32, #tpu.memory_space<hbm>>
      %dma_start3A_625 = arith.constant 0 : i32
      %dma_start3A_626 = arith.constant 0 : i32
      %dma_start3A_627 = tpu.memref_slice %arg4[%dma_start3A_613, %dma_start3A_625, %dma_start3A_626] : memref<8x32x256xf32, #tpu.memory_space<vmem>> -> memref<1x32x256xf32, #tpu.memory_space<vmem>>
      %dma_start3A_628 = tpu.memref_squeeze %dma_start3A_627 : memref<1x32x256xf32, #tpu.memory_space<vmem>> -> memref<32x256xf32, #tpu.memory_space<vmem>>
      tpu.enqueue_dma source(%dma_start3A_628 : memref<32x256xf32, #tpu.memory_space<vmem>>) target(%dma_start3A_624 : memref<32x256xf32, #tpu.memory_space<hbm>>) target_semaphore(%dma_start3A_622 : memref<!tpu.dma_semaphore, #tpu.memory_space<semaphore_mem>>)
      %add3A_629 = arith.constant 8 : i32
      %add3A_630 = arith.addi %add3A_587, %add3A_629 : i32
      %sub3A_631 = arith.constant 1 : i32
      %sub3A_632 = arith.subi %add3A_630, %sub3A_631 : i32
      %lt3A_633 = arith.constant 256 : i32
      %lt3A_634 = arith.cmpi slt, %sub3A_632, %lt3A_633 : i32
      %convert_element_type3A_635 = arith.extui %lt3A_634 : i1 to i32
      %cond3A_636 = arith.constant 0 : i32
      %cond3A_637 = arith.cmpi ne, %convert_element_type3A_635, %cond3A_636 : i32
      scf.if %cond3A_637 {
        %ge3A = arith.constant 1 : i32
        %ge3A_690 = arith.cmpi sge, %add3A_587, %ge3A : i32
        %convert_element_type3A_691 = arith.extui %ge3A_690 : i1 to i32
        %cond3A_692 = arith.constant 0 : i32
        %cond3A_693 = arith.cmpi ne, %convert_element_type3A_691, %cond3A_692 : i32
        scf.if %cond3A_693 {
          %sub3A_717 = arith.constant 1 : i32
          %sub3A_718 = arith.subi %add3A_587, %sub3A_717 : i32
          %mul3A_719 = arith.constant 32 : i32
          %mul3A_720 = arith.muli %sub3A_718, %mul3A_719 : i32
          %add3A_721 = arith.addi %mul3A_2, %mul3A_720 : i32
          %dma_wait3A_722 = arith.constant 5 : i32
          %dma_wait3A_723 = arith.constant 5 : i32
          %dma_wait3A_724 = arith.constant 0 : i32
          %dma_wait3A_725 = arith.constant 0 : i32
          %dma_wait3A_726 = tpu.memref_slice %arg4[%dma_wait3A_722, %dma_wait3A_724, %dma_wait3A_725] : memref<8x32x256xf32, #tpu.memory_space<vmem>> -> memref<1x32x256xf32, #tpu.memory_space<vmem>>
          %dma_wait3A_727 = tpu.memref_squeeze %dma_wait3A_726 : memref<1x32x256xf32, #tpu.memory_space<vmem>> -> memref<32x256xf32, #tpu.memory_space<vmem>>
          %dma_wait3A_728 = arith.constant 0 : i32
          %dma_wait3A_729 = tpu.memref_slice %arg3[%add3A_721, %dma_wait3A_728] : memref<262144x256xf32, #tpu.memory_space<hbm>> -> memref<32x256xf32, #tpu.memory_space<hbm>>
          %dma_wait3A_730 = tpu.memref_slice %arg6[%dma_wait3A_723] : memref<8x!tpu.dma_semaphore, #tpu.memory_space<semaphore_mem>> -> memref<1x!tpu.dma_semaphore, #tpu.memory_space<semaphore_mem>>
          %dma_wait3A_731 = tpu.memref_squeeze %dma_wait3A_730 : memref<1x!tpu.dma_semaphore, #tpu.memory_space<semaphore_mem>> -> memref<!tpu.dma_semaphore, #tpu.memory_space<semaphore_mem>>
          %dma_wait3A_732 = arith.constant 0 : i32
          %dma_wait3A_733 = tpu.memref_slice %arg3[%add3A_721, %dma_wait3A_732] : memref<262144x256xf32, #tpu.memory_space<hbm>> -> memref<32x256xf32, #tpu.memory_space<hbm>>
          %dma_wait3A_734 = arith.constant 0 : i32
          %dma_wait3A_735 = arith.constant 0 : i32
          %dma_wait3A_736 = tpu.memref_slice %arg4[%dma_wait3A_722, %dma_wait3A_734, %dma_wait3A_735] : memref<8x32x256xf32, #tpu.memory_space<vmem>> -> memref<1x32x256xf32, #tpu.memory_space<vmem>>
          %dma_wait3A_737 = tpu.memref_squeeze %dma_wait3A_736 : memref<1x32x256xf32, #tpu.memory_space<vmem>> -> memref<32x256xf32, #tpu.memory_space<vmem>>
          tpu.wait_dma2 semaphore(%dma_wait3A_731 : memref<!tpu.dma_semaphore, #tpu.memory_space<semaphore_mem>>) src(%dma_wait3A_737 : memref<32x256xf32, #tpu.memory_space<vmem>>) dst(%dma_wait3A_733 : memref<32x256xf32, #tpu.memory_space<hbm>>)
        } else {
        }
        %add3A_694 = arith.constant 8 : i32
        %add3A_695 = arith.addi %add3A_587, %add3A_694 : i32
        %sub3A_696 = arith.constant 1 : i32
        %sub3A_697 = arith.subi %add3A_695, %sub3A_696 : i32
        %mul3A_698 = arith.constant 32 : i32
        %mul3A_699 = arith.muli %sub3A_697, %mul3A_698 : i32
        %add3A_700 = arith.addi %mul3A_2, %mul3A_699 : i32
        %dma_start3A_701 = arith.constant 5 : i32
        %dma_start3A_702 = arith.constant 5 : i32
        %dma_start3A_703 = arith.constant 0 : i32
        %dma_start3A_704 = arith.constant 0 : i32
        %dma_start3A_705 = tpu.memref_slice %arg4[%dma_start3A_701, %dma_start3A_703, %dma_start3A_704] : memref<8x32x256xf32, #tpu.memory_space<vmem>> -> memref<1x32x256xf32, #tpu.memory_space<vmem>>
        %dma_start3A_706 = tpu.memref_squeeze %dma_start3A_705 : memref<1x32x256xf32, #tpu.memory_space<vmem>> -> memref<32x256xf32, #tpu.memory_space<vmem>>
        %dma_start3A_707 = arith.constant 0 : i32
        %dma_start3A_708 = tpu.memref_slice %arg2[%add3A_700, %dma_start3A_707] : memref<262144x256xf32, #tpu.memory_space<hbm>> -> memref<32x256xf32, #tpu.memory_space<hbm>>
        %dma_start3A_709 = tpu.memref_slice %arg5[%dma_start3A_702] : memref<8x!tpu.dma_semaphore, #tpu.memory_space<semaphore_mem>> -> memref<1x!tpu.dma_semaphore, #tpu.memory_space<semaphore_mem>>
        %dma_start3A_710 = tpu.memref_squeeze %dma_start3A_709 : memref<1x!tpu.dma_semaphore, #tpu.memory_space<semaphore_mem>> -> memref<!tpu.dma_semaphore, #tpu.memory_space<semaphore_mem>>
        %dma_start3A_711 = arith.constant 0 : i32
        %dma_start3A_712 = arith.constant 0 : i32
        %dma_start3A_713 = tpu.memref_slice %arg4[%dma_start3A_701, %dma_start3A_711, %dma_start3A_712] : memref<8x32x256xf32, #tpu.memory_space<vmem>> -> memref<1x32x256xf32, #tpu.memory_space<vmem>>
        %dma_start3A_714 = tpu.memref_squeeze %dma_start3A_713 : memref<1x32x256xf32, #tpu.memory_space<vmem>> -> memref<32x256xf32, #tpu.memory_space<vmem>>
        %dma_start3A_715 = arith.constant 0 : i32
        %dma_start3A_716 = tpu.memref_slice %arg2[%add3A_700, %dma_start3A_715] : memref<262144x256xf32, #tpu.memory_space<hbm>> -> memref<32x256xf32, #tpu.memory_space<hbm>>
        tpu.enqueue_dma source(%dma_start3A_716 : memref<32x256xf32, #tpu.memory_space<hbm>>) target(%dma_start3A_714 : memref<32x256xf32, #tpu.memory_space<vmem>>) target_semaphore(%dma_start3A_710 : memref<!tpu.dma_semaphore, #tpu.memory_space<semaphore_mem>>)
      } else {
      }
      %add3A_638 = arith.constant 7 : i32
      %add3A_639 = arith.addi %mul3A_278, %add3A_638 : i32
      %mul3A_640 = arith.constant 32 : i32
      %mul3A_641 = arith.muli %add3A_639, %mul3A_640 : i32
      %add3A_642 = arith.addi %mul3A_2, %mul3A_641 : i32
      %dma_wait3A_643 = arith.constant 7 : i32
      %dma_wait3A_644 = arith.constant 7 : i32
      %dma_wait3A_645 = arith.constant 0 : i32
      %dma_wait3A_646 = arith.constant 0 : i32
      %dma_wait3A_647 = tpu.memref_slice %arg4[%dma_wait3A_643, %dma_wait3A_645, %dma_wait3A_646] : memref<8x32x256xf32, #tpu.memory_space<vmem>> -> memref<1x32x256xf32, #tpu.memory_space<vmem>>
      %dma_wait3A_648 = tpu.memref_squeeze %dma_wait3A_647 : memref<1x32x256xf32, #tpu.memory_space<vmem>> -> memref<32x256xf32, #tpu.memory_space<vmem>>
      %dma_wait3A_649 = arith.constant 0 : i32
      %dma_wait3A_650 = tpu.memref_slice %arg2[%add3A_642, %dma_wait3A_649] : memref<262144x256xf32, #tpu.memory_space<hbm>> -> memref<32x256xf32, #tpu.memory_space<hbm>>
      %dma_wait3A_651 = tpu.memref_slice %arg5[%dma_wait3A_644] : memref<8x!tpu.dma_semaphore, #tpu.memory_space<semaphore_mem>> -> memref<1x!tpu.dma_semaphore, #tpu.memory_space<semaphore_mem>>
      %dma_wait3A_652 = tpu.memref_squeeze %dma_wait3A_651 : memref<1x!tpu.dma_semaphore, #tpu.memory_space<semaphore_mem>> -> memref<!tpu.dma_semaphore, #tpu.memory_space<semaphore_mem>>
      %dma_wait3A_653 = arith.constant 0 : i32
      %dma_wait3A_654 = arith.constant 0 : i32
      %dma_wait3A_655 = tpu.memref_slice %arg4[%dma_wait3A_643, %dma_wait3A_653, %dma_wait3A_654] : memref<8x32x256xf32, #tpu.memory_space<vmem>> -> memref<1x32x256xf32, #tpu.memory_space<vmem>>
      %dma_wait3A_656 = tpu.memref_squeeze %dma_wait3A_655 : memref<1x32x256xf32, #tpu.memory_space<vmem>> -> memref<32x256xf32, #tpu.memory_space<vmem>>
      %dma_wait3A_657 = arith.constant 0 : i32
      %dma_wait3A_658 = tpu.memref_slice %arg2[%add3A_642, %dma_wait3A_657] : memref<262144x256xf32, #tpu.memory_space<hbm>> -> memref<32x256xf32, #tpu.memory_space<hbm>>
      tpu.wait_dma2 semaphore(%dma_wait3A_652 : memref<!tpu.dma_semaphore, #tpu.memory_space<semaphore_mem>>) src(%dma_wait3A_658 : memref<32x256xf32, #tpu.memory_space<hbm>>) dst(%dma_wait3A_656 : memref<32x256xf32, #tpu.memory_space<vmem>>)
      %parallel_loop3A_659 = arith.constant 0 : i32
      %parallel_loop3A_660 = arith.constant 32 : i32
      %parallel_loop3A_661 = arith.constant 1 : i32
      scf.for %parallel_loop3A_690 = %parallel_loop3A_659 to %parallel_loop3A_660 step %parallel_loop3A_661  : i32 {
        %parallel_loop3A_691 = arith.constant 7 : i32
        %parallel_loop3A_692 = arith.index_cast %parallel_loop3A_691 : i32 to index
        %parallel_loop3A_693 = arith.index_cast %parallel_loop3A_690 : i32 to index
        %parallel_loop3A_694 = arith.constant 0 : index
        %parallel_loop3A_695 = tpu.vector_load %arg4[%parallel_loop3A_692, %parallel_loop3A_693, %parallel_loop3A_694] {strides = array<i32>} : memref<8x32x256xf32, #tpu.memory_space<vmem>>, vector<1x1x16xf32>,
        %parallel_loop3A_696 = vector.shape_cast %parallel_loop3A_695 : vector<1x1x16xf32> to vector<16xf32>
        %parallel_loop3A_697 = math.absf %parallel_loop3A_696 : vector<16xf32>
        %parallel_loop3A_698 = arith.constant 1.000000e-03 : f32
        %parallel_loop3A_699 = vector.broadcast %parallel_loop3A_698 : f32 to vector<16xf32>
        %parallel_loop3A_700 = arith.addf %parallel_loop3A_697, %parallel_loop3A_699 : vector<16xf32>
        %parallel_loop3A_701 = arith.constant 1.000000e+00 : f32
        %parallel_loop3A_702 = vector.broadcast %parallel_loop3A_701 : f32 to vector<16xf32>
        %parallel_loop3A_703 = arith.divf %parallel_loop3A_702, %parallel_loop3A_700 : vector<16xf32>
        %parallel_loop3A_704 = arith.constant 7 : i32
        %parallel_loop3A_705 = arith.index_cast %parallel_loop3A_704 : i32 to index
        %parallel_loop3A_706 = arith.index_cast %parallel_loop3A_690 : i32 to index
        %parallel_loop3A_707 = arith.constant 0 : index
        %parallel_loop3A_708 = tpu.vector_load %arg4[%parallel_loop3A_705, %parallel_loop3A_706, %parallel_loop3A_707] {strides = array<i32>} : memref<8x32x256xf32, #tpu.memory_space<vmem>>, vector<1x1x16xf32>,
        %parallel_loop3A_709 = vector.shape_cast %parallel_loop3A_708 : vector<1x1x16xf32> to vector<16xf32>
        %parallel_loop3A_710 = vector.shape_cast %parallel_loop3A_703 : vector<16xf32> to vector<1x1x16xf32>
        tpu.vector_store %arg4[%parallel_loop3A_705, %parallel_loop3A_706, %parallel_loop3A_707], %parallel_loop3A_710 {strides = array<i32>} : memref<8x32x256xf32, #tpu.memory_space<vmem>>, vector<1x1x16xf32>,
        %parallel_loop3A_711 = arith.constant 7 : i32
        %parallel_loop3A_712 = arith.index_cast %parallel_loop3A_711 : i32 to index
        %parallel_loop3A_713 = arith.index_cast %parallel_loop3A_690 : i32 to index
        %parallel_loop3A_714 = arith.constant 16 : index
        %parallel_loop3A_715 = tpu.vector_load %arg4[%parallel_loop3A_712, %parallel_loop3A_713, %parallel_loop3A_714] {strides = array<i32>} : memref<8x32x256xf32, #tpu.memory_space<vmem>>, vector<1x1x16xf32>,
        %parallel_loop3A_716 = vector.shape_cast %parallel_loop3A_715 : vector<1x1x16xf32> to vector<16xf32>
        %parallel_loop3A_717 = math.absf %parallel_loop3A_716 : vector<16xf32>
        %parallel_loop3A_718 = arith.constant 1.000000e-03 : f32
        %parallel_loop3A_719 = vector.broadcast %parallel_loop3A_718 : f32 to vector<16xf32>
        %parallel_loop3A_720 = arith.addf %parallel_loop3A_717, %parallel_loop3A_719 : vector<16xf32>
        %parallel_loop3A_721 = arith.constant 1.000000e+00 : f32
        %parallel_loop3A_722 = vector.broadcast %parallel_loop3A_721 : f32 to vector<16xf32>
        %parallel_loop3A_723 = arith.divf %parallel_loop3A_722, %parallel_loop3A_720 : vector<16xf32>
        %parallel_loop3A_724 = arith.constant 7 : i32
        %parallel_loop3A_725 = arith.index_cast %parallel_loop3A_724 : i32 to index
        %parallel_loop3A_726 = arith.index_cast %parallel_loop3A_690 : i32 to index
        %parallel_loop3A_727 = arith.constant 16 : index
        %parallel_loop3A_728 = tpu.vector_load %arg4[%parallel_loop3A_725, %parallel_loop3A_726, %parallel_loop3A_727] {strides = array<i32>} : memref<8x32x256xf32, #tpu.memory_space<vmem>>, vector<1x1x16xf32>,
        %parallel_loop3A_729 = vector.shape_cast %parallel_loop3A_728 : vector<1x1x16xf32> to vector<16xf32>
        %parallel_loop3A_730 = vector.shape_cast %parallel_loop3A_723 : vector<16xf32> to vector<1x1x16xf32>
        tpu.vector_store %arg4[%parallel_loop3A_725, %parallel_loop3A_726, %parallel_loop3A_727], %parallel_loop3A_730 {strides = array<i32>} : memref<8x32x256xf32, #tpu.memory_space<vmem>>, vector<1x1x16xf32>,
        %parallel_loop3A_731 = arith.constant 7 : i32
        %parallel_loop3A_732 = arith.index_cast %parallel_loop3A_731 : i32 to index
        %parallel_loop3A_733 = arith.index_cast %parallel_loop3A_690 : i32 to index
        %parallel_loop3A_734 = arith.constant 32 : index
        %parallel_loop3A_735 = tpu.vector_load %arg4[%parallel_loop3A_732, %parallel_loop3A_733, %parallel_loop3A_734] {strides = array<i32>} : memref<8x32x256xf32, #tpu.memory_space<vmem>>, vector<1x1x16xf32>,
        %parallel_loop3A_736 = vector.shape_cast %parallel_loop3A_735 : vector<1x1x16xf32> to vector<16xf32>
        %parallel_loop3A_737 = math.absf %parallel_loop3A_736 : vector<16xf32>
        %parallel_loop3A_738 = arith.constant 1.000000e-03 : f32
        %parallel_loop3A_739 = vector.broadcast %parallel_loop3A_738 : f32 to vector<16xf32>
        %parallel_loop3A_740 = arith.addf %parallel_loop3A_737, %parallel_loop3A_739 : vector<16xf32>
        %parallel_loop3A_741 = arith.constant 1.000000e+00 : f32
        %parallel_loop3A_742 = vector.broadcast %parallel_loop3A_741 : f32 to vector<16xf32>
        %parallel_loop3A_743 = arith.divf %parallel_loop3A_742, %parallel_loop3A_740 : vector<16xf32>
        %parallel_loop3A_744 = arith.constant 7 : i32
        %parallel_loop3A_745 = arith.index_cast %parallel_loop3A_744 : i32 to index
        %parallel_loop3A_746 = arith.index_cast %parallel_loop3A_690 : i32 to index
        %parallel_loop3A_747 = arith.constant 32 : index
        %parallel_loop3A_748 = tpu.vector_load %arg4[%parallel_loop3A_745, %parallel_loop3A_746, %parallel_loop3A_747] {strides = array<i32>} : memref<8x32x256xf32, #tpu.memory_space<vmem>>, vector<1x1x16xf32>,
        %parallel_loop3A_749 = vector.shape_cast %parallel_loop3A_748 : vector<1x1x16xf32> to vector<16xf32>
        %parallel_loop3A_750 = vector.shape_cast %parallel_loop3A_743 : vector<16xf32> to vector<1x1x16xf32>
        tpu.vector_store %arg4[%parallel_loop3A_745, %parallel_loop3A_746, %parallel_loop3A_747], %parallel_loop3A_750 {strides = array<i32>} : memref<8x32x256xf32, #tpu.memory_space<vmem>>, vector<1x1x16xf32>,
        %parallel_loop3A_751 = arith.constant 7 : i32
        %parallel_loop3A_752 = arith.index_cast %parallel_loop3A_751 : i32 to index
        %parallel_loop3A_753 = arith.index_cast %parallel_loop3A_690 : i32 to index
        %parallel_loop3A_754 = arith.constant 48 : index
        %parallel_loop3A_755 = tpu.vector_load %arg4[%parallel_loop3A_752, %parallel_loop3A_753, %parallel_loop3A_754] {strides = array<i32>} : memref<8x32x256xf32, #tpu.memory_space<vmem>>, vector<1x1x16xf32>,
        %parallel_loop3A_756 = vector.shape_cast %parallel_loop3A_755 : vector<1x1x16xf32> to vector<16xf32>
        %parallel_loop3A_757 = math.absf %parallel_loop3A_756 : vector<16xf32>
        %parallel_loop3A_758 = arith.constant 1.000000e-03 : f32
        %parallel_loop3A_759 = vector.broadcast %parallel_loop3A_758 : f32 to vector<16xf32>
        %parallel_loop3A_760 = arith.addf %parallel_loop3A_757, %parallel_loop3A_759 : vector<16xf32>
        %parallel_loop3A_761 = arith.constant 1.000000e+00 : f32
        %parallel_loop3A_762 = vector.broadcast %parallel_loop3A_761 : f32 to vector<16xf32>
        %parallel_loop3A_763 = arith.divf %parallel_loop3A_762, %parallel_loop3A_760 : vector<16xf32>
        %parallel_loop3A_764 = arith.constant 7 : i32
        %parallel_loop3A_765 = arith.index_cast %parallel_loop3A_764 : i32 to index
        %parallel_loop3A_766 = arith.index_cast %parallel_loop3A_690 : i32 to index
        %parallel_loop3A_767 = arith.constant 48 : index
        %parallel_loop3A_768 = tpu.vector_load %arg4[%parallel_loop3A_765, %parallel_loop3A_766, %parallel_loop3A_767] {strides = array<i32>} : memref<8x32x256xf32, #tpu.memory_space<vmem>>, vector<1x1x16xf32>,
        %parallel_loop3A_769 = vector.shape_cast %parallel_loop3A_768 : vector<1x1x16xf32> to vector<16xf32>
        %parallel_loop3A_770 = vector.shape_cast %parallel_loop3A_763 : vector<16xf32> to vector<1x1x16xf32>
        tpu.vector_store %arg4[%parallel_loop3A_765, %parallel_loop3A_766, %parallel_loop3A_767], %parallel_loop3A_770 {strides = array<i32>} : memref<8x32x256xf32, #tpu.memory_space<vmem>>, vector<1x1x16xf32>,
        %parallel_loop3A_771 = arith.constant 7 : i32
        %parallel_loop3A_772 = arith.index_cast %parallel_loop3A_771 : i32 to index
        %parallel_loop3A_773 = arith.index_cast %parallel_loop3A_690 : i32 to index
        %parallel_loop3A_774 = arith.constant 64 : index
        %parallel_loop3A_775 = tpu.vector_load %arg4[%parallel_loop3A_772, %parallel_loop3A_773, %parallel_loop3A_774] {strides = array<i32>} : memref<8x32x256xf32, #tpu.memory_space<vmem>>, vector<1x1x16xf32>,
        %parallel_loop3A_776 = vector.shape_cast %parallel_loop3A_775 : vector<1x1x16xf32> to vector<16xf32>
        %parallel_loop3A_777 = math.absf %parallel_loop3A_776 : vector<16xf32>
        %parallel_loop3A_778 = arith.constant 1.000000e-03 : f32
        %parallel_loop3A_779 = vector.broadcast %parallel_loop3A_778 : f32 to vector<16xf32>
        %parallel_loop3A_780 = arith.addf %parallel_loop3A_777, %parallel_loop3A_779 : vector<16xf32>
        %parallel_loop3A_781 = arith.constant 1.000000e+00 : f32
        %parallel_loop3A_782 = vector.broadcast %parallel_loop3A_781 : f32 to vector<16xf32>
        %parallel_loop3A_783 = arith.divf %parallel_loop3A_782, %parallel_loop3A_780 : vector<16xf32>
        %parallel_loop3A_784 = arith.constant 7 : i32
        %parallel_loop3A_785 = arith.index_cast %parallel_loop3A_784 : i32 to index
        %parallel_loop3A_786 = arith.index_cast %parallel_loop3A_690 : i32 to index
        %parallel_loop3A_787 = arith.constant 64 : index
        %parallel_loop3A_788 = tpu.vector_load %arg4[%parallel_loop3A_785, %parallel_loop3A_786, %parallel_loop3A_787] {strides = array<i32>} : memref<8x32x256xf32, #tpu.memory_space<vmem>>, vector<1x1x16xf32>,
        %parallel_loop3A_789 = vector.shape_cast %parallel_loop3A_788 : vector<1x1x16xf32> to vector<16xf32>
        %parallel_loop3A_790 = vector.shape_cast %parallel_loop3A_783 : vector<16xf32> to vector<1x1x16xf32>
        tpu.vector_store %arg4[%parallel_loop3A_785, %parallel_loop3A_786, %parallel_loop3A_787], %parallel_loop3A_790 {strides = array<i32>} : memref<8x32x256xf32, #tpu.memory_space<vmem>>, vector<1x1x16xf32>,
        %parallel_loop3A_791 = arith.constant 7 : i32
        %parallel_loop3A_792 = arith.index_cast %parallel_loop3A_791 : i32 to index
        %parallel_loop3A_793 = arith.index_cast %parallel_loop3A_690 : i32 to index
        %parallel_loop3A_794 = arith.constant 80 : index
        %parallel_loop3A_795 = tpu.vector_load %arg4[%parallel_loop3A_792, %parallel_loop3A_793, %parallel_loop3A_794] {strides = array<i32>} : memref<8x32x256xf32, #tpu.memory_space<vmem>>, vector<1x1x16xf32>,
        %parallel_loop3A_796 = vector.shape_cast %parallel_loop3A_795 : vector<1x1x16xf32> to vector<16xf32>
        %parallel_loop3A_797 = math.absf %parallel_loop3A_796 : vector<16xf32>
        %parallel_loop3A_798 = arith.constant 1.000000e-03 : f32
        %parallel_loop3A_799 = vector.broadcast %parallel_loop3A_798 : f32 to vector<16xf32>
        %parallel_loop3A_800 = arith.addf %parallel_loop3A_797, %parallel_loop3A_799 : vector<16xf32>
        %parallel_loop3A_801 = arith.constant 1.000000e+00 : f32
        %parallel_loop3A_802 = vector.broadcast %parallel_loop3A_801 : f32 to vector<16xf32>
        %parallel_loop3A_803 = arith.divf %parallel_loop3A_802, %parallel_loop3A_800 : vector<16xf32>
        %parallel_loop3A_804 = arith.constant 7 : i32
        %parallel_loop3A_805 = arith.index_cast %parallel_loop3A_804 : i32 to index
        %parallel_loop3A_806 = arith.index_cast %parallel_loop3A_690 : i32 to index
        %parallel_loop3A_807 = arith.constant 80 : index
        %parallel_loop3A_808 = tpu.vector_load %arg4[%parallel_loop3A_805, %parallel_loop3A_806, %parallel_loop3A_807] {strides = array<i32>} : memref<8x32x256xf32, #tpu.memory_space<vmem>>, vector<1x1x16xf32>,
        %parallel_loop3A_809 = vector.shape_cast %parallel_loop3A_808 : vector<1x1x16xf32> to vector<16xf32>
        %parallel_loop3A_810 = vector.shape_cast %parallel_loop3A_803 : vector<16xf32> to vector<1x1x16xf32>
        tpu.vector_store %arg4[%parallel_loop3A_805, %parallel_loop3A_806, %parallel_loop3A_807], %parallel_loop3A_810 {strides = array<i32>} : memref<8x32x256xf32, #tpu.memory_space<vmem>>, vector<1x1x16xf32>,
        %parallel_loop3A_811 = arith.constant 7 : i32
        %parallel_loop3A_812 = arith.index_cast %parallel_loop3A_811 : i32 to index
        %parallel_loop3A_813 = arith.index_cast %parallel_loop3A_690 : i32 to index
        %parallel_loop3A_814 = arith.constant 96 : index
        %parallel_loop3A_815 = tpu.vector_load %arg4[%parallel_loop3A_812, %parallel_loop3A_813, %parallel_loop3A_814] {strides = array<i32>} : memref<8x32x256xf32, #tpu.memory_space<vmem>>, vector<1x1x16xf32>,
        %parallel_loop3A_816 = vector.shape_cast %parallel_loop3A_815 : vector<1x1x16xf32> to vector<16xf32>
        %parallel_loop3A_817 = math.absf %parallel_loop3A_816 : vector<16xf32>
        %parallel_loop3A_818 = arith.constant 1.000000e-03 : f32
        %parallel_loop3A_819 = vector.broadcast %parallel_loop3A_818 : f32 to vector<16xf32>
        %parallel_loop3A_820 = arith.addf %parallel_loop3A_817, %parallel_loop3A_819 : vector<16xf32>
        %parallel_loop3A_821 = arith.constant 1.000000e+00 : f32
        %parallel_loop3A_822 = vector.broadcast %parallel_loop3A_821 : f32 to vector<16xf32>
        %parallel_loop3A_823 = arith.divf %parallel_loop3A_822, %parallel_loop3A_820 : vector<16xf32>
        %parallel_loop3A_824 = arith.constant 7 : i32
        %parallel_loop3A_825 = arith.index_cast %parallel_loop3A_824 : i32 to index
        %parallel_loop3A_826 = arith.index_cast %parallel_loop3A_690 : i32 to index
        %parallel_loop3A_827 = arith.constant 96 : index
        %parallel_loop3A_828 = tpu.vector_load %arg4[%parallel_loop3A_825, %parallel_loop3A_826, %parallel_loop3A_827] {strides = array<i32>} : memref<8x32x256xf32, #tpu.memory_space<vmem>>, vector<1x1x16xf32>,
        %parallel_loop3A_829 = vector.shape_cast %parallel_loop3A_828 : vector<1x1x16xf32> to vector<16xf32>
        %parallel_loop3A_830 = vector.shape_cast %parallel_loop3A_823 : vector<16xf32> to vector<1x1x16xf32>
        tpu.vector_store %arg4[%parallel_loop3A_825, %parallel_loop3A_826, %parallel_loop3A_827], %parallel_loop3A_830 {strides = array<i32>} : memref<8x32x256xf32, #tpu.memory_space<vmem>>, vector<1x1x16xf32>,
        %parallel_loop3A_831 = arith.constant 7 : i32
        %parallel_loop3A_832 = arith.index_cast %parallel_loop3A_831 : i32 to index
        %parallel_loop3A_833 = arith.index_cast %parallel_loop3A_690 : i32 to index
        %parallel_loop3A_834 = arith.constant 112 : index
        %parallel_loop3A_835 = tpu.vector_load %arg4[%parallel_loop3A_832, %parallel_loop3A_833, %parallel_loop3A_834] {strides = array<i32>} : memref<8x32x256xf32, #tpu.memory_space<vmem>>, vector<1x1x16xf32>,
        %parallel_loop3A_836 = vector.shape_cast %parallel_loop3A_835 : vector<1x1x16xf32> to vector<16xf32>
        %parallel_loop3A_837 = math.absf %parallel_loop3A_836 : vector<16xf32>
        %parallel_loop3A_838 = arith.constant 1.000000e-03 : f32
        %parallel_loop3A_839 = vector.broadcast %parallel_loop3A_838 : f32 to vector<16xf32>
        %parallel_loop3A_840 = arith.addf %parallel_loop3A_837, %parallel_loop3A_839 : vector<16xf32>
        %parallel_loop3A_841 = arith.constant 1.000000e+00 : f32
        %parallel_loop3A_842 = vector.broadcast %parallel_loop3A_841 : f32 to vector<16xf32>
        %parallel_loop3A_843 = arith.divf %parallel_loop3A_842, %parallel_loop3A_840 : vector<16xf32>
        %parallel_loop3A_844 = arith.constant 7 : i32
        %parallel_loop3A_845 = arith.index_cast %parallel_loop3A_844 : i32 to index
        %parallel_loop3A_846 = arith.index_cast %parallel_loop3A_690 : i32 to index
        %parallel_loop3A_847 = arith.constant 112 : index
        %parallel_loop3A_848 = tpu.vector_load %arg4[%parallel_loop3A_845, %parallel_loop3A_846, %parallel_loop3A_847] {strides = array<i32>} : memref<8x32x256xf32, #tpu.memory_space<vmem>>, vector<1x1x16xf32>,
        %parallel_loop3A_849 = vector.shape_cast %parallel_loop3A_848 : vector<1x1x16xf32> to vector<16xf32>
        %parallel_loop3A_850 = vector.shape_cast %parallel_loop3A_843 : vector<16xf32> to vector<1x1x16xf32>
        tpu.vector_store %arg4[%parallel_loop3A_845, %parallel_loop3A_846, %parallel_loop3A_847], %parallel_loop3A_850 {strides = array<i32>} : memref<8x32x256xf32, #tpu.memory_space<vmem>>, vector<1x1x16xf32>,
        %parallel_loop3A_851 = arith.constant 7 : i32
        %parallel_loop3A_852 = arith.index_cast %parallel_loop3A_851 : i32 to index
        %parallel_loop3A_853 = arith.index_cast %parallel_loop3A_690 : i32 to index
        %parallel_loop3A_854 = arith.constant 128 : index
        %parallel_loop3A_855 = tpu.vector_load %arg4[%parallel_loop3A_852, %parallel_loop3A_853, %parallel_loop3A_854] {strides = array<i32>} : memref<8x32x256xf32, #tpu.memory_space<vmem>>, vector<1x1x16xf32>,
        %parallel_loop3A_856 = vector.shape_cast %parallel_loop3A_855 : vector<1x1x16xf32> to vector<16xf32>
        %parallel_loop3A_857 = math.absf %parallel_loop3A_856 : vector<16xf32>
        %parallel_loop3A_858 = arith.constant 1.000000e-03 : f32
        %parallel_loop3A_859 = vector.broadcast %parallel_loop3A_858 : f32 to vector<16xf32>
        %parallel_loop3A_860 = arith.addf %parallel_loop3A_857, %parallel_loop3A_859 : vector<16xf32>
        %parallel_loop3A_861 = arith.constant 1.000000e+00 : f32
        %parallel_loop3A_862 = vector.broadcast %parallel_loop3A_861 : f32 to vector<16xf32>
        %parallel_loop3A_863 = arith.divf %parallel_loop3A_862, %parallel_loop3A_860 : vector<16xf32>
        %parallel_loop3A_864 = arith.constant 7 : i32
        %parallel_loop3A_865 = arith.index_cast %parallel_loop3A_864 : i32 to index
        %parallel_loop3A_866 = arith.index_cast %parallel_loop3A_690 : i32 to index
        %parallel_loop3A_867 = arith.constant 128 : index
        %parallel_loop3A_868 = tpu.vector_load %arg4[%parallel_loop3A_865, %parallel_loop3A_866, %parallel_loop3A_867] {strides = array<i32>} : memref<8x32x256xf32, #tpu.memory_space<vmem>>, vector<1x1x16xf32>,
        %parallel_loop3A_869 = vector.shape_cast %parallel_loop3A_868 : vector<1x1x16xf32> to vector<16xf32>
        %parallel_loop3A_870 = vector.shape_cast %parallel_loop3A_863 : vector<16xf32> to vector<1x1x16xf32>
        tpu.vector_store %arg4[%parallel_loop3A_865, %parallel_loop3A_866, %parallel_loop3A_867], %parallel_loop3A_870 {strides = array<i32>} : memref<8x32x256xf32, #tpu.memory_space<vmem>>, vector<1x1x16xf32>,
        %parallel_loop3A_871 = arith.constant 7 : i32
        %parallel_loop3A_872 = arith.index_cast %parallel_loop3A_871 : i32 to index
        %parallel_loop3A_873 = arith.index_cast %parallel_loop3A_690 : i32 to index
        %parallel_loop3A_874 = arith.constant 144 : index
        %parallel_loop3A_875 = tpu.vector_load %arg4[%parallel_loop3A_872, %parallel_loop3A_873, %parallel_loop3A_874] {strides = array<i32>} : memref<8x32x256xf32, #tpu.memory_space<vmem>>, vector<1x1x16xf32>,
        %parallel_loop3A_876 = vector.shape_cast %parallel_loop3A_875 : vector<1x1x16xf32> to vector<16xf32>
        %parallel_loop3A_877 = math.absf %parallel_loop3A_876 : vector<16xf32>
        %parallel_loop3A_878 = arith.constant 1.000000e-03 : f32
        %parallel_loop3A_879 = vector.broadcast %parallel_loop3A_878 : f32 to vector<16xf32>
        %parallel_loop3A_880 = arith.addf %parallel_loop3A_877, %parallel_loop3A_879 : vector<16xf32>
        %parallel_loop3A_881 = arith.constant 1.000000e+00 : f32
        %parallel_loop3A_882 = vector.broadcast %parallel_loop3A_881 : f32 to vector<16xf32>
        %parallel_loop3A_883 = arith.divf %parallel_loop3A_882, %parallel_loop3A_880 : vector<16xf32>
        %parallel_loop3A_884 = arith.constant 7 : i32
        %parallel_loop3A_885 = arith.index_cast %parallel_loop3A_884 : i32 to index
        %parallel_loop3A_886 = arith.index_cast %parallel_loop3A_690 : i32 to index
        %parallel_loop3A_887 = arith.constant 144 : index
        %parallel_loop3A_888 = tpu.vector_load %arg4[%parallel_loop3A_885, %parallel_loop3A_886, %parallel_loop3A_887] {strides = array<i32>} : memref<8x32x256xf32, #tpu.memory_space<vmem>>, vector<1x1x16xf32>,
        %parallel_loop3A_889 = vector.shape_cast %parallel_loop3A_888 : vector<1x1x16xf32> to vector<16xf32>
        %parallel_loop3A_890 = vector.shape_cast %parallel_loop3A_883 : vector<16xf32> to vector<1x1x16xf32>
        tpu.vector_store %arg4[%parallel_loop3A_885, %parallel_loop3A_886, %parallel_loop3A_887], %parallel_loop3A_890 {strides = array<i32>} : memref<8x32x256xf32, #tpu.memory_space<vmem>>, vector<1x1x16xf32>,
        %parallel_loop3A_891 = arith.constant 7 : i32
        %parallel_loop3A_892 = arith.index_cast %parallel_loop3A_891 : i32 to index
        %parallel_loop3A_893 = arith.index_cast %parallel_loop3A_690 : i32 to index
        %parallel_loop3A_894 = arith.constant 160 : index
        %parallel_loop3A_895 = tpu.vector_load %arg4[%parallel_loop3A_892, %parallel_loop3A_893, %parallel_loop3A_894] {strides = array<i32>} : memref<8x32x256xf32, #tpu.memory_space<vmem>>, vector<1x1x16xf32>,
        %parallel_loop3A_896 = vector.shape_cast %parallel_loop3A_895 : vector<1x1x16xf32> to vector<16xf32>
        %parallel_loop3A_897 = math.absf %parallel_loop3A_896 : vector<16xf32>
        %parallel_loop3A_898 = arith.constant 1.000000e-03 : f32
        %parallel_loop3A_899 = vector.broadcast %parallel_loop3A_898 : f32 to vector<16xf32>
        %parallel_loop3A_900 = arith.addf %parallel_loop3A_897, %parallel_loop3A_899 : vector<16xf32>
        %parallel_loop3A_901 = arith.constant 1.000000e+00 : f32
        %parallel_loop3A_902 = vector.broadcast %parallel_loop3A_901 : f32 to vector<16xf32>
        %parallel_loop3A_903 = arith.divf %parallel_loop3A_902, %parallel_loop3A_900 : vector<16xf32>
        %parallel_loop3A_904 = arith.constant 7 : i32
        %parallel_loop3A_905 = arith.index_cast %parallel_loop3A_904 : i32 to index
        %parallel_loop3A_906 = arith.index_cast %parallel_loop3A_690 : i32 to index
        %parallel_loop3A_907 = arith.constant 160 : index
        %parallel_loop3A_908 = tpu.vector_load %arg4[%parallel_loop3A_905, %parallel_loop3A_906, %parallel_loop3A_907] {strides = array<i32>} : memref<8x32x256xf32, #tpu.memory_space<vmem>>, vector<1x1x16xf32>,
        %parallel_loop3A_909 = vector.shape_cast %parallel_loop3A_908 : vector<1x1x16xf32> to vector<16xf32>
        %parallel_loop3A_910 = vector.shape_cast %parallel_loop3A_903 : vector<16xf32> to vector<1x1x16xf32>
        tpu.vector_store %arg4[%parallel_loop3A_905, %parallel_loop3A_906, %parallel_loop3A_907], %parallel_loop3A_910 {strides = array<i32>} : memref<8x32x256xf32, #tpu.memory_space<vmem>>, vector<1x1x16xf32>,
        %parallel_loop3A_911 = arith.constant 7 : i32
        %parallel_loop3A_912 = arith.index_cast %parallel_loop3A_911 : i32 to index
        %parallel_loop3A_913 = arith.index_cast %parallel_loop3A_690 : i32 to index
        %parallel_loop3A_914 = arith.constant 176 : index
        %parallel_loop3A_915 = tpu.vector_load %arg4[%parallel_loop3A_912, %parallel_loop3A_913, %parallel_loop3A_914] {strides = array<i32>} : memref<8x32x256xf32, #tpu.memory_space<vmem>>, vector<1x1x16xf32>,
        %parallel_loop3A_916 = vector.shape_cast %parallel_loop3A_915 : vector<1x1x16xf32> to vector<16xf32>
        %parallel_loop3A_917 = math.absf %parallel_loop3A_916 : vector<16xf32>
        %parallel_loop3A_918 = arith.constant 1.000000e-03 : f32
        %parallel_loop3A_919 = vector.broadcast %parallel_loop3A_918 : f32 to vector<16xf32>
        %parallel_loop3A_920 = arith.addf %parallel_loop3A_917, %parallel_loop3A_919 : vector<16xf32>
        %parallel_loop3A_921 = arith.constant 1.000000e+00 : f32
        %parallel_loop3A_922 = vector.broadcast %parallel_loop3A_921 : f32 to vector<16xf32>
        %parallel_loop3A_923 = arith.divf %parallel_loop3A_922, %parallel_loop3A_920 : vector<16xf32>
        %parallel_loop3A_924 = arith.constant 7 : i32
        %parallel_loop3A_925 = arith.index_cast %parallel_loop3A_924 : i32 to index
        %parallel_loop3A_926 = arith.index_cast %parallel_loop3A_690 : i32 to index
        %parallel_loop3A_927 = arith.constant 176 : index
        %parallel_loop3A_928 = tpu.vector_load %arg4[%parallel_loop3A_925, %parallel_loop3A_926, %parallel_loop3A_927] {strides = array<i32>} : memref<8x32x256xf32, #tpu.memory_space<vmem>>, vector<1x1x16xf32>,
        %parallel_loop3A_929 = vector.shape_cast %parallel_loop3A_928 : vector<1x1x16xf32> to vector<16xf32>
        %parallel_loop3A_930 = vector.shape_cast %parallel_loop3A_923 : vector<16xf32> to vector<1x1x16xf32>
        tpu.vector_store %arg4[%parallel_loop3A_925, %parallel_loop3A_926, %parallel_loop3A_927], %parallel_loop3A_930 {strides = array<i32>} : memref<8x32x256xf32, #tpu.memory_space<vmem>>, vector<1x1x16xf32>,
        %parallel_loop3A_931 = arith.constant 7 : i32
        %parallel_loop3A_932 = arith.index_cast %parallel_loop3A_931 : i32 to index
        %parallel_loop3A_933 = arith.index_cast %parallel_loop3A_690 : i32 to index
        %parallel_loop3A_934 = arith.constant 192 : index
        %parallel_loop3A_935 = tpu.vector_load %arg4[%parallel_loop3A_932, %parallel_loop3A_933, %parallel_loop3A_934] {strides = array<i32>} : memref<8x32x256xf32, #tpu.memory_space<vmem>>, vector<1x1x16xf32>,
        %parallel_loop3A_936 = vector.shape_cast %parallel_loop3A_935 : vector<1x1x16xf32> to vector<16xf32>
        %parallel_loop3A_937 = math.absf %parallel_loop3A_936 : vector<16xf32>
        %parallel_loop3A_938 = arith.constant 1.000000e-03 : f32
        %parallel_loop3A_939 = vector.broadcast %parallel_loop3A_938 : f32 to vector<16xf32>
        %parallel_loop3A_940 = arith.addf %parallel_loop3A_937, %parallel_loop3A_939 : vector<16xf32>
        %parallel_loop3A_941 = arith.constant 1.000000e+00 : f32
        %parallel_loop3A_942 = vector.broadcast %parallel_loop3A_941 : f32 to vector<16xf32>
        %parallel_loop3A_943 = arith.divf %parallel_loop3A_942, %parallel_loop3A_940 : vector<16xf32>
        %parallel_loop3A_944 = arith.constant 7 : i32
        %parallel_loop3A_945 = arith.index_cast %parallel_loop3A_944 : i32 to index
        %parallel_loop3A_946 = arith.index_cast %parallel_loop3A_690 : i32 to index
        %parallel_loop3A_947 = arith.constant 192 : index
        %parallel_loop3A_948 = tpu.vector_load %arg4[%parallel_loop3A_945, %parallel_loop3A_946, %parallel_loop3A_947] {strides = array<i32>} : memref<8x32x256xf32, #tpu.memory_space<vmem>>, vector<1x1x16xf32>,
        %parallel_loop3A_949 = vector.shape_cast %parallel_loop3A_948 : vector<1x1x16xf32> to vector<16xf32>
        %parallel_loop3A_950 = vector.shape_cast %parallel_loop3A_943 : vector<16xf32> to vector<1x1x16xf32>
        tpu.vector_store %arg4[%parallel_loop3A_945, %parallel_loop3A_946, %parallel_loop3A_947], %parallel_loop3A_950 {strides = array<i32>} : memref<8x32x256xf32, #tpu.memory_space<vmem>>, vector<1x1x16xf32>,
        %parallel_loop3A_951 = arith.constant 7 : i32
        %parallel_loop3A_952 = arith.index_cast %parallel_loop3A_951 : i32 to index
        %parallel_loop3A_953 = arith.index_cast %parallel_loop3A_690 : i32 to index
        %parallel_loop3A_954 = arith.constant 208 : index
        %parallel_loop3A_955 = tpu.vector_load %arg4[%parallel_loop3A_952, %parallel_loop3A_953, %parallel_loop3A_954] {strides = array<i32>} : memref<8x32x256xf32, #tpu.memory_space<vmem>>, vector<1x1x16xf32>,
        %parallel_loop3A_956 = vector.shape_cast %parallel_loop3A_955 : vector<1x1x16xf32> to vector<16xf32>
        %parallel_loop3A_957 = math.absf %parallel_loop3A_956 : vector<16xf32>
        %parallel_loop3A_958 = arith.constant 1.000000e-03 : f32
        %parallel_loop3A_959 = vector.broadcast %parallel_loop3A_958 : f32 to vector<16xf32>
        %parallel_loop3A_960 = arith.addf %parallel_loop3A_957, %parallel_loop3A_959 : vector<16xf32>
        %parallel_loop3A_961 = arith.constant 1.000000e+00 : f32
        %parallel_loop3A_962 = vector.broadcast %parallel_loop3A_961 : f32 to vector<16xf32>
        %parallel_loop3A_963 = arith.divf %parallel_loop3A_962, %parallel_loop3A_960 : vector<16xf32>
        %parallel_loop3A_964 = arith.constant 7 : i32
        %parallel_loop3A_965 = arith.index_cast %parallel_loop3A_964 : i32 to index
        %parallel_loop3A_966 = arith.index_cast %parallel_loop3A_690 : i32 to index
        %parallel_loop3A_967 = arith.constant 208 : index
        %parallel_loop3A_968 = tpu.vector_load %arg4[%parallel_loop3A_965, %parallel_loop3A_966, %parallel_loop3A_967] {strides = array<i32>} : memref<8x32x256xf32, #tpu.memory_space<vmem>>, vector<1x1x16xf32>,
        %parallel_loop3A_969 = vector.shape_cast %parallel_loop3A_968 : vector<1x1x16xf32> to vector<16xf32>
        %parallel_loop3A_970 = vector.shape_cast %parallel_loop3A_963 : vector<16xf32> to vector<1x1x16xf32>
        tpu.vector_store %arg4[%parallel_loop3A_965, %parallel_loop3A_966, %parallel_loop3A_967], %parallel_loop3A_970 {strides = array<i32>} : memref<8x32x256xf32, #tpu.memory_space<vmem>>, vector<1x1x16xf32>,
        %parallel_loop3A_971 = arith.constant 7 : i32
        %parallel_loop3A_972 = arith.index_cast %parallel_loop3A_971 : i32 to index
        %parallel_loop3A_973 = arith.index_cast %parallel_loop3A_690 : i32 to index
        %parallel_loop3A_974 = arith.constant 224 : index
        %parallel_loop3A_975 = tpu.vector_load %arg4[%parallel_loop3A_972, %parallel_loop3A_973, %parallel_loop3A_974] {strides = array<i32>} : memref<8x32x256xf32, #tpu.memory_space<vmem>>, vector<1x1x16xf32>,
        %parallel_loop3A_976 = vector.shape_cast %parallel_loop3A_975 : vector<1x1x16xf32> to vector<16xf32>
        %parallel_loop3A_977 = math.absf %parallel_loop3A_976 : vector<16xf32>
        %parallel_loop3A_978 = arith.constant 1.000000e-03 : f32
        %parallel_loop3A_979 = vector.broadcast %parallel_loop3A_978 : f32 to vector<16xf32>
        %parallel_loop3A_980 = arith.addf %parallel_loop3A_977, %parallel_loop3A_979 : vector<16xf32>
        %parallel_loop3A_981 = arith.constant 1.000000e+00 : f32
        %parallel_loop3A_982 = vector.broadcast %parallel_loop3A_981 : f32 to vector<16xf32>
        %parallel_loop3A_983 = arith.divf %parallel_loop3A_982, %parallel_loop3A_980 : vector<16xf32>
        %parallel_loop3A_984 = arith.constant 7 : i32
        %parallel_loop3A_985 = arith.index_cast %parallel_loop3A_984 : i32 to index
        %parallel_loop3A_986 = arith.index_cast %parallel_loop3A_690 : i32 to index
        %parallel_loop3A_987 = arith.constant 224 : index
        %parallel_loop3A_988 = tpu.vector_load %arg4[%parallel_loop3A_985, %parallel_loop3A_986, %parallel_loop3A_987] {strides = array<i32>} : memref<8x32x256xf32, #tpu.memory_space<vmem>>, vector<1x1x16xf32>,
        %parallel_loop3A_989 = vector.shape_cast %parallel_loop3A_988 : vector<1x1x16xf32> to vector<16xf32>
        %parallel_loop3A_990 = vector.shape_cast %parallel_loop3A_983 : vector<16xf32> to vector<1x1x16xf32>
        tpu.vector_store %arg4[%parallel_loop3A_985, %parallel_loop3A_986, %parallel_loop3A_987], %parallel_loop3A_990 {strides = array<i32>} : memref<8x32x256xf32, #tpu.memory_space<vmem>>, vector<1x1x16xf32>,
        %parallel_loop3A_991 = arith.constant 7 : i32
        %parallel_loop3A_992 = arith.index_cast %parallel_loop3A_991 : i32 to index
        %parallel_loop3A_993 = arith.index_cast %parallel_loop3A_690 : i32 to index
        %parallel_loop3A_994 = arith.constant 240 : index
        %parallel_loop3A_995 = tpu.vector_load %arg4[%parallel_loop3A_992, %parallel_loop3A_993, %parallel_loop3A_994] {strides = array<i32>} : memref<8x32x256xf32, #tpu.memory_space<vmem>>, vector<1x1x16xf32>,
        %parallel_loop3A_996 = vector.shape_cast %parallel_loop3A_995 : vector<1x1x16xf32> to vector<16xf32>
        %parallel_loop3A_997 = math.absf %parallel_loop3A_996 : vector<16xf32>
        %parallel_loop3A_998 = arith.constant 1.000000e-03 : f32
        %parallel_loop3A_999 = vector.broadcast %parallel_loop3A_998 : f32 to vector<16xf32>
        %parallel_loop3A_1000 = arith.addf %parallel_loop3A_997, %parallel_loop3A_999 : vector<16xf32>
        %parallel_loop3A_1001 = arith.constant 1.000000e+00 : f32
        %parallel_loop3A_1002 = vector.broadcast %parallel_loop3A_1001 : f32 to vector<16xf32>
        %parallel_loop3A_1003 = arith.divf %parallel_loop3A_1002, %parallel_loop3A_1000 : vector<16xf32>
        %parallel_loop3A_1004 = arith.constant 7 : i32
        %parallel_loop3A_1005 = arith.index_cast %parallel_loop3A_1004 : i32 to index
        %parallel_loop3A_1006 = arith.index_cast %parallel_loop3A_690 : i32 to index
        %parallel_loop3A_1007 = arith.constant 240 : index
        %parallel_loop3A_1008 = tpu.vector_load %arg4[%parallel_loop3A_1005, %parallel_loop3A_1006, %parallel_loop3A_1007] {strides = array<i32>} : memref<8x32x256xf32, #tpu.memory_space<vmem>>, vector<1x1x16xf32>,
        %parallel_loop3A_1009 = vector.shape_cast %parallel_loop3A_1008 : vector<1x1x16xf32> to vector<16xf32>
        %parallel_loop3A_1010 = vector.shape_cast %parallel_loop3A_1003 : vector<16xf32> to vector<1x1x16xf32>
        tpu.vector_store %arg4[%parallel_loop3A_1005, %parallel_loop3A_1006, %parallel_loop3A_1007], %parallel_loop3A_1010 {strides = array<i32>} : memref<8x32x256xf32, #tpu.memory_space<vmem>>, vector<1x1x16xf32>,
      } {sc.loop_unroll_factor = 2 : i64, sc.parallel_access}
      %mul3A_662 = arith.constant 32 : i32
      %mul3A_663 = arith.muli %add3A_639, %mul3A_662 : i32
      %add3A_664 = arith.addi %mul3A_2, %mul3A_663 : i32
      %dma_start3A_665 = arith.constant 7 : i32
      %dma_start3A_666 = arith.constant 7 : i32
      %dma_start3A_667 = arith.constant 0 : i32
      %dma_start3A_668 = arith.constant 0 : i32
      %dma_start3A_669 = tpu.memref_slice %arg4[%dma_start3A_665, %dma_start3A_667, %dma_start3A_668] : memref<8x32x256xf32, #tpu.memory_space<vmem>> -> memref<1x32x256xf32, #tpu.memory_space<vmem>>
      %dma_start3A_670 = tpu.memref_squeeze %dma_start3A_669 : memref<1x32x256xf32, #tpu.memory_space<vmem>> -> memref<32x256xf32, #tpu.memory_space<vmem>>
      %dma_start3A_671 = arith.constant 0 : i32
      %dma_start3A_672 = tpu.memref_slice %arg3[%add3A_664, %dma_start3A_671] : memref<262144x256xf32, #tpu.memory_space<hbm>> -> memref<32x256xf32, #tpu.memory_space<hbm>>
      %dma_start3A_673 = tpu.memref_slice %arg6[%dma_start3A_666] : memref<8x!tpu.dma_semaphore, #tpu.memory_space<semaphore_mem>> -> memref<1x!tpu.dma_semaphore, #tpu.memory_space<semaphore_mem>>
      %dma_start3A_674 = tpu.memref_squeeze %dma_start3A_673 : memref<1x!tpu.dma_semaphore, #tpu.memory_space<semaphore_mem>> -> memref<!tpu.dma_semaphore, #tpu.memory_space<semaphore_mem>>
      %dma_start3A_675 = arith.constant 0 : i32
      %dma_start3A_676 = tpu.memref_slice %arg3[%add3A_664, %dma_start3A_675] : memref<262144x256xf32, #tpu.memory_space<hbm>> -> memref<32x256xf32, #tpu.memory_space<hbm>>
      %dma_start3A_677 = arith.constant 0 : i32
      %dma_start3A_678 = arith.constant 0 : i32
      %dma_start3A_679 = tpu.memref_slice %arg4[%dma_start3A_665, %dma_start3A_677, %dma_start3A_678] : memref<8x32x256xf32, #tpu.memory_space<vmem>> -> memref<1x32x256xf32, #tpu.memory_space<vmem>>
      %dma_start3A_680 = tpu.memref_squeeze %dma_start3A_679 : memref<1x32x256xf32, #tpu.memory_space<vmem>> -> memref<32x256xf32, #tpu.memory_space<vmem>>
      tpu.enqueue_dma source(%dma_start3A_680 : memref<32x256xf32, #tpu.memory_space<vmem>>) target(%dma_start3A_676 : memref<32x256xf32, #tpu.memory_space<hbm>>) target_semaphore(%dma_start3A_674 : memref<!tpu.dma_semaphore, #tpu.memory_space<semaphore_mem>>)
      %add3A_681 = arith.constant 8 : i32
      %add3A_682 = arith.addi %add3A_639, %add3A_681 : i32
      %sub3A_683 = arith.constant 1 : i32
      %sub3A_684 = arith.subi %add3A_682, %sub3A_683 : i32
      %lt3A_685 = arith.constant 256 : i32
      %lt3A_686 = arith.cmpi slt, %sub3A_684, %lt3A_685 : i32
      %convert_element_type3A_687 = arith.extui %lt3A_686 : i1 to i32
      %cond3A_688 = arith.constant 0 : i32
      %cond3A_689 = arith.cmpi ne, %convert_element_type3A_687, %cond3A_688 : i32
      scf.if %cond3A_689 {
        %ge3A = arith.constant 1 : i32
        %ge3A_690 = arith.cmpi sge, %add3A_639, %ge3A : i32
        %convert_element_type3A_691 = arith.extui %ge3A_690 : i1 to i32
        %cond3A_692 = arith.constant 0 : i32
        %cond3A_693 = arith.cmpi ne, %convert_element_type3A_691, %cond3A_692 : i32
        scf.if %cond3A_693 {
          %sub3A_717 = arith.constant 1 : i32
          %sub3A_718 = arith.subi %add3A_639, %sub3A_717 : i32
          %mul3A_719 = arith.constant 32 : i32
          %mul3A_720 = arith.muli %sub3A_718, %mul3A_719 : i32
          %add3A_721 = arith.addi %mul3A_2, %mul3A_720 : i32
          %dma_wait3A_722 = arith.constant 6 : i32
          %dma_wait3A_723 = arith.constant 6 : i32
          %dma_wait3A_724 = arith.constant 0 : i32
          %dma_wait3A_725 = arith.constant 0 : i32
          %dma_wait3A_726 = tpu.memref_slice %arg4[%dma_wait3A_722, %dma_wait3A_724, %dma_wait3A_725] : memref<8x32x256xf32, #tpu.memory_space<vmem>> -> memref<1x32x256xf32, #tpu.memory_space<vmem>>
          %dma_wait3A_727 = tpu.memref_squeeze %dma_wait3A_726 : memref<1x32x256xf32, #tpu.memory_space<vmem>> -> memref<32x256xf32, #tpu.memory_space<vmem>>
          %dma_wait3A_728 = arith.constant 0 : i32
          %dma_wait3A_729 = tpu.memref_slice %arg3[%add3A_721, %dma_wait3A_728] : memref<262144x256xf32, #tpu.memory_space<hbm>> -> memref<32x256xf32, #tpu.memory_space<hbm>>
          %dma_wait3A_730 = tpu.memref_slice %arg6[%dma_wait3A_723] : memref<8x!tpu.dma_semaphore, #tpu.memory_space<semaphore_mem>> -> memref<1x!tpu.dma_semaphore, #tpu.memory_space<semaphore_mem>>
          %dma_wait3A_731 = tpu.memref_squeeze %dma_wait3A_730 : memref<1x!tpu.dma_semaphore, #tpu.memory_space<semaphore_mem>> -> memref<!tpu.dma_semaphore, #tpu.memory_space<semaphore_mem>>
          %dma_wait3A_732 = arith.constant 0 : i32
          %dma_wait3A_733 = tpu.memref_slice %arg3[%add3A_721, %dma_wait3A_732] : memref<262144x256xf32, #tpu.memory_space<hbm>> -> memref<32x256xf32, #tpu.memory_space<hbm>>
          %dma_wait3A_734 = arith.constant 0 : i32
          %dma_wait3A_735 = arith.constant 0 : i32
          %dma_wait3A_736 = tpu.memref_slice %arg4[%dma_wait3A_722, %dma_wait3A_734, %dma_wait3A_735] : memref<8x32x256xf32, #tpu.memory_space<vmem>> -> memref<1x32x256xf32, #tpu.memory_space<vmem>>
          %dma_wait3A_737 = tpu.memref_squeeze %dma_wait3A_736 : memref<1x32x256xf32, #tpu.memory_space<vmem>> -> memref<32x256xf32, #tpu.memory_space<vmem>>
          tpu.wait_dma2 semaphore(%dma_wait3A_731 : memref<!tpu.dma_semaphore, #tpu.memory_space<semaphore_mem>>) src(%dma_wait3A_737 : memref<32x256xf32, #tpu.memory_space<vmem>>) dst(%dma_wait3A_733 : memref<32x256xf32, #tpu.memory_space<hbm>>)
        } else {
        }
        %add3A_694 = arith.constant 8 : i32
        %add3A_695 = arith.addi %add3A_639, %add3A_694 : i32
        %sub3A_696 = arith.constant 1 : i32
        %sub3A_697 = arith.subi %add3A_695, %sub3A_696 : i32
        %mul3A_698 = arith.constant 32 : i32
        %mul3A_699 = arith.muli %sub3A_697, %mul3A_698 : i32
        %add3A_700 = arith.addi %mul3A_2, %mul3A_699 : i32
        %dma_start3A_701 = arith.constant 6 : i32
        %dma_start3A_702 = arith.constant 6 : i32
        %dma_start3A_703 = arith.constant 0 : i32
        %dma_start3A_704 = arith.constant 0 : i32
        %dma_start3A_705 = tpu.memref_slice %arg4[%dma_start3A_701, %dma_start3A_703, %dma_start3A_704] : memref<8x32x256xf32, #tpu.memory_space<vmem>> -> memref<1x32x256xf32, #tpu.memory_space<vmem>>
        %dma_start3A_706 = tpu.memref_squeeze %dma_start3A_705 : memref<1x32x256xf32, #tpu.memory_space<vmem>> -> memref<32x256xf32, #tpu.memory_space<vmem>>
        %dma_start3A_707 = arith.constant 0 : i32
        %dma_start3A_708 = tpu.memref_slice %arg2[%add3A_700, %dma_start3A_707] : memref<262144x256xf32, #tpu.memory_space<hbm>> -> memref<32x256xf32, #tpu.memory_space<hbm>>
        %dma_start3A_709 = tpu.memref_slice %arg5[%dma_start3A_702] : memref<8x!tpu.dma_semaphore, #tpu.memory_space<semaphore_mem>> -> memref<1x!tpu.dma_semaphore, #tpu.memory_space<semaphore_mem>>
        %dma_start3A_710 = tpu.memref_squeeze %dma_start3A_709 : memref<1x!tpu.dma_semaphore, #tpu.memory_space<semaphore_mem>> -> memref<!tpu.dma_semaphore, #tpu.memory_space<semaphore_mem>>
        %dma_start3A_711 = arith.constant 0 : i32
        %dma_start3A_712 = arith.constant 0 : i32
        %dma_start3A_713 = tpu.memref_slice %arg4[%dma_start3A_701, %dma_start3A_711, %dma_start3A_712] : memref<8x32x256xf32, #tpu.memory_space<vmem>> -> memref<1x32x256xf32, #tpu.memory_space<vmem>>
        %dma_start3A_714 = tpu.memref_squeeze %dma_start3A_713 : memref<1x32x256xf32, #tpu.memory_space<vmem>> -> memref<32x256xf32, #tpu.memory_space<vmem>>
        %dma_start3A_715 = arith.constant 0 : i32
        %dma_start3A_716 = tpu.memref_slice %arg2[%add3A_700, %dma_start3A_715] : memref<262144x256xf32, #tpu.memory_space<hbm>> -> memref<32x256xf32, #tpu.memory_space<hbm>>
        tpu.enqueue_dma source(%dma_start3A_716 : memref<32x256xf32, #tpu.memory_space<hbm>>) target(%dma_start3A_714 : memref<32x256xf32, #tpu.memory_space<vmem>>) target_semaphore(%dma_start3A_710 : memref<!tpu.dma_semaphore, #tpu.memory_space<semaphore_mem>>)
      } else {
      }
    }
    %scan3A_132 = arith.constant 32 : i32
    %add3A_133 = arith.constant 7936 : i32
    %add3A_134 = arith.addi %mul3A_2, %add3A_133 : i32
    %dma_wait3A = arith.constant 0 : i32
    %dma_wait3A_135 = arith.constant 0 : i32
    %dma_wait3A_136 = arith.constant 0 : i32
    %dma_wait3A_137 = arith.constant 0 : i32
    %dma_wait3A_138 = tpu.memref_slice %arg4[%dma_wait3A, %dma_wait3A_136, %dma_wait3A_137] : memref<8x32x256xf32, #tpu.memory_space<vmem>> -> memref<1x32x256xf32, #tpu.memory_space<vmem>>
    %dma_wait3A_139 = tpu.memref_squeeze %dma_wait3A_138 : memref<1x32x256xf32, #tpu.memory_space<vmem>> -> memref<32x256xf32, #tpu.memory_space<vmem>>
    %dma_wait3A_140 = arith.constant 0 : i32
    %dma_wait3A_141 = tpu.memref_slice %arg3[%add3A_134, %dma_wait3A_140] : memref<262144x256xf32, #tpu.memory_space<hbm>> -> memref<32x256xf32, #tpu.memory_space<hbm>>
    %dma_wait3A_142 = tpu.memref_slice %arg6[%dma_wait3A_135] : memref<8x!tpu.dma_semaphore, #tpu.memory_space<semaphore_mem>> -> memref<1x!tpu.dma_semaphore, #tpu.memory_space<semaphore_mem>>
    %dma_wait3A_143 = tpu.memref_squeeze %dma_wait3A_142 : memref<1x!tpu.dma_semaphore, #tpu.memory_space<semaphore_mem>> -> memref<!tpu.dma_semaphore, #tpu.memory_space<semaphore_mem>>
    %dma_wait3A_144 = arith.constant 0 : i32
    %dma_wait3A_145 = tpu.memref_slice %arg3[%add3A_134, %dma_wait3A_144] : memref<262144x256xf32, #tpu.memory_space<hbm>> -> memref<32x256xf32, #tpu.memory_space<hbm>>
    %dma_wait3A_146 = arith.constant 0 : i32
    %dma_wait3A_147 = arith.constant 0 : i32
    %dma_wait3A_148 = tpu.memref_slice %arg4[%dma_wait3A, %dma_wait3A_146, %dma_wait3A_147] : memref<8x32x256xf32, #tpu.memory_space<vmem>> -> memref<1x32x256xf32, #tpu.memory_space<vmem>>
    %dma_wait3A_149 = tpu.memref_squeeze %dma_wait3A_148 : memref<1x32x256xf32, #tpu.memory_space<vmem>> -> memref<32x256xf32, #tpu.memory_space<vmem>>
    tpu.wait_dma2 semaphore(%dma_wait3A_143 : memref<!tpu.dma_semaphore, #tpu.memory_space<semaphore_mem>>) src(%dma_wait3A_149 : memref<32x256xf32, #tpu.memory_space<vmem>>) dst(%dma_wait3A_145 : memref<32x256xf32, #tpu.memory_space<hbm>>)
    %add3A_150 = arith.constant 7968 : i32
    %add3A_151 = arith.addi %mul3A_2, %add3A_150 : i32
    %dma_wait3A_152 = arith.constant 1 : i32
    %dma_wait3A_153 = arith.constant 1 : i32
    %dma_wait3A_154 = arith.constant 0 : i32
    %dma_wait3A_155 = arith.constant 0 : i32
    %dma_wait3A_156 = tpu.memref_slice %arg4[%dma_wait3A_152, %dma_wait3A_154, %dma_wait3A_155] : memref<8x32x256xf32, #tpu.memory_space<vmem>> -> memref<1x32x256xf32, #tpu.memory_space<vmem>>
    %dma_wait3A_157 = tpu.memref_squeeze %dma_wait3A_156 : memref<1x32x256xf32, #tpu.memory_space<vmem>> -> memref<32x256xf32, #tpu.memory_space<vmem>>
    %dma_wait3A_158 = arith.constant 0 : i32
    %dma_wait3A_159 = tpu.memref_slice %arg3[%add3A_151, %dma_wait3A_158] : memref<262144x256xf32, #tpu.memory_space<hbm>> -> memref<32x256xf32, #tpu.memory_space<hbm>>
    %dma_wait3A_160 = tpu.memref_slice %arg6[%dma_wait3A_153] : memref<8x!tpu.dma_semaphore, #tpu.memory_space<semaphore_mem>> -> memref<1x!tpu.dma_semaphore, #tpu.memory_space<semaphore_mem>>
    %dma_wait3A_161 = tpu.memref_squeeze %dma_wait3A_160 : memref<1x!tpu.dma_semaphore, #tpu.memory_space<semaphore_mem>> -> memref<!tpu.dma_semaphore, #tpu.memory_space<semaphore_mem>>
    %dma_wait3A_162 = arith.constant 0 : i32
    %dma_wait3A_163 = tpu.memref_slice %arg3[%add3A_151, %dma_wait3A_162] : memref<262144x256xf32, #tpu.memory_space<hbm>> -> memref<32x256xf32, #tpu.memory_space<hbm>>
    %dma_wait3A_164 = arith.constant 0 : i32
    %dma_wait3A_165 = arith.constant 0 : i32
    %dma_wait3A_166 = tpu.memref_slice %arg4[%dma_wait3A_152, %dma_wait3A_164, %dma_wait3A_165] : memref<8x32x256xf32, #tpu.memory_space<vmem>> -> memref<1x32x256xf32, #tpu.memory_space<vmem>>
    %dma_wait3A_167 = tpu.memref_squeeze %dma_wait3A_166 : memref<1x32x256xf32, #tpu.memory_space<vmem>> -> memref<32x256xf32, #tpu.memory_space<vmem>>
    tpu.wait_dma2 semaphore(%dma_wait3A_161 : memref<!tpu.dma_semaphore, #tpu.memory_space<semaphore_mem>>) src(%dma_wait3A_167 : memref<32x256xf32, #tpu.memory_space<vmem>>) dst(%dma_wait3A_163 : memref<32x256xf32, #tpu.memory_space<hbm>>)
    %add3A_168 = arith.constant 8000 : i32
    %add3A_169 = arith.addi %mul3A_2, %add3A_168 : i32
    %dma_wait3A_170 = arith.constant 2 : i32
    %dma_wait3A_171 = arith.constant 2 : i32
    %dma_wait3A_172 = arith.constant 0 : i32
    %dma_wait3A_173 = arith.constant 0 : i32
    %dma_wait3A_174 = tpu.memref_slice %arg4[%dma_wait3A_170, %dma_wait3A_172, %dma_wait3A_173] : memref<8x32x256xf32, #tpu.memory_space<vmem>> -> memref<1x32x256xf32, #tpu.memory_space<vmem>>
    %dma_wait3A_175 = tpu.memref_squeeze %dma_wait3A_174 : memref<1x32x256xf32, #tpu.memory_space<vmem>> -> memref<32x256xf32, #tpu.memory_space<vmem>>
    %dma_wait3A_176 = arith.constant 0 : i32
    %dma_wait3A_177 = tpu.memref_slice %arg3[%add3A_169, %dma_wait3A_176] : memref<262144x256xf32, #tpu.memory_space<hbm>> -> memref<32x256xf32, #tpu.memory_space<hbm>>
    %dma_wait3A_178 = tpu.memref_slice %arg6[%dma_wait3A_171] : memref<8x!tpu.dma_semaphore, #tpu.memory_space<semaphore_mem>> -> memref<1x!tpu.dma_semaphore, #tpu.memory_space<semaphore_mem>>
    %dma_wait3A_179 = tpu.memref_squeeze %dma_wait3A_178 : memref<1x!tpu.dma_semaphore, #tpu.memory_space<semaphore_mem>> -> memref<!tpu.dma_semaphore, #tpu.memory_space<semaphore_mem>>
    %dma_wait3A_180 = arith.constant 0 : i32
    %dma_wait3A_181 = tpu.memref_slice %arg3[%add3A_169, %dma_wait3A_180] : memref<262144x256xf32, #tpu.memory_space<hbm>> -> memref<32x256xf32, #tpu.memory_space<hbm>>
    %dma_wait3A_182 = arith.constant 0 : i32
    %dma_wait3A_183 = arith.constant 0 : i32
    %dma_wait3A_184 = tpu.memref_slice %arg4[%dma_wait3A_170, %dma_wait3A_182, %dma_wait3A_183] : memref<8x32x256xf32, #tpu.memory_space<vmem>> -> memref<1x32x256xf32, #tpu.memory_space<vmem>>
    %dma_wait3A_185 = tpu.memref_squeeze %dma_wait3A_184 : memref<1x32x256xf32, #tpu.memory_space<vmem>> -> memref<32x256xf32, #tpu.memory_space<vmem>>
    tpu.wait_dma2 semaphore(%dma_wait3A_179 : memref<!tpu.dma_semaphore, #tpu.memory_space<semaphore_mem>>) src(%dma_wait3A_185 : memref<32x256xf32, #tpu.memory_space<vmem>>) dst(%dma_wait3A_181 : memref<32x256xf32, #tpu.memory_space<hbm>>)
    %add3A_186 = arith.constant 8032 : i32
    %add3A_187 = arith.addi %mul3A_2, %add3A_186 : i32
    %dma_wait3A_188 = arith.constant 3 : i32
    %dma_wait3A_189 = arith.constant 3 : i32
    %dma_wait3A_190 = arith.constant 0 : i32
    %dma_wait3A_191 = arith.constant 0 : i32
    %dma_wait3A_192 = tpu.memref_slice %arg4[%dma_wait3A_188, %dma_wait3A_190, %dma_wait3A_191] : memref<8x32x256xf32, #tpu.memory_space<vmem>> -> memref<1x32x256xf32, #tpu.memory_space<vmem>>
    %dma_wait3A_193 = tpu.memref_squeeze %dma_wait3A_192 : memref<1x32x256xf32, #tpu.memory_space<vmem>> -> memref<32x256xf32, #tpu.memory_space<vmem>>
    %dma_wait3A_194 = arith.constant 0 : i32
    %dma_wait3A_195 = tpu.memref_slice %arg3[%add3A_187, %dma_wait3A_194] : memref<262144x256xf32, #tpu.memory_space<hbm>> -> memref<32x256xf32, #tpu.memory_space<hbm>>
    %dma_wait3A_196 = tpu.memref_slice %arg6[%dma_wait3A_189] : memref<8x!tpu.dma_semaphore, #tpu.memory_space<semaphore_mem>> -> memref<1x!tpu.dma_semaphore, #tpu.memory_space<semaphore_mem>>
    %dma_wait3A_197 = tpu.memref_squeeze %dma_wait3A_196 : memref<1x!tpu.dma_semaphore, #tpu.memory_space<semaphore_mem>> -> memref<!tpu.dma_semaphore, #tpu.memory_space<semaphore_mem>>
    %dma_wait3A_198 = arith.constant 0 : i32
    %dma_wait3A_199 = tpu.memref_slice %arg3[%add3A_187, %dma_wait3A_198] : memref<262144x256xf32, #tpu.memory_space<hbm>> -> memref<32x256xf32, #tpu.memory_space<hbm>>
    %dma_wait3A_200 = arith.constant 0 : i32
    %dma_wait3A_201 = arith.constant 0 : i32
    %dma_wait3A_202 = tpu.memref_slice %arg4[%dma_wait3A_188, %dma_wait3A_200, %dma_wait3A_201] : memref<8x32x256xf32, #tpu.memory_space<vmem>> -> memref<1x32x256xf32, #tpu.memory_space<vmem>>
    %dma_wait3A_203 = tpu.memref_squeeze %dma_wait3A_202 : memref<1x32x256xf32, #tpu.memory_space<vmem>> -> memref<32x256xf32, #tpu.memory_space<vmem>>
    tpu.wait_dma2 semaphore(%dma_wait3A_197 : memref<!tpu.dma_semaphore, #tpu.memory_space<semaphore_mem>>) src(%dma_wait3A_203 : memref<32x256xf32, #tpu.memory_space<vmem>>) dst(%dma_wait3A_199 : memref<32x256xf32, #tpu.memory_space<hbm>>)
    %add3A_204 = arith.constant 8064 : i32
    %add3A_205 = arith.addi %mul3A_2, %add3A_204 : i32
    %dma_wait3A_206 = arith.constant 4 : i32
    %dma_wait3A_207 = arith.constant 4 : i32
    %dma_wait3A_208 = arith.constant 0 : i32
    %dma_wait3A_209 = arith.constant 0 : i32
    %dma_wait3A_210 = tpu.memref_slice %arg4[%dma_wait3A_206, %dma_wait3A_208, %dma_wait3A_209] : memref<8x32x256xf32, #tpu.memory_space<vmem>> -> memref<1x32x256xf32, #tpu.memory_space<vmem>>
    %dma_wait3A_211 = tpu.memref_squeeze %dma_wait3A_210 : memref<1x32x256xf32, #tpu.memory_space<vmem>> -> memref<32x256xf32, #tpu.memory_space<vmem>>
    %dma_wait3A_212 = arith.constant 0 : i32
    %dma_wait3A_213 = tpu.memref_slice %arg3[%add3A_205, %dma_wait3A_212] : memref<262144x256xf32, #tpu.memory_space<hbm>> -> memref<32x256xf32, #tpu.memory_space<hbm>>
    %dma_wait3A_214 = tpu.memref_slice %arg6[%dma_wait3A_207] : memref<8x!tpu.dma_semaphore, #tpu.memory_space<semaphore_mem>> -> memref<1x!tpu.dma_semaphore, #tpu.memory_space<semaphore_mem>>
    %dma_wait3A_215 = tpu.memref_squeeze %dma_wait3A_214 : memref<1x!tpu.dma_semaphore, #tpu.memory_space<semaphore_mem>> -> memref<!tpu.dma_semaphore, #tpu.memory_space<semaphore_mem>>
    %dma_wait3A_216 = arith.constant 0 : i32
    %dma_wait3A_217 = tpu.memref_slice %arg3[%add3A_205, %dma_wait3A_216] : memref<262144x256xf32, #tpu.memory_space<hbm>> -> memref<32x256xf32, #tpu.memory_space<hbm>>
    %dma_wait3A_218 = arith.constant 0 : i32
    %dma_wait3A_219 = arith.constant 0 : i32
    %dma_wait3A_220 = tpu.memref_slice %arg4[%dma_wait3A_206, %dma_wait3A_218, %dma_wait3A_219] : memref<8x32x256xf32, #tpu.memory_space<vmem>> -> memref<1x32x256xf32, #tpu.memory_space<vmem>>
    %dma_wait3A_221 = tpu.memref_squeeze %dma_wait3A_220 : memref<1x32x256xf32, #tpu.memory_space<vmem>> -> memref<32x256xf32, #tpu.memory_space<vmem>>
    tpu.wait_dma2 semaphore(%dma_wait3A_215 : memref<!tpu.dma_semaphore, #tpu.memory_space<semaphore_mem>>) src(%dma_wait3A_221 : memref<32x256xf32, #tpu.memory_space<vmem>>) dst(%dma_wait3A_217 : memref<32x256xf32, #tpu.memory_space<hbm>>)
    %add3A_222 = arith.constant 8096 : i32
    %add3A_223 = arith.addi %mul3A_2, %add3A_222 : i32
    %dma_wait3A_224 = arith.constant 5 : i32
    %dma_wait3A_225 = arith.constant 5 : i32
    %dma_wait3A_226 = arith.constant 0 : i32
    %dma_wait3A_227 = arith.constant 0 : i32
    %dma_wait3A_228 = tpu.memref_slice %arg4[%dma_wait3A_224, %dma_wait3A_226, %dma_wait3A_227] : memref<8x32x256xf32, #tpu.memory_space<vmem>> -> memref<1x32x256xf32, #tpu.memory_space<vmem>>
    %dma_wait3A_229 = tpu.memref_squeeze %dma_wait3A_228 : memref<1x32x256xf32, #tpu.memory_space<vmem>> -> memref<32x256xf32, #tpu.memory_space<vmem>>
    %dma_wait3A_230 = arith.constant 0 : i32
    %dma_wait3A_231 = tpu.memref_slice %arg3[%add3A_223, %dma_wait3A_230] : memref<262144x256xf32, #tpu.memory_space<hbm>> -> memref<32x256xf32, #tpu.memory_space<hbm>>
    %dma_wait3A_232 = tpu.memref_slice %arg6[%dma_wait3A_225] : memref<8x!tpu.dma_semaphore, #tpu.memory_space<semaphore_mem>> -> memref<1x!tpu.dma_semaphore, #tpu.memory_space<semaphore_mem>>
    %dma_wait3A_233 = tpu.memref_squeeze %dma_wait3A_232 : memref<1x!tpu.dma_semaphore, #tpu.memory_space<semaphore_mem>> -> memref<!tpu.dma_semaphore, #tpu.memory_space<semaphore_mem>>
    %dma_wait3A_234 = arith.constant 0 : i32
    %dma_wait3A_235 = tpu.memref_slice %arg3[%add3A_223, %dma_wait3A_234] : memref<262144x256xf32, #tpu.memory_space<hbm>> -> memref<32x256xf32, #tpu.memory_space<hbm>>
    %dma_wait3A_236 = arith.constant 0 : i32
    %dma_wait3A_237 = arith.constant 0 : i32
    %dma_wait3A_238 = tpu.memref_slice %arg4[%dma_wait3A_224, %dma_wait3A_236, %dma_wait3A_237] : memref<8x32x256xf32, #tpu.memory_space<vmem>> -> memref<1x32x256xf32, #tpu.memory_space<vmem>>
    %dma_wait3A_239 = tpu.memref_squeeze %dma_wait3A_238 : memref<1x32x256xf32, #tpu.memory_space<vmem>> -> memref<32x256xf32, #tpu.memory_space<vmem>>
    tpu.wait_dma2 semaphore(%dma_wait3A_233 : memref<!tpu.dma_semaphore, #tpu.memory_space<semaphore_mem>>) src(%dma_wait3A_239 : memref<32x256xf32, #tpu.memory_space<vmem>>) dst(%dma_wait3A_235 : memref<32x256xf32, #tpu.memory_space<hbm>>)
    %add3A_240 = arith.constant 8128 : i32
    %add3A_241 = arith.addi %mul3A_2, %add3A_240 : i32
    %dma_wait3A_242 = arith.constant 6 : i32
    %dma_wait3A_243 = arith.constant 6 : i32
    %dma_wait3A_244 = arith.constant 0 : i32
    %dma_wait3A_245 = arith.constant 0 : i32
    %dma_wait3A_246 = tpu.memref_slice %arg4[%dma_wait3A_242, %dma_wait3A_244, %dma_wait3A_245] : memref<8x32x256xf32, #tpu.memory_space<vmem>> -> memref<1x32x256xf32, #tpu.memory_space<vmem>>
    %dma_wait3A_247 = tpu.memref_squeeze %dma_wait3A_246 : memref<1x32x256xf32, #tpu.memory_space<vmem>> -> memref<32x256xf32, #tpu.memory_space<vmem>>
    %dma_wait3A_248 = arith.constant 0 : i32
    %dma_wait3A_249 = tpu.memref_slice %arg3[%add3A_241, %dma_wait3A_248] : memref<262144x256xf32, #tpu.memory_space<hbm>> -> memref<32x256xf32, #tpu.memory_space<hbm>>
    %dma_wait3A_250 = tpu.memref_slice %arg6[%dma_wait3A_243] : memref<8x!tpu.dma_semaphore, #tpu.memory_space<semaphore_mem>> -> memref<1x!tpu.dma_semaphore, #tpu.memory_space<semaphore_mem>>
    %dma_wait3A_251 = tpu.memref_squeeze %dma_wait3A_250 : memref<1x!tpu.dma_semaphore, #tpu.memory_space<semaphore_mem>> -> memref<!tpu.dma_semaphore, #tpu.memory_space<semaphore_mem>>
    %dma_wait3A_252 = arith.constant 0 : i32
    %dma_wait3A_253 = tpu.memref_slice %arg3[%add3A_241, %dma_wait3A_252] : memref<262144x256xf32, #tpu.memory_space<hbm>> -> memref<32x256xf32, #tpu.memory_space<hbm>>
    %dma_wait3A_254 = arith.constant 0 : i32
    %dma_wait3A_255 = arith.constant 0 : i32
    %dma_wait3A_256 = tpu.memref_slice %arg4[%dma_wait3A_242, %dma_wait3A_254, %dma_wait3A_255] : memref<8x32x256xf32, #tpu.memory_space<vmem>> -> memref<1x32x256xf32, #tpu.memory_space<vmem>>
    %dma_wait3A_257 = tpu.memref_squeeze %dma_wait3A_256 : memref<1x32x256xf32, #tpu.memory_space<vmem>> -> memref<32x256xf32, #tpu.memory_space<vmem>>
    tpu.wait_dma2 semaphore(%dma_wait3A_251 : memref<!tpu.dma_semaphore, #tpu.memory_space<semaphore_mem>>) src(%dma_wait3A_257 : memref<32x256xf32, #tpu.memory_space<vmem>>) dst(%dma_wait3A_253 : memref<32x256xf32, #tpu.memory_space<hbm>>)
    %add3A_258 = arith.constant 8160 : i32
    %add3A_259 = arith.addi %mul3A_2, %add3A_258 : i32
    %dma_wait3A_260 = arith.constant 7 : i32
    %dma_wait3A_261 = arith.constant 7 : i32
    %dma_wait3A_262 = arith.constant 0 : i32
    %dma_wait3A_263 = arith.constant 0 : i32
    %dma_wait3A_264 = tpu.memref_slice %arg4[%dma_wait3A_260, %dma_wait3A_262, %dma_wait3A_263] : memref<8x32x256xf32, #tpu.memory_space<vmem>> -> memref<1x32x256xf32, #tpu.memory_space<vmem>>
    %dma_wait3A_265 = tpu.memref_squeeze %dma_wait3A_264 : memref<1x32x256xf32, #tpu.memory_space<vmem>> -> memref<32x256xf32, #tpu.memory_space<vmem>>
    %dma_wait3A_266 = arith.constant 0 : i32
    %dma_wait3A_267 = tpu.memref_slice %arg3[%add3A_259, %dma_wait3A_266] : memref<262144x256xf32, #tpu.memory_space<hbm>> -> memref<32x256xf32, #tpu.memory_space<hbm>>
    %dma_wait3A_268 = tpu.memref_slice %arg6[%dma_wait3A_261] : memref<8x!tpu.dma_semaphore, #tpu.memory_space<semaphore_mem>> -> memref<1x!tpu.dma_semaphore, #tpu.memory_space<semaphore_mem>>
    %dma_wait3A_269 = tpu.memref_squeeze %dma_wait3A_268 : memref<1x!tpu.dma_semaphore, #tpu.memory_space<semaphore_mem>> -> memref<!tpu.dma_semaphore, #tpu.memory_space<semaphore_mem>>
    %dma_wait3A_270 = arith.constant 0 : i32
    %dma_wait3A_271 = tpu.memref_slice %arg3[%add3A_259, %dma_wait3A_270] : memref<262144x256xf32, #tpu.memory_space<hbm>> -> memref<32x256xf32, #tpu.memory_space<hbm>>
    %dma_wait3A_272 = arith.constant 0 : i32
    %dma_wait3A_273 = arith.constant 0 : i32
    %dma_wait3A_274 = tpu.memref_slice %arg4[%dma_wait3A_260, %dma_wait3A_272, %dma_wait3A_273] : memref<8x32x256xf32, #tpu.memory_space<vmem>> -> memref<1x32x256xf32, #tpu.memory_space<vmem>>
    %dma_wait3A_275 = tpu.memref_squeeze %dma_wait3A_274 : memref<1x32x256xf32, #tpu.memory_space<vmem>> -> memref<32x256xf32, #tpu.memory_space<vmem>>
    tpu.wait_dma2 semaphore(%dma_wait3A_269 : memref<!tpu.dma_semaphore, #tpu.memory_space<semaphore_mem>>) src(%dma_wait3A_275 : memref<32x256xf32, #tpu.memory_space<vmem>>) dst(%dma_wait3A_271 : memref<32x256xf32, #tpu.memory_space<hbm>>)
    return
  }
}

</mosaic_0001>

<sc_bundles>
// kernel: kernel.3.cloned.1.call-start
scs
__scs_entry_jumppad:
0x0: {  	(pc) =	sbr.rel $0x88, $3  }
0x1: {  	(tag) =	ssettag $0x0;
	lr =	simm.s32 $0x1  }
0x2: {  	[smem:$0x3FA0] =	sst lr;
	_ =	strace $0xD0000000  }
0x3: {  	_ = 	snop  }
0x4: {  	_ = 	snop  }
0x5: {  	_ = 	snop  }
0x6: {  	_ = 	snop  }
0x7: {  	_ = 	snop  }
__scs_overlays_trampoline_lowered:
0x8: {  	[smem:$0x3FAF] =	sst s0  }
0x9: {  	[smem:$0x3FB0] =	sst s1  }
0xa: {  	[smem:$0x3FB1] =	sst s2  }
0xb: {  	[smem:$0x3FB2] =	sst s3  }
0xc: {  	[smem:$0x3FB3] =	sst s4  }
0xd: {  	[smem:$0x3FB4] =	sst s5  }
0xe: {  	[smem:$0x3FB5] =	sst s6  }
0xf: {  	[smem:$0x3FB6] =	sst s7  }
0x10: {  	[smem:$0x3FB7] =	sst s8  }
0x11: {  	[smem:$0x3FB8] =	sst s9;
	s0 =	simm.s32 @!p0 $0x0  }
0x12: {  	s1 =	sld [smem:$0x3F9E];
	s0 =	simm.s32 @p0 $0x1  }
0x13: {  	[smem:$0x3FB9] =	sst s0;
	s0 =	simm.s32 @!p1 $0x0  }
0x14: {  	s2 =	sld [smem:$0x3F9D];
	s0 =	simm.s32 @p1 $0x1  }
0x15: {  	[smem:$0x3FBA] =	sst s0;
	s0 =	simm.s32 @!p2 $0x0  }
0x16: {  	s3 =	sld [smem:$0x3FDB];
	s0 =	simm.s32 @p2 $0x1  }
0x17: {  	s4 =	simm.s32 $0x1BF5;
	[smem:$0x3FBC] =	sst s0  }
0x18: {  	s0 =	sld [smem:$0x3F9F];
	_ =	swait.ge [sflag:s4], $0x0  }
0x19: {  	s7 =	sld [smem:$0x3FA0]  }
0x1a: {  	s8 =	sadd.s32 $0xFFFFE003, lr  }
0x1b: {  	s9 =	sadd.s32 $0xFFFFFEF7, lr;
	s5 =	simm.s32 $0xFFFFFFFF;
	p2 =	slt.u32 s8, $0xFFFFF086  }
0x1c: {  	p1 =	slt.u32 s9, $0xF7A;
	s5 =	simm.s32 @!p2 $0x0  }
0x1d: {  	s5 =	simm.s32 @p1 $0x1;
	p0 =	seq.s32 s7, s2  }
0x1e: {  	s7 =	smul.u32 @!p0 $0xF7A, s2;
	p2 =	seq.s32 @!p0 s5, $0x0  }
0x1f: {  	s9 =	smul.u32 $0xF7A, s1;
	s8 =	simm.s32 @!p0 $0x1BF5;
	p2 =	por !p2, p0  }
0x20: {  	[sflag:s8] =	ssyncset.s32 @!p0 $0xFFFFF086;
	s6 =	sadd.s32 @!p0 s3, s7;
	s7 =	simm.s32 @!p0 $0x108  }
0x21: {  	s3 =	sadd.s32 s3, s9;
	s6 =	sadd.s32 @!p0 $0x88, s6;
	s7 =	simm.s32 @p2 $0x1082  }
0x22: {  	[simem:s7], [sflag:s8] =	dma.local @!p0 [hbm:s6], $0xF7A  }
0x23: {  	s9 =	sor.u32 $0xD0000000, s2;
	s6 =	simm.s32 $0x108;
	_ =	swait.ge @!p0 [sflag:s8], $0x0  }
0x24: {  	s3 =	sadd.s32 $0x88, s3;
	s6 =	simm.s32 @!p1 $0x1082;
	[sflag:s4] =	ssyncset.s32 $0xFFFFF086  }
0x25: {  	[simem:s6], [sflag:s4] =	dma.local [hbm:s3], $0xF7A  }
0x26: {  	[smem:$0x3FA0] =	sst s1;
	(tag) =	ssettag s2;
	_ =	strace s9  }
0x27: {  	s1 =	sld [smem:$0x3FB0]  }
0x28: {  	s2 =	sld [smem:$0x3FB1]  }
0x29: {  	s4 =	sld [smem:$0x3FB3]  }
0x2a: {  	p0 =	seq.s32 s5, $0x0;
	s5 =	sld [smem:$0x3FB4]  }
0x2b: {  	s6 =	sld [smem:$0x3FB5]  }
0x2c: {  	s7 =	sld [smem:$0x3FB6]  }
0x2d: {  	s3 =	simm.s32 $0x108;
	s8 =	sld [smem:$0x3FB7]  }
0x2e: {  	s3 =	simm.s32 @!p0 $0x1082;
	s9 =	sld [smem:$0x3FB8]  }
0x2f: {  	lr =	sadd.s32 s0, s3;
	s0 =	sld [smem:$0x3FAF]  }
0x30: {  	s3 =	sld [smem:$0x3FB2]  }
0x31: {  	[smem:$0x3FBB] =	sst s10  }
0x32: {  	s10 =	sld [smem:$0x3FB9];
	_ =	sdelay $0x3  }
0x33: {  	p0 =	seq.s32 s10, $0x1;
	s10 =	sld [smem:$0x3FBB];
	_ =	sdelay $0x3  }
0x34: {  	[smem:$0x3FBB] =	sst s10  }
0x35: {  	s10 =	sld [smem:$0x3FBA];
	_ =	sdelay $0x3  }
0x36: {  	p1 =	seq.s32 s10, $0x1;
	s10 =	sld [smem:$0x3FBB];
	_ =	sdelay $0x3  }
0x37: {  	[smem:$0x3FBB] =	sst s10  }
0x38: {  	s10 =	sld [smem:$0x3FBC]  }
0x39: {  	_ = 	snop;
	(pc) =	sbr.ind lr, $3  }
0x3a: {  	_ = 	snop  }
0x3b: {  	_ = 	snop  }
0x3c: {  	p2 =	seq.s32 s10, $0x1;
	s10 =	sld [smem:$0x3FBB]  }
0x3d: {  	_ =	shalt  }
0x3e: {  	_ =	shalt  }
0x3f: {  	_ =	shalt  }
0x40: {  	_ =	shalt  }
0x41: {  	_ =	shalt  }
0x42: {  	_ =	shalt  }
0x43: {  	_ =	shalt  }
0x44: {  	_ =	shalt  }
0x45: {  	_ =	shalt  }
0x46: {  	_ =	shalt  }
0x47: {  	_ =	shalt  }
0x48: {  	_ =	shalt  }
0x49: {  	_ =	shalt  }
0x4a: {  	_ =	shalt  }
0x4b: {  	_ =	shalt  }
0x4c: {  	_ =	shalt  }
0x4d: {  	_ =	shalt  }
0x4e: {  	_ =	shalt  }
0x4f: {  	_ =	shalt  }
0x50: {  	_ =	shalt  }
0x51: {  	_ =	shalt  }
0x52: {  	_ =	shalt  }
0x53: {  	_ =	shalt  }
0x54: {  	_ =	shalt  }
0x55: {  	_ =	shalt  }
0x56: {  	_ =	shalt  }
0x57: {  	_ =	shalt  }
0x58: {  	_ =	shalt  }
0x59: {  	_ =	shalt  }
0x5a: {  	_ =	shalt  }
0x5b: {  	_ =	shalt  }
0x5c: {  	_ =	shalt  }
0x5d: {  	_ =	shalt  }
0x5e: {  	_ =	shalt  }
0x5f: {  	_ =	shalt  }
0x60: {  	_ =	shalt  }
0x61: {  	_ =	shalt  }
0x62: {  	_ =	shalt  }
0x63: {  	_ =	shalt  }
0x64: {  	_ =	shalt  }
0x65: {  	_ =	shalt  }
0x66: {  	_ =	shalt  }
0x67: {  	_ =	shalt  }
0x68: {  	_ =	shalt  }
0x69: {  	_ =	shalt  }
0x6a: {  	_ =	shalt  }
0x6b: {  	_ =	shalt  }
0x6c: {  	_ =	shalt  }
0x6d: {  	_ =	shalt  }
0x6e: {  	_ =	shalt  }
0x6f: {  	_ =	shalt  }
0x70: {  	_ =	shalt  }
0x71: {  	_ =	shalt  }
0x72: {  	_ =	shalt  }
0x73: {  	_ =	shalt  }
0x74: {  	_ =	shalt  }
0x75: {  	_ =	shalt  }
0x76: {  	_ =	shalt  }
0x77: {  	_ =	shalt  }
0x78: {  	_ =	shalt  }
0x79: {  	_ =	shalt  }
0x7a: {  	_ =	shalt  }
0x7b: {  	_ =	shalt  }
0x7c: {  	_ =	shalt  }
0x7d: {  	_ =	shalt  }
0x7e: {  	_ =	shalt  }
0x7f: {  	_ =	shalt  }
0x80: {  	_ =	shalt  }
0x81: {  	_ =	shalt  }
0x82: {  	_ =	shalt  }
0x83: {  	_ =	shalt  }
0x84: {  	_ =	shalt  }
0x85: {  	_ =	shalt  }
0x86: {  	_ =	shalt  }
0x87: {  	_ =	shalt  }
.Lfunc_end0:
.L_simem_size_0:
called_computation_lowered:
.L_overlay_start_0:
0x88: {  	s2 =	sld [smem:$0x3FD9]  }
0x89: {  	s3 =	sld [smem:$0x3FFE];
	_ =	sdelay $0x1  }
0x8a: {  	s1 =	srdreg.scid  }
0x8b: {  	s0 =	sand.u32 $0x1, s1  }
0x8c: {  	s18 =	sshll.u32 s0, $0xA;
	s2 =	sadd.s32 s3, s2  }
0x8d: {  	s2 =	sadd.s32 s2, s18  }
0x8e: {  	[smem:$0x3FC7] =	sst s2  }
0x8f: {  	_ = 	snop  }
0x90: {  	s2 =	sld [smem:$0x3FC9]  }
0x91: {  	s19 =	sld [smem:$0x3FD0];
	(tm) =	ssettm $0x1  }
0x92: {  	s4 =	sld [smem:$0x3FFB];
	_ =	sdelay $0x3  }
0x93: {  	_ =	strace s4  }
0x94: {  	s4 =	sld [smem:$0x3FFC];
	_ =	sdelay $0x3  }
0x95: {  	_ =	strace s4  }
0x96: {  	s4 =	sld [smem:$0x3FFD];
	_ =	sdelay $0x3  }
0x97: {  	_ =	strace s4  }
0x98: {  	_ =	strace $0x8FFFFFFF  }
0x99: {  	s20 =	sld [smem:$0x3FDB];
	_ =	sdelay $0x1  }
0x9a: {  	s5 =	simm.s32 $_scs_section_size  }
0x9b: {  	s6 =	simm.s32 $_size__tile_overlayer_lowered;
	s7 =	simm.s32 $_tile_overlayer_lowered  }
0x9c: {  	s23 =	simm.s32 $0x1BFF;
	s22 =	sshll.u32 s7, $0x1;
	s4 =	sadd.s32 s5, s20  }
0x9d: {  	s8 =	simm.s32 $0x0;
	s21 =	sshll.u32 s6, $0x1;
	s6 =	sadd.s32 s22, s4  }
0x9e: {  	[timem:s8], [sflag:s23] =	dma.local [hbm:s6], s21  }
0x9f: {  	_ =	swait.ge [sflag:s23], s21  }
0xa0: {  	s5 =	ssub.s32 $0x0, s21;
	[sflag:s23] =	ssyncset.done $0x0  }
0xa1: {  	[sflag:s23] =	ssyncadd.s32 s5;
	_ =	sdelay $0x1  }
0xa2: {  	s24 =	simm.s32 $0x1B8B  }
0xa3: {  	_ =	swait.ge [sflag:s24], $0x1  }
0xa4: {  	[sflag:s24] =	ssyncset.done $0x0  }
0xa5: {  	s25 =	simm.s32 $0x1B8E;
	[sflag:s24] =	ssyncadd.s32 $0xFFFFFFFF  }
0xa6: {  	s26 =	simm.s32 $execute0_lowered;
	[smem:$0x3FD2] =	sst s25  }
0xa7: {  	s5 =	sshll.u32 s26, $0x1;
	_ =	strace $0x80000046;
	[dreg:$0x1] =	wrdreg $0xFFFFFFFF  }
0xa8: {  	s28 =	simm.s32 $_size_execute0_lowered;
	s4 =	sadd.s32 s4, s5;
	[dreg:$0x0] =	wrdreg $0x0  }
0xa9: {  	s5 =	sshll.u32 s28, $0x1;
	[dreg:$0x2] =	wrdreg s4  }
0xaa: {  	[dreg:$0x3] =	wrdreg s5  }
0xab: {  	[dreg:$0x4] =	wrdreg $0xC0  }
0xac: {  	_ =	task [dreg:s8], $0x5FFFF  }
0xad: {  	[dreg:$0x1] =	wrdreg $0xFFFFFFFF  }
0xae: {  	[dreg:$0x0] =	wrdreg $0x60  }
0xaf: {  	[dreg:$0x2] =	wrdreg s2  }
0xb0: {  	[dreg:$0x3] =	wrdreg s19  }
0xb1: {  	[dreg:$0x4] =	wrdreg $0x9  }
0xb2: {  	_ =	task.clear_ibuf [dreg:s8], $0x5FFFF;
	_ =	strace $0x90000046  }
0xb3: {  	s29 =	simm.s32 $0x9;
	_ =	strace $0x80000048  }
0xb4: {  	_ =	swait.ge [sflag:s29], $0x1  }
0xb5: {  	[sflag:s29] =	ssyncadd.s32 $0xFFFFFFFF  }
0xb6: {  	_ =	strace $0x90000048  }
0xb7: {  	_ =	sfence  }
0xb8: {  	s30 =	sld [smem:$0x0];
	_ =	sdelay $0x2  }
0xb9: {  	s31 =	sshll.u32 s1, $0xD;
	s1 =	sshrl.u32 s1, $0x2  }
0xba: {  	s3 =	sand.u32 $0x4000, s31;
	s1 =	sadd.s32 s1, s30  }
0xbb: {  	s0 =	sor.u32 s3, s0;
	s1 =	sshll.u32 s1, $0x11  }
0xbc: {  	s0 =	sor.u32 s1, s0  }
0xbd: {  	s0 =	sadd.s32 $0x8F2B, s0  }
0xbe: {  	[sflag:s0] =	ssyncadd.remote.s32 $0x1  }
0xbf: {  	_ =	sfence.sel $0xFFFF  }
0xc0: {  	[dreg:$0x0] =	wrdreg $0xFFFFFFFF;
	(pc) =	sbr.abs _section_cstart, $3  }
0xc1: {  	[dreg:$0x1] =	wrdreg $0xFFFFFFFF  }
0xc2: {  	_ =	task.clear_ibuf [dreg:s8], $0x2FFFF;
	_ =	strace $0x9FFFFFFF  }
0xc3: {  	(tm) =	ssettm $0x7FFFFFFF  }
tec
execute0_lowered:
.L_overlay_start_1:
0x0: {  	(tag) =	ssettag $0x1  }
0x1: {  	s5 =	rddreg [dreg:$0x0]  }
0x2: {  	s15 =	rddreg [dreg:$0x1]  }
0x3: {  	s0 =	srdreg.scid;
	s4 =	simm.s32 $0x0;
	s2 =	stileid.u32  }
0x4: {  	s7 =	simm.s32 $0xC000;
	s8 =	simm.s32 $0x1;
	s9 =	simm.s32 $0xE000  }
0x5: {  	s10 =	simm.s32 $0x2;
	s11 =	simm.s32 $0x3;
	s12 =	simm.s32 $0x4  }
0x6: {  	s6 =	simm.s32 $0x6;
	s29 =	simm.s32 $0x8;
	s30 =	simm.s32 $0xF  }
0x7: {  	s0 =	sand.u32 $0x1, s0;
	s2 =	sshll.u32 s2, $0x12;
	[smem:$0x7FF] =	sst s4  }
0x8: {  	s23 =	sadd.s32 $0x400, s15;
	s25 =	sadd.s32 $0x800, s15;
	s1 =	ssub.s32 $0x2, s0  }
0x9: {  	s0 =	sshll.u32 s0, $0x16;
	_ =	strace $0x80000047;
	[dreg:$0xb] =	wrdreg s23  }
0xa: {  	s28 =	sadd.s32 $0xC00, s15;
	[dreg:$0xd] =	wrdreg s25;
	s2 =	sor.u32 s2, s0  }
0xb: {  	[dreg:$0xf] =	wrdreg s28;
	s25 =	simm.s32 $0x5;
	s16 =	sadd.s32 s5, s2  }
0xc: {  	s3 =	sshrl.u32 s1, $0x1;
	s17 =	sadd.s32 $0x400, s16;
	[dreg:$0x3] =	wrdreg s16  }
0xd: {  	s14 =	ssub.s32 s1, s3;
	s18 =	sadd.s32 $0x800, s16;
	[dreg:$0x4] =	wrdreg s17  }
0xe: {  	s1 =	simm.s32 $0x7;
	s19 =	sadd.s32 $0xC00, s16;
	[dreg:$0x5] =	wrdreg s18  }
0xf: {  	s3 =	simm.s32 $0x0;
	s20 =	sadd.s32 $0x1000, s16;
	[dreg:$0x6] =	wrdreg s19  }
0x10: {  	s21 =	sadd.s32 $0x1400, s16;
	s22 =	sadd.s32 $0x1800, s16;
	[dreg:$0x7] =	wrdreg s20  }
0x11: {  	s24 =	sadd.s32 $0x2000, s16;
	s26 =	sadd.s32 $0x2400, s16;
	[dreg:$0x8] =	wrdreg s21  }
0x12: {  	s23 =	sadd.s32 $0x3000, s16;
	s0 =	smax.u32 s14, $0x1;
	[dreg:$0x9] =	wrdreg s22  }
.Ltmp0:
0x13: {  	s31 =	sadd.s32 $0x3800, s16;
	[dreg:$0xc] =	wrdreg s24;
	(pc) =	sbr.rel .LBB2_1-.Ltmp0, $4  }
0x14: {  	s18 =	smov.u32 s2;
	s2 =	sor.u32 $0x1C00, s2;
	[dreg:$0xe] =	wrdreg s26  }
0x15: {  	s19 =	sadd.s32 $0x2800, s16;
	s20 =	sadd.s32 $0x1000, s15;
	[dreg:$0x10] =	wrdreg s0  }
0x16: {  	s21 =	sadd.s32 $0x2C00, s16;
	s22 =	sadd.s32 $0x1400, s15;
	[dreg:$0x11] =	wrdreg s31  }
0x17: {  	s24 =	sadd.s32 $0x1800, s15;
	s26 =	sadd.s32 $0x3400, s16;
	[dreg:$0xa] =	wrdreg s2  }
.LBB2_20:
0x18: {  	s0 =	simm.s32 $0x9  }
0x19: {  	_ =	swait.ge [sflag:s0], $0x2000  }
0x1a: {  	[sflag:s0] =	ssyncset.done $0x0  }
0x1b: {  	s13 =	simm.s32 $0xA;
	[sflag:s0] =	ssyncadd.s32 $0xFFFFE000  }
0x1c: {  	_ =	swait.ge [sflag:s13], $0x2000  }
0x1d: {  	[sflag:s13] =	ssyncset.done $0x0  }
0x1e: {  	s14 =	simm.s32 $0xB;
	[sflag:s13] =	ssyncadd.s32 $0xFFFFE000  }
0x1f: {  	_ =	swait.ge [sflag:s14], $0x2000  }
0x20: {  	[sflag:s14] =	ssyncset.done $0x0  }
0x21: {  	s16 =	simm.s32 $0xC;
	[sflag:s14] =	ssyncadd.s32 $0xFFFFE000  }
0x22: {  	_ =	swait.ge [sflag:s16], $0x2000  }
0x23: {  	[sflag:s16] =	ssyncset.done $0x0  }
0x24: {  	s17 =	simm.s32 $0xD;
	[sflag:s16] =	ssyncadd.s32 $0xFFFFE000  }
0x25: {  	_ =	swait.ge [sflag:s17], $0x2000  }
0x26: {  	[sflag:s17] =	ssyncset.done $0x0  }
0x27: {  	s28 =	simm.s32 $0xE;
	[sflag:s17] =	ssyncadd.s32 $0xFFFFE000  }
0x28: {  	_ =	swait.ge [sflag:s28], $0x2000  }
0x29: {  	[sflag:s28] =	ssyncset.done $0x0  }
0x2a: {  	[sflag:s28] =	ssyncadd.s32 $0xFFFFE000  }
0x2b: {  	_ =	swait.ge [sflag:s30], $0x2000  }
0x2c: {  	[sflag:s30] =	ssyncset.done $0x0  }
0x2d: {  	s2 =	simm.s32 $0x10;
	[sflag:s30] =	ssyncadd.s32 $0xFFFFE000  }
0x2e: {  	_ =	swait.ge [sflag:s2], $0x2000  }
0x2f: {  	s3 =	rddreg [dreg:$0x12]  }
0x30: {  	s31 =	rddreg [dreg:$0x10];
	s3 =	sadd.s32 $0x1, s3  }
0x31: {  	p0 =	sne.s32 s3, s31  }
.Ltmp1:
0x32: {  	_ = 	snop;
	(pc) =	sbr.rel @!p0 .LBB2_21-.Ltmp1, $3  }
0x33: {  	_ =	sdelay $0x1  }
0x34: {  	[sflag:s2] =	ssyncset.done $0x0  }
0x35: {  	[sflag:s2] =	ssyncadd.s32 $0xFFFFE000  }
.LBB2_1:
0x36: {  	[dreg:$0x12] =	wrdreg s3  }
0x37: {  	s0 =	rddreg [dreg:$0x3]  }
0x38: {  	[tilespmem:s4], [sflag:$0x1] =	stream.linear.gather [hbm4b:s0+s4], $0x2000, $0x38;
	[tilespmem:$0x10000] =	vst v63  }
0x39: {  	s16 =	rddreg [dreg:$0x4];
	s2 =	simm.s32 $0x2000  }
0x3a: {  	[tilespmem:s2], [sflag:$0x2] =	stream.linear.gather [hbm4b:s16+s4], $0x2000, $0x38;
	[tilespmem:$0x10000] =	vst v63  }
0x3b: {  	s17 =	rddreg [dreg:$0x5];
	s28 =	simm.s32 $0x4000  }
0x3c: {  	[tilespmem:s28], [sflag:$0x3] =	stream.linear.gather [hbm4b:s17+s4], $0x2000, $0x38;
	[tilespmem:$0x10000] =	vst v63  }
0x3d: {  	s3 =	rddreg [dreg:$0x6];
	s5 =	simm.s32 $0x6000  }
0x3e: {  	[tilespmem:s5], [sflag:$0x4] =	stream.linear.gather [hbm4b:s3+s4], $0x2000, $0x38;
	[tilespmem:$0x10000] =	vst v63  }
0x3f: {  	s13 =	rddreg [dreg:$0x7];
	s14 =	simm.s32 $0x8000  }
0x40: {  	[tilespmem:s14], [sflag:$0x5] =	stream.linear.gather [hbm4b:s13+s4], $0x2000, $0x38;
	[tilespmem:$0x10000] =	vst v63  }
0x41: {  	s16 =	rddreg [dreg:$0x8];
	s17 =	simm.s32 $0xA000  }
0x42: {  	[tilespmem:s17], [sflag:$0x6] =	stream.linear.gather [hbm4b:s16+s4], $0x2000, $0x38;
	[tilespmem:$0x10000] =	vst v63  }
0x43: {  	s31 =	simm.s32 $0x0;
	s28 =	rddreg [dreg:$0x9]  }
0x44: {  	[tilespmem:s7], [sflag:$0x7] =	stream.linear.gather [hbm4b:s28+s4], $0x2000, $0x38;
	[tilespmem:$0x10000] =	vst v63  }
.LBB2_2:
0x45: {  	_ =	swait.ge [sflag:s8], $0x2000;
	s0 =	simm.s32 $0x0  }
0x46: {  	[sflag:s8] =	ssyncset.done $0x0;
	s2 =	sand.u32 $0x1800, s0;
	s0 =	sand.u32 $0x300, s0  }
0x47: {  	[sflag:s8] =	ssyncadd.s32 $0xFFFFE000;
	s2 =	sor.u32 s0, s2  }
0x48: {  	v0 =	vld [tilespmem:s2+$0x4F0]  }
0x49: {  	v1 =	vld [tilespmem:s2+$0x0]  }
0x4a: {  	v2 =	vld [tilespmem:s2+$0x10]  }
0x4b: {  	v3 =	vld [tilespmem:s2+$0x20]  }
0x4c: {  	v4 =	vld [tilespmem:s2+$0x30]  }
0x4d: {  	v5 =	vld [tilespmem:s2+$0x40]  }
0x4e: {  	v6 =	vld [tilespmem:s2+$0x50];
	v0 =	vand.u32 $0x7FFFFFFF, v0  }
0x4f: {  	v7 =	vld [tilespmem:s2+$0x60];
	v0 =	vadd.f32 $1.000000050e-03, v0  }
0x50: {  	v8 =	vld [tilespmem:s2+$0x70];
	v1 =	vand.u32 $0x7FFFFFFF, v1;
	v2 =	vand.u32 $0x7FFFFFFF, v2  }
0x51: {  	v3 =	vand.u32 $0x7FFFFFFF, v3;
	v1 =	vadd.f32 $1.000000050e-03, v1;
	(erf) = vrcp.f32 v0;
	v0 =	vld [tilespmem:s2+$0x400]  }
0x52: {  	v4 =	vand.u32 $0x7FFFFFFF, v4;
	v5 =	vand.u32 $0x7FFFFFFF, v5;
	v2 =	vadd.f32 $1.000000050e-03, v2  }
0x53: {  	v6 =	vand.u32 $0x7FFFFFFF, v6;
	v3 =	vadd.f32 $1.000000050e-03, v3;
	(erf) = vrcp.f32 v1;
	v1 =	vld [tilespmem:s2+$0x410]  }
0x54: {  	v7 =	vand.u32 $0x7FFFFFFF, v7;
	v4 =	vadd.f32 $1.000000050e-03, v4;
	(erf) = vrcp.f32 v2;
	v2 =	vld [tilespmem:s2+$0x420]  }
0x55: {  	v8 =	vand.u32 $0x7FFFFFFF, v8;
	v5 =	vadd.f32 $1.000000050e-03, v5;
	(erf) = vrcp.f32 v3;
	v3 =	vld [tilespmem:s2+$0x430]  }
0x56: {  	v6 =	vadd.f32 $1.000000050e-03, v6;
	(erf) = vrcp.f32 v4;
	v4 =	vld [tilespmem:s2+$0x440];
	v0 =	vand.u32 $0x7FFFFFFF, v0  }
0x57: {  	v7 =	vadd.f32 $1.000000050e-03, v7;
	(erf) = vrcp.f32 v5;
	v5 =	vld [tilespmem:s2+$0x450];
	v0 =	vadd.f32 $1.000000050e-03, v0  }
0x58: {  	v8 =	vadd.f32 $1.000000050e-03, v8;
	(erf) = vrcp.f32 v6;
	v6 =	vld [tilespmem:s2+$0x460];
	v1 =	vand.u32 $0x7FFFFFFF, v1  }
0x59: {  	(erf) = vrcp.f32 v7;
	v7 =	vld [tilespmem:s2+$0x470];
	v1 =	vadd.f32 $1.000000050e-03, v1  }
0x5a: {  	v2 =	vand.u32 $0x7FFFFFFF, v2;
	(erf) = vrcp.f32 v8;
	v8 =	vld [tilespmem:s2+$0x80];
	v3 =	vand.u32 $0x7FFFFFFF, v3  }
0x5b: {  	v2 =	vadd.f32 $1.000000050e-03, v2;
	(erf) = vrcp.f32 v0;
	v3 =	vadd.f32 $1.000000050e-03, v3;
	v0 =	vpop (erf)  }
0x5c: {  	v9 =	vld [tilespmem:s2+$0x90];
	v4 =	vand.u32 $0x7FFFFFFF, v4;
	(erf) = vrcp.f32 v1;
	v1 =	vand.u32 $0x7FFFFFFF, v5;
	[tilespmem:s2+$0x4F0] =	vst v0;
	v0 =	vpop (erf)  }
0x5d: {  	v1 =	vadd.f32 $1.000000050e-03, v1;
	[tilespmem:s2+$0x0] =	vst v0;
	v0 =	vadd.f32 $1.000000050e-03, v4;
	v4 =	vld [tilespmem:s2+$0xA0];
	v5 =	vpop (erf);
	(erf) = vrcp.f32 v2  }
0x5e: {  	v2 =	vand.u32 $0x7FFFFFFF, v6;
	[tilespmem:s2+$0x10] =	vst v5;
	v5 =	vld [tilespmem:s2+$0xB0];
	v6 =	vpop (erf);
	(erf) = vrcp.f32 v3;
	v3 =	vand.u32 $0x7FFFFFFF, v7  }
0x5f: {  	[tilespmem:s2+$0x20] =	vst v6;
	v6 =	vld [tilespmem:s2+$0xC0];
	v7 =	vpop (erf);
	(erf) = vrcp.f32 v0;
	v0 =	vadd.f32 $1.000000050e-03, v3;
	v3 =	vand.u32 $0x7FFFFFFF, v8  }
0x60: {  	v2 =	vadd.f32 $1.000000050e-03, v2;
	[tilespmem:s2+$0x30] =	vst v7;
	v7 =	vld [tilespmem:s2+$0xD0];
	v8 =	vpop (erf);
	(erf) = vrcp.f32 v1;
	v1 =	vadd.f32 $1.000000050e-03, v3  }
0x61: {  	v3 =	vand.u32 $0x7FFFFFFF, v9;
	[tilespmem:s2+$0x40] =	vst v8;
	v9 =	vpop (erf)  }
0x62: {  	v8 =	vld [tilespmem:s2+$0xE0];
	(erf) = vrcp.f32 v2;
	v2 =	vadd.f32 $1.000000050e-03, v3;
	[tilespmem:s2+$0x50] =	vst v9;
	v3 =	vand.u32 $0x7FFFFFFF, v4;
	v9 =	vpop (erf)  }
0x63: {  	v4 =	vld [tilespmem:s2+$0xF0];
	(erf) = vrcp.f32 v0;
	[tilespmem:s2+$0x60] =	vst v9;
	v3 =	vadd.f32 $1.000000050e-03, v3;
	v0 =	vand.u32 $0x7FFFFFFF, v5;
	v5 =	vpop (erf)  }
0x64: {  	v10 =	vld [tilespmem:s2+$0x490];
	(erf) = vrcp.f32 v1;
	[tilespmem:s2+$0x70] =	vst v5;
	v5 =	vadd.f32 $1.000000050e-03, v0;
	v1 =	vpop (erf)  }
0x65: {  	v9 =	vld [tilespmem:s2+$0x480];
	v0 =	vand.u32 $0x7FFFFFFF, v6;
	(erf) = vrcp.f32 v2;
	[tilespmem:s2+$0x400] =	vst v1;
	v1 =	vand.u32 $0x7FFFFFFF, v7  }
0x66: {  	v6 =	vadd.f32 $1.000000050e-03, v0;
	v0 =	vld [tilespmem:s2+$0x4A0];
	v2 =	vpop (erf);
	(erf) = vrcp.f32 v3;
	v7 =	vadd.f32 $1.000000050e-03, v1  }
0x67: {  	[tilespmem:s2+$0x410] =	vst v2;
	v2 =	vand.u32 $0x7FFFFFFF, v8;
	v1 =	vld [tilespmem:s2+$0x4B0];
	v3 =	vpop (erf);
	(erf) = vrcp.f32 v5  }
0x68: {  	v11 =	vadd.f32 $1.000000050e-03, v2;
	v2 =	vld [tilespmem:s2+$0x4C0];
	[tilespmem:s2+$0x420] =	vst v3;
	v3 =	vand.u32 $0x7FFFFFFF, v4;
	v4 =	vpop (erf);
	(erf) = vrcp.f32 v6  }
0x69: {  	[tilespmem:s2+$0x430] =	vst v4;
	v5 =	vadd.f32 $1.000000050e-03, v3;
	v3 =	vld [tilespmem:s2+$0x4D0];
	v4 =	vpop (erf);
	(erf) = vrcp.f32 v7  }
0x6a: {  	s3 =	simm.s32 $0x100;
	s5 =	simm.s32 $0x200;
	s0 =	simm.s32 $0x0;
	v8 =	vand.u32 $0x7FFFFFFF, v10;
	v6 =	vand.u32 $0x7FFFFFFF, v9;
	[tilespmem:s2+$0x440] =	vst v4;
	v4 =	vld [tilespmem:s2+$0x4E0];
	v7 =	vpop (erf);
	(erf) = vrcp.f32 v11  }
.LBB2_3:
0x6b: {  	s13 =	sand.u32 $0x1800, s5;
	s14 =	sand.u32 $0x300, s3;
	s0 =	sadd.s32 $0x2, s0;
	v6 =	vadd.f32 $1.000000050e-03, v6;
	v8 =	vadd.f32 $1.000000050e-03, v8;
	v0 =	vand.u32 $0x7FFFFFFF, v0;
	v9 =	vpop (erf)  }
0x6c: {  	s13 =	sor.u32 s14, s13;
	p0 =	slt.u32 s0, $0x1E;
	[tilespmem:s2+$0x450] =	vst v7;
	v0 =	vadd.f32 $1.000000050e-03, v0;
	v1 =	vand.u32 $0x7FFFFFFF, v1;
	v7 =	vpop (erf);
	(erf) = vrcp.f32 v5  }
0x6d: {  	v5 =	vld [tilespmem:s13+$0x4F0];
	[tilespmem:s2+$0x460] =	vst v9;
	v1 =	vadd.f32 $1.000000050e-03, v1;
	v2 =	vand.u32 $0x7FFFFFFF, v2;
	v9 =	vpop (erf);
	(erf) = vrcp.f32 v6  }
0x6e: {  	v6 =	vld [tilespmem:s13+$0x0];
	[tilespmem:s2+$0x470] =	vst v7;
	v2 =	vadd.f32 $1.000000050e-03, v2;
	v3 =	vand.u32 $0x7FFFFFFF, v3;
	v7 =	vpop (erf);
	(erf) = vrcp.f32 v8  }
0x6f: {  	v8 =	vld [tilespmem:s13+$0x10];
	[tilespmem:s2+$0x80] =	vst v9;
	v3 =	vadd.f32 $1.000000050e-03, v3;
	v4 =	vand.u32 $0x7FFFFFFF, v4;
	v9 =	vpop (erf);
	(erf) = vrcp.f32 v0  }
0x70: {  	v0 =	vld [tilespmem:s13+$0x20];
	[tilespmem:s2+$0x90] =	vst v7;
	v4 =	vadd.f32 $1.000000050e-03, v4;
	v7 =	vpop (erf);
	(erf) = vrcp.f32 v1  }
0x71: {  	v1 =	vld [tilespmem:s13+$0x30];
	[tilespmem:s2+$0xA0] =	vst v9;
	v9 =	vpop (erf);
	(erf) = vrcp.f32 v2  }
0x72: {  	v2 =	vld [tilespmem:s13+$0x40];
	v5 =	vand.u32 $0x7FFFFFFF, v5;
	[tilespmem:s2+$0xB0] =	vst v7;
	v7 =	vpop (erf);
	(erf) = vrcp.f32 v3  }
0x73: {  	v3 =	vand.u32 $0x7FFFFFFF, v6;
	v6 =	vld [tilespmem:s13+$0x50];
	v10 =	vadd.f32 $1.000000050e-03, v5;
	[tilespmem:s2+$0xC0] =	vst v9;
	v9 =	vpop (erf);
	(erf) = vrcp.f32 v4  }
0x74: {  	v11 =	vadd.f32 $1.000000050e-03, v3;
	v4 =	vand.u32 $0x7FFFFFFF, v8;
	v8 =	vld [tilespmem:s13+$0x60];
	[tilespmem:s2+$0xD0] =	vst v7  }
0x75: {  	v4 =	vadd.f32 $1.000000050e-03, v4;
	v0 =	vand.u32 $0x7FFFFFFF, v0;
	v7 =	vld [tilespmem:s13+$0x70];
	(erf) = vrcp.f32 v10;
	[tilespmem:s2+$0xE0] =	vst v9;
	v5 =	vpop (erf)  }
0x76: {  	v10 =	vadd.f32 $1.000000050e-03, v0;
	v1 =	vand.u32 $0x7FFFFFFF, v1;
	v9 =	vld [tilespmem:s13+$0x400];
	(erf) = vrcp.f32 v11;
	[tilespmem:s2+$0xF0] =	vst v5;
	v3 =	vpop (erf)  }
0x77: {  	v1 =	vadd.f32 $1.000000050e-03, v1;
	v2 =	vand.u32 $0x7FFFFFFF, v2;
	v5 =	vld [tilespmem:s13+$0x410];
	(erf) = vrcp.f32 v4;
	[tilespmem:s2+$0x480] =	vst v3;
	v3 =	vpop (erf)  }
0x78: {  	v2 =	vadd.f32 $1.000000050e-03, v2;
	v4 =	vand.u32 $0x7FFFFFFF, v6;
	v6 =	vld [tilespmem:s13+$0x420];
	(erf) = vrcp.f32 v10;
	[tilespmem:s2+$0x490] =	vst v3;
	v0 =	vpop (erf)  }
0x79: {  	v3 =	vadd.f32 $1.000000050e-03, v4;
	v4 =	vand.u32 $0x7FFFFFFF, v8;
	v8 =	vld [tilespmem:s13+$0x430];
	(erf) = vrcp.f32 v1;
	[tilespmem:s2+$0x4A0] =	vst v0;
	v0 =	vpop (erf)  }
0x7a: {  	v1 =	vadd.f32 $1.000000050e-03, v4;
	v4 =	vand.u32 $0x7FFFFFFF, v7;
	v7 =	vld [tilespmem:s13+$0x440];
	(erf) = vrcp.f32 v2;
	[tilespmem:s2+$0x4B0] =	vst v0;
	v0 =	vpop (erf)  }
0x7b: {  	v2 =	vadd.f32 $1.000000050e-03, v4;
	v4 =	vand.u32 $0x7FFFFFFF, v9;
	v9 =	vld [tilespmem:s13+$0x450];
	(erf) = vrcp.f32 v3;
	[tilespmem:s2+$0x4C0] =	vst v0;
	v0 =	vpop (erf)  }
0x7c: {  	v10 =	vadd.f32 $1.000000050e-03, v4;
	v4 =	vand.u32 $0x7FFFFFFF, v5;
	v5 =	vld [tilespmem:s13+$0x460];
	(erf) = vrcp.f32 v1;
	[tilespmem:s2+$0x4D0] =	vst v0;
	v0 =	vpop (erf)  }
0x7d: {  	v1 =	vadd.f32 $1.000000050e-03, v4;
	v4 =	vand.u32 $0x7FFFFFFF, v6;
	v6 =	vld [tilespmem:s13+$0x470];
	(erf) = vrcp.f32 v2;
	[tilespmem:s2+$0x4E0] =	vst v0;
	s2 =	smov.u32 s13  }
0x7e: {  	v0 =	vadd.f32 $1.000000050e-03, v4;
	v2 =	vand.u32 $0x7FFFFFFF, v8;
	v4 =	vld [tilespmem:s2+$0x80];
	(erf) = vrcp.f32 v10;
	v3 =	vpop (erf)  }
0x7f: {  	v2 =	vadd.f32 $1.000000050e-03, v2;
	v7 =	vand.u32 $0x7FFFFFFF, v7;
	v8 =	vld [tilespmem:s2+$0x90];
	[tilespmem:s2+$0x4F0] =	vst v3;
	v3 =	vpop (erf);
	(erf) = vrcp.f32 v1  }
0x80: {  	[tilespmem:s2+$0x0] =	vst v3;
	v1 =	vadd.f32 $1.000000050e-03, v7;
	v3 =	vand.u32 $0x7FFFFFFF, v9;
	v7 =	vld [tilespmem:s2+$0xA0];
	v9 =	vpop (erf);
	(erf) = vrcp.f32 v0  }
0x81: {  	[tilespmem:s2+$0x10] =	vst v9;
	v0 =	vadd.f32 $1.000000050e-03, v3;
	v3 =	vand.u32 $0x7FFFFFFF, v5;
	v5 =	vld [tilespmem:s2+$0xB0];
	v9 =	vpop (erf);
	(erf) = vrcp.f32 v2  }
0x82: {  	[tilespmem:s2+$0x20] =	vst v9;
	v2 =	vadd.f32 $1.000000050e-03, v3;
	v3 =	vand.u32 $0x7FFFFFFF, v6;
	v6 =	vld [tilespmem:s2+$0xC0];
	v9 =	vpop (erf);
	(erf) = vrcp.f32 v1  }
0x83: {  	[tilespmem:s2+$0x30] =	vst v9;
	v1 =	vadd.f32 $1.000000050e-03, v3;
	v3 =	vand.u32 $0x7FFFFFFF, v4;
	v4 =	vld [tilespmem:s2+$0xD0];
	v9 =	vpop (erf);
	(erf) = vrcp.f32 v0  }
0x84: {  	[tilespmem:s2+$0x40] =	vst v9;
	v0 =	vadd.f32 $1.000000050e-03, v3;
	v3 =	vand.u32 $0x7FFFFFFF, v8;
	v8 =	vld [tilespmem:s2+$0xE0];
	v9 =	vpop (erf);
	(erf) = vrcp.f32 v2  }
0x85: {  	[tilespmem:s2+$0x50] =	vst v9;
	v2 =	vadd.f32 $1.000000050e-03, v3;
	v3 =	vand.u32 $0x7FFFFFFF, v7;
	v7 =	vld [tilespmem:s2+$0xF0];
	v9 =	vpop (erf);
	(erf) = vrcp.f32 v1  }
0x86: {  	[tilespmem:s2+$0x60] =	vst v9;
	v1 =	vadd.f32 $1.000000050e-03, v3;
	v3 =	vand.u32 $0x7FFFFFFF, v5;
	v9 =	vld [tilespmem:s2+$0x480];
	v5 =	vpop (erf);
	(erf) = vrcp.f32 v0  }
0x87: {  	[tilespmem:s2+$0x70] =	vst v5;
	v3 =	vadd.f32 $1.000000050e-03, v3;
	v0 =	vand.u32 $0x7FFFFFFF, v6;
	v10 =	vld [tilespmem:s2+$0x490];
	v5 =	vpop (erf);
	(erf) = vrcp.f32 v2  }
0x88: {  	[tilespmem:s2+$0x400] =	vst v5;
	v5 =	vadd.f32 $1.000000050e-03, v0  }
.Ltmp2:
0x89: {  	v2 =	vand.u32 $0x7FFFFFFF, v4;
	v0 =	vld [tilespmem:s2+$0x4A0];
	v4 =	vpop (erf);
	(erf) = vrcp.f32 v1;
	(pc) =	sbr.rel @p0 .LBB2_3-.Ltmp2, $4  }
0x8a: {  	[tilespmem:s2+$0x410] =	vst v4;
	v4 =	vadd.f32 $1.000000050e-03, v2;
	v2 =	vand.u32 $0x7FFFFFFF, v8;
	v1 =	vld [tilespmem:s2+$0x4B0];
	v6 =	vpop (erf);
	(erf) = vrcp.f32 v3  }
0x8b: {  	[tilespmem:s2+$0x420] =	vst v6;
	v11 =	vadd.f32 $1.000000050e-03, v2;
	v3 =	vand.u32 $0x7FFFFFFF, v7;
	v2 =	vld [tilespmem:s2+$0x4C0];
	v6 =	vpop (erf);
	(erf) = vrcp.f32 v5  }
0x8c: {  	[tilespmem:s2+$0x430] =	vst v6;
	v5 =	vadd.f32 $1.000000050e-03, v3;
	v6 =	vand.u32 $0x7FFFFFFF, v9;
	v3 =	vld [tilespmem:s2+$0x4D0];
	v7 =	vpop (erf);
	(erf) = vrcp.f32 v4  }
0x8d: {  	s3 =	sadd.s32 $0x100, s3;
	s5 =	sadd.s32 $0x200, s5;
	[tilespmem:s2+$0x440] =	vst v7;
	v8 =	vand.u32 $0x7FFFFFFF, v10;
	v4 =	vld [tilespmem:s2+$0x4E0];
	v7 =	vpop (erf);
	(erf) = vrcp.f32 v11  }
0x8e: {  	v6 =	vadd.f32 $1.000000050e-03, v6  }
0x8f: {  	v8 =	vadd.f32 $1.000000050e-03, v8;
	v0 =	vand.u32 $0x7FFFFFFF, v0  }
0x90: {  	v9 =	vpop (erf);
	(erf) = vrcp.f32 v5;
	v0 =	vadd.f32 $1.000000050e-03, v0;
	v1 =	vand.u32 $0x7FFFFFFF, v1  }
0x91: {  	[tilespmem:s2+$0x450] =	vst v7;
	v5 =	vpop (erf);
	(erf) = vrcp.f32 v6;
	v1 =	vadd.f32 $1.000000050e-03, v1;
	v2 =	vand.u32 $0x7FFFFFFF, v2  }
0x92: {  	[tilespmem:s2+$0x460] =	vst v9;
	v2 =	vadd.f32 $1.000000050e-03, v2;
	v3 =	vand.u32 $0x7FFFFFFF, v3;
	v6 =	vpop (erf);
	(erf) = vrcp.f32 v8  }
0x93: {  	[tilespmem:s2+$0x470] =	vst v5;
	v5 =	vpop (erf);
	(erf) = vrcp.f32 v0;
	v0 =	vadd.f32 $1.000000050e-03, v3;
	v3 =	vand.u32 $0x7FFFFFFF, v4  }
0x94: {  	[tilespmem:s2+$0x80] =	vst v6  }
0x95: {  	v4 =	vpop (erf);
	[tilespmem:s2+$0x90] =	vst v5;
	(erf) = vrcp.f32 v1;
	v1 =	vadd.f32 $1.000000050e-03, v3  }
0x96: {  	[tilespmem:s2+$0xA0] =	vst v4;
	v3 =	vpop (erf);
	(erf) = vrcp.f32 v2  }
0x97: {  	v2 =	vpop (erf);
	[tilespmem:s2+$0xB0] =	vst v3;
	(erf) = vrcp.f32 v0  }
0x98: {  	v0 =	vpop (erf);
	[tilespmem:s2+$0xC0] =	vst v2;
	(erf) = vrcp.f32 v1  }
0x99: {  	v1 =	vpop (erf);
	[tilespmem:s2+$0xD0] =	vst v0  }
0x9a: {  	[tilespmem:s2+$0xE0] =	vst v1;
	v0 =	vpop (erf)  }
0x9b: {  	[tilespmem:s2+$0xF0] =	vst v0;
	v0 =	vpop (erf)  }
0x9c: {  	[tilespmem:s2+$0x480] =	vst v0;
	v0 =	vpop (erf)  }
0x9d: {  	[tilespmem:s2+$0x490] =	vst v0;
	v0 =	vpop (erf)  }
0x9e: {  	[tilespmem:s2+$0x4A0] =	vst v0;
	v0 =	vpop (erf)  }
0x9f: {  	[tilespmem:s2+$0x4B0] =	vst v0;
	v0 =	vpop (erf)  }
0xa0: {  	s0 =	sshll.u32 s31, $0xD;
	[tilespmem:s2+$0x4C0] =	vst v0;
	v0 =	vpop (erf)  }
0xa1: {  	p0 =	seq.s32 s31, $0x0;
	s28 =	sor.u32 s18, s0;
	[tilespmem:s2+$0x4D0] =	vst v0;
	v0 =	vpop (erf)  }
0xa2: {  	s3 =	simm.s32 @!p0 $0x10;
	s14 =	sadd.s32 s15, s28;
	[tilespmem:s2+$0x4E0] =	vst v0  }
0xa3: {  	[hbm4b:s14+s4] =	stream.linear.scatter [tilespmem:s4], [sflag:$0x9], $0x2000, $0x38;
	[tilespmem:$0x10000] =	vst v63  }
0xa4: {  	_ =	swait.ge @!p0 [sflag:s3], $0x2000  }
0xa5: {  	[sflag:s3] =	ssyncset.done @!p0 $0x0  }
0xa6: {  	s17 =	smov.u32 s15;
	s15 =	rddreg [dreg:$0xa];
	[sflag:s3] =	ssyncadd.s32 @!p0 $0xFFFFE000  }
0xa7: {  	s2 =	sadd.s32 s15, s0;
	s3 =	rddreg [dreg:$0x0]  }
0xa8: {  	s5 =	simm.s32 $0x0;
	s3 =	sadd.s32 s3, s2  }
0xa9: {  	[tilespmem:s9], [sflag:$0x8] =	stream.linear.gather [hbm4b:s3+s5], $0x2000, $0x38;
	[tilespmem:$0x10000] =	vst v63  }
0xaa: {  	_ =	swait.ge [sflag:s10], $0x2000  }
0xab: {  	s16 =	sand.u32 $0x1800, s5;
	s5 =	sand.u32 $0x300, s5;
	[sflag:s10] =	ssyncset.done $0x0  }
0xac: {  	s3 =	sor.u32 s5, s16;
	[sflag:s10] =	ssyncadd.s32 $0xFFFFE000  }
0xad: {  	v0 =	vld [tilespmem:s3+$0x24F0]  }
0xae: {  	v1 =	vld [tilespmem:s3+$0x2000]  }
0xaf: {  	v2 =	vld [tilespmem:s3+$0x2010]  }
0xb0: {  	v3 =	vld [tilespmem:s3+$0x2020]  }
0xb1: {  	v4 =	vld [tilespmem:s3+$0x2030]  }
0xb2: {  	v5 =	vld [tilespmem:s3+$0x2040]  }
0xb3: {  	v6 =	vld [tilespmem:s3+$0x2050];
	v0 =	vand.u32 $0x7FFFFFFF, v0  }
0xb4: {  	v7 =	vld [tilespmem:s3+$0x2060];
	v0 =	vadd.f32 $1.000000050e-03, v0  }
0xb5: {  	v8 =	vld [tilespmem:s3+$0x2070];
	v1 =	vand.u32 $0x7FFFFFFF, v1;
	v2 =	vand.u32 $0x7FFFFFFF, v2  }
0xb6: {  	v3 =	vand.u32 $0x7FFFFFFF, v3;
	v1 =	vadd.f32 $1.000000050e-03, v1;
	(erf) = vrcp.f32 v0;
	v0 =	vld [tilespmem:s3+$0x2400]  }
0xb7: {  	v4 =	vand.u32 $0x7FFFFFFF, v4;
	v5 =	vand.u32 $0x7FFFFFFF, v5;
	v2 =	vadd.f32 $1.000000050e-03, v2  }
0xb8: {  	v6 =	vand.u32 $0x7FFFFFFF, v6;
	v3 =	vadd.f32 $1.000000050e-03, v3;
	(erf) = vrcp.f32 v1;
	v1 =	vld [tilespmem:s3+$0x2410]  }
0xb9: {  	v7 =	vand.u32 $0x7FFFFFFF, v7;
	v4 =	vadd.f32 $1.000000050e-03, v4;
	(erf) = vrcp.f32 v2;
	v2 =	vld [tilespmem:s3+$0x2420]  }
0xba: {  	v8 =	vand.u32 $0x7FFFFFFF, v8;
	v5 =	vadd.f32 $1.000000050e-03, v5;
	(erf) = vrcp.f32 v3;
	v3 =	vld [tilespmem:s3+$0x2430]  }
0xbb: {  	v6 =	vadd.f32 $1.000000050e-03, v6;
	(erf) = vrcp.f32 v4;
	v4 =	vld [tilespmem:s3+$0x2440];
	v0 =	vand.u32 $0x7FFFFFFF, v0  }
0xbc: {  	v7 =	vadd.f32 $1.000000050e-03, v7;
	(erf) = vrcp.f32 v5;
	v5 =	vld [tilespmem:s3+$0x2450];
	v0 =	vadd.f32 $1.000000050e-03, v0  }
0xbd: {  	v8 =	vadd.f32 $1.000000050e-03, v8;
	(erf) = vrcp.f32 v6;
	v6 =	vld [tilespmem:s3+$0x2460];
	v1 =	vand.u32 $0x7FFFFFFF, v1  }
0xbe: {  	(erf) = vrcp.f32 v7;
	v7 =	vld [tilespmem:s3+$0x2470];
	v1 =	vadd.f32 $1.000000050e-03, v1  }
0xbf: {  	v2 =	vand.u32 $0x7FFFFFFF, v2;
	(erf) = vrcp.f32 v8;
	v8 =	vld [tilespmem:s3+$0x2080];
	v3 =	vand.u32 $0x7FFFFFFF, v3  }
0xc0: {  	v2 =	vadd.f32 $1.000000050e-03, v2;
	(erf) = vrcp.f32 v0;
	v3 =	vadd.f32 $1.000000050e-03, v3;
	v0 =	vpop (erf)  }
0xc1: {  	v9 =	vld [tilespmem:s3+$0x2090];
	v4 =	vand.u32 $0x7FFFFFFF, v4;
	[tilespmem:s3+$0x24F0] =	vst v0;
	v0 =	vpop (erf);
	(erf) = vrcp.f32 v1;
	v1 =	vand.u32 $0x7FFFFFFF, v5  }
0xc2: {  	[tilespmem:s3+$0x2000] =	vst v0;
	v0 =	vadd.f32 $1.000000050e-03, v4;
	v4 =	vld [tilespmem:s3+$0x20A0];
	v5 =	vpop (erf);
	(erf) = vrcp.f32 v2;
	v1 =	vadd.f32 $1.000000050e-03, v1  }
0xc3: {  	v2 =	vand.u32 $0x7FFFFFFF, v6;
	[tilespmem:s3+$0x2010] =	vst v5;
	v5 =	vld [tilespmem:s3+$0x20B0];
	v6 =	vpop (erf);
	(erf) = vrcp.f32 v3;
	v3 =	vand.u32 $0x7FFFFFFF, v7  }
0xc4: {  	[tilespmem:s3+$0x2020] =	vst v6;
	v6 =	vld [tilespmem:s3+$0x20C0];
	v7 =	vpop (erf);
	(erf) = vrcp.f32 v0;
	v0 =	vadd.f32 $1.000000050e-03, v3;
	v3 =	vand.u32 $0x7FFFFFFF, v8  }
0xc5: {  	v2 =	vadd.f32 $1.000000050e-03, v2;
	[tilespmem:s3+$0x2030] =	vst v7;
	v7 =	vld [tilespmem:s3+$0x20D0];
	v8 =	vpop (erf);
	(erf) = vrcp.f32 v1;
	v1 =	vadd.f32 $1.000000050e-03, v3  }
0xc6: {  	v3 =	vand.u32 $0x7FFFFFFF, v9;
	[tilespmem:s3+$0x2040] =	vst v8;
	v9 =	vpop (erf)  }
0xc7: {  	v8 =	vld [tilespmem:s3+$0x20E0];
	(erf) = vrcp.f32 v2;
	v2 =	vadd.f32 $1.000000050e-03, v3;
	[tilespmem:s3+$0x2050] =	vst v9;
	v3 =	vand.u32 $0x7FFFFFFF, v4;
	v9 =	vpop (erf)  }
0xc8: {  	v4 =	vld [tilespmem:s3+$0x20F0];
	(erf) = vrcp.f32 v0;
	[tilespmem:s3+$0x2060] =	vst v9;
	v3 =	vadd.f32 $1.000000050e-03, v3;
	v0 =	vand.u32 $0x7FFFFFFF, v5;
	v5 =	vpop (erf)  }
0xc9: {  	v10 =	vld [tilespmem:s3+$0x2490];
	(erf) = vrcp.f32 v1;
	[tilespmem:s3+$0x2070] =	vst v5;
	v5 =	vadd.f32 $1.000000050e-03, v0;
	v1 =	vpop (erf)  }
0xca: {  	v9 =	vld [tilespmem:s3+$0x2480];
	v0 =	vand.u32 $0x7FFFFFFF, v6;
	(erf) = vrcp.f32 v2;
	[tilespmem:s3+$0x2400] =	vst v1;
	v1 =	vand.u32 $0x7FFFFFFF, v7  }
0xcb: {  	v6 =	vadd.f32 $1.000000050e-03, v0;
	v0 =	vld [tilespmem:s3+$0x24A0];
	v2 =	vpop (erf);
	(erf) = vrcp.f32 v3;
	v7 =	vadd.f32 $1.000000050e-03, v1  }
0xcc: {  	[tilespmem:s3+$0x2410] =	vst v2;
	v2 =	vand.u32 $0x7FFFFFFF, v8;
	v1 =	vld [tilespmem:s3+$0x24B0];
	v3 =	vpop (erf);
	(erf) = vrcp.f32 v5  }
0xcd: {  	v11 =	vadd.f32 $1.000000050e-03, v2;
	v2 =	vld [tilespmem:s3+$0x24C0];
	[tilespmem:s3+$0x2420] =	vst v3;
	v3 =	vand.u32 $0x7FFFFFFF, v4;
	v4 =	vpop (erf);
	(erf) = vrcp.f32 v6  }
0xce: {  	[tilespmem:s3+$0x2430] =	vst v4;
	v5 =	vadd.f32 $1.000000050e-03, v3;
	v3 =	vld [tilespmem:s3+$0x24D0];
	v4 =	vpop (erf);
	(erf) = vrcp.f32 v7  }
0xcf: {  	s13 =	simm.s32 $0x100;
	s14 =	simm.s32 $0x200;
	s5 =	simm.s32 $0x0;
	v8 =	vand.u32 $0x7FFFFFFF, v10;
	v6 =	vand.u32 $0x7FFFFFFF, v9;
	[tilespmem:s3+$0x2440] =	vst v4;
	v4 =	vld [tilespmem:s3+$0x24E0];
	v7 =	vpop (erf);
	(erf) = vrcp.f32 v11  }
.LBB2_5:
0xd0: {  	s15 =	sand.u32 $0x1800, s14;
	s16 =	sand.u32 $0x300, s13;
	s5 =	sadd.s32 $0x2, s5;
	v6 =	vadd.f32 $1.000000050e-03, v6;
	v8 =	vadd.f32 $1.000000050e-03, v8;
	v0 =	vand.u32 $0x7FFFFFFF, v0;
	v9 =	vpop (erf)  }
0xd1: {  	s15 =	sor.u32 s16, s15;
	p0 =	slt.u32 s5, $0x1E;
	[tilespmem:s3+$0x2450] =	vst v7;
	v0 =	vadd.f32 $1.000000050e-03, v0;
	v1 =	vand.u32 $0x7FFFFFFF, v1;
	v7 =	vpop (erf);
	(erf) = vrcp.f32 v5  }
0xd2: {  	v5 =	vld [tilespmem:s15+$0x24F0];
	[tilespmem:s3+$0x2460] =	vst v9;
	v1 =	vadd.f32 $1.000000050e-03, v1;
	v2 =	vand.u32 $0x7FFFFFFF, v2;
	v9 =	vpop (erf);
	(erf) = vrcp.f32 v6  }
0xd3: {  	v6 =	vld [tilespmem:s15+$0x2000];
	[tilespmem:s3+$0x2470] =	vst v7;
	v2 =	vadd.f32 $1.000000050e-03, v2;
	v3 =	vand.u32 $0x7FFFFFFF, v3;
	v7 =	vpop (erf);
	(erf) = vrcp.f32 v8  }
0xd4: {  	v8 =	vld [tilespmem:s15+$0x2010];
	[tilespmem:s3+$0x2080] =	vst v9;
	v3 =	vadd.f32 $1.000000050e-03, v3;
	v4 =	vand.u32 $0x7FFFFFFF, v4;
	v9 =	vpop (erf);
	(erf) = vrcp.f32 v0  }
0xd5: {  	v0 =	vld [tilespmem:s15+$0x2020];
	[tilespmem:s3+$0x2090] =	vst v7;
	v4 =	vadd.f32 $1.000000050e-03, v4;
	v7 =	vpop (erf);
	(erf) = vrcp.f32 v1  }
0xd6: {  	v1 =	vld [tilespmem:s15+$0x2030];
	[tilespmem:s3+$0x20A0] =	vst v9;
	v9 =	vpop (erf);
	(erf) = vrcp.f32 v2  }
0xd7: {  	v2 =	vld [tilespmem:s15+$0x2040];
	v5 =	vand.u32 $0x7FFFFFFF, v5;
	[tilespmem:s3+$0x20B0] =	vst v7;
	v7 =	vpop (erf);
	(erf) = vrcp.f32 v3  }
0xd8: {  	v3 =	vand.u32 $0x7FFFFFFF, v6;
	v6 =	vld [tilespmem:s15+$0x2050];
	v10 =	vadd.f32 $1.000000050e-03, v5;
	[tilespmem:s3+$0x20C0] =	vst v9;
	v9 =	vpop (erf);
	(erf) = vrcp.f32 v4  }
0xd9: {  	v11 =	vadd.f32 $1.000000050e-03, v3;
	v4 =	vand.u32 $0x7FFFFFFF, v8;
	v8 =	vld [tilespmem:s15+$0x2060];
	[tilespmem:s3+$0x20D0] =	vst v7  }
0xda: {  	v4 =	vadd.f32 $1.000000050e-03, v4;
	v0 =	vand.u32 $0x7FFFFFFF, v0;
	v7 =	vld [tilespmem:s15+$0x2070];
	(erf) = vrcp.f32 v10;
	[tilespmem:s3+$0x20E0] =	vst v9;
	v5 =	vpop (erf)  }
0xdb: {  	v10 =	vadd.f32 $1.000000050e-03, v0;
	v1 =	vand.u32 $0x7FFFFFFF, v1;
	v9 =	vld [tilespmem:s15+$0x2400];
	(erf) = vrcp.f32 v11;
	[tilespmem:s3+$0x20F0] =	vst v5;
	v3 =	vpop (erf)  }
0xdc: {  	v1 =	vadd.f32 $1.000000050e-03, v1;
	v2 =	vand.u32 $0x7FFFFFFF, v2;
	v5 =	vld [tilespmem:s15+$0x2410];
	(erf) = vrcp.f32 v4;
	[tilespmem:s3+$0x2480] =	vst v3;
	v3 =	vpop (erf)  }
0xdd: {  	v2 =	vadd.f32 $1.000000050e-03, v2;
	v4 =	vand.u32 $0x7FFFFFFF, v6;
	v6 =	vld [tilespmem:s15+$0x2420];
	(erf) = vrcp.f32 v10;
	[tilespmem:s3+$0x2490] =	vst v3;
	v0 =	vpop (erf)  }
0xde: {  	v3 =	vadd.f32 $1.000000050e-03, v4;
	v4 =	vand.u32 $0x7FFFFFFF, v8;
	v8 =	vld [tilespmem:s15+$0x2430];
	(erf) = vrcp.f32 v1;
	[tilespmem:s3+$0x24A0] =	vst v0;
	v0 =	vpop (erf)  }
0xdf: {  	v1 =	vadd.f32 $1.000000050e-03, v4;
	v4 =	vand.u32 $0x7FFFFFFF, v7;
	v7 =	vld [tilespmem:s15+$0x2440];
	(erf) = vrcp.f32 v2;
	[tilespmem:s3+$0x24B0] =	vst v0;
	v0 =	vpop (erf)  }
0xe0: {  	v2 =	vadd.f32 $1.000000050e-03, v4;
	v4 =	vand.u32 $0x7FFFFFFF, v9;
	v9 =	vld [tilespmem:s15+$0x2450];
	(erf) = vrcp.f32 v3;
	[tilespmem:s3+$0x24C0] =	vst v0;
	v0 =	vpop (erf)  }
0xe1: {  	v10 =	vadd.f32 $1.000000050e-03, v4;
	v4 =	vand.u32 $0x7FFFFFFF, v5;
	v5 =	vld [tilespmem:s15+$0x2460];
	(erf) = vrcp.f32 v1;
	[tilespmem:s3+$0x24D0] =	vst v0;
	v0 =	vpop (erf)  }
0xe2: {  	v1 =	vadd.f32 $1.000000050e-03, v4;
	v4 =	vand.u32 $0x7FFFFFFF, v6;
	v6 =	vld [tilespmem:s15+$0x2470];
	(erf) = vrcp.f32 v2;
	[tilespmem:s3+$0x24E0] =	vst v0;
	s3 =	smov.u32 s15  }
0xe3: {  	v0 =	vadd.f32 $1.000000050e-03, v4;
	v2 =	vand.u32 $0x7FFFFFFF, v8;
	v4 =	vld [tilespmem:s3+$0x2080];
	(erf) = vrcp.f32 v10;
	v3 =	vpop (erf)  }
0xe4: {  	v2 =	vadd.f32 $1.000000050e-03, v2;
	v7 =	vand.u32 $0x7FFFFFFF, v7;
	v8 =	vld [tilespmem:s3+$0x2090];
	[tilespmem:s3+$0x24F0] =	vst v3;
	v3 =	vpop (erf);
	(erf) = vrcp.f32 v1  }
0xe5: {  	[tilespmem:s3+$0x2000] =	vst v3;
	v1 =	vadd.f32 $1.000000050e-03, v7;
	v3 =	vand.u32 $0x7FFFFFFF, v9;
	v7 =	vld [tilespmem:s3+$0x20A0];
	v9 =	vpop (erf);
	(erf) = vrcp.f32 v0  }
0xe6: {  	[tilespmem:s3+$0x2010] =	vst v9;
	v0 =	vadd.f32 $1.000000050e-03, v3;
	v3 =	vand.u32 $0x7FFFFFFF, v5;
	v5 =	vld [tilespmem:s3+$0x20B0];
	v9 =	vpop (erf);
	(erf) = vrcp.f32 v2  }
0xe7: {  	[tilespmem:s3+$0x2020] =	vst v9;
	v2 =	vadd.f32 $1.000000050e-03, v3;
	v3 =	vand.u32 $0x7FFFFFFF, v6;
	v6 =	vld [tilespmem:s3+$0x20C0];
	v9 =	vpop (erf);
	(erf) = vrcp.f32 v1  }
0xe8: {  	[tilespmem:s3+$0x2030] =	vst v9;
	v1 =	vadd.f32 $1.000000050e-03, v3;
	v3 =	vand.u32 $0x7FFFFFFF, v4;
	v4 =	vld [tilespmem:s3+$0x20D0];
	v9 =	vpop (erf);
	(erf) = vrcp.f32 v0  }
0xe9: {  	[tilespmem:s3+$0x2040] =	vst v9;
	v0 =	vadd.f32 $1.000000050e-03, v3;
	v3 =	vand.u32 $0x7FFFFFFF, v8;
	v8 =	vld [tilespmem:s3+$0x20E0];
	v9 =	vpop (erf);
	(erf) = vrcp.f32 v2  }
0xea: {  	[tilespmem:s3+$0x2050] =	vst v9;
	v2 =	vadd.f32 $1.000000050e-03, v3;
	v3 =	vand.u32 $0x7FFFFFFF, v7;
	v7 =	vld [tilespmem:s3+$0x20F0];
	v9 =	vpop (erf);
	(erf) = vrcp.f32 v1  }
0xeb: {  	[tilespmem:s3+$0x2060] =	vst v9;
	v1 =	vadd.f32 $1.000000050e-03, v3;
	v3 =	vand.u32 $0x7FFFFFFF, v5;
	v9 =	vld [tilespmem:s3+$0x2480];
	v5 =	vpop (erf);
	(erf) = vrcp.f32 v0  }
0xec: {  	[tilespmem:s3+$0x2070] =	vst v5;
	v3 =	vadd.f32 $1.000000050e-03, v3;
	v0 =	vand.u32 $0x7FFFFFFF, v6;
	v10 =	vld [tilespmem:s3+$0x2490];
	v5 =	vpop (erf);
	(erf) = vrcp.f32 v2  }
0xed: {  	[tilespmem:s3+$0x2400] =	vst v5;
	v5 =	vadd.f32 $1.000000050e-03, v0  }
.Ltmp3:
0xee: {  	v2 =	vand.u32 $0x7FFFFFFF, v4;
	v0 =	vld [tilespmem:s3+$0x24A0];
	v4 =	vpop (erf);
	(erf) = vrcp.f32 v1;
	(pc) =	sbr.rel @p0 .LBB2_5-.Ltmp3, $4  }
0xef: {  	[tilespmem:s3+$0x2410] =	vst v4;
	v4 =	vadd.f32 $1.000000050e-03, v2;
	v2 =	vand.u32 $0x7FFFFFFF, v8;
	v1 =	vld [tilespmem:s3+$0x24B0];
	v6 =	vpop (erf);
	(erf) = vrcp.f32 v3  }
0xf0: {  	[tilespmem:s3+$0x2420] =	vst v6;
	v11 =	vadd.f32 $1.000000050e-03, v2;
	v3 =	vand.u32 $0x7FFFFFFF, v7;
	v2 =	vld [tilespmem:s3+$0x24C0];
	v6 =	vpop (erf);
	(erf) = vrcp.f32 v5  }
0xf1: {  	[tilespmem:s3+$0x2430] =	vst v6;
	v5 =	vadd.f32 $1.000000050e-03, v3;
	v6 =	vand.u32 $0x7FFFFFFF, v9;
	v3 =	vld [tilespmem:s3+$0x24D0];
	v7 =	vpop (erf);
	(erf) = vrcp.f32 v4  }
0xf2: {  	s13 =	sadd.s32 $0x100, s13;
	s14 =	sadd.s32 $0x200, s14;
	[tilespmem:s3+$0x2440] =	vst v7;
	v8 =	vand.u32 $0x7FFFFFFF, v10;
	v4 =	vld [tilespmem:s3+$0x24E0];
	v7 =	vpop (erf);
	(erf) = vrcp.f32 v11  }
0xf3: {  	v6 =	vadd.f32 $1.000000050e-03, v6  }
0xf4: {  	v8 =	vadd.f32 $1.000000050e-03, v8;
	v0 =	vand.u32 $0x7FFFFFFF, v0  }
0xf5: {  	v9 =	vpop (erf);
	(erf) = vrcp.f32 v5;
	v0 =	vadd.f32 $1.000000050e-03, v0;
	v1 =	vand.u32 $0x7FFFFFFF, v1  }
0xf6: {  	[tilespmem:s3+$0x2450] =	vst v7;
	v5 =	vpop (erf);
	(erf) = vrcp.f32 v6;
	v1 =	vadd.f32 $1.000000050e-03, v1;
	v2 =	vand.u32 $0x7FFFFFFF, v2  }
0xf7: {  	[tilespmem:s3+$0x2460] =	vst v9;
	v2 =	vadd.f32 $1.000000050e-03, v2;
	v3 =	vand.u32 $0x7FFFFFFF, v3;
	v6 =	vpop (erf);
	(erf) = vrcp.f32 v8  }
0xf8: {  	[tilespmem:s3+$0x2470] =	vst v5;
	v5 =	vpop (erf);
	(erf) = vrcp.f32 v0;
	v0 =	vadd.f32 $1.000000050e-03, v3;
	v3 =	vand.u32 $0x7FFFFFFF, v4  }
0xf9: {  	[tilespmem:s3+$0x2080] =	vst v6  }
0xfa: {  	v4 =	vpop (erf);
	[tilespmem:s3+$0x2090] =	vst v5;
	(erf) = vrcp.f32 v1;
	v1 =	vadd.f32 $1.000000050e-03, v3  }
0xfb: {  	[tilespmem:s3+$0x20A0] =	vst v4;
	v3 =	vpop (erf);
	(erf) = vrcp.f32 v2  }
0xfc: {  	v2 =	vpop (erf);
	[tilespmem:s3+$0x20B0] =	vst v3;
	(erf) = vrcp.f32 v0  }
0xfd: {  	v0 =	vpop (erf);
	[tilespmem:s3+$0x20C0] =	vst v2;
	(erf) = vrcp.f32 v1  }
0xfe: {  	v1 =	vpop (erf);
	[tilespmem:s3+$0x20D0] =	vst v0  }
0xff: {  	[tilespmem:s3+$0x20E0] =	vst v1;
	v0 =	vpop (erf)  }
0x100: {  	[tilespmem:s3+$0x20F0] =	vst v0;
	v0 =	vpop (erf)  }
0x101: {  	[tilespmem:s3+$0x2480] =	vst v0;
	v0 =	vpop (erf)  }
0x102: {  	[tilespmem:s3+$0x2490] =	vst v0;
	v0 =	vpop (erf)  }
0x103: {  	[tilespmem:s3+$0x24A0] =	vst v0;
	v0 =	vpop (erf)  }
0x104: {  	[tilespmem:s3+$0x24B0] =	vst v0;
	v0 =	vpop (erf)  }
0x105: {  	[tilespmem:s3+$0x24C0] =	vst v0;
	v0 =	vpop (erf)  }
0x106: {  	[tilespmem:s3+$0x24D0] =	vst v0;
	v0 =	vpop (erf)  }
0x107: {  	[tilespmem:s3+$0x24E0] =	vst v0  }
0x108: {  	s3 =	rddreg [dreg:$0xb]  }
0x109: {  	s5 =	simm.s32 $0x2000;
	p0 =	seq.s32 s31, $0x1F;
	s3 =	sadd.s32 s28, s3  }
0x10a: {  	[hbm4b:s3+s4] =	stream.linear.scatter [tilespmem:s5], [sflag:$0xA], $0x2000, $0x38;
	[tilespmem:$0x10000] =	vst v63  }
0x10b: {  	s3 =	simm.s32 @!p0 $0x9  }
0x10c: {  	_ =	swait.ge @!p0 [sflag:s3], $0x2000  }
0x10d: {  	[sflag:s3] =	ssyncset.done @!p0 $0x0  }
0x10e: {  	[sflag:s3] =	ssyncadd.s32 @!p0 $0xFFFFE000;
	s3 =	rddreg [dreg:$0xc]  }
0x10f: {  	s5 =	simm.s32 @!p0 $0x0;
	s3 =	sadd.s32 @!p0 s0, s3  }
0x110: {  	[tilespmem:s5], [sflag:$0x1] =	stream.linear.gather @!p0 [hbm4b:s3+s5], $0x2000, $0x38;
	[tilespmem:$0x10000] =	vst v63  }
0x111: {  	s15 =	simm.s32 $0x0;
	_ =	swait.ge [sflag:s11], $0x2000  }
0x112: {  	s16 =	sand.u32 $0x1800, s15;
	s3 =	sand.u32 $0x300, s15;
	[sflag:s11] =	ssyncset.done $0x0  }
0x113: {  	s3 =	sor.u32 s3, s16;
	[sflag:s11] =	ssyncadd.s32 $0xFFFFE000  }
0x114: {  	v0 =	vld [tilespmem:s3+$0x44F0]  }
0x115: {  	v1 =	vld [tilespmem:s3+$0x4000]  }
0x116: {  	v2 =	vld [tilespmem:s3+$0x4010]  }
0x117: {  	v3 =	vld [tilespmem:s3+$0x4020]  }
0x118: {  	v4 =	vld [tilespmem:s3+$0x4030]  }
0x119: {  	v5 =	vld [tilespmem:s3+$0x4040]  }
0x11a: {  	v6 =	vld [tilespmem:s3+$0x4050];
	v0 =	vand.u32 $0x7FFFFFFF, v0  }
0x11b: {  	v7 =	vld [tilespmem:s3+$0x4060];
	v0 =	vadd.f32 $1.000000050e-03, v0  }
0x11c: {  	v8 =	vld [tilespmem:s3+$0x4070];
	v1 =	vand.u32 $0x7FFFFFFF, v1;
	v2 =	vand.u32 $0x7FFFFFFF, v2  }
0x11d: {  	v3 =	vand.u32 $0x7FFFFFFF, v3;
	v1 =	vadd.f32 $1.000000050e-03, v1;
	(erf) = vrcp.f32 v0;
	v0 =	vld [tilespmem:s3+$0x4400]  }
0x11e: {  	v4 =	vand.u32 $0x7FFFFFFF, v4;
	v5 =	vand.u32 $0x7FFFFFFF, v5;
	v2 =	vadd.f32 $1.000000050e-03, v2  }
0x11f: {  	v6 =	vand.u32 $0x7FFFFFFF, v6;
	v3 =	vadd.f32 $1.000000050e-03, v3;
	(erf) = vrcp.f32 v1;
	v1 =	vld [tilespmem:s3+$0x4410]  }
0x120: {  	v7 =	vand.u32 $0x7FFFFFFF, v7;
	v4 =	vadd.f32 $1.000000050e-03, v4;
	(erf) = vrcp.f32 v2;
	v2 =	vld [tilespmem:s3+$0x4420]  }
0x121: {  	v8 =	vand.u32 $0x7FFFFFFF, v8;
	v5 =	vadd.f32 $1.000000050e-03, v5;
	(erf) = vrcp.f32 v3;
	v3 =	vld [tilespmem:s3+$0x4430]  }
0x122: {  	v6 =	vadd.f32 $1.000000050e-03, v6;
	(erf) = vrcp.f32 v4;
	v4 =	vld [tilespmem:s3+$0x4440];
	v0 =	vand.u32 $0x7FFFFFFF, v0  }
0x123: {  	v7 =	vadd.f32 $1.000000050e-03, v7;
	(erf) = vrcp.f32 v5;
	v5 =	vld [tilespmem:s3+$0x4450];
	v0 =	vadd.f32 $1.000000050e-03, v0  }
0x124: {  	v8 =	vadd.f32 $1.000000050e-03, v8;
	(erf) = vrcp.f32 v6;
	v6 =	vld [tilespmem:s3+$0x4460];
	v1 =	vand.u32 $0x7FFFFFFF, v1  }
0x125: {  	(erf) = vrcp.f32 v7;
	v7 =	vld [tilespmem:s3+$0x4470];
	v1 =	vadd.f32 $1.000000050e-03, v1  }
0x126: {  	v2 =	vand.u32 $0x7FFFFFFF, v2;
	(erf) = vrcp.f32 v8;
	v8 =	vld [tilespmem:s3+$0x4080];
	v3 =	vand.u32 $0x7FFFFFFF, v3  }
0x127: {  	v2 =	vadd.f32 $1.000000050e-03, v2;
	(erf) = vrcp.f32 v0;
	v3 =	vadd.f32 $1.000000050e-03, v3;
	v0 =	vpop (erf)  }
0x128: {  	v9 =	vld [tilespmem:s3+$0x4090];
	v4 =	vand.u32 $0x7FFFFFFF, v4;
	[tilespmem:s3+$0x44F0] =	vst v0;
	v0 =	vpop (erf);
	(erf) = vrcp.f32 v1;
	v1 =	vand.u32 $0x7FFFFFFF, v5  }
0x129: {  	[tilespmem:s3+$0x4000] =	vst v0;
	v0 =	vadd.f32 $1.000000050e-03, v4;
	v4 =	vld [tilespmem:s3+$0x40A0];
	v5 =	vpop (erf);
	(erf) = vrcp.f32 v2;
	v1 =	vadd.f32 $1.000000050e-03, v1  }
0x12a: {  	v2 =	vand.u32 $0x7FFFFFFF, v6;
	[tilespmem:s3+$0x4010] =	vst v5;
	v5 =	vld [tilespmem:s3+$0x40B0];
	v6 =	vpop (erf);
	(erf) = vrcp.f32 v3;
	v3 =	vand.u32 $0x7FFFFFFF, v7  }
0x12b: {  	[tilespmem:s3+$0x4020] =	vst v6;
	v6 =	vld [tilespmem:s3+$0x40C0];
	v7 =	vpop (erf);
	(erf) = vrcp.f32 v0;
	v0 =	vadd.f32 $1.000000050e-03, v3;
	v3 =	vand.u32 $0x7FFFFFFF, v8  }
0x12c: {  	v2 =	vadd.f32 $1.000000050e-03, v2;
	[tilespmem:s3+$0x4030] =	vst v7;
	v7 =	vld [tilespmem:s3+$0x40D0];
	v8 =	vpop (erf);
	(erf) = vrcp.f32 v1;
	v1 =	vadd.f32 $1.000000050e-03, v3  }
0x12d: {  	v3 =	vand.u32 $0x7FFFFFFF, v9;
	[tilespmem:s3+$0x4040] =	vst v8;
	v9 =	vpop (erf)  }
0x12e: {  	v8 =	vld [tilespmem:s3+$0x40E0];
	(erf) = vrcp.f32 v2;
	v2 =	vadd.f32 $1.000000050e-03, v3;
	[tilespmem:s3+$0x4050] =	vst v9;
	v3 =	vand.u32 $0x7FFFFFFF, v4;
	v9 =	vpop (erf)  }
0x12f: {  	v4 =	vld [tilespmem:s3+$0x40F0];
	(erf) = vrcp.f32 v0;
	[tilespmem:s3+$0x4060] =	vst v9;
	v3 =	vadd.f32 $1.000000050e-03, v3;
	v0 =	vand.u32 $0x7FFFFFFF, v5;
	v5 =	vpop (erf)  }
0x130: {  	v10 =	vld [tilespmem:s3+$0x4490];
	(erf) = vrcp.f32 v1;
	[tilespmem:s3+$0x4070] =	vst v5;
	v5 =	vadd.f32 $1.000000050e-03, v0;
	v1 =	vpop (erf)  }
0x131: {  	v9 =	vld [tilespmem:s3+$0x4480];
	v0 =	vand.u32 $0x7FFFFFFF, v6;
	(erf) = vrcp.f32 v2;
	[tilespmem:s3+$0x4400] =	vst v1;
	v1 =	vand.u32 $0x7FFFFFFF, v7  }
0x132: {  	v6 =	vadd.f32 $1.000000050e-03, v0;
	v0 =	vld [tilespmem:s3+$0x44A0];
	v2 =	vpop (erf);
	(erf) = vrcp.f32 v3;
	v7 =	vadd.f32 $1.000000050e-03, v1  }
0x133: {  	[tilespmem:s3+$0x4410] =	vst v2;
	v2 =	vand.u32 $0x7FFFFFFF, v8;
	v1 =	vld [tilespmem:s3+$0x44B0];
	v3 =	vpop (erf);
	(erf) = vrcp.f32 v5  }
0x134: {  	v11 =	vadd.f32 $1.000000050e-03, v2;
	v2 =	vld [tilespmem:s3+$0x44C0];
	[tilespmem:s3+$0x4420] =	vst v3;
	v3 =	vand.u32 $0x7FFFFFFF, v4;
	v4 =	vpop (erf);
	(erf) = vrcp.f32 v6  }
0x135: {  	[tilespmem:s3+$0x4430] =	vst v4;
	v5 =	vadd.f32 $1.000000050e-03, v3;
	v3 =	vld [tilespmem:s3+$0x44D0];
	v4 =	vpop (erf);
	(erf) = vrcp.f32 v7  }
0x136: {  	s13 =	simm.s32 $0x100;
	s14 =	simm.s32 $0x200;
	s5 =	simm.s32 $0x0;
	v8 =	vand.u32 $0x7FFFFFFF, v10;
	v6 =	vand.u32 $0x7FFFFFFF, v9;
	[tilespmem:s3+$0x4440] =	vst v4;
	v4 =	vld [tilespmem:s3+$0x44E0];
	v7 =	vpop (erf);
	(erf) = vrcp.f32 v11  }
.LBB2_7:
0x137: {  	s15 =	sand.u32 $0x1800, s14;
	s16 =	sand.u32 $0x300, s13;
	s5 =	sadd.s32 $0x2, s5;
	v6 =	vadd.f32 $1.000000050e-03, v6;
	v8 =	vadd.f32 $1.000000050e-03, v8;
	v0 =	vand.u32 $0x7FFFFFFF, v0;
	v9 =	vpop (erf)  }
0x138: {  	s15 =	sor.u32 s16, s15;
	p1 =	slt.u32 s5, $0x1E;
	[tilespmem:s3+$0x4450] =	vst v7;
	v0 =	vadd.f32 $1.000000050e-03, v0;
	v1 =	vand.u32 $0x7FFFFFFF, v1;
	v7 =	vpop (erf);
	(erf) = vrcp.f32 v5  }
0x139: {  	v5 =	vld [tilespmem:s15+$0x44F0];
	[tilespmem:s3+$0x4460] =	vst v9;
	v1 =	vadd.f32 $1.000000050e-03, v1;
	v2 =	vand.u32 $0x7FFFFFFF, v2;
	v9 =	vpop (erf);
	(erf) = vrcp.f32 v6  }
0x13a: {  	v6 =	vld [tilespmem:s15+$0x4000];
	[tilespmem:s3+$0x4470] =	vst v7;
	v2 =	vadd.f32 $1.000000050e-03, v2;
	v3 =	vand.u32 $0x7FFFFFFF, v3;
	v7 =	vpop (erf);
	(erf) = vrcp.f32 v8  }
0x13b: {  	v8 =	vld [tilespmem:s15+$0x4010];
	[tilespmem:s3+$0x4080] =	vst v9;
	v3 =	vadd.f32 $1.000000050e-03, v3;
	v4 =	vand.u32 $0x7FFFFFFF, v4;
	v9 =	vpop (erf);
	(erf) = vrcp.f32 v0  }
0x13c: {  	v0 =	vld [tilespmem:s15+$0x4020];
	[tilespmem:s3+$0x4090] =	vst v7;
	v4 =	vadd.f32 $1.000000050e-03, v4;
	v7 =	vpop (erf);
	(erf) = vrcp.f32 v1  }
0x13d: {  	v1 =	vld [tilespmem:s15+$0x4030];
	[tilespmem:s3+$0x40A0] =	vst v9;
	v9 =	vpop (erf);
	(erf) = vrcp.f32 v2  }
0x13e: {  	v2 =	vld [tilespmem:s15+$0x4040];
	v5 =	vand.u32 $0x7FFFFFFF, v5;
	[tilespmem:s3+$0x40B0] =	vst v7;
	v7 =	vpop (erf);
	(erf) = vrcp.f32 v3  }
0x13f: {  	v3 =	vand.u32 $0x7FFFFFFF, v6;
	v6 =	vld [tilespmem:s15+$0x4050];
	v10 =	vadd.f32 $1.000000050e-03, v5;
	[tilespmem:s3+$0x40C0] =	vst v9;
	v9 =	vpop (erf);
	(erf) = vrcp.f32 v4  }
0x140: {  	v11 =	vadd.f32 $1.000000050e-03, v3;
	v4 =	vand.u32 $0x7FFFFFFF, v8;
	v8 =	vld [tilespmem:s15+$0x4060];
	[tilespmem:s3+$0x40D0] =	vst v7  }
0x141: {  	v4 =	vadd.f32 $1.000000050e-03, v4;
	v0 =	vand.u32 $0x7FFFFFFF, v0;
	v7 =	vld [tilespmem:s15+$0x4070];
	(erf) = vrcp.f32 v10;
	[tilespmem:s3+$0x40E0] =	vst v9;
	v5 =	vpop (erf)  }
0x142: {  	v10 =	vadd.f32 $1.000000050e-03, v0;
	v1 =	vand.u32 $0x7FFFFFFF, v1;
	v9 =	vld [tilespmem:s15+$0x4400];
	(erf) = vrcp.f32 v11;
	[tilespmem:s3+$0x40F0] =	vst v5;
	v3 =	vpop (erf)  }
0x143: {  	v1 =	vadd.f32 $1.000000050e-03, v1;
	v2 =	vand.u32 $0x7FFFFFFF, v2;
	v5 =	vld [tilespmem:s15+$0x4410];
	(erf) = vrcp.f32 v4;
	[tilespmem:s3+$0x4480] =	vst v3;
	v3 =	vpop (erf)  }
0x144: {  	v2 =	vadd.f32 $1.000000050e-03, v2;
	v4 =	vand.u32 $0x7FFFFFFF, v6;
	v6 =	vld [tilespmem:s15+$0x4420];
	(erf) = vrcp.f32 v10;
	[tilespmem:s3+$0x4490] =	vst v3;
	v0 =	vpop (erf)  }
0x145: {  	v3 =	vadd.f32 $1.000000050e-03, v4;
	v4 =	vand.u32 $0x7FFFFFFF, v8;
	v8 =	vld [tilespmem:s15+$0x4430];
	(erf) = vrcp.f32 v1;
	[tilespmem:s3+$0x44A0] =	vst v0;
	v0 =	vpop (erf)  }
0x146: {  	v1 =	vadd.f32 $1.000000050e-03, v4;
	v4 =	vand.u32 $0x7FFFFFFF, v7;
	v7 =	vld [tilespmem:s15+$0x4440];
	(erf) = vrcp.f32 v2;
	[tilespmem:s3+$0x44B0] =	vst v0;
	v0 =	vpop (erf)  }
0x147: {  	v2 =	vadd.f32 $1.000000050e-03, v4;
	v4 =	vand.u32 $0x7FFFFFFF, v9;
	v9 =	vld [tilespmem:s15+$0x4450];
	(erf) = vrcp.f32 v3;
	[tilespmem:s3+$0x44C0] =	vst v0;
	v0 =	vpop (erf)  }
0x148: {  	v10 =	vadd.f32 $1.000000050e-03, v4;
	v4 =	vand.u32 $0x7FFFFFFF, v5;
	v5 =	vld [tilespmem:s15+$0x4460];
	(erf) = vrcp.f32 v1;
	[tilespmem:s3+$0x44D0] =	vst v0;
	v0 =	vpop (erf)  }
0x149: {  	v1 =	vadd.f32 $1.000000050e-03, v4;
	v4 =	vand.u32 $0x7FFFFFFF, v6;
	v6 =	vld [tilespmem:s15+$0x4470];
	(erf) = vrcp.f32 v2;
	[tilespmem:s3+$0x44E0] =	vst v0;
	s3 =	smov.u32 s15  }
0x14a: {  	v0 =	vadd.f32 $1.000000050e-03, v4;
	v2 =	vand.u32 $0x7FFFFFFF, v8;
	v4 =	vld [tilespmem:s3+$0x4080];
	(erf) = vrcp.f32 v10;
	v3 =	vpop (erf)  }
0x14b: {  	v2 =	vadd.f32 $1.000000050e-03, v2;
	v7 =	vand.u32 $0x7FFFFFFF, v7;
	v8 =	vld [tilespmem:s3+$0x4090];
	[tilespmem:s3+$0x44F0] =	vst v3;
	v3 =	vpop (erf);
	(erf) = vrcp.f32 v1  }
0x14c: {  	[tilespmem:s3+$0x4000] =	vst v3;
	v1 =	vadd.f32 $1.000000050e-03, v7;
	v3 =	vand.u32 $0x7FFFFFFF, v9;
	v7 =	vld [tilespmem:s3+$0x40A0];
	v9 =	vpop (erf);
	(erf) = vrcp.f32 v0  }
0x14d: {  	[tilespmem:s3+$0x4010] =	vst v9;
	v0 =	vadd.f32 $1.000000050e-03, v3;
	v3 =	vand.u32 $0x7FFFFFFF, v5;
	v5 =	vld [tilespmem:s3+$0x40B0];
	v9 =	vpop (erf);
	(erf) = vrcp.f32 v2  }
0x14e: {  	[tilespmem:s3+$0x4020] =	vst v9;
	v2 =	vadd.f32 $1.000000050e-03, v3;
	v3 =	vand.u32 $0x7FFFFFFF, v6;
	v6 =	vld [tilespmem:s3+$0x40C0];
	v9 =	vpop (erf);
	(erf) = vrcp.f32 v1  }
0x14f: {  	[tilespmem:s3+$0x4030] =	vst v9;
	v1 =	vadd.f32 $1.000000050e-03, v3;
	v3 =	vand.u32 $0x7FFFFFFF, v4;
	v4 =	vld [tilespmem:s3+$0x40D0];
	v9 =	vpop (erf);
	(erf) = vrcp.f32 v0  }
0x150: {  	[tilespmem:s3+$0x4040] =	vst v9;
	v0 =	vadd.f32 $1.000000050e-03, v3;
	v3 =	vand.u32 $0x7FFFFFFF, v8;
	v8 =	vld [tilespmem:s3+$0x40E0];
	v9 =	vpop (erf);
	(erf) = vrcp.f32 v2  }
0x151: {  	[tilespmem:s3+$0x4050] =	vst v9;
	v2 =	vadd.f32 $1.000000050e-03, v3;
	v3 =	vand.u32 $0x7FFFFFFF, v7;
	v7 =	vld [tilespmem:s3+$0x40F0];
	v9 =	vpop (erf);
	(erf) = vrcp.f32 v1  }
0x152: {  	[tilespmem:s3+$0x4060] =	vst v9;
	v1 =	vadd.f32 $1.000000050e-03, v3;
	v3 =	vand.u32 $0x7FFFFFFF, v5;
	v9 =	vld [tilespmem:s3+$0x4480];
	v5 =	vpop (erf);
	(erf) = vrcp.f32 v0  }
0x153: {  	[tilespmem:s3+$0x4070] =	vst v5;
	v3 =	vadd.f32 $1.000000050e-03, v3;
	v0 =	vand.u32 $0x7FFFFFFF, v6;
	v10 =	vld [tilespmem:s3+$0x4490];
	v5 =	vpop (erf);
	(erf) = vrcp.f32 v2  }
0x154: {  	[tilespmem:s3+$0x4400] =	vst v5;
	v5 =	vadd.f32 $1.000000050e-03, v0  }
.Ltmp4:
0x155: {  	v2 =	vand.u32 $0x7FFFFFFF, v4;
	v0 =	vld [tilespmem:s3+$0x44A0];
	v4 =	vpop (erf);
	(erf) = vrcp.f32 v1;
	(pc) =	sbr.rel @p1 .LBB2_7-.Ltmp4, $4  }
0x156: {  	[tilespmem:s3+$0x4410] =	vst v4;
	v4 =	vadd.f32 $1.000000050e-03, v2;
	v2 =	vand.u32 $0x7FFFFFFF, v8;
	v1 =	vld [tilespmem:s3+$0x44B0];
	v6 =	vpop (erf);
	(erf) = vrcp.f32 v3  }
0x157: {  	[tilespmem:s3+$0x4420] =	vst v6;
	v11 =	vadd.f32 $1.000000050e-03, v2;
	v3 =	vand.u32 $0x7FFFFFFF, v7;
	v2 =	vld [tilespmem:s3+$0x44C0];
	v6 =	vpop (erf);
	(erf) = vrcp.f32 v5  }
0x158: {  	[tilespmem:s3+$0x4430] =	vst v6;
	v5 =	vadd.f32 $1.000000050e-03, v3;
	v6 =	vand.u32 $0x7FFFFFFF, v9;
	v3 =	vld [tilespmem:s3+$0x44D0];
	v7 =	vpop (erf);
	(erf) = vrcp.f32 v4  }
0x159: {  	s13 =	sadd.s32 $0x100, s13;
	s14 =	sadd.s32 $0x200, s14;
	[tilespmem:s3+$0x4440] =	vst v7;
	v8 =	vand.u32 $0x7FFFFFFF, v10;
	v4 =	vld [tilespmem:s3+$0x44E0];
	v7 =	vpop (erf);
	(erf) = vrcp.f32 v11  }
0x15a: {  	v6 =	vadd.f32 $1.000000050e-03, v6  }
0x15b: {  	v8 =	vadd.f32 $1.000000050e-03, v8;
	v0 =	vand.u32 $0x7FFFFFFF, v0  }
0x15c: {  	v9 =	vpop (erf);
	(erf) = vrcp.f32 v5;
	v0 =	vadd.f32 $1.000000050e-03, v0;
	v1 =	vand.u32 $0x7FFFFFFF, v1  }
0x15d: {  	[tilespmem:s3+$0x4450] =	vst v7;
	v5 =	vpop (erf);
	(erf) = vrcp.f32 v6;
	v1 =	vadd.f32 $1.000000050e-03, v1;
	v2 =	vand.u32 $0x7FFFFFFF, v2  }
0x15e: {  	[tilespmem:s3+$0x4460] =	vst v9;
	v2 =	vadd.f32 $1.000000050e-03, v2;
	v3 =	vand.u32 $0x7FFFFFFF, v3;
	v6 =	vpop (erf);
	(erf) = vrcp.f32 v8  }
0x15f: {  	[tilespmem:s3+$0x4470] =	vst v5;
	v5 =	vpop (erf);
	(erf) = vrcp.f32 v0;
	v0 =	vadd.f32 $1.000000050e-03, v3;
	v3 =	vand.u32 $0x7FFFFFFF, v4  }
0x160: {  	[tilespmem:s3+$0x4080] =	vst v6  }
0x161: {  	v4 =	vpop (erf);
	[tilespmem:s3+$0x4090] =	vst v5;
	(erf) = vrcp.f32 v1;
	v1 =	vadd.f32 $1.000000050e-03, v3  }
0x162: {  	[tilespmem:s3+$0x40A0] =	vst v4;
	v3 =	vpop (erf);
	(erf) = vrcp.f32 v2  }
0x163: {  	v2 =	vpop (erf);
	[tilespmem:s3+$0x40B0] =	vst v3;
	(erf) = vrcp.f32 v0  }
0x164: {  	v0 =	vpop (erf);
	[tilespmem:s3+$0x40C0] =	vst v2;
	(erf) = vrcp.f32 v1  }
0x165: {  	v1 =	vpop (erf);
	[tilespmem:s3+$0x40D0] =	vst v0  }
0x166: {  	[tilespmem:s3+$0x40E0] =	vst v1;
	v0 =	vpop (erf)  }
0x167: {  	[tilespmem:s3+$0x40F0] =	vst v0;
	v0 =	vpop (erf)  }
0x168: {  	[tilespmem:s3+$0x4480] =	vst v0;
	v0 =	vpop (erf)  }
0x169: {  	[tilespmem:s3+$0x4490] =	vst v0;
	v0 =	vpop (erf)  }
0x16a: {  	[tilespmem:s3+$0x44A0] =	vst v0;
	v0 =	vpop (erf)  }
0x16b: {  	[tilespmem:s3+$0x44B0] =	vst v0;
	v0 =	vpop (erf)  }
0x16c: {  	[tilespmem:s3+$0x44C0] =	vst v0;
	v0 =	vpop (erf)  }
0x16d: {  	[tilespmem:s3+$0x44D0] =	vst v0;
	v0 =	vpop (erf)  }
0x16e: {  	[tilespmem:s3+$0x44E0] =	vst v0  }
0x16f: {  	s3 =	rddreg [dreg:$0xd]  }
0x170: {  	s5 =	simm.s32 $0x4000;
	s3 =	sadd.s32 s28, s3  }
0x171: {  	[hbm4b:s3+s4] =	stream.linear.scatter [tilespmem:s5], [sflag:$0xB], $0x2000, $0x38;
	[tilespmem:$0x10000] =	vst v63  }
0x172: {  	s3 =	simm.s32 @!p0 $0xA  }
0x173: {  	_ =	swait.ge @!p0 [sflag:s3], $0x2000  }
0x174: {  	[sflag:s3] =	ssyncset.done @!p0 $0x0  }
0x175: {  	[sflag:s3] =	ssyncadd.s32 @!p0 $0xFFFFE000;
	s3 =	rddreg [dreg:$0xe]  }
0x176: {  	s13 =	simm.s32 @!p0 $0x2000;
	s5 =	simm.s32 @!p0 $0x0;
	s3 =	sadd.s32 @!p0 s0, s3  }
0x177: {  	[tilespmem:s13], [sflag:$0x2] =	stream.linear.gather @!p0 [hbm4b:s3+s5], $0x2000, $0x38;
	[tilespmem:$0x10000] =	vst v63  }
0x178: {  	s15 =	simm.s32 $0x0;
	_ =	swait.ge [sflag:s12], $0x2000  }
0x179: {  	s16 =	sand.u32 $0x1800, s15;
	s3 =	sand.u32 $0x300, s15;
	[sflag:s12] =	ssyncset.done $0x0  }
0x17a: {  	s3 =	sor.u32 s3, s16;
	[sflag:s12] =	ssyncadd.s32 $0xFFFFE000  }
0x17b: {  	v0 =	vld [tilespmem:s3+$0x64F0]  }
0x17c: {  	v1 =	vld [tilespmem:s3+$0x6000]  }
0x17d: {  	v2 =	vld [tilespmem:s3+$0x6010]  }
0x17e: {  	v3 =	vld [tilespmem:s3+$0x6020]  }
0x17f: {  	v4 =	vld [tilespmem:s3+$0x6030]  }
0x180: {  	v5 =	vld [tilespmem:s3+$0x6040]  }
0x181: {  	v6 =	vld [tilespmem:s3+$0x6050];
	v0 =	vand.u32 $0x7FFFFFFF, v0  }
0x182: {  	v7 =	vld [tilespmem:s3+$0x6060];
	v0 =	vadd.f32 $1.000000050e-03, v0  }
0x183: {  	v8 =	vld [tilespmem:s3+$0x6070];
	v1 =	vand.u32 $0x7FFFFFFF, v1;
	v2 =	vand.u32 $0x7FFFFFFF, v2  }
0x184: {  	v3 =	vand.u32 $0x7FFFFFFF, v3;
	v1 =	vadd.f32 $1.000000050e-03, v1;
	(erf) = vrcp.f32 v0;
	v0 =	vld [tilespmem:s3+$0x6400]  }
0x185: {  	v4 =	vand.u32 $0x7FFFFFFF, v4;
	v5 =	vand.u32 $0x7FFFFFFF, v5;
	v2 =	vadd.f32 $1.000000050e-03, v2  }
0x186: {  	v6 =	vand.u32 $0x7FFFFFFF, v6;
	v3 =	vadd.f32 $1.000000050e-03, v3;
	(erf) = vrcp.f32 v1;
	v1 =	vld [tilespmem:s3+$0x6410]  }
0x187: {  	v7 =	vand.u32 $0x7FFFFFFF, v7;
	v4 =	vadd.f32 $1.000000050e-03, v4;
	(erf) = vrcp.f32 v2;
	v2 =	vld [tilespmem:s3+$0x6420]  }
0x188: {  	v8 =	vand.u32 $0x7FFFFFFF, v8;
	v5 =	vadd.f32 $1.000000050e-03, v5;
	(erf) = vrcp.f32 v3;
	v3 =	vld [tilespmem:s3+$0x6430]  }
0x189: {  	v6 =	vadd.f32 $1.000000050e-03, v6;
	(erf) = vrcp.f32 v4;
	v4 =	vld [tilespmem:s3+$0x6440];
	v0 =	vand.u32 $0x7FFFFFFF, v0  }
0x18a: {  	v7 =	vadd.f32 $1.000000050e-03, v7;
	(erf) = vrcp.f32 v5;
	v5 =	vld [tilespmem:s3+$0x6450];
	v0 =	vadd.f32 $1.000000050e-03, v0  }
0x18b: {  	v8 =	vadd.f32 $1.000000050e-03, v8;
	(erf) = vrcp.f32 v6;
	v6 =	vld [tilespmem:s3+$0x6460];
	v1 =	vand.u32 $0x7FFFFFFF, v1  }
0x18c: {  	(erf) = vrcp.f32 v7;
	v7 =	vld [tilespmem:s3+$0x6470];
	v1 =	vadd.f32 $1.000000050e-03, v1  }
0x18d: {  	v2 =	vand.u32 $0x7FFFFFFF, v2;
	(erf) = vrcp.f32 v8;
	v8 =	vld [tilespmem:s3+$0x6080];
	v3 =	vand.u32 $0x7FFFFFFF, v3  }
0x18e: {  	v2 =	vadd.f32 $1.000000050e-03, v2;
	(erf) = vrcp.f32 v0;
	v3 =	vadd.f32 $1.000000050e-03, v3;
	v0 =	vpop (erf)  }
0x18f: {  	v9 =	vld [tilespmem:s3+$0x6090];
	v4 =	vand.u32 $0x7FFFFFFF, v4;
	[tilespmem:s3+$0x64F0] =	vst v0;
	v0 =	vpop (erf);
	(erf) = vrcp.f32 v1;
	v1 =	vand.u32 $0x7FFFFFFF, v5  }
0x190: {  	[tilespmem:s3+$0x6000] =	vst v0;
	v0 =	vadd.f32 $1.000000050e-03, v4;
	v4 =	vld [tilespmem:s3+$0x60A0];
	v5 =	vpop (erf);
	(erf) = vrcp.f32 v2;
	v1 =	vadd.f32 $1.000000050e-03, v1  }
0x191: {  	v2 =	vand.u32 $0x7FFFFFFF, v6;
	[tilespmem:s3+$0x6010] =	vst v5;
	v5 =	vld [tilespmem:s3+$0x60B0];
	v6 =	vpop (erf);
	(erf) = vrcp.f32 v3;
	v3 =	vand.u32 $0x7FFFFFFF, v7  }
0x192: {  	[tilespmem:s3+$0x6020] =	vst v6;
	v6 =	vld [tilespmem:s3+$0x60C0];
	v7 =	vpop (erf);
	(erf) = vrcp.f32 v0;
	v0 =	vadd.f32 $1.000000050e-03, v3;
	v3 =	vand.u32 $0x7FFFFFFF, v8  }
0x193: {  	v2 =	vadd.f32 $1.000000050e-03, v2;
	[tilespmem:s3+$0x6030] =	vst v7;
	v7 =	vld [tilespmem:s3+$0x60D0];
	v8 =	vpop (erf);
	(erf) = vrcp.f32 v1;
	v1 =	vadd.f32 $1.000000050e-03, v3  }
0x194: {  	v3 =	vand.u32 $0x7FFFFFFF, v9;
	[tilespmem:s3+$0x6040] =	vst v8;
	v9 =	vpop (erf)  }
0x195: {  	v8 =	vld [tilespmem:s3+$0x60E0];
	(erf) = vrcp.f32 v2;
	v2 =	vadd.f32 $1.000000050e-03, v3;
	[tilespmem:s3+$0x6050] =	vst v9;
	v3 =	vand.u32 $0x7FFFFFFF, v4;
	v9 =	vpop (erf)  }
0x196: {  	v4 =	vld [tilespmem:s3+$0x60F0];
	(erf) = vrcp.f32 v0;
	[tilespmem:s3+$0x6060] =	vst v9;
	v3 =	vadd.f32 $1.000000050e-03, v3;
	v0 =	vand.u32 $0x7FFFFFFF, v5;
	v5 =	vpop (erf)  }
0x197: {  	v10 =	vld [tilespmem:s3+$0x6490];
	(erf) = vrcp.f32 v1;
	[tilespmem:s3+$0x6070] =	vst v5;
	v5 =	vadd.f32 $1.000000050e-03, v0;
	v1 =	vpop (erf)  }
0x198: {  	v9 =	vld [tilespmem:s3+$0x6480];
	v0 =	vand.u32 $0x7FFFFFFF, v6;
	(erf) = vrcp.f32 v2;
	[tilespmem:s3+$0x6400] =	vst v1;
	v1 =	vand.u32 $0x7FFFFFFF, v7  }
0x199: {  	v6 =	vadd.f32 $1.000000050e-03, v0;
	v0 =	vld [tilespmem:s3+$0x64A0];
	v2 =	vpop (erf);
	(erf) = vrcp.f32 v3;
	v7 =	vadd.f32 $1.000000050e-03, v1  }
0x19a: {  	[tilespmem:s3+$0x6410] =	vst v2;
	v2 =	vand.u32 $0x7FFFFFFF, v8;
	v1 =	vld [tilespmem:s3+$0x64B0];
	v3 =	vpop (erf);
	(erf) = vrcp.f32 v5  }
0x19b: {  	v11 =	vadd.f32 $1.000000050e-03, v2;
	v2 =	vld [tilespmem:s3+$0x64C0];
	[tilespmem:s3+$0x6420] =	vst v3;
	v3 =	vand.u32 $0x7FFFFFFF, v4;
	v4 =	vpop (erf);
	(erf) = vrcp.f32 v6  }
0x19c: {  	[tilespmem:s3+$0x6430] =	vst v4;
	v5 =	vadd.f32 $1.000000050e-03, v3;
	v3 =	vld [tilespmem:s3+$0x64D0];
	v4 =	vpop (erf);
	(erf) = vrcp.f32 v7  }
0x19d: {  	s14 =	simm.s32 $0x200;
	s5 =	simm.s32 $0x0;
	s13 =	simm.s32 $0x100;
	v8 =	vand.u32 $0x7FFFFFFF, v10;
	v6 =	vand.u32 $0x7FFFFFFF, v9;
	[tilespmem:s3+$0x6440] =	vst v4;
	v4 =	vld [tilespmem:s3+$0x64E0];
	v7 =	vpop (erf);
	(erf) = vrcp.f32 v11  }
.LBB2_9:
0x19e: {  	s15 =	sand.u32 $0x1800, s14;
	s16 =	sand.u32 $0x300, s13;
	s5 =	sadd.s32 $0x2, s5;
	v6 =	vadd.f32 $1.000000050e-03, v6;
	v8 =	vadd.f32 $1.000000050e-03, v8;
	v0 =	vand.u32 $0x7FFFFFFF, v0;
	v9 =	vpop (erf)  }
0x19f: {  	s15 =	sor.u32 s16, s15;
	p1 =	slt.u32 s5, $0x1E;
	[tilespmem:s3+$0x6450] =	vst v7;
	v0 =	vadd.f32 $1.000000050e-03, v0;
	v1 =	vand.u32 $0x7FFFFFFF, v1;
	v7 =	vpop (erf);
	(erf) = vrcp.f32 v5  }
0x1a0: {  	v5 =	vld [tilespmem:s15+$0x64F0];
	[tilespmem:s3+$0x6460] =	vst v9;
	v1 =	vadd.f32 $1.000000050e-03, v1;
	v2 =	vand.u32 $0x7FFFFFFF, v2;
	v9 =	vpop (erf);
	(erf) = vrcp.f32 v6  }
0x1a1: {  	v6 =	vld [tilespmem:s15+$0x6000];
	[tilespmem:s3+$0x6470] =	vst v7;
	v2 =	vadd.f32 $1.000000050e-03, v2;
	v3 =	vand.u32 $0x7FFFFFFF, v3;
	v7 =	vpop (erf);
	(erf) = vrcp.f32 v8  }
0x1a2: {  	v8 =	vld [tilespmem:s15+$0x6010];
	[tilespmem:s3+$0x6080] =	vst v9;
	v3 =	vadd.f32 $1.000000050e-03, v3;
	v4 =	vand.u32 $0x7FFFFFFF, v4;
	v9 =	vpop (erf);
	(erf) = vrcp.f32 v0  }
0x1a3: {  	v0 =	vld [tilespmem:s15+$0x6020];
	[tilespmem:s3+$0x6090] =	vst v7;
	v4 =	vadd.f32 $1.000000050e-03, v4;
	v7 =	vpop (erf);
	(erf) = vrcp.f32 v1  }
0x1a4: {  	v1 =	vld [tilespmem:s15+$0x6030];
	[tilespmem:s3+$0x60A0] =	vst v9;
	v9 =	vpop (erf);
	(erf) = vrcp.f32 v2  }
0x1a5: {  	v2 =	vld [tilespmem:s15+$0x6040];
	v5 =	vand.u32 $0x7FFFFFFF, v5;
	[tilespmem:s3+$0x60B0] =	vst v7;
	v7 =	vpop (erf);
	(erf) = vrcp.f32 v3  }
0x1a6: {  	v3 =	vand.u32 $0x7FFFFFFF, v6;
	v6 =	vld [tilespmem:s15+$0x6050];
	v10 =	vadd.f32 $1.000000050e-03, v5;
	[tilespmem:s3+$0x60C0] =	vst v9;
	v9 =	vpop (erf);
	(erf) = vrcp.f32 v4  }
0x1a7: {  	v11 =	vadd.f32 $1.000000050e-03, v3;
	v4 =	vand.u32 $0x7FFFFFFF, v8;
	v8 =	vld [tilespmem:s15+$0x6060];
	[tilespmem:s3+$0x60D0] =	vst v7  }
0x1a8: {  	v4 =	vadd.f32 $1.000000050e-03, v4;
	v0 =	vand.u32 $0x7FFFFFFF, v0;
	v7 =	vld [tilespmem:s15+$0x6070];
	(erf) = vrcp.f32 v10;
	[tilespmem:s3+$0x60E0] =	vst v9;
	v5 =	vpop (erf)  }
0x1a9: {  	v10 =	vadd.f32 $1.000000050e-03, v0;
	v1 =	vand.u32 $0x7FFFFFFF, v1;
	v9 =	vld [tilespmem:s15+$0x6400];
	(erf) = vrcp.f32 v11;
	[tilespmem:s3+$0x60F0] =	vst v5;
	v3 =	vpop (erf)  }
0x1aa: {  	v1 =	vadd.f32 $1.000000050e-03, v1;
	v2 =	vand.u32 $0x7FFFFFFF, v2;
	v5 =	vld [tilespmem:s15+$0x6410];
	(erf) = vrcp.f32 v4;
	[tilespmem:s3+$0x6480] =	vst v3;
	v3 =	vpop (erf)  }
0x1ab: {  	v2 =	vadd.f32 $1.000000050e-03, v2;
	v4 =	vand.u32 $0x7FFFFFFF, v6;
	v6 =	vld [tilespmem:s15+$0x6420];
	(erf) = vrcp.f32 v10;
	[tilespmem:s3+$0x6490] =	vst v3;
	v0 =	vpop (erf)  }
0x1ac: {  	v3 =	vadd.f32 $1.000000050e-03, v4;
	v4 =	vand.u32 $0x7FFFFFFF, v8;
	v8 =	vld [tilespmem:s15+$0x6430];
	(erf) = vrcp.f32 v1;
	[tilespmem:s3+$0x64A0] =	vst v0;
	v0 =	vpop (erf)  }
0x1ad: {  	v1 =	vadd.f32 $1.000000050e-03, v4;
	v4 =	vand.u32 $0x7FFFFFFF, v7;
	v7 =	vld [tilespmem:s15+$0x6440];
	(erf) = vrcp.f32 v2;
	[tilespmem:s3+$0x64B0] =	vst v0;
	v0 =	vpop (erf)  }
0x1ae: {  	v2 =	vadd.f32 $1.000000050e-03, v4;
	v4 =	vand.u32 $0x7FFFFFFF, v9;
	v9 =	vld [tilespmem:s15+$0x6450];
	(erf) = vrcp.f32 v3;
	[tilespmem:s3+$0x64C0] =	vst v0;
	v0 =	vpop (erf)  }
0x1af: {  	v10 =	vadd.f32 $1.000000050e-03, v4;
	v4 =	vand.u32 $0x7FFFFFFF, v5;
	v5 =	vld [tilespmem:s15+$0x6460];
	(erf) = vrcp.f32 v1;
	[tilespmem:s3+$0x64D0] =	vst v0;
	v0 =	vpop (erf)  }
0x1b0: {  	v1 =	vadd.f32 $1.000000050e-03, v4;
	v4 =	vand.u32 $0x7FFFFFFF, v6;
	v6 =	vld [tilespmem:s15+$0x6470];
	(erf) = vrcp.f32 v2;
	[tilespmem:s3+$0x64E0] =	vst v0;
	s3 =	smov.u32 s15  }
0x1b1: {  	v0 =	vadd.f32 $1.000000050e-03, v4;
	v2 =	vand.u32 $0x7FFFFFFF, v8;
	v4 =	vld [tilespmem:s3+$0x6080];
	(erf) = vrcp.f32 v10;
	v3 =	vpop (erf)  }
0x1b2: {  	v2 =	vadd.f32 $1.000000050e-03, v2;
	v7 =	vand.u32 $0x7FFFFFFF, v7;
	v8 =	vld [tilespmem:s3+$0x6090];
	[tilespmem:s3+$0x64F0] =	vst v3;
	v3 =	vpop (erf);
	(erf) = vrcp.f32 v1  }
0x1b3: {  	[tilespmem:s3+$0x6000] =	vst v3;
	v1 =	vadd.f32 $1.000000050e-03, v7;
	v3 =	vand.u32 $0x7FFFFFFF, v9;
	v7 =	vld [tilespmem:s3+$0x60A0];
	v9 =	vpop (erf);
	(erf) = vrcp.f32 v0  }
0x1b4: {  	[tilespmem:s3+$0x6010] =	vst v9;
	v0 =	vadd.f32 $1.000000050e-03, v3;
	v3 =	vand.u32 $0x7FFFFFFF, v5;
	v5 =	vld [tilespmem:s3+$0x60B0];
	v9 =	vpop (erf);
	(erf) = vrcp.f32 v2  }
0x1b5: {  	[tilespmem:s3+$0x6020] =	vst v9;
	v2 =	vadd.f32 $1.000000050e-03, v3;
	v3 =	vand.u32 $0x7FFFFFFF, v6;
	v6 =	vld [tilespmem:s3+$0x60C0];
	v9 =	vpop (erf);
	(erf) = vrcp.f32 v1  }
0x1b6: {  	[tilespmem:s3+$0x6030] =	vst v9;
	v1 =	vadd.f32 $1.000000050e-03, v3;
	v3 =	vand.u32 $0x7FFFFFFF, v4;
	v4 =	vld [tilespmem:s3+$0x60D0];
	v9 =	vpop (erf);
	(erf) = vrcp.f32 v0  }
0x1b7: {  	[tilespmem:s3+$0x6040] =	vst v9;
	v0 =	vadd.f32 $1.000000050e-03, v3;
	v3 =	vand.u32 $0x7FFFFFFF, v8;
	v8 =	vld [tilespmem:s3+$0x60E0];
	v9 =	vpop (erf);
	(erf) = vrcp.f32 v2  }
0x1b8: {  	[tilespmem:s3+$0x6050] =	vst v9;
	v2 =	vadd.f32 $1.000000050e-03, v3;
	v3 =	vand.u32 $0x7FFFFFFF, v7;
	v7 =	vld [tilespmem:s3+$0x60F0];
	v9 =	vpop (erf);
	(erf) = vrcp.f32 v1  }
0x1b9: {  	[tilespmem:s3+$0x6060] =	vst v9;
	v1 =	vadd.f32 $1.000000050e-03, v3;
	v3 =	vand.u32 $0x7FFFFFFF, v5;
	v9 =	vld [tilespmem:s3+$0x6480];
	v5 =	vpop (erf);
	(erf) = vrcp.f32 v0  }
0x1ba: {  	[tilespmem:s3+$0x6070] =	vst v5;
	v3 =	vadd.f32 $1.000000050e-03, v3;
	v0 =	vand.u32 $0x7FFFFFFF, v6;
	v10 =	vld [tilespmem:s3+$0x6490];
	v5 =	vpop (erf);
	(erf) = vrcp.f32 v2  }
0x1bb: {  	[tilespmem:s3+$0x6400] =	vst v5;
	v5 =	vadd.f32 $1.000000050e-03, v0  }
.Ltmp5:
0x1bc: {  	v2 =	vand.u32 $0x7FFFFFFF, v4;
	v0 =	vld [tilespmem:s3+$0x64A0];
	v4 =	vpop (erf);
	(erf) = vrcp.f32 v1;
	(pc) =	sbr.rel @p1 .LBB2_9-.Ltmp5, $4  }
0x1bd: {  	[tilespmem:s3+$0x6410] =	vst v4;
	v4 =	vadd.f32 $1.000000050e-03, v2;
	v2 =	vand.u32 $0x7FFFFFFF, v8;
	v1 =	vld [tilespmem:s3+$0x64B0];
	v6 =	vpop (erf);
	(erf) = vrcp.f32 v3  }
0x1be: {  	[tilespmem:s3+$0x6420] =	vst v6;
	v11 =	vadd.f32 $1.000000050e-03, v2;
	v3 =	vand.u32 $0x7FFFFFFF, v7;
	v2 =	vld [tilespmem:s3+$0x64C0];
	v6 =	vpop (erf);
	(erf) = vrcp.f32 v5  }
0x1bf: {  	[tilespmem:s3+$0x6430] =	vst v6;
	v5 =	vadd.f32 $1.000000050e-03, v3;
	v6 =	vand.u32 $0x7FFFFFFF, v9;
	v3 =	vld [tilespmem:s3+$0x64D0];
	v7 =	vpop (erf);
	(erf) = vrcp.f32 v4  }
0x1c0: {  	s13 =	sadd.s32 $0x100, s13;
	s14 =	sadd.s32 $0x200, s14;
	[tilespmem:s3+$0x6440] =	vst v7;
	v8 =	vand.u32 $0x7FFFFFFF, v10;
	v4 =	vld [tilespmem:s3+$0x64E0];
	v7 =	vpop (erf);
	(erf) = vrcp.f32 v11  }
0x1c1: {  	v6 =	vadd.f32 $1.000000050e-03, v6  }
0x1c2: {  	v8 =	vadd.f32 $1.000000050e-03, v8;
	v0 =	vand.u32 $0x7FFFFFFF, v0  }
0x1c3: {  	v9 =	vpop (erf);
	(erf) = vrcp.f32 v5;
	v0 =	vadd.f32 $1.000000050e-03, v0;
	v1 =	vand.u32 $0x7FFFFFFF, v1  }
0x1c4: {  	[tilespmem:s3+$0x6450] =	vst v7;
	v5 =	vpop (erf);
	(erf) = vrcp.f32 v6;
	v1 =	vadd.f32 $1.000000050e-03, v1;
	v2 =	vand.u32 $0x7FFFFFFF, v2  }
0x1c5: {  	[tilespmem:s3+$0x6460] =	vst v9;
	v2 =	vadd.f32 $1.000000050e-03, v2;
	v3 =	vand.u32 $0x7FFFFFFF, v3;
	v6 =	vpop (erf);
	(erf) = vrcp.f32 v8  }
0x1c6: {  	[tilespmem:s3+$0x6470] =	vst v5;
	v5 =	vpop (erf);
	(erf) = vrcp.f32 v0;
	v0 =	vadd.f32 $1.000000050e-03, v3;
	v3 =	vand.u32 $0x7FFFFFFF, v4  }
0x1c7: {  	[tilespmem:s3+$0x6080] =	vst v6  }
0x1c8: {  	v4 =	vpop (erf);
	[tilespmem:s3+$0x6090] =	vst v5;
	(erf) = vrcp.f32 v1;
	v1 =	vadd.f32 $1.000000050e-03, v3  }
0x1c9: {  	[tilespmem:s3+$0x60A0] =	vst v4;
	v3 =	vpop (erf);
	(erf) = vrcp.f32 v2  }
0x1ca: {  	v2 =	vpop (erf);
	[tilespmem:s3+$0x60B0] =	vst v3;
	(erf) = vrcp.f32 v0  }
0x1cb: {  	v0 =	vpop (erf);
	[tilespmem:s3+$0x60C0] =	vst v2;
	(erf) = vrcp.f32 v1  }
0x1cc: {  	v1 =	vpop (erf);
	[tilespmem:s3+$0x60D0] =	vst v0  }
0x1cd: {  	[tilespmem:s3+$0x60E0] =	vst v1;
	v0 =	vpop (erf)  }
0x1ce: {  	[tilespmem:s3+$0x60F0] =	vst v0;
	v0 =	vpop (erf)  }
0x1cf: {  	[tilespmem:s3+$0x6480] =	vst v0;
	v0 =	vpop (erf)  }
0x1d0: {  	[tilespmem:s3+$0x6490] =	vst v0;
	v0 =	vpop (erf)  }
0x1d1: {  	[tilespmem:s3+$0x64A0] =	vst v0;
	v0 =	vpop (erf)  }
0x1d2: {  	[tilespmem:s3+$0x64B0] =	vst v0;
	v0 =	vpop (erf)  }
0x1d3: {  	[tilespmem:s3+$0x64C0] =	vst v0;
	v0 =	vpop (erf)  }
0x1d4: {  	[tilespmem:s3+$0x64D0] =	vst v0;
	v0 =	vpop (erf)  }
0x1d5: {  	[tilespmem:s3+$0x64E0] =	vst v0  }
0x1d6: {  	s3 =	rddreg [dreg:$0xf]  }
0x1d7: {  	s5 =	simm.s32 $0x6000;
	s3 =	sadd.s32 s28, s3  }
0x1d8: {  	[hbm4b:s3+s4] =	stream.linear.scatter [tilespmem:s5], [sflag:$0xC], $0x2000, $0x38;
	[tilespmem:$0x10000] =	vst v63  }
0x1d9: {  	s3 =	simm.s32 @!p0 $0xB  }
0x1da: {  	_ =	swait.ge @!p0 [sflag:s3], $0x2000  }
0x1db: {  	s13 =	simm.s32 @!p0 $0x4000;
	[sflag:s3] =	ssyncset.done @!p0 $0x0  }
0x1dc: {  	s5 =	simm.s32 @!p0 $0x0;
	[sflag:s3] =	ssyncadd.s32 @!p0 $0xFFFFE000;
	s3 =	sadd.s32 @!p0 s0, s19  }
0x1dd: {  	[tilespmem:s13], [sflag:$0x3] =	stream.linear.gather @!p0 [hbm4b:s3+s5], $0x2000, $0x38;
	[tilespmem:$0x10000] =	vst v63  }
0x1de: {  	s15 =	simm.s32 $0x0;
	_ =	swait.ge [sflag:s25], $0x2000  }
0x1df: {  	s16 =	sand.u32 $0x1800, s15;
	s3 =	sand.u32 $0x300, s15;
	[sflag:s25] =	ssyncset.done $0x0  }
0x1e0: {  	s3 =	sor.u32 s3, s16;
	[sflag:s25] =	ssyncadd.s32 $0xFFFFE000  }
0x1e1: {  	v0 =	vld [tilespmem:s3+$0x84F0]  }
0x1e2: {  	v1 =	vld [tilespmem:s3+$0x8000]  }
0x1e3: {  	v2 =	vld [tilespmem:s3+$0x8010]  }
0x1e4: {  	v3 =	vld [tilespmem:s3+$0x8020]  }
0x1e5: {  	v4 =	vld [tilespmem:s3+$0x8030]  }
0x1e6: {  	v5 =	vld [tilespmem:s3+$0x8040]  }
0x1e7: {  	v6 =	vld [tilespmem:s3+$0x8050];
	v0 =	vand.u32 $0x7FFFFFFF, v0  }
0x1e8: {  	v7 =	vld [tilespmem:s3+$0x8060];
	v0 =	vadd.f32 $1.000000050e-03, v0  }
0x1e9: {  	v8 =	vld [tilespmem:s3+$0x8070];
	v1 =	vand.u32 $0x7FFFFFFF, v1;
	v2 =	vand.u32 $0x7FFFFFFF, v2  }
0x1ea: {  	v3 =	vand.u32 $0x7FFFFFFF, v3;
	v1 =	vadd.f32 $1.000000050e-03, v1;
	(erf) = vrcp.f32 v0;
	v0 =	vld [tilespmem:s3+$0x8400]  }
0x1eb: {  	v4 =	vand.u32 $0x7FFFFFFF, v4;
	v5 =	vand.u32 $0x7FFFFFFF, v5;
	v2 =	vadd.f32 $1.000000050e-03, v2  }
0x1ec: {  	v6 =	vand.u32 $0x7FFFFFFF, v6;
	v3 =	vadd.f32 $1.000000050e-03, v3;
	(erf) = vrcp.f32 v1;
	v1 =	vld [tilespmem:s3+$0x8410]  }
0x1ed: {  	v7 =	vand.u32 $0x7FFFFFFF, v7;
	v4 =	vadd.f32 $1.000000050e-03, v4;
	(erf) = vrcp.f32 v2;
	v2 =	vld [tilespmem:s3+$0x8420]  }
0x1ee: {  	v8 =	vand.u32 $0x7FFFFFFF, v8;
	v5 =	vadd.f32 $1.000000050e-03, v5;
	(erf) = vrcp.f32 v3;
	v3 =	vld [tilespmem:s3+$0x8430]  }
0x1ef: {  	v6 =	vadd.f32 $1.000000050e-03, v6;
	(erf) = vrcp.f32 v4;
	v4 =	vld [tilespmem:s3+$0x8440];
	v0 =	vand.u32 $0x7FFFFFFF, v0  }
0x1f0: {  	v7 =	vadd.f32 $1.000000050e-03, v7;
	(erf) = vrcp.f32 v5;
	v5 =	vld [tilespmem:s3+$0x8450];
	v0 =	vadd.f32 $1.000000050e-03, v0  }
0x1f1: {  	v8 =	vadd.f32 $1.000000050e-03, v8;
	(erf) = vrcp.f32 v6;
	v6 =	vld [tilespmem:s3+$0x8460];
	v1 =	vand.u32 $0x7FFFFFFF, v1  }
0x1f2: {  	(erf) = vrcp.f32 v7;
	v7 =	vld [tilespmem:s3+$0x8470];
	v1 =	vadd.f32 $1.000000050e-03, v1  }
0x1f3: {  	v2 =	vand.u32 $0x7FFFFFFF, v2;
	(erf) = vrcp.f32 v8;
	v8 =	vld [tilespmem:s3+$0x8080];
	v3 =	vand.u32 $0x7FFFFFFF, v3  }
0x1f4: {  	v2 =	vadd.f32 $1.000000050e-03, v2;
	(erf) = vrcp.f32 v0;
	v3 =	vadd.f32 $1.000000050e-03, v3;
	v0 =	vpop (erf)  }
0x1f5: {  	v9 =	vld [tilespmem:s3+$0x8090];
	v4 =	vand.u32 $0x7FFFFFFF, v4;
	[tilespmem:s3+$0x84F0] =	vst v0;
	v0 =	vpop (erf);
	(erf) = vrcp.f32 v1;
	v1 =	vand.u32 $0x7FFFFFFF, v5  }
0x1f6: {  	[tilespmem:s3+$0x8000] =	vst v0;
	v0 =	vadd.f32 $1.000000050e-03, v4;
	v4 =	vld [tilespmem:s3+$0x80A0];
	v5 =	vpop (erf);
	(erf) = vrcp.f32 v2;
	v1 =	vadd.f32 $1.000000050e-03, v1  }
0x1f7: {  	v2 =	vand.u32 $0x7FFFFFFF, v6;
	[tilespmem:s3+$0x8010] =	vst v5;
	v5 =	vld [tilespmem:s3+$0x80B0];
	v6 =	vpop (erf);
	(erf) = vrcp.f32 v3;
	v3 =	vand.u32 $0x7FFFFFFF, v7  }
0x1f8: {  	[tilespmem:s3+$0x8020] =	vst v6;
	v6 =	vld [tilespmem:s3+$0x80C0];
	v7 =	vpop (erf);
	(erf) = vrcp.f32 v0;
	v0 =	vadd.f32 $1.000000050e-03, v3;
	v3 =	vand.u32 $0x7FFFFFFF, v8  }
0x1f9: {  	v2 =	vadd.f32 $1.000000050e-03, v2;
	[tilespmem:s3+$0x8030] =	vst v7;
	v7 =	vld [tilespmem:s3+$0x80D0];
	v8 =	vpop (erf);
	(erf) = vrcp.f32 v1;
	v1 =	vadd.f32 $1.000000050e-03, v3  }
0x1fa: {  	v3 =	vand.u32 $0x7FFFFFFF, v9;
	[tilespmem:s3+$0x8040] =	vst v8;
	v9 =	vpop (erf)  }
0x1fb: {  	v8 =	vld [tilespmem:s3+$0x80E0];
	(erf) = vrcp.f32 v2;
	v2 =	vadd.f32 $1.000000050e-03, v3;
	[tilespmem:s3+$0x8050] =	vst v9;
	v3 =	vand.u32 $0x7FFFFFFF, v4;
	v9 =	vpop (erf)  }
0x1fc: {  	v4 =	vld [tilespmem:s3+$0x80F0];
	(erf) = vrcp.f32 v0;
	[tilespmem:s3+$0x8060] =	vst v9;
	v3 =	vadd.f32 $1.000000050e-03, v3;
	v0 =	vand.u32 $0x7FFFFFFF, v5;
	v5 =	vpop (erf)  }
0x1fd: {  	v10 =	vld [tilespmem:s3+$0x8490];
	(erf) = vrcp.f32 v1;
	[tilespmem:s3+$0x8070] =	vst v5;
	v5 =	vadd.f32 $1.000000050e-03, v0;
	v1 =	vpop (erf)  }
0x1fe: {  	v9 =	vld [tilespmem:s3+$0x8480];
	v0 =	vand.u32 $0x7FFFFFFF, v6;
	(erf) = vrcp.f32 v2;
	[tilespmem:s3+$0x8400] =	vst v1;
	v1 =	vand.u32 $0x7FFFFFFF, v7  }
0x1ff: {  	v6 =	vadd.f32 $1.000000050e-03, v0;
	v0 =	vld [tilespmem:s3+$0x84A0];
	v2 =	vpop (erf);
	(erf) = vrcp.f32 v3;
	v7 =	vadd.f32 $1.000000050e-03, v1  }
0x200: {  	[tilespmem:s3+$0x8410] =	vst v2;
	v2 =	vand.u32 $0x7FFFFFFF, v8;
	v1 =	vld [tilespmem:s3+$0x84B0];
	v3 =	vpop (erf);
	(erf) = vrcp.f32 v5  }
0x201: {  	v11 =	vadd.f32 $1.000000050e-03, v2;
	v2 =	vld [tilespmem:s3+$0x84C0];
	[tilespmem:s3+$0x8420] =	vst v3;
	v3 =	vand.u32 $0x7FFFFFFF, v4;
	v4 =	vpop (erf);
	(erf) = vrcp.f32 v6  }
0x202: {  	[tilespmem:s3+$0x8430] =	vst v4;
	v5 =	vadd.f32 $1.000000050e-03, v3;
	v3 =	vld [tilespmem:s3+$0x84D0];
	v4 =	vpop (erf);
	(erf) = vrcp.f32 v7  }
0x203: {  	s14 =	simm.s32 $0x200;
	s5 =	simm.s32 $0x0;
	s13 =	simm.s32 $0x100;
	v8 =	vand.u32 $0x7FFFFFFF, v10;
	v6 =	vand.u32 $0x7FFFFFFF, v9;
	[tilespmem:s3+$0x8440] =	vst v4;
	v4 =	vld [tilespmem:s3+$0x84E0];
	v7 =	vpop (erf);
	(erf) = vrcp.f32 v11  }
.LBB2_11:
0x204: {  	s15 =	sand.u32 $0x1800, s14;
	s16 =	sand.u32 $0x300, s13;
	s5 =	sadd.s32 $0x2, s5;
	v6 =	vadd.f32 $1.000000050e-03, v6;
	v8 =	vadd.f32 $1.000000050e-03, v8;
	v0 =	vand.u32 $0x7FFFFFFF, v0;
	v9 =	vpop (erf)  }
0x205: {  	s15 =	sor.u32 s16, s15;
	p1 =	slt.u32 s5, $0x1E;
	[tilespmem:s3+$0x8450] =	vst v7;
	v0 =	vadd.f32 $1.000000050e-03, v0;
	v1 =	vand.u32 $0x7FFFFFFF, v1;
	v7 =	vpop (erf);
	(erf) = vrcp.f32 v5  }
0x206: {  	v5 =	vld [tilespmem:s15+$0x84F0];
	[tilespmem:s3+$0x8460] =	vst v9;
	v1 =	vadd.f32 $1.000000050e-03, v1;
	v2 =	vand.u32 $0x7FFFFFFF, v2;
	v9 =	vpop (erf);
	(erf) = vrcp.f32 v6  }
0x207: {  	v6 =	vld [tilespmem:s15+$0x8000];
	[tilespmem:s3+$0x8470] =	vst v7;
	v2 =	vadd.f32 $1.000000050e-03, v2;
	v3 =	vand.u32 $0x7FFFFFFF, v3;
	v7 =	vpop (erf);
	(erf) = vrcp.f32 v8  }
0x208: {  	v8 =	vld [tilespmem:s15+$0x8010];
	[tilespmem:s3+$0x8080] =	vst v9;
	v3 =	vadd.f32 $1.000000050e-03, v3;
	v4 =	vand.u32 $0x7FFFFFFF, v4;
	v9 =	vpop (erf);
	(erf) = vrcp.f32 v0  }
0x209: {  	v0 =	vld [tilespmem:s15+$0x8020];
	[tilespmem:s3+$0x8090] =	vst v7;
	v4 =	vadd.f32 $1.000000050e-03, v4;
	v7 =	vpop (erf);
	(erf) = vrcp.f32 v1  }
0x20a: {  	v1 =	vld [tilespmem:s15+$0x8030];
	[tilespmem:s3+$0x80A0] =	vst v9;
	v9 =	vpop (erf);
	(erf) = vrcp.f32 v2  }
0x20b: {  	v2 =	vld [tilespmem:s15+$0x8040];
	v5 =	vand.u32 $0x7FFFFFFF, v5;
	[tilespmem:s3+$0x80B0] =	vst v7;
	v7 =	vpop (erf);
	(erf) = vrcp.f32 v3  }
0x20c: {  	v3 =	vand.u32 $0x7FFFFFFF, v6;
	v6 =	vld [tilespmem:s15+$0x8050];
	v10 =	vadd.f32 $1.000000050e-03, v5;
	[tilespmem:s3+$0x80C0] =	vst v9;
	v9 =	vpop (erf);
	(erf) = vrcp.f32 v4  }
0x20d: {  	v11 =	vadd.f32 $1.000000050e-03, v3;
	v4 =	vand.u32 $0x7FFFFFFF, v8;
	v8 =	vld [tilespmem:s15+$0x8060];
	[tilespmem:s3+$0x80D0] =	vst v7  }
0x20e: {  	v4 =	vadd.f32 $1.000000050e-03, v4;
	v0 =	vand.u32 $0x7FFFFFFF, v0;
	v7 =	vld [tilespmem:s15+$0x8070];
	(erf) = vrcp.f32 v10;
	[tilespmem:s3+$0x80E0] =	vst v9;
	v5 =	vpop (erf)  }
0x20f: {  	v10 =	vadd.f32 $1.000000050e-03, v0;
	v1 =	vand.u32 $0x7FFFFFFF, v1;
	v9 =	vld [tilespmem:s15+$0x8400];
	(erf) = vrcp.f32 v11;
	[tilespmem:s3+$0x80F0] =	vst v5;
	v3 =	vpop (erf)  }
0x210: {  	v1 =	vadd.f32 $1.000000050e-03, v1;
	v2 =	vand.u32 $0x7FFFFFFF, v2;
	v5 =	vld [tilespmem:s15+$0x8410];
	(erf) = vrcp.f32 v4;
	[tilespmem:s3+$0x8480] =	vst v3;
	v3 =	vpop (erf)  }
0x211: {  	v2 =	vadd.f32 $1.000000050e-03, v2;
	v4 =	vand.u32 $0x7FFFFFFF, v6;
	v6 =	vld [tilespmem:s15+$0x8420];
	(erf) = vrcp.f32 v10;
	[tilespmem:s3+$0x8490] =	vst v3;
	v0 =	vpop (erf)  }
0x212: {  	v3 =	vadd.f32 $1.000000050e-03, v4;
	v4 =	vand.u32 $0x7FFFFFFF, v8;
	v8 =	vld [tilespmem:s15+$0x8430];
	(erf) = vrcp.f32 v1;
	[tilespmem:s3+$0x84A0] =	vst v0;
	v0 =	vpop (erf)  }
0x213: {  	v1 =	vadd.f32 $1.000000050e-03, v4;
	v4 =	vand.u32 $0x7FFFFFFF, v7;
	v7 =	vld [tilespmem:s15+$0x8440];
	(erf) = vrcp.f32 v2;
	[tilespmem:s3+$0x84B0] =	vst v0;
	v0 =	vpop (erf)  }
0x214: {  	v2 =	vadd.f32 $1.000000050e-03, v4;
	v4 =	vand.u32 $0x7FFFFFFF, v9;
	v9 =	vld [tilespmem:s15+$0x8450];
	(erf) = vrcp.f32 v3;
	[tilespmem:s3+$0x84C0] =	vst v0;
	v0 =	vpop (erf)  }
0x215: {  	v10 =	vadd.f32 $1.000000050e-03, v4;
	v4 =	vand.u32 $0x7FFFFFFF, v5;
	v5 =	vld [tilespmem:s15+$0x8460];
	(erf) = vrcp.f32 v1;
	[tilespmem:s3+$0x84D0] =	vst v0;
	v0 =	vpop (erf)  }
0x216: {  	v1 =	vadd.f32 $1.000000050e-03, v4;
	v4 =	vand.u32 $0x7FFFFFFF, v6;
	v6 =	vld [tilespmem:s15+$0x8470];
	(erf) = vrcp.f32 v2;
	[tilespmem:s3+$0x84E0] =	vst v0;
	s3 =	smov.u32 s15  }
0x217: {  	v0 =	vadd.f32 $1.000000050e-03, v4;
	v2 =	vand.u32 $0x7FFFFFFF, v8;
	v4 =	vld [tilespmem:s3+$0x8080];
	(erf) = vrcp.f32 v10;
	v3 =	vpop (erf)  }
0x218: {  	v2 =	vadd.f32 $1.000000050e-03, v2;
	v7 =	vand.u32 $0x7FFFFFFF, v7;
	v8 =	vld [tilespmem:s3+$0x8090];
	[tilespmem:s3+$0x84F0] =	vst v3;
	v3 =	vpop (erf);
	(erf) = vrcp.f32 v1  }
0x219: {  	[tilespmem:s3+$0x8000] =	vst v3;
	v1 =	vadd.f32 $1.000000050e-03, v7;
	v3 =	vand.u32 $0x7FFFFFFF, v9;
	v7 =	vld [tilespmem:s3+$0x80A0];
	v9 =	vpop (erf);
	(erf) = vrcp.f32 v0  }
0x21a: {  	[tilespmem:s3+$0x8010] =	vst v9;
	v0 =	vadd.f32 $1.000000050e-03, v3;
	v3 =	vand.u32 $0x7FFFFFFF, v5;
	v5 =	vld [tilespmem:s3+$0x80B0];
	v9 =	vpop (erf);
	(erf) = vrcp.f32 v2  }
0x21b: {  	[tilespmem:s3+$0x8020] =	vst v9;
	v2 =	vadd.f32 $1.000000050e-03, v3;
	v3 =	vand.u32 $0x7FFFFFFF, v6;
	v6 =	vld [tilespmem:s3+$0x80C0];
	v9 =	vpop (erf);
	(erf) = vrcp.f32 v1  }
0x21c: {  	[tilespmem:s3+$0x8030] =	vst v9;
	v1 =	vadd.f32 $1.000000050e-03, v3;
	v3 =	vand.u32 $0x7FFFFFFF, v4;
	v4 =	vld [tilespmem:s3+$0x80D0];
	v9 =	vpop (erf);
	(erf) = vrcp.f32 v0  }
0x21d: {  	[tilespmem:s3+$0x8040] =	vst v9;
	v0 =	vadd.f32 $1.000000050e-03, v3;
	v3 =	vand.u32 $0x7FFFFFFF, v8;
	v8 =	vld [tilespmem:s3+$0x80E0];
	v9 =	vpop (erf);
	(erf) = vrcp.f32 v2  }
0x21e: {  	[tilespmem:s3+$0x8050] =	vst v9;
	v2 =	vadd.f32 $1.000000050e-03, v3;
	v3 =	vand.u32 $0x7FFFFFFF, v7;
	v7 =	vld [tilespmem:s3+$0x80F0];
	v9 =	vpop (erf);
	(erf) = vrcp.f32 v1  }
0x21f: {  	[tilespmem:s3+$0x8060] =	vst v9;
	v1 =	vadd.f32 $1.000000050e-03, v3;
	v3 =	vand.u32 $0x7FFFFFFF, v5;
	v9 =	vld [tilespmem:s3+$0x8480];
	v5 =	vpop (erf);
	(erf) = vrcp.f32 v0  }
0x220: {  	[tilespmem:s3+$0x8070] =	vst v5;
	v3 =	vadd.f32 $1.000000050e-03, v3;
	v0 =	vand.u32 $0x7FFFFFFF, v6;
	v10 =	vld [tilespmem:s3+$0x8490];
	v5 =	vpop (erf);
	(erf) = vrcp.f32 v2  }
0x221: {  	[tilespmem:s3+$0x8400] =	vst v5;
	v5 =	vadd.f32 $1.000000050e-03, v0  }
.Ltmp6:
0x222: {  	v2 =	vand.u32 $0x7FFFFFFF, v4;
	v0 =	vld [tilespmem:s3+$0x84A0];
	v4 =	vpop (erf);
	(erf) = vrcp.f32 v1;
	(pc) =	sbr.rel @p1 .LBB2_11-.Ltmp6, $4  }
0x223: {  	[tilespmem:s3+$0x8410] =	vst v4;
	v4 =	vadd.f32 $1.000000050e-03, v2;
	v2 =	vand.u32 $0x7FFFFFFF, v8;
	v1 =	vld [tilespmem:s3+$0x84B0];
	v6 =	vpop (erf);
	(erf) = vrcp.f32 v3  }
0x224: {  	[tilespmem:s3+$0x8420] =	vst v6;
	v11 =	vadd.f32 $1.000000050e-03, v2;
	v3 =	vand.u32 $0x7FFFFFFF, v7;
	v2 =	vld [tilespmem:s3+$0x84C0];
	v6 =	vpop (erf);
	(erf) = vrcp.f32 v5  }
0x225: {  	[tilespmem:s3+$0x8430] =	vst v6;
	v5 =	vadd.f32 $1.000000050e-03, v3;
	v6 =	vand.u32 $0x7FFFFFFF, v9;
	v3 =	vld [tilespmem:s3+$0x84D0];
	v7 =	vpop (erf);
	(erf) = vrcp.f32 v4  }
0x226: {  	s13 =	sadd.s32 $0x100, s13;
	s14 =	sadd.s32 $0x200, s14;
	[tilespmem:s3+$0x8440] =	vst v7;
	v8 =	vand.u32 $0x7FFFFFFF, v10;
	v4 =	vld [tilespmem:s3+$0x84E0];
	v7 =	vpop (erf);
	(erf) = vrcp.f32 v11  }
0x227: {  	v6 =	vadd.f32 $1.000000050e-03, v6  }
0x228: {  	v8 =	vadd.f32 $1.000000050e-03, v8;
	v0 =	vand.u32 $0x7FFFFFFF, v0  }
0x229: {  	v9 =	vpop (erf);
	(erf) = vrcp.f32 v5;
	v0 =	vadd.f32 $1.000000050e-03, v0;
	v1 =	vand.u32 $0x7FFFFFFF, v1  }
0x22a: {  	[tilespmem:s3+$0x8450] =	vst v7;
	v5 =	vpop (erf);
	(erf) = vrcp.f32 v6;
	v1 =	vadd.f32 $1.000000050e-03, v1;
	v2 =	vand.u32 $0x7FFFFFFF, v2  }
0x22b: {  	[tilespmem:s3+$0x8460] =	vst v9;
	v2 =	vadd.f32 $1.000000050e-03, v2;
	v3 =	vand.u32 $0x7FFFFFFF, v3;
	v6 =	vpop (erf);
	(erf) = vrcp.f32 v8  }
0x22c: {  	[tilespmem:s3+$0x8470] =	vst v5;
	v5 =	vpop (erf);
	(erf) = vrcp.f32 v0;
	v0 =	vadd.f32 $1.000000050e-03, v3;
	v3 =	vand.u32 $0x7FFFFFFF, v4  }
0x22d: {  	[tilespmem:s3+$0x8080] =	vst v6  }
0x22e: {  	v4 =	vpop (erf);
	[tilespmem:s3+$0x8090] =	vst v5;
	(erf) = vrcp.f32 v1;
	v1 =	vadd.f32 $1.000000050e-03, v3  }
0x22f: {  	[tilespmem:s3+$0x80A0] =	vst v4;
	v3 =	vpop (erf);
	(erf) = vrcp.f32 v2  }
0x230: {  	v2 =	vpop (erf);
	[tilespmem:s3+$0x80B0] =	vst v3;
	(erf) = vrcp.f32 v0  }
0x231: {  	v0 =	vpop (erf);
	[tilespmem:s3+$0x80C0] =	vst v2;
	(erf) = vrcp.f32 v1  }
0x232: {  	v1 =	vpop (erf);
	[tilespmem:s3+$0x80D0] =	vst v0  }
0x233: {  	[tilespmem:s3+$0x80E0] =	vst v1;
	v0 =	vpop (erf)  }
0x234: {  	[tilespmem:s3+$0x80F0] =	vst v0;
	v0 =	vpop (erf)  }
0x235: {  	[tilespmem:s3+$0x8480] =	vst v0;
	v0 =	vpop (erf)  }
0x236: {  	[tilespmem:s3+$0x8490] =	vst v0;
	v0 =	vpop (erf)  }
0x237: {  	[tilespmem:s3+$0x84A0] =	vst v0;
	v0 =	vpop (erf)  }
0x238: {  	[tilespmem:s3+$0x84B0] =	vst v0;
	v0 =	vpop (erf)  }
0x239: {  	[tilespmem:s3+$0x84C0] =	vst v0;
	v0 =	vpop (erf)  }
0x23a: {  	[tilespmem:s3+$0x84D0] =	vst v0;
	v0 =	vpop (erf)  }
0x23b: {  	s14 =	sadd.s32 s28, s20;
	s5 =	simm.s32 $0x8000;
	[tilespmem:s3+$0x84E0] =	vst v0;
	s3 =	simm.s32 @!p0 $0xC  }
0x23c: {  	[hbm4b:s14+s4] =	stream.linear.scatter [tilespmem:s5], [sflag:$0xD], $0x2000, $0x38;
	[tilespmem:$0x10000] =	vst v63  }
0x23d: {  	_ =	swait.ge @!p0 [sflag:s3], $0x2000  }
0x23e: {  	s13 =	simm.s32 @!p0 $0x6000;
	[sflag:s3] =	ssyncset.done @!p0 $0x0  }
0x23f: {  	s5 =	simm.s32 @!p0 $0x0;
	[sflag:s3] =	ssyncadd.s32 @!p0 $0xFFFFE000;
	s3 =	sadd.s32 @!p0 s0, s21  }
0x240: {  	[tilespmem:s13], [sflag:$0x4] =	stream.linear.gather @!p0 [hbm4b:s3+s5], $0x2000, $0x38;
	[tilespmem:$0x10000] =	vst v63  }
0x241: {  	s15 =	simm.s32 $0x0;
	_ =	swait.ge [sflag:s6], $0x2000  }
0x242: {  	s16 =	sand.u32 $0x1800, s15;
	s3 =	sand.u32 $0x300, s15;
	[sflag:s6] =	ssyncset.done $0x0  }
0x243: {  	s3 =	sor.u32 s3, s16;
	[sflag:s6] =	ssyncadd.s32 $0xFFFFE000  }
0x244: {  	v0 =	vld [tilespmem:s3+$0xA4F0]  }
0x245: {  	v1 =	vld [tilespmem:s3+$0xA000]  }
0x246: {  	v2 =	vld [tilespmem:s3+$0xA010]  }
0x247: {  	v3 =	vld [tilespmem:s3+$0xA020]  }
0x248: {  	v4 =	vld [tilespmem:s3+$0xA030]  }
0x249: {  	v5 =	vld [tilespmem:s3+$0xA040]  }
0x24a: {  	v6 =	vld [tilespmem:s3+$0xA050];
	v0 =	vand.u32 $0x7FFFFFFF, v0  }
0x24b: {  	v7 =	vld [tilespmem:s3+$0xA060];
	v0 =	vadd.f32 $1.000000050e-03, v0  }
0x24c: {  	v8 =	vld [tilespmem:s3+$0xA070];
	v1 =	vand.u32 $0x7FFFFFFF, v1;
	v2 =	vand.u32 $0x7FFFFFFF, v2  }
0x24d: {  	v3 =	vand.u32 $0x7FFFFFFF, v3;
	v1 =	vadd.f32 $1.000000050e-03, v1;
	(erf) = vrcp.f32 v0;
	v0 =	vld [tilespmem:s3+$0xA400]  }
0x24e: {  	v4 =	vand.u32 $0x7FFFFFFF, v4;
	v5 =	vand.u32 $0x7FFFFFFF, v5;
	v2 =	vadd.f32 $1.000000050e-03, v2  }
0x24f: {  	v6 =	vand.u32 $0x7FFFFFFF, v6;
	v3 =	vadd.f32 $1.000000050e-03, v3;
	(erf) = vrcp.f32 v1;
	v1 =	vld [tilespmem:s3+$0xA410]  }
0x250: {  	v7 =	vand.u32 $0x7FFFFFFF, v7;
	v4 =	vadd.f32 $1.000000050e-03, v4;
	(erf) = vrcp.f32 v2;
	v2 =	vld [tilespmem:s3+$0xA420]  }
0x251: {  	v8 =	vand.u32 $0x7FFFFFFF, v8;
	v5 =	vadd.f32 $1.000000050e-03, v5;
	(erf) = vrcp.f32 v3;
	v3 =	vld [tilespmem:s3+$0xA430]  }
0x252: {  	v6 =	vadd.f32 $1.000000050e-03, v6;
	(erf) = vrcp.f32 v4;
	v4 =	vld [tilespmem:s3+$0xA440];
	v0 =	vand.u32 $0x7FFFFFFF, v0  }
0x253: {  	v7 =	vadd.f32 $1.000000050e-03, v7;
	(erf) = vrcp.f32 v5;
	v5 =	vld [tilespmem:s3+$0xA450];
	v0 =	vadd.f32 $1.000000050e-03, v0  }
0x254: {  	v8 =	vadd.f32 $1.000000050e-03, v8;
	(erf) = vrcp.f32 v6;
	v6 =	vld [tilespmem:s3+$0xA460];
	v1 =	vand.u32 $0x7FFFFFFF, v1  }
0x255: {  	(erf) = vrcp.f32 v7;
	v7 =	vld [tilespmem:s3+$0xA470];
	v1 =	vadd.f32 $1.000000050e-03, v1  }
0x256: {  	v2 =	vand.u32 $0x7FFFFFFF, v2;
	(erf) = vrcp.f32 v8;
	v8 =	vld [tilespmem:s3+$0xA080];
	v3 =	vand.u32 $0x7FFFFFFF, v3  }
0x257: {  	v2 =	vadd.f32 $1.000000050e-03, v2;
	(erf) = vrcp.f32 v0;
	v3 =	vadd.f32 $1.000000050e-03, v3;
	v0 =	vpop (erf)  }
0x258: {  	v9 =	vld [tilespmem:s3+$0xA090];
	v4 =	vand.u32 $0x7FFFFFFF, v4;
	[tilespmem:s3+$0xA4F0] =	vst v0;
	v0 =	vpop (erf);
	(erf) = vrcp.f32 v1;
	v1 =	vand.u32 $0x7FFFFFFF, v5  }
0x259: {  	[tilespmem:s3+$0xA000] =	vst v0;
	v0 =	vadd.f32 $1.000000050e-03, v4;
	v4 =	vld [tilespmem:s3+$0xA0A0];
	v5 =	vpop (erf);
	(erf) = vrcp.f32 v2;
	v1 =	vadd.f32 $1.000000050e-03, v1  }
0x25a: {  	v2 =	vand.u32 $0x7FFFFFFF, v6;
	[tilespmem:s3+$0xA010] =	vst v5;
	v5 =	vld [tilespmem:s3+$0xA0B0];
	v6 =	vpop (erf);
	(erf) = vrcp.f32 v3;
	v3 =	vand.u32 $0x7FFFFFFF, v7  }
0x25b: {  	[tilespmem:s3+$0xA020] =	vst v6;
	v6 =	vld [tilespmem:s3+$0xA0C0];
	v7 =	vpop (erf);
	(erf) = vrcp.f32 v0;
	v0 =	vadd.f32 $1.000000050e-03, v3;
	v3 =	vand.u32 $0x7FFFFFFF, v8  }
0x25c: {  	v2 =	vadd.f32 $1.000000050e-03, v2;
	[tilespmem:s3+$0xA030] =	vst v7;
	v7 =	vld [tilespmem:s3+$0xA0D0];
	v8 =	vpop (erf);
	(erf) = vrcp.f32 v1;
	v1 =	vadd.f32 $1.000000050e-03, v3  }
0x25d: {  	v3 =	vand.u32 $0x7FFFFFFF, v9;
	[tilespmem:s3+$0xA040] =	vst v8;
	v9 =	vpop (erf)  }
0x25e: {  	v8 =	vld [tilespmem:s3+$0xA0E0];
	(erf) = vrcp.f32 v2;
	v2 =	vadd.f32 $1.000000050e-03, v3;
	[tilespmem:s3+$0xA050] =	vst v9;
	v3 =	vand.u32 $0x7FFFFFFF, v4;
	v9 =	vpop (erf)  }
0x25f: {  	v4 =	vld [tilespmem:s3+$0xA0F0];
	(erf) = vrcp.f32 v0;
	[tilespmem:s3+$0xA060] =	vst v9;
	v3 =	vadd.f32 $1.000000050e-03, v3;
	v0 =	vand.u32 $0x7FFFFFFF, v5;
	v5 =	vpop (erf)  }
0x260: {  	v10 =	vld [tilespmem:s3+$0xA490];
	(erf) = vrcp.f32 v1;
	[tilespmem:s3+$0xA070] =	vst v5;
	v5 =	vadd.f32 $1.000000050e-03, v0;
	v1 =	vpop (erf)  }
0x261: {  	v9 =	vld [tilespmem:s3+$0xA480];
	v0 =	vand.u32 $0x7FFFFFFF, v6;
	(erf) = vrcp.f32 v2;
	[tilespmem:s3+$0xA400] =	vst v1;
	v1 =	vand.u32 $0x7FFFFFFF, v7  }
0x262: {  	v6 =	vadd.f32 $1.000000050e-03, v0;
	v0 =	vld [tilespmem:s3+$0xA4A0];
	v2 =	vpop (erf);
	(erf) = vrcp.f32 v3;
	v7 =	vadd.f32 $1.000000050e-03, v1  }
0x263: {  	[tilespmem:s3+$0xA410] =	vst v2;
	v2 =	vand.u32 $0x7FFFFFFF, v8;
	v1 =	vld [tilespmem:s3+$0xA4B0];
	v3 =	vpop (erf);
	(erf) = vrcp.f32 v5  }
0x264: {  	v11 =	vadd.f32 $1.000000050e-03, v2;
	v2 =	vld [tilespmem:s3+$0xA4C0];
	[tilespmem:s3+$0xA420] =	vst v3;
	v3 =	vand.u32 $0x7FFFFFFF, v4;
	v4 =	vpop (erf);
	(erf) = vrcp.f32 v6  }
0x265: {  	[tilespmem:s3+$0xA430] =	vst v4;
	v5 =	vadd.f32 $1.000000050e-03, v3;
	v3 =	vld [tilespmem:s3+$0xA4D0];
	v4 =	vpop (erf);
	(erf) = vrcp.f32 v7  }
0x266: {  	s14 =	simm.s32 $0x200;
	s5 =	simm.s32 $0x0;
	s13 =	simm.s32 $0x100;
	v8 =	vand.u32 $0x7FFFFFFF, v10;
	v6 =	vand.u32 $0x7FFFFFFF, v9;
	[tilespmem:s3+$0xA440] =	vst v4;
	v4 =	vld [tilespmem:s3+$0xA4E0];
	v7 =	vpop (erf);
	(erf) = vrcp.f32 v11  }
.LBB2_13:
0x267: {  	s15 =	sand.u32 $0x1800, s14;
	s16 =	sand.u32 $0x300, s13;
	s5 =	sadd.s32 $0x2, s5;
	v6 =	vadd.f32 $1.000000050e-03, v6;
	v8 =	vadd.f32 $1.000000050e-03, v8;
	v0 =	vand.u32 $0x7FFFFFFF, v0;
	v9 =	vpop (erf)  }
0x268: {  	s15 =	sor.u32 s16, s15;
	p1 =	slt.u32 s5, $0x1E;
	[tilespmem:s3+$0xA450] =	vst v7;
	v0 =	vadd.f32 $1.000000050e-03, v0;
	v1 =	vand.u32 $0x7FFFFFFF, v1;
	v7 =	vpop (erf);
	(erf) = vrcp.f32 v5  }
0x269: {  	v5 =	vld [tilespmem:s15+$0xA4F0];
	[tilespmem:s3+$0xA460] =	vst v9;
	v1 =	vadd.f32 $1.000000050e-03, v1;
	v2 =	vand.u32 $0x7FFFFFFF, v2;
	v9 =	vpop (erf);
	(erf) = vrcp.f32 v6  }
0x26a: {  	v6 =	vld [tilespmem:s15+$0xA000];
	[tilespmem:s3+$0xA470] =	vst v7;
	v2 =	vadd.f32 $1.000000050e-03, v2;
	v3 =	vand.u32 $0x7FFFFFFF, v3;
	v7 =	vpop (erf);
	(erf) = vrcp.f32 v8  }
0x26b: {  	v8 =	vld [tilespmem:s15+$0xA010];
	[tilespmem:s3+$0xA080] =	vst v9;
	v3 =	vadd.f32 $1.000000050e-03, v3;
	v4 =	vand.u32 $0x7FFFFFFF, v4;
	v9 =	vpop (erf);
	(erf) = vrcp.f32 v0  }
0x26c: {  	v0 =	vld [tilespmem:s15+$0xA020];
	[tilespmem:s3+$0xA090] =	vst v7;
	v4 =	vadd.f32 $1.000000050e-03, v4;
	v7 =	vpop (erf);
	(erf) = vrcp.f32 v1  }
0x26d: {  	v1 =	vld [tilespmem:s15+$0xA030];
	[tilespmem:s3+$0xA0A0] =	vst v9;
	v9 =	vpop (erf);
	(erf) = vrcp.f32 v2  }
0x26e: {  	v2 =	vld [tilespmem:s15+$0xA040];
	v5 =	vand.u32 $0x7FFFFFFF, v5;
	[tilespmem:s3+$0xA0B0] =	vst v7;
	v7 =	vpop (erf);
	(erf) = vrcp.f32 v3  }
0x26f: {  	v3 =	vand.u32 $0x7FFFFFFF, v6;
	v6 =	vld [tilespmem:s15+$0xA050];
	v10 =	vadd.f32 $1.000000050e-03, v5;
	[tilespmem:s3+$0xA0C0] =	vst v9;
	v9 =	vpop (erf);
	(erf) = vrcp.f32 v4  }
0x270: {  	v11 =	vadd.f32 $1.000000050e-03, v3;
	v4 =	vand.u32 $0x7FFFFFFF, v8;
	v8 =	vld [tilespmem:s15+$0xA060];
	[tilespmem:s3+$0xA0D0] =	vst v7  }
0x271: {  	v4 =	vadd.f32 $1.000000050e-03, v4;
	v0 =	vand.u32 $0x7FFFFFFF, v0;
	v7 =	vld [tilespmem:s15+$0xA070];
	(erf) = vrcp.f32 v10;
	[tilespmem:s3+$0xA0E0] =	vst v9;
	v5 =	vpop (erf)  }
0x272: {  	v10 =	vadd.f32 $1.000000050e-03, v0;
	v1 =	vand.u32 $0x7FFFFFFF, v1;
	v9 =	vld [tilespmem:s15+$0xA400];
	(erf) = vrcp.f32 v11;
	[tilespmem:s3+$0xA0F0] =	vst v5;
	v3 =	vpop (erf)  }
0x273: {  	v1 =	vadd.f32 $1.000000050e-03, v1;
	v2 =	vand.u32 $0x7FFFFFFF, v2;
	v5 =	vld [tilespmem:s15+$0xA410];
	(erf) = vrcp.f32 v4;
	[tilespmem:s3+$0xA480] =	vst v3;
	v3 =	vpop (erf)  }
0x274: {  	v2 =	vadd.f32 $1.000000050e-03, v2;
	v4 =	vand.u32 $0x7FFFFFFF, v6;
	v6 =	vld [tilespmem:s15+$0xA420];
	(erf) = vrcp.f32 v10;
	[tilespmem:s3+$0xA490] =	vst v3;
	v0 =	vpop (erf)  }
0x275: {  	v3 =	vadd.f32 $1.000000050e-03, v4;
	v4 =	vand.u32 $0x7FFFFFFF, v8;
	v8 =	vld [tilespmem:s15+$0xA430];
	(erf) = vrcp.f32 v1;
	[tilespmem:s3+$0xA4A0] =	vst v0;
	v0 =	vpop (erf)  }
0x276: {  	v1 =	vadd.f32 $1.000000050e-03, v4;
	v4 =	vand.u32 $0x7FFFFFFF, v7;
	v7 =	vld [tilespmem:s15+$0xA440];
	(erf) = vrcp.f32 v2;
	[tilespmem:s3+$0xA4B0] =	vst v0;
	v0 =	vpop (erf)  }
0x277: {  	v2 =	vadd.f32 $1.000000050e-03, v4;
	v4 =	vand.u32 $0x7FFFFFFF, v9;
	v9 =	vld [tilespmem:s15+$0xA450];
	(erf) = vrcp.f32 v3;
	[tilespmem:s3+$0xA4C0] =	vst v0;
	v0 =	vpop (erf)  }
0x278: {  	v10 =	vadd.f32 $1.000000050e-03, v4;
	v4 =	vand.u32 $0x7FFFFFFF, v5;
	v5 =	vld [tilespmem:s15+$0xA460];
	(erf) = vrcp.f32 v1;
	[tilespmem:s3+$0xA4D0] =	vst v0;
	v0 =	vpop (erf)  }
0x279: {  	v1 =	vadd.f32 $1.000000050e-03, v4;
	v4 =	vand.u32 $0x7FFFFFFF, v6;
	v6 =	vld [tilespmem:s15+$0xA470];
	(erf) = vrcp.f32 v2;
	[tilespmem:s3+$0xA4E0] =	vst v0;
	s3 =	smov.u32 s15  }
0x27a: {  	v0 =	vadd.f32 $1.000000050e-03, v4;
	v2 =	vand.u32 $0x7FFFFFFF, v8;
	v4 =	vld [tilespmem:s3+$0xA080];
	(erf) = vrcp.f32 v10;
	v3 =	vpop (erf)  }
0x27b: {  	v2 =	vadd.f32 $1.000000050e-03, v2;
	v7 =	vand.u32 $0x7FFFFFFF, v7;
	v8 =	vld [tilespmem:s3+$0xA090];
	[tilespmem:s3+$0xA4F0] =	vst v3;
	v3 =	vpop (erf);
	(erf) = vrcp.f32 v1  }
0x27c: {  	[tilespmem:s3+$0xA000] =	vst v3;
	v1 =	vadd.f32 $1.000000050e-03, v7;
	v3 =	vand.u32 $0x7FFFFFFF, v9;
	v7 =	vld [tilespmem:s3+$0xA0A0];
	v9 =	vpop (erf);
	(erf) = vrcp.f32 v0  }
0x27d: {  	[tilespmem:s3+$0xA010] =	vst v9;
	v0 =	vadd.f32 $1.000000050e-03, v3;
	v3 =	vand.u32 $0x7FFFFFFF, v5;
	v5 =	vld [tilespmem:s3+$0xA0B0];
	v9 =	vpop (erf);
	(erf) = vrcp.f32 v2  }
0x27e: {  	[tilespmem:s3+$0xA020] =	vst v9;
	v2 =	vadd.f32 $1.000000050e-03, v3;
	v3 =	vand.u32 $0x7FFFFFFF, v6;
	v6 =	vld [tilespmem:s3+$0xA0C0];
	v9 =	vpop (erf);
	(erf) = vrcp.f32 v1  }
0x27f: {  	[tilespmem:s3+$0xA030] =	vst v9;
	v1 =	vadd.f32 $1.000000050e-03, v3;
	v3 =	vand.u32 $0x7FFFFFFF, v4;
	v4 =	vld [tilespmem:s3+$0xA0D0];
	v9 =	vpop (erf);
	(erf) = vrcp.f32 v0  }
0x280: {  	[tilespmem:s3+$0xA040] =	vst v9;
	v0 =	vadd.f32 $1.000000050e-03, v3;
	v3 =	vand.u32 $0x7FFFFFFF, v8;
	v8 =	vld [tilespmem:s3+$0xA0E0];
	v9 =	vpop (erf);
	(erf) = vrcp.f32 v2  }
0x281: {  	[tilespmem:s3+$0xA050] =	vst v9;
	v2 =	vadd.f32 $1.000000050e-03, v3;
	v3 =	vand.u32 $0x7FFFFFFF, v7;
	v7 =	vld [tilespmem:s3+$0xA0F0];
	v9 =	vpop (erf);
	(erf) = vrcp.f32 v1  }
0x282: {  	[tilespmem:s3+$0xA060] =	vst v9;
	v1 =	vadd.f32 $1.000000050e-03, v3;
	v3 =	vand.u32 $0x7FFFFFFF, v5;
	v9 =	vld [tilespmem:s3+$0xA480];
	v5 =	vpop (erf);
	(erf) = vrcp.f32 v0  }
0x283: {  	[tilespmem:s3+$0xA070] =	vst v5;
	v3 =	vadd.f32 $1.000000050e-03, v3;
	v0 =	vand.u32 $0x7FFFFFFF, v6;
	v10 =	vld [tilespmem:s3+$0xA490];
	v5 =	vpop (erf);
	(erf) = vrcp.f32 v2  }
0x284: {  	[tilespmem:s3+$0xA400] =	vst v5;
	v5 =	vadd.f32 $1.000000050e-03, v0  }
.Ltmp7:
0x285: {  	v2 =	vand.u32 $0x7FFFFFFF, v4;
	v0 =	vld [tilespmem:s3+$0xA4A0];
	v4 =	vpop (erf);
	(erf) = vrcp.f32 v1;
	(pc) =	sbr.rel @p1 .LBB2_13-.Ltmp7, $4  }
0x286: {  	[tilespmem:s3+$0xA410] =	vst v4;
	v4 =	vadd.f32 $1.000000050e-03, v2;
	v2 =	vand.u32 $0x7FFFFFFF, v8;
	v1 =	vld [tilespmem:s3+$0xA4B0];
	v6 =	vpop (erf);
	(erf) = vrcp.f32 v3  }
0x287: {  	[tilespmem:s3+$0xA420] =	vst v6;
	v11 =	vadd.f32 $1.000000050e-03, v2;
	v3 =	vand.u32 $0x7FFFFFFF, v7;
	v2 =	vld [tilespmem:s3+$0xA4C0];
	v6 =	vpop (erf);
	(erf) = vrcp.f32 v5  }
0x288: {  	[tilespmem:s3+$0xA430] =	vst v6;
	v5 =	vadd.f32 $1.000000050e-03, v3;
	v6 =	vand.u32 $0x7FFFFFFF, v9;
	v3 =	vld [tilespmem:s3+$0xA4D0];
	v7 =	vpop (erf);
	(erf) = vrcp.f32 v4  }
0x289: {  	s13 =	sadd.s32 $0x100, s13;
	s14 =	sadd.s32 $0x200, s14;
	[tilespmem:s3+$0xA440] =	vst v7;
	v8 =	vand.u32 $0x7FFFFFFF, v10;
	v4 =	vld [tilespmem:s3+$0xA4E0];
	v7 =	vpop (erf);
	(erf) = vrcp.f32 v11  }
0x28a: {  	v6 =	vadd.f32 $1.000000050e-03, v6  }
0x28b: {  	v8 =	vadd.f32 $1.000000050e-03, v8;
	v0 =	vand.u32 $0x7FFFFFFF, v0  }
0x28c: {  	v9 =	vpop (erf);
	(erf) = vrcp.f32 v5;
	v0 =	vadd.f32 $1.000000050e-03, v0;
	v1 =	vand.u32 $0x7FFFFFFF, v1  }
0x28d: {  	[tilespmem:s3+$0xA450] =	vst v7;
	v5 =	vpop (erf);
	(erf) = vrcp.f32 v6;
	v1 =	vadd.f32 $1.000000050e-03, v1;
	v2 =	vand.u32 $0x7FFFFFFF, v2  }
0x28e: {  	[tilespmem:s3+$0xA460] =	vst v9;
	v2 =	vadd.f32 $1.000000050e-03, v2;
	v3 =	vand.u32 $0x7FFFFFFF, v3;
	v6 =	vpop (erf);
	(erf) = vrcp.f32 v8  }
0x28f: {  	[tilespmem:s3+$0xA470] =	vst v5;
	v5 =	vpop (erf);
	(erf) = vrcp.f32 v0;
	v0 =	vadd.f32 $1.000000050e-03, v3;
	v3 =	vand.u32 $0x7FFFFFFF, v4  }
0x290: {  	[tilespmem:s3+$0xA080] =	vst v6  }
0x291: {  	v4 =	vpop (erf);
	[tilespmem:s3+$0xA090] =	vst v5;
	(erf) = vrcp.f32 v1;
	v1 =	vadd.f32 $1.000000050e-03, v3  }
0x292: {  	[tilespmem:s3+$0xA0A0] =	vst v4;
	v3 =	vpop (erf);
	(erf) = vrcp.f32 v2  }
0x293: {  	v2 =	vpop (erf);
	[tilespmem:s3+$0xA0B0] =	vst v3;
	(erf) = vrcp.f32 v0  }
0x294: {  	v0 =	vpop (erf);
	[tilespmem:s3+$0xA0C0] =	vst v2;
	(erf) = vrcp.f32 v1  }
0x295: {  	v1 =	vpop (erf);
	[tilespmem:s3+$0xA0D0] =	vst v0  }
0x296: {  	[tilespmem:s3+$0xA0E0] =	vst v1;
	v0 =	vpop (erf)  }
0x297: {  	[tilespmem:s3+$0xA0F0] =	vst v0;
	v0 =	vpop (erf)  }
0x298: {  	[tilespmem:s3+$0xA480] =	vst v0;
	v0 =	vpop (erf)  }
0x299: {  	[tilespmem:s3+$0xA490] =	vst v0;
	v0 =	vpop (erf)  }
0x29a: {  	[tilespmem:s3+$0xA4A0] =	vst v0;
	v0 =	vpop (erf)  }
0x29b: {  	[tilespmem:s3+$0xA4B0] =	vst v0;
	v0 =	vpop (erf)  }
0x29c: {  	[tilespmem:s3+$0xA4C0] =	vst v0;
	v0 =	vpop (erf)  }
0x29d: {  	[tilespmem:s3+$0xA4D0] =	vst v0;
	v0 =	vpop (erf)  }
0x29e: {  	s14 =	sadd.s32 s28, s22;
	s5 =	simm.s32 $0xA000;
	[tilespmem:s3+$0xA4E0] =	vst v0;
	s3 =	simm.s32 @!p0 $0xD  }
0x29f: {  	[hbm4b:s14+s4] =	stream.linear.scatter [tilespmem:s5], [sflag:$0xE], $0x2000, $0x38;
	[tilespmem:$0x10000] =	vst v63  }
0x2a0: {  	_ =	swait.ge @!p0 [sflag:s3], $0x2000  }
0x2a1: {  	s13 =	simm.s32 @!p0 $0x8000;
	[sflag:s3] =	ssyncset.done @!p0 $0x0  }
0x2a2: {  	s5 =	simm.s32 @!p0 $0x0;
	[sflag:s3] =	ssyncadd.s32 @!p0 $0xFFFFE000;
	s3 =	sadd.s32 @!p0 s0, s23  }
0x2a3: {  	[tilespmem:s13], [sflag:$0x5] =	stream.linear.gather @!p0 [hbm4b:s3+s5], $0x2000, $0x38;
	[tilespmem:$0x10000] =	vst v63  }
0x2a4: {  	s15 =	simm.s32 $0x0;
	_ =	swait.ge [sflag:s1], $0x2000  }
0x2a5: {  	s16 =	sand.u32 $0x1800, s15;
	s3 =	sand.u32 $0x300, s15;
	[sflag:s1] =	ssyncset.done $0x0  }
0x2a6: {  	s3 =	sor.u32 s3, s16;
	[sflag:s1] =	ssyncadd.s32 $0xFFFFE000  }
0x2a7: {  	v0 =	vld [tilespmem:s3+$0xC4F0]  }
0x2a8: {  	v1 =	vld [tilespmem:s3+$0xC000]  }
0x2a9: {  	v2 =	vld [tilespmem:s3+$0xC010]  }
0x2aa: {  	v3 =	vld [tilespmem:s3+$0xC020]  }
0x2ab: {  	v4 =	vld [tilespmem:s3+$0xC030]  }
0x2ac: {  	v5 =	vld [tilespmem:s3+$0xC040]  }
0x2ad: {  	v6 =	vld [tilespmem:s3+$0xC050];
	v0 =	vand.u32 $0x7FFFFFFF, v0  }
0x2ae: {  	v7 =	vld [tilespmem:s3+$0xC060];
	v0 =	vadd.f32 $1.000000050e-03, v0  }
0x2af: {  	v8 =	vld [tilespmem:s3+$0xC070];
	v1 =	vand.u32 $0x7FFFFFFF, v1;
	v2 =	vand.u32 $0x7FFFFFFF, v2  }
0x2b0: {  	v3 =	vand.u32 $0x7FFFFFFF, v3;
	v1 =	vadd.f32 $1.000000050e-03, v1;
	(erf) = vrcp.f32 v0;
	v0 =	vld [tilespmem:s3+$0xC400]  }
0x2b1: {  	v4 =	vand.u32 $0x7FFFFFFF, v4;
	v5 =	vand.u32 $0x7FFFFFFF, v5;
	v2 =	vadd.f32 $1.000000050e-03, v2  }
0x2b2: {  	v6 =	vand.u32 $0x7FFFFFFF, v6;
	v3 =	vadd.f32 $1.000000050e-03, v3;
	(erf) = vrcp.f32 v1;
	v1 =	vld [tilespmem:s3+$0xC410]  }
0x2b3: {  	v7 =	vand.u32 $0x7FFFFFFF, v7;
	v4 =	vadd.f32 $1.000000050e-03, v4;
	(erf) = vrcp.f32 v2;
	v2 =	vld [tilespmem:s3+$0xC420]  }
0x2b4: {  	v8 =	vand.u32 $0x7FFFFFFF, v8;
	v5 =	vadd.f32 $1.000000050e-03, v5;
	(erf) = vrcp.f32 v3;
	v3 =	vld [tilespmem:s3+$0xC430]  }
0x2b5: {  	v6 =	vadd.f32 $1.000000050e-03, v6;
	(erf) = vrcp.f32 v4;
	v4 =	vld [tilespmem:s3+$0xC440];
	v0 =	vand.u32 $0x7FFFFFFF, v0  }
0x2b6: {  	v7 =	vadd.f32 $1.000000050e-03, v7;
	(erf) = vrcp.f32 v5;
	v5 =	vld [tilespmem:s3+$0xC450];
	v0 =	vadd.f32 $1.000000050e-03, v0  }
0x2b7: {  	v8 =	vadd.f32 $1.000000050e-03, v8;
	(erf) = vrcp.f32 v6;
	v6 =	vld [tilespmem:s3+$0xC460];
	v1 =	vand.u32 $0x7FFFFFFF, v1  }
0x2b8: {  	(erf) = vrcp.f32 v7;
	v7 =	vld [tilespmem:s3+$0xC470];
	v1 =	vadd.f32 $1.000000050e-03, v1  }
0x2b9: {  	v2 =	vand.u32 $0x7FFFFFFF, v2;
	(erf) = vrcp.f32 v8;
	v8 =	vld [tilespmem:s3+$0xC080];
	v3 =	vand.u32 $0x7FFFFFFF, v3  }
0x2ba: {  	v2 =	vadd.f32 $1.000000050e-03, v2;
	(erf) = vrcp.f32 v0;
	v3 =	vadd.f32 $1.000000050e-03, v3;
	v0 =	vpop (erf)  }
0x2bb: {  	v9 =	vld [tilespmem:s3+$0xC090];
	v4 =	vand.u32 $0x7FFFFFFF, v4;
	[tilespmem:s3+$0xC4F0] =	vst v0;
	v0 =	vpop (erf);
	(erf) = vrcp.f32 v1;
	v1 =	vand.u32 $0x7FFFFFFF, v5  }
0x2bc: {  	[tilespmem:s3+$0xC000] =	vst v0;
	v0 =	vadd.f32 $1.000000050e-03, v4;
	v4 =	vld [tilespmem:s3+$0xC0A0];
	v5 =	vpop (erf);
	(erf) = vrcp.f32 v2;
	v1 =	vadd.f32 $1.000000050e-03, v1  }
0x2bd: {  	v2 =	vand.u32 $0x7FFFFFFF, v6;
	[tilespmem:s3+$0xC010] =	vst v5;
	v5 =	vld [tilespmem:s3+$0xC0B0];
	v6 =	vpop (erf);
	(erf) = vrcp.f32 v3;
	v3 =	vand.u32 $0x7FFFFFFF, v7  }
0x2be: {  	[tilespmem:s3+$0xC020] =	vst v6;
	v6 =	vld [tilespmem:s3+$0xC0C0];
	v7 =	vpop (erf);
	(erf) = vrcp.f32 v0;
	v0 =	vadd.f32 $1.000000050e-03, v3;
	v3 =	vand.u32 $0x7FFFFFFF, v8  }
0x2bf: {  	v2 =	vadd.f32 $1.000000050e-03, v2;
	[tilespmem:s3+$0xC030] =	vst v7;
	v7 =	vld [tilespmem:s3+$0xC0D0];
	v8 =	vpop (erf);
	(erf) = vrcp.f32 v1;
	v1 =	vadd.f32 $1.000000050e-03, v3  }
0x2c0: {  	v3 =	vand.u32 $0x7FFFFFFF, v9;
	[tilespmem:s3+$0xC040] =	vst v8;
	v9 =	vpop (erf)  }
0x2c1: {  	v8 =	vld [tilespmem:s3+$0xC0E0];
	(erf) = vrcp.f32 v2;
	v2 =	vadd.f32 $1.000000050e-03, v3;
	[tilespmem:s3+$0xC050] =	vst v9;
	v3 =	vand.u32 $0x7FFFFFFF, v4;
	v9 =	vpop (erf)  }
0x2c2: {  	v4 =	vld [tilespmem:s3+$0xC0F0];
	(erf) = vrcp.f32 v0;
	[tilespmem:s3+$0xC060] =	vst v9;
	v3 =	vadd.f32 $1.000000050e-03, v3;
	v0 =	vand.u32 $0x7FFFFFFF, v5;
	v5 =	vpop (erf)  }
0x2c3: {  	v10 =	vld [tilespmem:s3+$0xC490];
	(erf) = vrcp.f32 v1;
	[tilespmem:s3+$0xC070] =	vst v5;
	v5 =	vadd.f32 $1.000000050e-03, v0;
	v1 =	vpop (erf)  }
0x2c4: {  	v9 =	vld [tilespmem:s3+$0xC480];
	v0 =	vand.u32 $0x7FFFFFFF, v6;
	(erf) = vrcp.f32 v2;
	[tilespmem:s3+$0xC400] =	vst v1;
	v1 =	vand.u32 $0x7FFFFFFF, v7  }
0x2c5: {  	v6 =	vadd.f32 $1.000000050e-03, v0;
	v0 =	vld [tilespmem:s3+$0xC4A0];
	v2 =	vpop (erf);
	(erf) = vrcp.f32 v3;
	v7 =	vadd.f32 $1.000000050e-03, v1  }
0x2c6: {  	[tilespmem:s3+$0xC410] =	vst v2;
	v2 =	vand.u32 $0x7FFFFFFF, v8;
	v1 =	vld [tilespmem:s3+$0xC4B0];
	v3 =	vpop (erf);
	(erf) = vrcp.f32 v5  }
0x2c7: {  	v11 =	vadd.f32 $1.000000050e-03, v2;
	v2 =	vld [tilespmem:s3+$0xC4C0];
	[tilespmem:s3+$0xC420] =	vst v3;
	v3 =	vand.u32 $0x7FFFFFFF, v4;
	v4 =	vpop (erf);
	(erf) = vrcp.f32 v6  }
0x2c8: {  	[tilespmem:s3+$0xC430] =	vst v4;
	v5 =	vadd.f32 $1.000000050e-03, v3;
	v3 =	vld [tilespmem:s3+$0xC4D0];
	v4 =	vpop (erf);
	(erf) = vrcp.f32 v7  }
0x2c9: {  	s14 =	simm.s32 $0x200;
	s5 =	simm.s32 $0x0;
	s13 =	simm.s32 $0x100;
	v8 =	vand.u32 $0x7FFFFFFF, v10;
	v6 =	vand.u32 $0x7FFFFFFF, v9;
	[tilespmem:s3+$0xC440] =	vst v4;
	v4 =	vld [tilespmem:s3+$0xC4E0];
	v7 =	vpop (erf);
	(erf) = vrcp.f32 v11  }
.LBB2_15:
0x2ca: {  	s15 =	sand.u32 $0x1800, s14;
	s16 =	sand.u32 $0x300, s13;
	s5 =	sadd.s32 $0x2, s5;
	v6 =	vadd.f32 $1.000000050e-03, v6;
	v8 =	vadd.f32 $1.000000050e-03, v8;
	v0 =	vand.u32 $0x7FFFFFFF, v0;
	v9 =	vpop (erf)  }
0x2cb: {  	s15 =	sor.u32 s16, s15;
	p1 =	slt.u32 s5, $0x1E;
	[tilespmem:s3+$0xC450] =	vst v7;
	v0 =	vadd.f32 $1.000000050e-03, v0;
	v1 =	vand.u32 $0x7FFFFFFF, v1;
	v7 =	vpop (erf);
	(erf) = vrcp.f32 v5  }
0x2cc: {  	v5 =	vld [tilespmem:s15+$0xC4F0];
	[tilespmem:s3+$0xC460] =	vst v9;
	v1 =	vadd.f32 $1.000000050e-03, v1;
	v2 =	vand.u32 $0x7FFFFFFF, v2;
	v9 =	vpop (erf);
	(erf) = vrcp.f32 v6  }
0x2cd: {  	v6 =	vld [tilespmem:s15+$0xC000];
	[tilespmem:s3+$0xC470] =	vst v7;
	v2 =	vadd.f32 $1.000000050e-03, v2;
	v3 =	vand.u32 $0x7FFFFFFF, v3;
	v7 =	vpop (erf);
	(erf) = vrcp.f32 v8  }
0x2ce: {  	v8 =	vld [tilespmem:s15+$0xC010];
	[tilespmem:s3+$0xC080] =	vst v9;
	v3 =	vadd.f32 $1.000000050e-03, v3;
	v4 =	vand.u32 $0x7FFFFFFF, v4;
	v9 =	vpop (erf);
	(erf) = vrcp.f32 v0  }
0x2cf: {  	v0 =	vld [tilespmem:s15+$0xC020];
	[tilespmem:s3+$0xC090] =	vst v7;
	v4 =	vadd.f32 $1.000000050e-03, v4;
	v7 =	vpop (erf);
	(erf) = vrcp.f32 v1  }
0x2d0: {  	v1 =	vld [tilespmem:s15+$0xC030];
	[tilespmem:s3+$0xC0A0] =	vst v9;
	v9 =	vpop (erf);
	(erf) = vrcp.f32 v2  }
0x2d1: {  	v2 =	vld [tilespmem:s15+$0xC040];
	v5 =	vand.u32 $0x7FFFFFFF, v5;
	[tilespmem:s3+$0xC0B0] =	vst v7;
	v7 =	vpop (erf);
	(erf) = vrcp.f32 v3  }
0x2d2: {  	v3 =	vand.u32 $0x7FFFFFFF, v6;
	v6 =	vld [tilespmem:s15+$0xC050];
	v10 =	vadd.f32 $1.000000050e-03, v5;
	[tilespmem:s3+$0xC0C0] =	vst v9;
	v9 =	vpop (erf);
	(erf) = vrcp.f32 v4  }
0x2d3: {  	v11 =	vadd.f32 $1.000000050e-03, v3;
	v4 =	vand.u32 $0x7FFFFFFF, v8;
	v8 =	vld [tilespmem:s15+$0xC060];
	[tilespmem:s3+$0xC0D0] =	vst v7  }
0x2d4: {  	v4 =	vadd.f32 $1.000000050e-03, v4;
	v0 =	vand.u32 $0x7FFFFFFF, v0;
	v7 =	vld [tilespmem:s15+$0xC070];
	(erf) = vrcp.f32 v10;
	[tilespmem:s3+$0xC0E0] =	vst v9;
	v5 =	vpop (erf)  }
0x2d5: {  	v10 =	vadd.f32 $1.000000050e-03, v0;
	v1 =	vand.u32 $0x7FFFFFFF, v1;
	v9 =	vld [tilespmem:s15+$0xC400];
	(erf) = vrcp.f32 v11;
	[tilespmem:s3+$0xC0F0] =	vst v5;
	v3 =	vpop (erf)  }
0x2d6: {  	v1 =	vadd.f32 $1.000000050e-03, v1;
	v2 =	vand.u32 $0x7FFFFFFF, v2;
	v5 =	vld [tilespmem:s15+$0xC410];
	(erf) = vrcp.f32 v4;
	[tilespmem:s3+$0xC480] =	vst v3;
	v3 =	vpop (erf)  }
0x2d7: {  	v2 =	vadd.f32 $1.000000050e-03, v2;
	v4 =	vand.u32 $0x7FFFFFFF, v6;
	v6 =	vld [tilespmem:s15+$0xC420];
	(erf) = vrcp.f32 v10;
	[tilespmem:s3+$0xC490] =	vst v3;
	v0 =	vpop (erf)  }
0x2d8: {  	v3 =	vadd.f32 $1.000000050e-03, v4;
	v4 =	vand.u32 $0x7FFFFFFF, v8;
	v8 =	vld [tilespmem:s15+$0xC430];
	(erf) = vrcp.f32 v1;
	[tilespmem:s3+$0xC4A0] =	vst v0;
	v0 =	vpop (erf)  }
0x2d9: {  	v1 =	vadd.f32 $1.000000050e-03, v4;
	v4 =	vand.u32 $0x7FFFFFFF, v7;
	v7 =	vld [tilespmem:s15+$0xC440];
	(erf) = vrcp.f32 v2;
	[tilespmem:s3+$0xC4B0] =	vst v0;
	v0 =	vpop (erf)  }
0x2da: {  	v2 =	vadd.f32 $1.000000050e-03, v4;
	v4 =	vand.u32 $0x7FFFFFFF, v9;
	v9 =	vld [tilespmem:s15+$0xC450];
	(erf) = vrcp.f32 v3;
	[tilespmem:s3+$0xC4C0] =	vst v0;
	v0 =	vpop (erf)  }
0x2db: {  	v10 =	vadd.f32 $1.000000050e-03, v4;
	v4 =	vand.u32 $0x7FFFFFFF, v5;
	v5 =	vld [tilespmem:s15+$0xC460];
	(erf) = vrcp.f32 v1;
	[tilespmem:s3+$0xC4D0] =	vst v0;
	v0 =	vpop (erf)  }
0x2dc: {  	v1 =	vadd.f32 $1.000000050e-03, v4;
	v4 =	vand.u32 $0x7FFFFFFF, v6;
	v6 =	vld [tilespmem:s15+$0xC470];
	(erf) = vrcp.f32 v2;
	[tilespmem:s3+$0xC4E0] =	vst v0;
	s3 =	smov.u32 s15  }
0x2dd: {  	v0 =	vadd.f32 $1.000000050e-03, v4;
	v2 =	vand.u32 $0x7FFFFFFF, v8;
	v4 =	vld [tilespmem:s3+$0xC080];
	(erf) = vrcp.f32 v10;
	v3 =	vpop (erf)  }
0x2de: {  	v2 =	vadd.f32 $1.000000050e-03, v2;
	v7 =	vand.u32 $0x7FFFFFFF, v7;
	v8 =	vld [tilespmem:s3+$0xC090];
	[tilespmem:s3+$0xC4F0] =	vst v3;
	v3 =	vpop (erf);
	(erf) = vrcp.f32 v1  }
0x2df: {  	[tilespmem:s3+$0xC000] =	vst v3;
	v1 =	vadd.f32 $1.000000050e-03, v7;
	v3 =	vand.u32 $0x7FFFFFFF, v9;
	v7 =	vld [tilespmem:s3+$0xC0A0];
	v9 =	vpop (erf);
	(erf) = vrcp.f32 v0  }
0x2e0: {  	[tilespmem:s3+$0xC010] =	vst v9;
	v0 =	vadd.f32 $1.000000050e-03, v3;
	v3 =	vand.u32 $0x7FFFFFFF, v5;
	v5 =	vld [tilespmem:s3+$0xC0B0];
	v9 =	vpop (erf);
	(erf) = vrcp.f32 v2  }
0x2e1: {  	[tilespmem:s3+$0xC020] =	vst v9;
	v2 =	vadd.f32 $1.000000050e-03, v3;
	v3 =	vand.u32 $0x7FFFFFFF, v6;
	v6 =	vld [tilespmem:s3+$0xC0C0];
	v9 =	vpop (erf);
	(erf) = vrcp.f32 v1  }
0x2e2: {  	[tilespmem:s3+$0xC030] =	vst v9;
	v1 =	vadd.f32 $1.000000050e-03, v3;
	v3 =	vand.u32 $0x7FFFFFFF, v4;
	v4 =	vld [tilespmem:s3+$0xC0D0];
	v9 =	vpop (erf);
	(erf) = vrcp.f32 v0  }
0x2e3: {  	[tilespmem:s3+$0xC040] =	vst v9;
	v0 =	vadd.f32 $1.000000050e-03, v3;
	v3 =	vand.u32 $0x7FFFFFFF, v8;
	v8 =	vld [tilespmem:s3+$0xC0E0];
	v9 =	vpop (erf);
	(erf) = vrcp.f32 v2  }
0x2e4: {  	[tilespmem:s3+$0xC050] =	vst v9;
	v2 =	vadd.f32 $1.000000050e-03, v3;
	v3 =	vand.u32 $0x7FFFFFFF, v7;
	v7 =	vld [tilespmem:s3+$0xC0F0];
	v9 =	vpop (erf);
	(erf) = vrcp.f32 v1  }
0x2e5: {  	[tilespmem:s3+$0xC060] =	vst v9;
	v1 =	vadd.f32 $1.000000050e-03, v3;
	v3 =	vand.u32 $0x7FFFFFFF, v5;
	v9 =	vld [tilespmem:s3+$0xC480];
	v5 =	vpop (erf);
	(erf) = vrcp.f32 v0  }
0x2e6: {  	[tilespmem:s3+$0xC070] =	vst v5;
	v3 =	vadd.f32 $1.000000050e-03, v3;
	v0 =	vand.u32 $0x7FFFFFFF, v6;
	v10 =	vld [tilespmem:s3+$0xC490];
	v5 =	vpop (erf);
	(erf) = vrcp.f32 v2  }
0x2e7: {  	[tilespmem:s3+$0xC400] =	vst v5;
	v5 =	vadd.f32 $1.000000050e-03, v0  }
.Ltmp8:
0x2e8: {  	v2 =	vand.u32 $0x7FFFFFFF, v4;
	v0 =	vld [tilespmem:s3+$0xC4A0];
	v4 =	vpop (erf);
	(erf) = vrcp.f32 v1;
	(pc) =	sbr.rel @p1 .LBB2_15-.Ltmp8, $4  }
0x2e9: {  	[tilespmem:s3+$0xC410] =	vst v4;
	v4 =	vadd.f32 $1.000000050e-03, v2;
	v2 =	vand.u32 $0x7FFFFFFF, v8;
	v1 =	vld [tilespmem:s3+$0xC4B0];
	v6 =	vpop (erf);
	(erf) = vrcp.f32 v3  }
0x2ea: {  	[tilespmem:s3+$0xC420] =	vst v6;
	v11 =	vadd.f32 $1.000000050e-03, v2;
	v3 =	vand.u32 $0x7FFFFFFF, v7;
	v2 =	vld [tilespmem:s3+$0xC4C0];
	v6 =	vpop (erf);
	(erf) = vrcp.f32 v5  }
0x2eb: {  	[tilespmem:s3+$0xC430] =	vst v6;
	v5 =	vadd.f32 $1.000000050e-03, v3;
	v6 =	vand.u32 $0x7FFFFFFF, v9;
	v3 =	vld [tilespmem:s3+$0xC4D0];
	v7 =	vpop (erf);
	(erf) = vrcp.f32 v4  }
0x2ec: {  	s13 =	sadd.s32 $0x100, s13;
	s14 =	sadd.s32 $0x200, s14;
	[tilespmem:s3+$0xC440] =	vst v7;
	v8 =	vand.u32 $0x7FFFFFFF, v10;
	v4 =	vld [tilespmem:s3+$0xC4E0];
	v7 =	vpop (erf);
	(erf) = vrcp.f32 v11  }
0x2ed: {  	v6 =	vadd.f32 $1.000000050e-03, v6  }
0x2ee: {  	v8 =	vadd.f32 $1.000000050e-03, v8;
	v0 =	vand.u32 $0x7FFFFFFF, v0  }
0x2ef: {  	v9 =	vpop (erf);
	(erf) = vrcp.f32 v5;
	v0 =	vadd.f32 $1.000000050e-03, v0;
	v1 =	vand.u32 $0x7FFFFFFF, v1  }
0x2f0: {  	[tilespmem:s3+$0xC450] =	vst v7;
	v5 =	vpop (erf);
	(erf) = vrcp.f32 v6;
	v1 =	vadd.f32 $1.000000050e-03, v1;
	v2 =	vand.u32 $0x7FFFFFFF, v2  }
0x2f1: {  	[tilespmem:s3+$0xC460] =	vst v9;
	v2 =	vadd.f32 $1.000000050e-03, v2;
	v3 =	vand.u32 $0x7FFFFFFF, v3;
	v6 =	vpop (erf);
	(erf) = vrcp.f32 v8  }
0x2f2: {  	[tilespmem:s3+$0xC470] =	vst v5;
	v5 =	vpop (erf);
	(erf) = vrcp.f32 v0;
	v0 =	vadd.f32 $1.000000050e-03, v3;
	v3 =	vand.u32 $0x7FFFFFFF, v4  }
0x2f3: {  	[tilespmem:s3+$0xC080] =	vst v6  }
0x2f4: {  	v4 =	vpop (erf);
	[tilespmem:s3+$0xC090] =	vst v5;
	(erf) = vrcp.f32 v1;
	v1 =	vadd.f32 $1.000000050e-03, v3  }
0x2f5: {  	[tilespmem:s3+$0xC0A0] =	vst v4;
	v3 =	vpop (erf);
	(erf) = vrcp.f32 v2  }
0x2f6: {  	v2 =	vpop (erf);
	[tilespmem:s3+$0xC0B0] =	vst v3;
	(erf) = vrcp.f32 v0  }
0x2f7: {  	v0 =	vpop (erf);
	[tilespmem:s3+$0xC0C0] =	vst v2;
	(erf) = vrcp.f32 v1  }
0x2f8: {  	v1 =	vpop (erf);
	[tilespmem:s3+$0xC0D0] =	vst v0  }
0x2f9: {  	[tilespmem:s3+$0xC0E0] =	vst v1;
	v0 =	vpop (erf)  }
0x2fa: {  	[tilespmem:s3+$0xC0F0] =	vst v0;
	v0 =	vpop (erf)  }
0x2fb: {  	[tilespmem:s3+$0xC480] =	vst v0;
	v0 =	vpop (erf)  }
0x2fc: {  	[tilespmem:s3+$0xC490] =	vst v0;
	v0 =	vpop (erf)  }
0x2fd: {  	[tilespmem:s3+$0xC4A0] =	vst v0;
	v0 =	vpop (erf)  }
0x2fe: {  	[tilespmem:s3+$0xC4B0] =	vst v0;
	v0 =	vpop (erf)  }
0x2ff: {  	[tilespmem:s3+$0xC4C0] =	vst v0;
	v0 =	vpop (erf)  }
0x300: {  	[tilespmem:s3+$0xC4D0] =	vst v0;
	v0 =	vpop (erf)  }
0x301: {  	s15 =	sadd.s32 s28, s24;
	[tilespmem:s3+$0xC4E0] =	vst v0;
	s3 =	simm.s32 @!p0 $0xE  }
0x302: {  	[hbm4b:s15+s4] =	stream.linear.scatter [tilespmem:s7], [sflag:$0xF], $0x2000, $0x38;
	[tilespmem:$0x10000] =	vst v63  }
0x303: {  	_ =	swait.ge @!p0 [sflag:s3], $0x2000  }
0x304: {  	s5 =	simm.s32 @!p0 $0x0;
	[sflag:s3] =	ssyncset.done @!p0 $0x0  }
0x305: {  	s13 =	simm.s32 @!p0 $0xA000;
	[sflag:s3] =	ssyncadd.s32 @!p0 $0xFFFFE000;
	s3 =	sadd.s32 @!p0 s0, s26  }
0x306: {  	[tilespmem:s13], [sflag:$0x6] =	stream.linear.gather @!p0 [hbm4b:s3+s5], $0x2000, $0x38;
	[tilespmem:$0x10000] =	vst v63  }
0x307: {  	s16 =	simm.s32 $0x0;
	_ =	swait.ge [sflag:s29], $0x2000  }
0x308: {  	s28 =	sand.u32 $0x1800, s16;
	s3 =	sand.u32 $0x300, s16;
	[sflag:s29] =	ssyncset.done $0x0  }
0x309: {  	s3 =	sor.u32 s3, s28;
	[sflag:s29] =	ssyncadd.s32 $0xFFFFE000  }
0x30a: {  	v0 =	vld [tilespmem:s3+$0xE4F0]  }
0x30b: {  	v1 =	vld [tilespmem:s3+$0xE000]  }
0x30c: {  	v2 =	vld [tilespmem:s3+$0xE010]  }
0x30d: {  	v3 =	vld [tilespmem:s3+$0xE020]  }
0x30e: {  	v4 =	vld [tilespmem:s3+$0xE030]  }
0x30f: {  	v5 =	vld [tilespmem:s3+$0xE040]  }
0x310: {  	v6 =	vld [tilespmem:s3+$0xE050];
	v0 =	vand.u32 $0x7FFFFFFF, v0  }
0x311: {  	v7 =	vld [tilespmem:s3+$0xE060];
	v0 =	vadd.f32 $1.000000050e-03, v0  }
0x312: {  	v8 =	vld [tilespmem:s3+$0xE070];
	v1 =	vand.u32 $0x7FFFFFFF, v1;
	v2 =	vand.u32 $0x7FFFFFFF, v2  }
0x313: {  	v3 =	vand.u32 $0x7FFFFFFF, v3;
	v1 =	vadd.f32 $1.000000050e-03, v1;
	(erf) = vrcp.f32 v0;
	v0 =	vld [tilespmem:s3+$0xE400]  }
0x314: {  	v4 =	vand.u32 $0x7FFFFFFF, v4;
	v5 =	vand.u32 $0x7FFFFFFF, v5;
	v2 =	vadd.f32 $1.000000050e-03, v2  }
0x315: {  	v6 =	vand.u32 $0x7FFFFFFF, v6;
	v3 =	vadd.f32 $1.000000050e-03, v3;
	(erf) = vrcp.f32 v1;
	v1 =	vld [tilespmem:s3+$0xE410]  }
0x316: {  	v7 =	vand.u32 $0x7FFFFFFF, v7;
	v4 =	vadd.f32 $1.000000050e-03, v4;
	(erf) = vrcp.f32 v2;
	v2 =	vld [tilespmem:s3+$0xE420]  }
0x317: {  	v8 =	vand.u32 $0x7FFFFFFF, v8;
	v5 =	vadd.f32 $1.000000050e-03, v5;
	(erf) = vrcp.f32 v3;
	v3 =	vld [tilespmem:s3+$0xE430]  }
0x318: {  	v6 =	vadd.f32 $1.000000050e-03, v6;
	(erf) = vrcp.f32 v4;
	v4 =	vld [tilespmem:s3+$0xE440];
	v0 =	vand.u32 $0x7FFFFFFF, v0  }
0x319: {  	v7 =	vadd.f32 $1.000000050e-03, v7;
	(erf) = vrcp.f32 v5;
	v5 =	vld [tilespmem:s3+$0xE450];
	v0 =	vadd.f32 $1.000000050e-03, v0  }
0x31a: {  	v8 =	vadd.f32 $1.000000050e-03, v8;
	(erf) = vrcp.f32 v6;
	v6 =	vld [tilespmem:s3+$0xE460];
	v1 =	vand.u32 $0x7FFFFFFF, v1  }
0x31b: {  	(erf) = vrcp.f32 v7;
	v7 =	vld [tilespmem:s3+$0xE470];
	v1 =	vadd.f32 $1.000000050e-03, v1  }
0x31c: {  	v2 =	vand.u32 $0x7FFFFFFF, v2;
	(erf) = vrcp.f32 v8;
	v8 =	vld [tilespmem:s3+$0xE080];
	v3 =	vand.u32 $0x7FFFFFFF, v3  }
0x31d: {  	v2 =	vadd.f32 $1.000000050e-03, v2;
	(erf) = vrcp.f32 v0;
	v3 =	vadd.f32 $1.000000050e-03, v3;
	v0 =	vpop (erf)  }
0x31e: {  	v9 =	vld [tilespmem:s3+$0xE090];
	v4 =	vand.u32 $0x7FFFFFFF, v4;
	[tilespmem:s3+$0xE4F0] =	vst v0;
	v0 =	vpop (erf);
	(erf) = vrcp.f32 v1;
	v1 =	vand.u32 $0x7FFFFFFF, v5  }
0x31f: {  	[tilespmem:s3+$0xE000] =	vst v0;
	v0 =	vadd.f32 $1.000000050e-03, v4;
	v4 =	vld [tilespmem:s3+$0xE0A0];
	v5 =	vpop (erf);
	(erf) = vrcp.f32 v2;
	v1 =	vadd.f32 $1.000000050e-03, v1  }
0x320: {  	v2 =	vand.u32 $0x7FFFFFFF, v6;
	[tilespmem:s3+$0xE010] =	vst v5;
	v5 =	vld [tilespmem:s3+$0xE0B0];
	v6 =	vpop (erf);
	(erf) = vrcp.f32 v3;
	v3 =	vand.u32 $0x7FFFFFFF, v7  }
0x321: {  	[tilespmem:s3+$0xE020] =	vst v6;
	v6 =	vld [tilespmem:s3+$0xE0C0];
	v7 =	vpop (erf);
	(erf) = vrcp.f32 v0;
	v0 =	vadd.f32 $1.000000050e-03, v3;
	v3 =	vand.u32 $0x7FFFFFFF, v8  }
0x322: {  	v2 =	vadd.f32 $1.000000050e-03, v2;
	[tilespmem:s3+$0xE030] =	vst v7;
	v7 =	vld [tilespmem:s3+$0xE0D0];
	v8 =	vpop (erf);
	(erf) = vrcp.f32 v1;
	v1 =	vadd.f32 $1.000000050e-03, v3  }
0x323: {  	v3 =	vand.u32 $0x7FFFFFFF, v9;
	[tilespmem:s3+$0xE040] =	vst v8;
	v9 =	vpop (erf)  }
0x324: {  	v8 =	vld [tilespmem:s3+$0xE0E0];
	(erf) = vrcp.f32 v2;
	v2 =	vadd.f32 $1.000000050e-03, v3;
	[tilespmem:s3+$0xE050] =	vst v9;
	v3 =	vand.u32 $0x7FFFFFFF, v4;
	v9 =	vpop (erf)  }
0x325: {  	v4 =	vld [tilespmem:s3+$0xE0F0];
	(erf) = vrcp.f32 v0;
	[tilespmem:s3+$0xE060] =	vst v9;
	v3 =	vadd.f32 $1.000000050e-03, v3;
	v0 =	vand.u32 $0x7FFFFFFF, v5;
	v5 =	vpop (erf)  }
0x326: {  	v10 =	vld [tilespmem:s3+$0xE490];
	(erf) = vrcp.f32 v1;
	[tilespmem:s3+$0xE070] =	vst v5;
	v5 =	vadd.f32 $1.000000050e-03, v0;
	v1 =	vpop (erf)  }
0x327: {  	v9 =	vld [tilespmem:s3+$0xE480];
	v0 =	vand.u32 $0x7FFFFFFF, v6;
	(erf) = vrcp.f32 v2;
	[tilespmem:s3+$0xE400] =	vst v1;
	v1 =	vand.u32 $0x7FFFFFFF, v7  }
0x328: {  	v6 =	vadd.f32 $1.000000050e-03, v0;
	v0 =	vld [tilespmem:s3+$0xE4A0];
	v2 =	vpop (erf);
	(erf) = vrcp.f32 v3;
	v7 =	vadd.f32 $1.000000050e-03, v1  }
0x329: {  	[tilespmem:s3+$0xE410] =	vst v2;
	v2 =	vand.u32 $0x7FFFFFFF, v8;
	v1 =	vld [tilespmem:s3+$0xE4B0];
	v3 =	vpop (erf);
	(erf) = vrcp.f32 v5  }
0x32a: {  	v11 =	vadd.f32 $1.000000050e-03, v2;
	v2 =	vld [tilespmem:s3+$0xE4C0];
	[tilespmem:s3+$0xE420] =	vst v3;
	v3 =	vand.u32 $0x7FFFFFFF, v4;
	v4 =	vpop (erf);
	(erf) = vrcp.f32 v6  }
0x32b: {  	[tilespmem:s3+$0xE430] =	vst v4;
	v5 =	vadd.f32 $1.000000050e-03, v3;
	v3 =	vld [tilespmem:s3+$0xE4D0];
	v4 =	vpop (erf);
	(erf) = vrcp.f32 v7  }
0x32c: {  	s14 =	simm.s32 $0x200;
	s5 =	simm.s32 $0x0;
	s13 =	simm.s32 $0x100;
	v8 =	vand.u32 $0x7FFFFFFF, v10;
	v6 =	vand.u32 $0x7FFFFFFF, v9;
	[tilespmem:s3+$0xE440] =	vst v4;
	v4 =	vld [tilespmem:s3+$0xE4E0];
	v7 =	vpop (erf);
	(erf) = vrcp.f32 v11  }
.LBB2_17:
0x32d: {  	s15 =	sand.u32 $0x1800, s14;
	s16 =	sand.u32 $0x300, s13;
	s5 =	sadd.s32 $0x2, s5;
	v6 =	vadd.f32 $1.000000050e-03, v6;
	v8 =	vadd.f32 $1.000000050e-03, v8;
	v0 =	vand.u32 $0x7FFFFFFF, v0;
	v9 =	vpop (erf)  }
0x32e: {  	s15 =	sor.u32 s16, s15;
	p1 =	slt.u32 s5, $0x1E;
	[tilespmem:s3+$0xE450] =	vst v7;
	v0 =	vadd.f32 $1.000000050e-03, v0;
	v1 =	vand.u32 $0x7FFFFFFF, v1;
	v7 =	vpop (erf);
	(erf) = vrcp.f32 v5  }
0x32f: {  	v5 =	vld [tilespmem:s15+$0xE4F0];
	[tilespmem:s3+$0xE460] =	vst v9;
	v1 =	vadd.f32 $1.000000050e-03, v1;
	v2 =	vand.u32 $0x7FFFFFFF, v2;
	v9 =	vpop (erf);
	(erf) = vrcp.f32 v6  }
0x330: {  	v6 =	vld [tilespmem:s15+$0xE000];
	[tilespmem:s3+$0xE470] =	vst v7;
	v2 =	vadd.f32 $1.000000050e-03, v2;
	v3 =	vand.u32 $0x7FFFFFFF, v3;
	v7 =	vpop (erf);
	(erf) = vrcp.f32 v8  }
0x331: {  	v8 =	vld [tilespmem:s15+$0xE010];
	[tilespmem:s3+$0xE080] =	vst v9;
	v3 =	vadd.f32 $1.000000050e-03, v3;
	v4 =	vand.u32 $0x7FFFFFFF, v4;
	v9 =	vpop (erf);
	(erf) = vrcp.f32 v0  }
0x332: {  	v0 =	vld [tilespmem:s15+$0xE020];
	[tilespmem:s3+$0xE090] =	vst v7;
	v4 =	vadd.f32 $1.000000050e-03, v4;
	v7 =	vpop (erf);
	(erf) = vrcp.f32 v1  }
0x333: {  	v1 =	vld [tilespmem:s15+$0xE030];
	[tilespmem:s3+$0xE0A0] =	vst v9;
	v9 =	vpop (erf);
	(erf) = vrcp.f32 v2  }
0x334: {  	v2 =	vld [tilespmem:s15+$0xE040];
	v5 =	vand.u32 $0x7FFFFFFF, v5;
	[tilespmem:s3+$0xE0B0] =	vst v7;
	v7 =	vpop (erf);
	(erf) = vrcp.f32 v3  }
0x335: {  	v3 =	vand.u32 $0x7FFFFFFF, v6;
	v6 =	vld [tilespmem:s15+$0xE050];
	v10 =	vadd.f32 $1.000000050e-03, v5;
	[tilespmem:s3+$0xE0C0] =	vst v9;
	v9 =	vpop (erf);
	(erf) = vrcp.f32 v4  }
0x336: {  	v11 =	vadd.f32 $1.000000050e-03, v3;
	v4 =	vand.u32 $0x7FFFFFFF, v8;
	v8 =	vld [tilespmem:s15+$0xE060];
	[tilespmem:s3+$0xE0D0] =	vst v7  }
0x337: {  	v4 =	vadd.f32 $1.000000050e-03, v4;
	v0 =	vand.u32 $0x7FFFFFFF, v0;
	v7 =	vld [tilespmem:s15+$0xE070];
	(erf) = vrcp.f32 v10;
	[tilespmem:s3+$0xE0E0] =	vst v9;
	v5 =	vpop (erf)  }
0x338: {  	v10 =	vadd.f32 $1.000000050e-03, v0;
	v1 =	vand.u32 $0x7FFFFFFF, v1;
	v9 =	vld [tilespmem:s15+$0xE400];
	(erf) = vrcp.f32 v11;
	[tilespmem:s3+$0xE0F0] =	vst v5;
	v3 =	vpop (erf)  }
0x339: {  	v1 =	vadd.f32 $1.000000050e-03, v1;
	v2 =	vand.u32 $0x7FFFFFFF, v2;
	v5 =	vld [tilespmem:s15+$0xE410];
	(erf) = vrcp.f32 v4;
	[tilespmem:s3+$0xE480] =	vst v3;
	v3 =	vpop (erf)  }
0x33a: {  	v2 =	vadd.f32 $1.000000050e-03, v2;
	v4 =	vand.u32 $0x7FFFFFFF, v6;
	v6 =	vld [tilespmem:s15+$0xE420];
	(erf) = vrcp.f32 v10;
	[tilespmem:s3+$0xE490] =	vst v3;
	v0 =	vpop (erf)  }
0x33b: {  	v3 =	vadd.f32 $1.000000050e-03, v4;
	v4 =	vand.u32 $0x7FFFFFFF, v8;
	v8 =	vld [tilespmem:s15+$0xE430];
	(erf) = vrcp.f32 v1;
	[tilespmem:s3+$0xE4A0] =	vst v0;
	v0 =	vpop (erf)  }
0x33c: {  	v1 =	vadd.f32 $1.000000050e-03, v4;
	v4 =	vand.u32 $0x7FFFFFFF, v7;
	v7 =	vld [tilespmem:s15+$0xE440];
	(erf) = vrcp.f32 v2;
	[tilespmem:s3+$0xE4B0] =	vst v0;
	v0 =	vpop (erf)  }
0x33d: {  	v2 =	vadd.f32 $1.000000050e-03, v4;
	v4 =	vand.u32 $0x7FFFFFFF, v9;
	v9 =	vld [tilespmem:s15+$0xE450];
	(erf) = vrcp.f32 v3;
	[tilespmem:s3+$0xE4C0] =	vst v0;
	v0 =	vpop (erf)  }
0x33e: {  	v10 =	vadd.f32 $1.000000050e-03, v4;
	v4 =	vand.u32 $0x7FFFFFFF, v5;
	v5 =	vld [tilespmem:s15+$0xE460];
	(erf) = vrcp.f32 v1;
	[tilespmem:s3+$0xE4D0] =	vst v0;
	v0 =	vpop (erf)  }
0x33f: {  	v1 =	vadd.f32 $1.000000050e-03, v4;
	v4 =	vand.u32 $0x7FFFFFFF, v6;
	v6 =	vld [tilespmem:s15+$0xE470];
	(erf) = vrcp.f32 v2;
	[tilespmem:s3+$0xE4E0] =	vst v0;
	s3 =	smov.u32 s15  }
0x340: {  	v0 =	vadd.f32 $1.000000050e-03, v4;
	v2 =	vand.u32 $0x7FFFFFFF, v8;
	v4 =	vld [tilespmem:s3+$0xE080];
	(erf) = vrcp.f32 v10;
	v3 =	vpop (erf)  }
0x341: {  	v2 =	vadd.f32 $1.000000050e-03, v2;
	v7 =	vand.u32 $0x7FFFFFFF, v7;
	v8 =	vld [tilespmem:s3+$0xE090];
	[tilespmem:s3+$0xE4F0] =	vst v3;
	v3 =	vpop (erf);
	(erf) = vrcp.f32 v1  }
0x342: {  	[tilespmem:s3+$0xE000] =	vst v3;
	v1 =	vadd.f32 $1.000000050e-03, v7;
	v3 =	vand.u32 $0x7FFFFFFF, v9;
	v7 =	vld [tilespmem:s3+$0xE0A0];
	v9 =	vpop (erf);
	(erf) = vrcp.f32 v0  }
0x343: {  	[tilespmem:s3+$0xE010] =	vst v9;
	v0 =	vadd.f32 $1.000000050e-03, v3;
	v3 =	vand.u32 $0x7FFFFFFF, v5;
	v5 =	vld [tilespmem:s3+$0xE0B0];
	v9 =	vpop (erf);
	(erf) = vrcp.f32 v2  }
0x344: {  	[tilespmem:s3+$0xE020] =	vst v9;
	v2 =	vadd.f32 $1.000000050e-03, v3;
	v3 =	vand.u32 $0x7FFFFFFF, v6;
	v6 =	vld [tilespmem:s3+$0xE0C0];
	v9 =	vpop (erf);
	(erf) = vrcp.f32 v1  }
0x345: {  	[tilespmem:s3+$0xE030] =	vst v9;
	v1 =	vadd.f32 $1.000000050e-03, v3;
	v3 =	vand.u32 $0x7FFFFFFF, v4;
	v4 =	vld [tilespmem:s3+$0xE0D0];
	v9 =	vpop (erf);
	(erf) = vrcp.f32 v0  }
0x346: {  	[tilespmem:s3+$0xE040] =	vst v9;
	v0 =	vadd.f32 $1.000000050e-03, v3;
	v3 =	vand.u32 $0x7FFFFFFF, v8;
	v8 =	vld [tilespmem:s3+$0xE0E0];
	v9 =	vpop (erf);
	(erf) = vrcp.f32 v2  }
0x347: {  	[tilespmem:s3+$0xE050] =	vst v9;
	v2 =	vadd.f32 $1.000000050e-03, v3;
	v3 =	vand.u32 $0x7FFFFFFF, v7;
	v7 =	vld [tilespmem:s3+$0xE0F0];
	v9 =	vpop (erf);
	(erf) = vrcp.f32 v1  }
0x348: {  	[tilespmem:s3+$0xE060] =	vst v9;
	v1 =	vadd.f32 $1.000000050e-03, v3;
	v3 =	vand.u32 $0x7FFFFFFF, v5;
	v9 =	vld [tilespmem:s3+$0xE480];
	v5 =	vpop (erf);
	(erf) = vrcp.f32 v0  }
0x349: {  	[tilespmem:s3+$0xE070] =	vst v5;
	v3 =	vadd.f32 $1.000000050e-03, v3;
	v0 =	vand.u32 $0x7FFFFFFF, v6;
	v10 =	vld [tilespmem:s3+$0xE490];
	v5 =	vpop (erf);
	(erf) = vrcp.f32 v2  }
0x34a: {  	[tilespmem:s3+$0xE400] =	vst v5;
	v5 =	vadd.f32 $1.000000050e-03, v0  }
.Ltmp9:
0x34b: {  	v2 =	vand.u32 $0x7FFFFFFF, v4;
	v0 =	vld [tilespmem:s3+$0xE4A0];
	v4 =	vpop (erf);
	(erf) = vrcp.f32 v1;
	(pc) =	sbr.rel @p1 .LBB2_17-.Ltmp9, $4  }
0x34c: {  	[tilespmem:s3+$0xE410] =	vst v4;
	v4 =	vadd.f32 $1.000000050e-03, v2;
	v2 =	vand.u32 $0x7FFFFFFF, v8;
	v1 =	vld [tilespmem:s3+$0xE4B0];
	v6 =	vpop (erf);
	(erf) = vrcp.f32 v3  }
0x34d: {  	[tilespmem:s3+$0xE420] =	vst v6;
	v11 =	vadd.f32 $1.000000050e-03, v2;
	v3 =	vand.u32 $0x7FFFFFFF, v7;
	v2 =	vld [tilespmem:s3+$0xE4C0];
	v6 =	vpop (erf);
	(erf) = vrcp.f32 v5  }
0x34e: {  	[tilespmem:s3+$0xE430] =	vst v6;
	v5 =	vadd.f32 $1.000000050e-03, v3;
	v6 =	vand.u32 $0x7FFFFFFF, v9;
	v3 =	vld [tilespmem:s3+$0xE4D0];
	v7 =	vpop (erf);
	(erf) = vrcp.f32 v4  }
0x34f: {  	s13 =	sadd.s32 $0x100, s13;
	s14 =	sadd.s32 $0x200, s14;
	[tilespmem:s3+$0xE440] =	vst v7;
	v8 =	vand.u32 $0x7FFFFFFF, v10;
	v4 =	vld [tilespmem:s3+$0xE4E0];
	v7 =	vpop (erf);
	(erf) = vrcp.f32 v11  }
0x350: {  	v6 =	vadd.f32 $1.000000050e-03, v6  }
0x351: {  	v8 =	vadd.f32 $1.000000050e-03, v8;
	v0 =	vand.u32 $0x7FFFFFFF, v0;
	v9 =	vpop (erf);
	[tilespmem:s3+$0xE450] =	vst v7;
	(erf) = vrcp.f32 v5  }
0x352: {  	v0 =	vadd.f32 $1.000000050e-03, v0;
	v1 =	vand.u32 $0x7FFFFFFF, v1;
	v45 =	vpop (erf);
	[tilespmem:s3+$0xE460] =	vst v9;
	(erf) = vrcp.f32 v6  }
0x353: {  	v1 =	vadd.f32 $1.000000050e-03, v1;
	v2 =	vand.u32 $0x7FFFFFFF, v2;
	v46 =	vpop (erf);
	[tilespmem:s3+$0xE470] =	vst v45;
	(erf) = vrcp.f32 v8  }
0x354: {  	v2 =	vadd.f32 $1.000000050e-03, v2;
	v3 =	vand.u32 $0x7FFFFFFF, v3;
	v47 =	vpop (erf);
	[tilespmem:s3+$0xE080] =	vst v46;
	(erf) = vrcp.f32 v0  }
0x355: {  	v48 =	vadd.f32 $1.000000050e-03, v3;
	v49 =	vand.u32 $0x7FFFFFFF, v4;
	v50 =	vpop (erf);
	[tilespmem:s3+$0xE090] =	vst v47;
	(erf) = vrcp.f32 v1  }
0x356: {  	v51 =	vadd.f32 $1.000000050e-03, v49;
	v52 =	vpop (erf);
	[tilespmem:s3+$0xE0A0] =	vst v50;
	(erf) = vrcp.f32 v2  }
0x357: {  	v53 =	vpop (erf);
	[tilespmem:s3+$0xE0B0] =	vst v52;
	(erf) = vrcp.f32 v48  }
0x358: {  	v54 =	vpop (erf);
	[tilespmem:s3+$0xE0C0] =	vst v53;
	(erf) = vrcp.f32 v51  }
0x359: {  	v55 =	vpop (erf);
	[tilespmem:s3+$0xE0D0] =	vst v54  }
0x35a: {  	[tilespmem:s3+$0xE0E0] =	vst v55;
	v56 =	vpop (erf)  }
0x35b: {  	[tilespmem:s3+$0xE0F0] =	vst v56;
	v57 =	vpop (erf)  }
0x35c: {  	[tilespmem:s3+$0xE480] =	vst v57;
	v58 =	vpop (erf)  }
0x35d: {  	[tilespmem:s3+$0xE490] =	vst v58;
	v59 =	vpop (erf)  }
0x35e: {  	[tilespmem:s3+$0xE4A0] =	vst v59;
	v60 =	vpop (erf)  }
.Ltmp10:
0x35f: {  	[tilespmem:s3+$0xE4B0] =	vst v60;
	v61 =	vpop (erf);
	(pc) =	sbr.rel @p0 .LBB2_20-.Ltmp10, $4  }
0x360: {  	[tilespmem:s3+$0xE4C0] =	vst v61;
	v62 =	vpop (erf)  }
0x361: {  	[tilespmem:s3+$0xE4D0] =	vst v62;
	v63 =	vpop (erf)  }
0x362: {  	s15 =	smov.u32 s17;
	s2 =	sadd.s32 s17, s2;
	[tilespmem:s3+$0xE4E0] =	vst v63  }
0x363: {  	[hbm4b:s2+s4] =	stream.linear.scatter [tilespmem:s9], [sflag:$0x10], $0x2000, $0x38;
	[tilespmem:$0x10000] =	vst v63  }
.Ltmp11:
0x364: {  	(pc) =	sbr.rel .LBB2_2-.Ltmp11, $4  }
0x365: {  	_ =	swait.ge [sflag:s30], $0x2000  }
0x366: {  	[sflag:s30] =	ssyncset.done $0x0;
	s2 =	rddreg [dreg:$0x11]  }
0x367: {  	s31 =	sadd.s32 $0x1, s31;
	[sflag:s30] =	ssyncadd.s32 $0xFFFFE000;
	s0 =	sadd.s32 s0, s2  }
0x368: {  	[tilespmem:s7], [sflag:$0x7] =	stream.linear.gather [hbm4b:s0+s4], $0x2000, $0x38;
	[tilespmem:$0x10000] =	vst v63  }
.LBB2_21:
0x369: {  	_ =	sfence.sel $0x180000  }
0x36a: {  	[bflag:$0x0] =	sbarrier.arrive $0xFFFF  }
0x36b: {  	_ =	strace $0x90000047  }
0x36c: {  	s0 =	stileid.u32;
	[bflag:$0x2] =	sbarrier.arrive $0xFFFF  }
0x36d: {  	p0 =	sne.s32 s0, $0x0;
	s0 =	rddreg [dreg:$0x2]  }
0x36e: {  	s0 =	sadd.s32 @!p0 $0x100000, s0  }
0x36f: {  	[sflag:s0] =	ssyncadd.tile.s32 @!p0 $0x1;
	_ =	shalt  }
.Lfunc_end2:
_tile_overlayer_lowered:
.L_overlay_start_2:
0x370: {  	(tag) =	ssettag $0x2  }
0x371: {  	s0 =	rddreg [dreg:$0x0];
	s2 =	stileid.u32  }
0x372: {  	s1 =	rddreg [dreg:$0x1];
	p0 =	sne.s32 s2, $0x0  }
0x373: {  	s3 =	rddreg [dreg:$0x2];
	[bflag:$0x3] =	sbarrier.arrive $0xFFFF;
	s2 =	simm.s32 @!p0 $0x1C11  }
0x374: {  	[timem:s3], [sflag:s2] =	dma.local @!p0 [hbm:s0], s1  }
0x375: {  	s0 =	simm.s32 @!p0 $0x11  }
0x376: {  	_ =	swait.ge @!p0 [sflag:s0], s1  }
0x377: {  	s1 =	ssub.s32 @!p0 $0x0, s1;
	[sflag:s0] =	ssyncset.done @!p0 $0x0  }
0x378: {  	[sflag:s0] =	ssyncadd.s32 @!p0 s1  }
0x379: {  	[bflag:$0x3] =	sbarrier.arrive $0xFFFF  }
0x37a: {  	_ =	shalt  }

</sc_bundles>
